<compile_context>
chip_gen: v7x
topology: tpu7x:2x2x1
jax: 0.10.2.dev20260603
libtpu: 0.0.44.dev20260713+nightly
codegen_flags: <defaults>
</compile_context>

<pallas_src>
import functools

import jax
import jax.numpy as jnp
from jax import lax
from jax.experimental import pallas as pl
from jax.experimental.pallas import tpu as pltpu
from jax.experimental.pallas import tpu_sc as plsc


def kernel(x, seq_emb_weight, pos_encoding):
    B, S = x.shape
    V, D = seq_emb_weight.shape
    N = B * S

    info = plsc.get_sparse_core_info()
    NC, NS, L = info.num_cores, info.num_subcores, info.num_lanes
    NW = NC * NS

    NBUF = 8
    GD = 2
    seq_per_w = B // NW
    n_groups = seq_per_w // NBUF
    G1 = 128
    G2 = S - G1

    pos = pos_encoding[:S]

    mesh = plsc.VectorSubcoreMesh(core_axis_name="c", subcore_axis_name="s",
                                  num_cores=NC)

    @functools.partial(
        pl.kernel,
        mesh=mesh,
        out_type=jax.ShapeDtypeStruct((B, S, D), jnp.float32),
        compiler_params=pltpu.CompilerParams(use_tc_tiling_on_sc=False),
        scratch_types=[
            pltpu.VMEM((NBUF, 2, G1), jnp.int32),
            pltpu.VMEM((NBUF, S, D), jnp.float32),
            pltpu.VMEM((S, D), jnp.float32),
            pltpu.SemaphoreType.DMA((NBUF,)),
            pltpu.SemaphoreType.DMA((NBUF,)),
            pltpu.SemaphoreType.DMA((NBUF,)),
        ],
    )
    def emb_pos_kernel(table_hbm, idx_hbm, pos_hbm, out_hbm,
                       idx_v, rows_v, pos_v, sem_idx, sem_g, sem_out):
        wid = lax.axis_index("s") * NC + lax.axis_index("c")
        seq0 = wid * seq_per_w

        pltpu.sync_copy(pos_hbm, pos_v)

        def idx_copies(s, b):
            fb = (seq0 + s) * S
            return (
                pltpu.make_async_copy(
                    idx_hbm.at[pl.ds(fb, G1)], idx_v.at[b, 0], sem_idx.at[b]),
                pltpu.make_async_copy(
                    idx_hbm.at[pl.ds(fb + G1, G2)],
                    idx_v.at[b, 1, pl.ds(0, G2)], sem_idx.at[b]),
            )

        def gather_copies(b):
            return (
                pltpu.make_async_copy(
                    table_hbm.at[idx_v.at[b, 0]],
                    rows_v.at[b, pl.ds(0, G1)], sem_g.at[b]),
                pltpu.make_async_copy(
                    table_hbm.at[idx_v.at[b, 1, pl.ds(0, G2)]],
                    rows_v.at[b, pl.ds(G1, G2)], sem_g.at[b]),
            )

        def out_copy(s, b):
            return pltpu.make_async_copy(
                rows_v.at[b], out_hbm.at[seq0 + s], sem_out.at[b])

        def start2(copies):
            copies[0].start()
            copies[1].start()

        def wait2(copies):
            copies[0].wait()
            copies[1].wait()

        for b in range(NBUF):
            start2(idx_copies(b, b))
        for s in range(GD):
            wait2(idx_copies(s, s))
            start2(gather_copies(s))

        def group_body(g, carry):
            for b in range(NBUF):
                s = g * NBUF + b

                b3 = (b + GD) % NBUF

                @pl.when(s + GD < seq_per_w)
                def _():
                    wait2(idx_copies(s + GD, b3))

                    @pl.when(s + GD >= NBUF)
                    def _():
                        out_copy(0, b3).wait()

                    start2(gather_copies(b3))

                wait2(gather_copies(b))

                @pl.when(s + NBUF < seq_per_w)
                def _():
                    start2(idx_copies(s + NBUF, b))

                def row_body(i, rcarry):
                    for rr in range(4):
                        r = i * 4 + rr
                        for j in range(D // L):
                            plsc.addupdate(rows_v.at[b, r, pl.ds(j * L, L)],
                                           pos_v[r, pl.ds(j * L, L)])
                    return rcarry

                lax.fori_loop(0, S // 4, row_body, 0)

                out_copy(s, b).start()
            return carry

        lax.fori_loop(0, n_groups, group_body, 0)

        for b in range(NBUF):
            out_copy(0, b).wait()

    return emb_pos_kernel(seq_emb_weight, x.reshape(N), pos)

# --- scband reference (transcript-rebuilt; emitter-appended) ---
"""Pipeline reference for scband-embedding-with-position-54425825574933 (READ-ONLY COPY).

The authoritative reference and input builder live on the scoring server;
editing this copy changes nothing except your own understanding.
"""

import jax, jax.numpy as jnp
import numpy as np
import math

VOCAB = 1000000
DIM = 64
MAX_SEQ_LEN = 512
BATCH = 4096
SEQ_LEN = 200


def _build_position_encoding(seq_len, dim):
    position = np.arange(seq_len, dtype=np.float32)[:, None]
    div_term = np.exp(np.arange(0, dim, 2, dtype=np.float32) * (-math.log(10000.0) / dim))
    pos_enc = np.zeros((seq_len, dim), dtype=np.float32)
    pos_enc[:, 0::2] = np.sin(position * div_term)
    pos_enc[:, 1::2] = np.cos(position * div_term)
    return jnp.asarray(pos_enc)


def setup_inputs(seed: int = 0) -> dict:
    key = jax.random.key(seed)
    k1, k2 = jax.random.split(key)
    x = jax.random.randint(k1, (BATCH, SEQ_LEN), 0, VOCAB, dtype=jnp.int32)
    seq_emb_weight = jax.random.normal(k2, (VOCAB, DIM), dtype=jnp.float32)
    pos_encoding = _build_position_encoding(MAX_SEQ_LEN, DIM)
    return {"x": x, "seq_emb_weight": seq_emb_weight, "pos_encoding": pos_encoding}


def reference(x, seq_emb_weight, pos_encoding):
    # x: (batch, seq_len) int indices
    seq_len = x.shape[1]
    emb = jnp.take(seq_emb_weight, x, axis=0)  # gather: (batch, seq_len, dim)
    out = emb + pos_encoding[:seq_len, :][None, :, :]
    return out

if __name__ == "__main__":
    import jax
    _d = setup_inputs()
    print(jax.jit(kernel)(*tuple(_d.values())))

</pallas_src>

<mosaic_0001>
#map = affine_map<(d0, d1) -> (0, 0)>
#map1 = affine_map<(d0, d1) -> (0)>
#map2 = affine_map<(d0, d1) -> (0, 0, 0)>
module attributes {stable_mosaic.version = 14 : i64} {
  func.func @emb_pos_kernel(%arg0: i32, %arg1: i32, %arg2: memref<1000000x64xf32, #tpu.memory_space<hbm>>, %arg3: memref<819200xi32, #tpu.memory_space<hbm>>, %arg4: memref<200x64xf32, #tpu.memory_space<hbm>>, %arg5: memref<4096x200x64xf32, #tpu.memory_space<hbm>>, %arg6: memref<8x2x128xi32, #tpu.memory_space<vmem>>, %arg7: memref<8x200x64xf32, #tpu.memory_space<vmem>>, %arg8: memref<200x64xf32, #tpu.memory_space<vmem>>, %arg9: memref<8x!tpu.dma_semaphore, #tpu.memory_space<semaphore_mem>>, %arg10: memref<8x!tpu.dma_semaphore, #tpu.memory_space<semaphore_mem>>, %arg11: memref<8x!tpu.dma_semaphore, #tpu.memory_space<semaphore_mem>>) attributes {dimension_semantics = [#tpu.dimension_semantics<core_parallel>, #tpu.dimension_semantics<subcore_parallel>], iteration_bounds = array<i64: 2, 16>, scalar_prefetch = 0 : i64, scratch_operands = 6 : i64, tpu.core_type = #tpu.core_type<sc_vector_subcore>, window_params = [{transform_indices = #map}, {transform_indices = #map1}, {transform_indices = #map}, {transform_indices = #map2}]} {
    %mul3A = arith.constant 2 : i32
    %mul3A_0 = arith.muli %arg1, %mul3A : i32
    %add3A = arith.addi %mul3A_0, %arg0 : i32
    %mul3A_1 = arith.constant 128 : i32
    %mul3A_2 = arith.muli %add3A, %mul3A_1 : i32
    "tpu.region"() ({
      %run_scoped3A = tpu.sem_alloc : memref<!tpu.dma_semaphore, #tpu.memory_space<semaphore_mem>>
      tpu.enqueue_dma source(%arg4 : memref<200x64xf32, #tpu.memory_space<hbm>>) target(%arg8 : memref<200x64xf32, #tpu.memory_space<vmem>>) target_semaphore(%run_scoped3A : memref<!tpu.dma_semaphore, #tpu.memory_space<semaphore_mem>>)
      tpu.wait_dma2 semaphore(%run_scoped3A : memref<!tpu.dma_semaphore, #tpu.memory_space<semaphore_mem>>) src(%arg4 : memref<200x64xf32, #tpu.memory_space<hbm>>) dst(%arg8 : memref<200x64xf32, #tpu.memory_space<vmem>>)
      tpu.yield
    }) : () -> ()
    %add3A_3 = arith.constant 0 : i32
    %add3A_4 = arith.addi %mul3A_2, %add3A_3 : i32
    %mul3A_5 = arith.constant 200 : i32
    %mul3A_6 = arith.muli %add3A_4, %mul3A_5 : i32
    %add3A_7 = arith.constant 128 : i32
    %add3A_8 = arith.addi %mul3A_6, %add3A_7 : i32
    %dma_start3A = arith.constant 0 : i32
    %dma_start3A_9 = arith.constant 0 : i32
    %dma_start3A_10 = arith.constant 0 : i32
    %dma_start3A_11 = arith.constant 0 : i32
    %dma_start3A_12 = tpu.memref_slice %arg6[%dma_start3A, %dma_start3A_9, %dma_start3A_11] : memref<8x2x128xi32, #tpu.memory_space<vmem>> -> memref<1x1x128xi32, #tpu.memory_space<vmem>>
    %dma_start3A_13 = tpu.memref_squeeze %dma_start3A_12 : memref<1x1x128xi32, #tpu.memory_space<vmem>> -> memref<128xi32, #tpu.memory_space<vmem>>
    %dma_start3A_14 = tpu.memref_slice %arg3[%mul3A_6] : memref<819200xi32, #tpu.memory_space<hbm>> -> memref<128xi32, #tpu.memory_space<hbm>>
    %dma_start3A_15 = tpu.memref_slice %arg9[%dma_start3A_10] : memref<8x!tpu.dma_semaphore, #tpu.memory_space<semaphore_mem>> -> memref<1x!tpu.dma_semaphore, #tpu.memory_space<semaphore_mem>>
    %dma_start3A_16 = tpu.memref_squeeze %dma_start3A_15 : memref<1x!tpu.dma_semaphore, #tpu.memory_space<semaphore_mem>> -> memref<!tpu.dma_semaphore, #tpu.memory_space<semaphore_mem>>
    %dma_start3A_17 = arith.constant 0 : i32
    %dma_start3A_18 = tpu.memref_slice %arg6[%dma_start3A, %dma_start3A_9, %dma_start3A_17] : memref<8x2x128xi32, #tpu.memory_space<vmem>> -> memref<1x1x128xi32, #tpu.memory_space<vmem>>
    %dma_start3A_19 = tpu.memref_squeeze %dma_start3A_18 : memref<1x1x128xi32, #tpu.memory_space<vmem>> -> memref<128xi32, #tpu.memory_space<vmem>>
    %dma_start3A_20 = tpu.memref_slice %arg3[%mul3A_6] : memref<819200xi32, #tpu.memory_space<hbm>> -> memref<128xi32, #tpu.memory_space<hbm>>
    tpu.enqueue_dma source(%dma_start3A_20 : memref<128xi32, #tpu.memory_space<hbm>>) target(%dma_start3A_19 : memref<128xi32, #tpu.memory_space<vmem>>) target_semaphore(%dma_start3A_16 : memref<!tpu.dma_semaphore, #tpu.memory_space<semaphore_mem>>)
    %dma_start3A_21 = arith.constant 0 : i32
    %dma_start3A_22 = arith.constant 1 : i32
    %dma_start3A_23 = arith.constant 0 : i32
    %dma_start3A_24 = arith.constant 0 : i32
    %dma_start3A_25 = tpu.memref_slice %arg6[%dma_start3A_21, %dma_start3A_22, %dma_start3A_24] : memref<8x2x128xi32, #tpu.memory_space<vmem>> -> memref<1x1x72xi32, #tpu.memory_space<vmem>>
    %dma_start3A_26 = tpu.memref_squeeze %dma_start3A_25 : memref<1x1x72xi32, #tpu.memory_space<vmem>> -> memref<72xi32, #tpu.memory_space<vmem>>
    %dma_start3A_27 = tpu.memref_slice %arg3[%add3A_8] : memref<819200xi32, #tpu.memory_space<hbm>> -> memref<72xi32, #tpu.memory_space<hbm>>
    %dma_start3A_28 = tpu.memref_slice %arg9[%dma_start3A_23] : memref<8x!tpu.dma_semaphore, #tpu.memory_space<semaphore_mem>> -> memref<1x!tpu.dma_semaphore, #tpu.memory_space<semaphore_mem>>
    %dma_start3A_29 = tpu.memref_squeeze %dma_start3A_28 : memref<1x!tpu.dma_semaphore, #tpu.memory_space<semaphore_mem>> -> memref<!tpu.dma_semaphore, #tpu.memory_space<semaphore_mem>>
    %dma_start3A_30 = arith.constant 0 : i32
    %dma_start3A_31 = tpu.memref_slice %arg6[%dma_start3A_21, %dma_start3A_22, %dma_start3A_30] : memref<8x2x128xi32, #tpu.memory_space<vmem>> -> memref<1x1x72xi32, #tpu.memory_space<vmem>>
    %dma_start3A_32 = tpu.memref_squeeze %dma_start3A_31 : memref<1x1x72xi32, #tpu.memory_space<vmem>> -> memref<72xi32, #tpu.memory_space<vmem>>
    %dma_start3A_33 = tpu.memref_slice %arg3[%add3A_8] : memref<819200xi32, #tpu.memory_space<hbm>> -> memref<72xi32, #tpu.memory_space<hbm>>
    tpu.enqueue_dma source(%dma_start3A_33 : memref<72xi32, #tpu.memory_space<hbm>>) target(%dma_start3A_32 : memref<72xi32, #tpu.memory_space<vmem>>) target_semaphore(%dma_start3A_29 : memref<!tpu.dma_semaphore, #tpu.memory_space<semaphore_mem>>)
    %add3A_34 = arith.constant 1 : i32
    %add3A_35 = arith.addi %mul3A_2, %add3A_34 : i32
    %mul3A_36 = arith.constant 200 : i32
    %mul3A_37 = arith.muli %add3A_35, %mul3A_36 : i32
    %add3A_38 = arith.constant 128 : i32
    %add3A_39 = arith.addi %mul3A_37, %add3A_38 : i32
    %dma_start3A_40 = arith.constant 1 : i32
    %dma_start3A_41 = arith.constant 0 : i32
    %dma_start3A_42 = arith.constant 1 : i32
    %dma_start3A_43 = arith.constant 0 : i32
    %dma_start3A_44 = tpu.memref_slice %arg6[%dma_start3A_40, %dma_start3A_41, %dma_start3A_43] : memref<8x2x128xi32, #tpu.memory_space<vmem>> -> memref<1x1x128xi32, #tpu.memory_space<vmem>>
    %dma_start3A_45 = tpu.memref_squeeze %dma_start3A_44 : memref<1x1x128xi32, #tpu.memory_space<vmem>> -> memref<128xi32, #tpu.memory_space<vmem>>
    %dma_start3A_46 = tpu.memref_slice %arg3[%mul3A_37] : memref<819200xi32, #tpu.memory_space<hbm>> -> memref<128xi32, #tpu.memory_space<hbm>>
    %dma_start3A_47 = tpu.memref_slice %arg9[%dma_start3A_42] : memref<8x!tpu.dma_semaphore, #tpu.memory_space<semaphore_mem>> -> memref<1x!tpu.dma_semaphore, #tpu.memory_space<semaphore_mem>>
    %dma_start3A_48 = tpu.memref_squeeze %dma_start3A_47 : memref<1x!tpu.dma_semaphore, #tpu.memory_space<semaphore_mem>> -> memref<!tpu.dma_semaphore, #tpu.memory_space<semaphore_mem>>
    %dma_start3A_49 = arith.constant 0 : i32
    %dma_start3A_50 = tpu.memref_slice %arg6[%dma_start3A_40, %dma_start3A_41, %dma_start3A_49] : memref<8x2x128xi32, #tpu.memory_space<vmem>> -> memref<1x1x128xi32, #tpu.memory_space<vmem>>
    %dma_start3A_51 = tpu.memref_squeeze %dma_start3A_50 : memref<1x1x128xi32, #tpu.memory_space<vmem>> -> memref<128xi32, #tpu.memory_space<vmem>>
    %dma_start3A_52 = tpu.memref_slice %arg3[%mul3A_37] : memref<819200xi32, #tpu.memory_space<hbm>> -> memref<128xi32, #tpu.memory_space<hbm>>
    tpu.enqueue_dma source(%dma_start3A_52 : memref<128xi32, #tpu.memory_space<hbm>>) target(%dma_start3A_51 : memref<128xi32, #tpu.memory_space<vmem>>) target_semaphore(%dma_start3A_48 : memref<!tpu.dma_semaphore, #tpu.memory_space<semaphore_mem>>)
    %dma_start3A_53 = arith.constant 1 : i32
    %dma_start3A_54 = arith.constant 1 : i32
    %dma_start3A_55 = arith.constant 1 : i32
    %dma_start3A_56 = arith.constant 0 : i32
    %dma_start3A_57 = tpu.memref_slice %arg6[%dma_start3A_53, %dma_start3A_54, %dma_start3A_56] : memref<8x2x128xi32, #tpu.memory_space<vmem>> -> memref<1x1x72xi32, #tpu.memory_space<vmem>>
    %dma_start3A_58 = tpu.memref_squeeze %dma_start3A_57 : memref<1x1x72xi32, #tpu.memory_space<vmem>> -> memref<72xi32, #tpu.memory_space<vmem>>
    %dma_start3A_59 = tpu.memref_slice %arg3[%add3A_39] : memref<819200xi32, #tpu.memory_space<hbm>> -> memref<72xi32, #tpu.memory_space<hbm>>
    %dma_start3A_60 = tpu.memref_slice %arg9[%dma_start3A_55] : memref<8x!tpu.dma_semaphore, #tpu.memory_space<semaphore_mem>> -> memref<1x!tpu.dma_semaphore, #tpu.memory_space<semaphore_mem>>
    %dma_start3A_61 = tpu.memref_squeeze %dma_start3A_60 : memref<1x!tpu.dma_semaphore, #tpu.memory_space<semaphore_mem>> -> memref<!tpu.dma_semaphore, #tpu.memory_space<semaphore_mem>>
    %dma_start3A_62 = arith.constant 0 : i32
    %dma_start3A_63 = tpu.memref_slice %arg6[%dma_start3A_53, %dma_start3A_54, %dma_start3A_62] : memref<8x2x128xi32, #tpu.memory_space<vmem>> -> memref<1x1x72xi32, #tpu.memory_space<vmem>>
    %dma_start3A_64 = tpu.memref_squeeze %dma_start3A_63 : memref<1x1x72xi32, #tpu.memory_space<vmem>> -> memref<72xi32, #tpu.memory_space<vmem>>
    %dma_start3A_65 = tpu.memref_slice %arg3[%add3A_39] : memref<819200xi32, #tpu.memory_space<hbm>> -> memref<72xi32, #tpu.memory_space<hbm>>
    tpu.enqueue_dma source(%dma_start3A_65 : memref<72xi32, #tpu.memory_space<hbm>>) target(%dma_start3A_64 : memref<72xi32, #tpu.memory_space<vmem>>) target_semaphore(%dma_start3A_61 : memref<!tpu.dma_semaphore, #tpu.memory_space<semaphore_mem>>)
    %add3A_66 = arith.constant 2 : i32
    %add3A_67 = arith.addi %mul3A_2, %add3A_66 : i32
    %mul3A_68 = arith.constant 200 : i32
    %mul3A_69 = arith.muli %add3A_67, %mul3A_68 : i32
    %add3A_70 = arith.constant 128 : i32
    %add3A_71 = arith.addi %mul3A_69, %add3A_70 : i32
    %dma_start3A_72 = arith.constant 2 : i32
    %dma_start3A_73 = arith.constant 0 : i32
    %dma_start3A_74 = arith.constant 2 : i32
    %dma_start3A_75 = arith.constant 0 : i32
    %dma_start3A_76 = tpu.memref_slice %arg6[%dma_start3A_72, %dma_start3A_73, %dma_start3A_75] : memref<8x2x128xi32, #tpu.memory_space<vmem>> -> memref<1x1x128xi32, #tpu.memory_space<vmem>>
    %dma_start3A_77 = tpu.memref_squeeze %dma_start3A_76 : memref<1x1x128xi32, #tpu.memory_space<vmem>> -> memref<128xi32, #tpu.memory_space<vmem>>
    %dma_start3A_78 = tpu.memref_slice %arg3[%mul3A_69] : memref<819200xi32, #tpu.memory_space<hbm>> -> memref<128xi32, #tpu.memory_space<hbm>>
    %dma_start3A_79 = tpu.memref_slice %arg9[%dma_start3A_74] : memref<8x!tpu.dma_semaphore, #tpu.memory_space<semaphore_mem>> -> memref<1x!tpu.dma_semaphore, #tpu.memory_space<semaphore_mem>>
    %dma_start3A_80 = tpu.memref_squeeze %dma_start3A_79 : memref<1x!tpu.dma_semaphore, #tpu.memory_space<semaphore_mem>> -> memref<!tpu.dma_semaphore, #tpu.memory_space<semaphore_mem>>
    %dma_start3A_81 = arith.constant 0 : i32
    %dma_start3A_82 = tpu.memref_slice %arg6[%dma_start3A_72, %dma_start3A_73, %dma_start3A_81] : memref<8x2x128xi32, #tpu.memory_space<vmem>> -> memref<1x1x128xi32, #tpu.memory_space<vmem>>
    %dma_start3A_83 = tpu.memref_squeeze %dma_start3A_82 : memref<1x1x128xi32, #tpu.memory_space<vmem>> -> memref<128xi32, #tpu.memory_space<vmem>>
    %dma_start3A_84 = tpu.memref_slice %arg3[%mul3A_69] : memref<819200xi32, #tpu.memory_space<hbm>> -> memref<128xi32, #tpu.memory_space<hbm>>
    tpu.enqueue_dma source(%dma_start3A_84 : memref<128xi32, #tpu.memory_space<hbm>>) target(%dma_start3A_83 : memref<128xi32, #tpu.memory_space<vmem>>) target_semaphore(%dma_start3A_80 : memref<!tpu.dma_semaphore, #tpu.memory_space<semaphore_mem>>)
    %dma_start3A_85 = arith.constant 2 : i32
    %dma_start3A_86 = arith.constant 1 : i32
    %dma_start3A_87 = arith.constant 2 : i32
    %dma_start3A_88 = arith.constant 0 : i32
    %dma_start3A_89 = tpu.memref_slice %arg6[%dma_start3A_85, %dma_start3A_86, %dma_start3A_88] : memref<8x2x128xi32, #tpu.memory_space<vmem>> -> memref<1x1x72xi32, #tpu.memory_space<vmem>>
    %dma_start3A_90 = tpu.memref_squeeze %dma_start3A_89 : memref<1x1x72xi32, #tpu.memory_space<vmem>> -> memref<72xi32, #tpu.memory_space<vmem>>
    %dma_start3A_91 = tpu.memref_slice %arg3[%add3A_71] : memref<819200xi32, #tpu.memory_space<hbm>> -> memref<72xi32, #tpu.memory_space<hbm>>
    %dma_start3A_92 = tpu.memref_slice %arg9[%dma_start3A_87] : memref<8x!tpu.dma_semaphore, #tpu.memory_space<semaphore_mem>> -> memref<1x!tpu.dma_semaphore, #tpu.memory_space<semaphore_mem>>
    %dma_start3A_93 = tpu.memref_squeeze %dma_start3A_92 : memref<1x!tpu.dma_semaphore, #tpu.memory_space<semaphore_mem>> -> memref<!tpu.dma_semaphore, #tpu.memory_space<semaphore_mem>>
    %dma_start3A_94 = arith.constant 0 : i32
    %dma_start3A_95 = tpu.memref_slice %arg6[%dma_start3A_85, %dma_start3A_86, %dma_start3A_94] : memref<8x2x128xi32, #tpu.memory_space<vmem>> -> memref<1x1x72xi32, #tpu.memory_space<vmem>>
    %dma_start3A_96 = tpu.memref_squeeze %dma_start3A_95 : memref<1x1x72xi32, #tpu.memory_space<vmem>> -> memref<72xi32, #tpu.memory_space<vmem>>
    %dma_start3A_97 = tpu.memref_slice %arg3[%add3A_71] : memref<819200xi32, #tpu.memory_space<hbm>> -> memref<72xi32, #tpu.memory_space<hbm>>
    tpu.enqueue_dma source(%dma_start3A_97 : memref<72xi32, #tpu.memory_space<hbm>>) target(%dma_start3A_96 : memref<72xi32, #tpu.memory_space<vmem>>) target_semaphore(%dma_start3A_93 : memref<!tpu.dma_semaphore, #tpu.memory_space<semaphore_mem>>)
    %add3A_98 = arith.constant 3 : i32
    %add3A_99 = arith.addi %mul3A_2, %add3A_98 : i32
    %mul3A_100 = arith.constant 200 : i32
    %mul3A_101 = arith.muli %add3A_99, %mul3A_100 : i32
    %add3A_102 = arith.constant 128 : i32
    %add3A_103 = arith.addi %mul3A_101, %add3A_102 : i32
    %dma_start3A_104 = arith.constant 3 : i32
    %dma_start3A_105 = arith.constant 0 : i32
    %dma_start3A_106 = arith.constant 3 : i32
    %dma_start3A_107 = arith.constant 0 : i32
    %dma_start3A_108 = tpu.memref_slice %arg6[%dma_start3A_104, %dma_start3A_105, %dma_start3A_107] : memref<8x2x128xi32, #tpu.memory_space<vmem>> -> memref<1x1x128xi32, #tpu.memory_space<vmem>>
    %dma_start3A_109 = tpu.memref_squeeze %dma_start3A_108 : memref<1x1x128xi32, #tpu.memory_space<vmem>> -> memref<128xi32, #tpu.memory_space<vmem>>
    %dma_start3A_110 = tpu.memref_slice %arg3[%mul3A_101] : memref<819200xi32, #tpu.memory_space<hbm>> -> memref<128xi32, #tpu.memory_space<hbm>>
    %dma_start3A_111 = tpu.memref_slice %arg9[%dma_start3A_106] : memref<8x!tpu.dma_semaphore, #tpu.memory_space<semaphore_mem>> -> memref<1x!tpu.dma_semaphore, #tpu.memory_space<semaphore_mem>>
    %dma_start3A_112 = tpu.memref_squeeze %dma_start3A_111 : memref<1x!tpu.dma_semaphore, #tpu.memory_space<semaphore_mem>> -> memref<!tpu.dma_semaphore, #tpu.memory_space<semaphore_mem>>
    %dma_start3A_113 = arith.constant 0 : i32
    %dma_start3A_114 = tpu.memref_slice %arg6[%dma_start3A_104, %dma_start3A_105, %dma_start3A_113] : memref<8x2x128xi32, #tpu.memory_space<vmem>> -> memref<1x1x128xi32, #tpu.memory_space<vmem>>
    %dma_start3A_115 = tpu.memref_squeeze %dma_start3A_114 : memref<1x1x128xi32, #tpu.memory_space<vmem>> -> memref<128xi32, #tpu.memory_space<vmem>>
    %dma_start3A_116 = tpu.memref_slice %arg3[%mul3A_101] : memref<819200xi32, #tpu.memory_space<hbm>> -> memref<128xi32, #tpu.memory_space<hbm>>
    tpu.enqueue_dma source(%dma_start3A_116 : memref<128xi32, #tpu.memory_space<hbm>>) target(%dma_start3A_115 : memref<128xi32, #tpu.memory_space<vmem>>) target_semaphore(%dma_start3A_112 : memref<!tpu.dma_semaphore, #tpu.memory_space<semaphore_mem>>)
    %dma_start3A_117 = arith.constant 3 : i32
    %dma_start3A_118 = arith.constant 1 : i32
    %dma_start3A_119 = arith.constant 3 : i32
    %dma_start3A_120 = arith.constant 0 : i32
    %dma_start3A_121 = tpu.memref_slice %arg6[%dma_start3A_117, %dma_start3A_118, %dma_start3A_120] : memref<8x2x128xi32, #tpu.memory_space<vmem>> -> memref<1x1x72xi32, #tpu.memory_space<vmem>>
    %dma_start3A_122 = tpu.memref_squeeze %dma_start3A_121 : memref<1x1x72xi32, #tpu.memory_space<vmem>> -> memref<72xi32, #tpu.memory_space<vmem>>
    %dma_start3A_123 = tpu.memref_slice %arg3[%add3A_103] : memref<819200xi32, #tpu.memory_space<hbm>> -> memref<72xi32, #tpu.memory_space<hbm>>
    %dma_start3A_124 = tpu.memref_slice %arg9[%dma_start3A_119] : memref<8x!tpu.dma_semaphore, #tpu.memory_space<semaphore_mem>> -> memref<1x!tpu.dma_semaphore, #tpu.memory_space<semaphore_mem>>
    %dma_start3A_125 = tpu.memref_squeeze %dma_start3A_124 : memref<1x!tpu.dma_semaphore, #tpu.memory_space<semaphore_mem>> -> memref<!tpu.dma_semaphore, #tpu.memory_space<semaphore_mem>>
    %dma_start3A_126 = arith.constant 0 : i32
    %dma_start3A_127 = tpu.memref_slice %arg6[%dma_start3A_117, %dma_start3A_118, %dma_start3A_126] : memref<8x2x128xi32, #tpu.memory_space<vmem>> -> memref<1x1x72xi32, #tpu.memory_space<vmem>>
    %dma_start3A_128 = tpu.memref_squeeze %dma_start3A_127 : memref<1x1x72xi32, #tpu.memory_space<vmem>> -> memref<72xi32, #tpu.memory_space<vmem>>
    %dma_start3A_129 = tpu.memref_slice %arg3[%add3A_103] : memref<819200xi32, #tpu.memory_space<hbm>> -> memref<72xi32, #tpu.memory_space<hbm>>
    tpu.enqueue_dma source(%dma_start3A_129 : memref<72xi32, #tpu.memory_space<hbm>>) target(%dma_start3A_128 : memref<72xi32, #tpu.memory_space<vmem>>) target_semaphore(%dma_start3A_125 : memref<!tpu.dma_semaphore, #tpu.memory_space<semaphore_mem>>)
    %add3A_130 = arith.constant 4 : i32
    %add3A_131 = arith.addi %mul3A_2, %add3A_130 : i32
    %mul3A_132 = arith.constant 200 : i32
    %mul3A_133 = arith.muli %add3A_131, %mul3A_132 : i32
    %add3A_134 = arith.constant 128 : i32
    %add3A_135 = arith.addi %mul3A_133, %add3A_134 : i32
    %dma_start3A_136 = arith.constant 4 : i32
    %dma_start3A_137 = arith.constant 0 : i32
    %dma_start3A_138 = arith.constant 4 : i32
    %dma_start3A_139 = arith.constant 0 : i32
    %dma_start3A_140 = tpu.memref_slice %arg6[%dma_start3A_136, %dma_start3A_137, %dma_start3A_139] : memref<8x2x128xi32, #tpu.memory_space<vmem>> -> memref<1x1x128xi32, #tpu.memory_space<vmem>>
    %dma_start3A_141 = tpu.memref_squeeze %dma_start3A_140 : memref<1x1x128xi32, #tpu.memory_space<vmem>> -> memref<128xi32, #tpu.memory_space<vmem>>
    %dma_start3A_142 = tpu.memref_slice %arg3[%mul3A_133] : memref<819200xi32, #tpu.memory_space<hbm>> -> memref<128xi32, #tpu.memory_space<hbm>>
    %dma_start3A_143 = tpu.memref_slice %arg9[%dma_start3A_138] : memref<8x!tpu.dma_semaphore, #tpu.memory_space<semaphore_mem>> -> memref<1x!tpu.dma_semaphore, #tpu.memory_space<semaphore_mem>>
    %dma_start3A_144 = tpu.memref_squeeze %dma_start3A_143 : memref<1x!tpu.dma_semaphore, #tpu.memory_space<semaphore_mem>> -> memref<!tpu.dma_semaphore, #tpu.memory_space<semaphore_mem>>
    %dma_start3A_145 = arith.constant 0 : i32
    %dma_start3A_146 = tpu.memref_slice %arg6[%dma_start3A_136, %dma_start3A_137, %dma_start3A_145] : memref<8x2x128xi32, #tpu.memory_space<vmem>> -> memref<1x1x128xi32, #tpu.memory_space<vmem>>
    %dma_start3A_147 = tpu.memref_squeeze %dma_start3A_146 : memref<1x1x128xi32, #tpu.memory_space<vmem>> -> memref<128xi32, #tpu.memory_space<vmem>>
    %dma_start3A_148 = tpu.memref_slice %arg3[%mul3A_133] : memref<819200xi32, #tpu.memory_space<hbm>> -> memref<128xi32, #tpu.memory_space<hbm>>
    tpu.enqueue_dma source(%dma_start3A_148 : memref<128xi32, #tpu.memory_space<hbm>>) target(%dma_start3A_147 : memref<128xi32, #tpu.memory_space<vmem>>) target_semaphore(%dma_start3A_144 : memref<!tpu.dma_semaphore, #tpu.memory_space<semaphore_mem>>)
    %dma_start3A_149 = arith.constant 4 : i32
    %dma_start3A_150 = arith.constant 1 : i32
    %dma_start3A_151 = arith.constant 4 : i32
    %dma_start3A_152 = arith.constant 0 : i32
    %dma_start3A_153 = tpu.memref_slice %arg6[%dma_start3A_149, %dma_start3A_150, %dma_start3A_152] : memref<8x2x128xi32, #tpu.memory_space<vmem>> -> memref<1x1x72xi32, #tpu.memory_space<vmem>>
    %dma_start3A_154 = tpu.memref_squeeze %dma_start3A_153 : memref<1x1x72xi32, #tpu.memory_space<vmem>> -> memref<72xi32, #tpu.memory_space<vmem>>
    %dma_start3A_155 = tpu.memref_slice %arg3[%add3A_135] : memref<819200xi32, #tpu.memory_space<hbm>> -> memref<72xi32, #tpu.memory_space<hbm>>
    %dma_start3A_156 = tpu.memref_slice %arg9[%dma_start3A_151] : memref<8x!tpu.dma_semaphore, #tpu.memory_space<semaphore_mem>> -> memref<1x!tpu.dma_semaphore, #tpu.memory_space<semaphore_mem>>
    %dma_start3A_157 = tpu.memref_squeeze %dma_start3A_156 : memref<1x!tpu.dma_semaphore, #tpu.memory_space<semaphore_mem>> -> memref<!tpu.dma_semaphore, #tpu.memory_space<semaphore_mem>>
    %dma_start3A_158 = arith.constant 0 : i32
    %dma_start3A_159 = tpu.memref_slice %arg6[%dma_start3A_149, %dma_start3A_150, %dma_start3A_158] : memref<8x2x128xi32, #tpu.memory_space<vmem>> -> memref<1x1x72xi32, #tpu.memory_space<vmem>>
    %dma_start3A_160 = tpu.memref_squeeze %dma_start3A_159 : memref<1x1x72xi32, #tpu.memory_space<vmem>> -> memref<72xi32, #tpu.memory_space<vmem>>
    %dma_start3A_161 = tpu.memref_slice %arg3[%add3A_135] : memref<819200xi32, #tpu.memory_space<hbm>> -> memref<72xi32, #tpu.memory_space<hbm>>
    tpu.enqueue_dma source(%dma_start3A_161 : memref<72xi32, #tpu.memory_space<hbm>>) target(%dma_start3A_160 : memref<72xi32, #tpu.memory_space<vmem>>) target_semaphore(%dma_start3A_157 : memref<!tpu.dma_semaphore, #tpu.memory_space<semaphore_mem>>)
    %add3A_162 = arith.constant 5 : i32
    %add3A_163 = arith.addi %mul3A_2, %add3A_162 : i32
    %mul3A_164 = arith.constant 200 : i32
    %mul3A_165 = arith.muli %add3A_163, %mul3A_164 : i32
    %add3A_166 = arith.constant 128 : i32
    %add3A_167 = arith.addi %mul3A_165, %add3A_166 : i32
    %dma_start3A_168 = arith.constant 5 : i32
    %dma_start3A_169 = arith.constant 0 : i32
    %dma_start3A_170 = arith.constant 5 : i32
    %dma_start3A_171 = arith.constant 0 : i32
    %dma_start3A_172 = tpu.memref_slice %arg6[%dma_start3A_168, %dma_start3A_169, %dma_start3A_171] : memref<8x2x128xi32, #tpu.memory_space<vmem>> -> memref<1x1x128xi32, #tpu.memory_space<vmem>>
    %dma_start3A_173 = tpu.memref_squeeze %dma_start3A_172 : memref<1x1x128xi32, #tpu.memory_space<vmem>> -> memref<128xi32, #tpu.memory_space<vmem>>
    %dma_start3A_174 = tpu.memref_slice %arg3[%mul3A_165] : memref<819200xi32, #tpu.memory_space<hbm>> -> memref<128xi32, #tpu.memory_space<hbm>>
    %dma_start3A_175 = tpu.memref_slice %arg9[%dma_start3A_170] : memref<8x!tpu.dma_semaphore, #tpu.memory_space<semaphore_mem>> -> memref<1x!tpu.dma_semaphore, #tpu.memory_space<semaphore_mem>>
    %dma_start3A_176 = tpu.memref_squeeze %dma_start3A_175 : memref<1x!tpu.dma_semaphore, #tpu.memory_space<semaphore_mem>> -> memref<!tpu.dma_semaphore, #tpu.memory_space<semaphore_mem>>
    %dma_start3A_177 = arith.constant 0 : i32
    %dma_start3A_178 = tpu.memref_slice %arg6[%dma_start3A_168, %dma_start3A_169, %dma_start3A_177] : memref<8x2x128xi32, #tpu.memory_space<vmem>> -> memref<1x1x128xi32, #tpu.memory_space<vmem>>
    %dma_start3A_179 = tpu.memref_squeeze %dma_start3A_178 : memref<1x1x128xi32, #tpu.memory_space<vmem>> -> memref<128xi32, #tpu.memory_space<vmem>>
    %dma_start3A_180 = tpu.memref_slice %arg3[%mul3A_165] : memref<819200xi32, #tpu.memory_space<hbm>> -> memref<128xi32, #tpu.memory_space<hbm>>
    tpu.enqueue_dma source(%dma_start3A_180 : memref<128xi32, #tpu.memory_space<hbm>>) target(%dma_start3A_179 : memref<128xi32, #tpu.memory_space<vmem>>) target_semaphore(%dma_start3A_176 : memref<!tpu.dma_semaphore, #tpu.memory_space<semaphore_mem>>)
    %dma_start3A_181 = arith.constant 5 : i32
    %dma_start3A_182 = arith.constant 1 : i32
    %dma_start3A_183 = arith.constant 5 : i32
    %dma_start3A_184 = arith.constant 0 : i32
    %dma_start3A_185 = tpu.memref_slice %arg6[%dma_start3A_181, %dma_start3A_182, %dma_start3A_184] : memref<8x2x128xi32, #tpu.memory_space<vmem>> -> memref<1x1x72xi32, #tpu.memory_space<vmem>>
    %dma_start3A_186 = tpu.memref_squeeze %dma_start3A_185 : memref<1x1x72xi32, #tpu.memory_space<vmem>> -> memref<72xi32, #tpu.memory_space<vmem>>
    %dma_start3A_187 = tpu.memref_slice %arg3[%add3A_167] : memref<819200xi32, #tpu.memory_space<hbm>> -> memref<72xi32, #tpu.memory_space<hbm>>
    %dma_start3A_188 = tpu.memref_slice %arg9[%dma_start3A_183] : memref<8x!tpu.dma_semaphore, #tpu.memory_space<semaphore_mem>> -> memref<1x!tpu.dma_semaphore, #tpu.memory_space<semaphore_mem>>
    %dma_start3A_189 = tpu.memref_squeeze %dma_start3A_188 : memref<1x!tpu.dma_semaphore, #tpu.memory_space<semaphore_mem>> -> memref<!tpu.dma_semaphore, #tpu.memory_space<semaphore_mem>>
    %dma_start3A_190 = arith.constant 0 : i32
    %dma_start3A_191 = tpu.memref_slice %arg6[%dma_start3A_181, %dma_start3A_182, %dma_start3A_190] : memref<8x2x128xi32, #tpu.memory_space<vmem>> -> memref<1x1x72xi32, #tpu.memory_space<vmem>>
    %dma_start3A_192 = tpu.memref_squeeze %dma_start3A_191 : memref<1x1x72xi32, #tpu.memory_space<vmem>> -> memref<72xi32, #tpu.memory_space<vmem>>
    %dma_start3A_193 = tpu.memref_slice %arg3[%add3A_167] : memref<819200xi32, #tpu.memory_space<hbm>> -> memref<72xi32, #tpu.memory_space<hbm>>
    tpu.enqueue_dma source(%dma_start3A_193 : memref<72xi32, #tpu.memory_space<hbm>>) target(%dma_start3A_192 : memref<72xi32, #tpu.memory_space<vmem>>) target_semaphore(%dma_start3A_189 : memref<!tpu.dma_semaphore, #tpu.memory_space<semaphore_mem>>)
    %add3A_194 = arith.constant 6 : i32
    %add3A_195 = arith.addi %mul3A_2, %add3A_194 : i32
    %mul3A_196 = arith.constant 200 : i32
    %mul3A_197 = arith.muli %add3A_195, %mul3A_196 : i32
    %add3A_198 = arith.constant 128 : i32
    %add3A_199 = arith.addi %mul3A_197, %add3A_198 : i32
    %dma_start3A_200 = arith.constant 6 : i32
    %dma_start3A_201 = arith.constant 0 : i32
    %dma_start3A_202 = arith.constant 6 : i32
    %dma_start3A_203 = arith.constant 0 : i32
    %dma_start3A_204 = tpu.memref_slice %arg6[%dma_start3A_200, %dma_start3A_201, %dma_start3A_203] : memref<8x2x128xi32, #tpu.memory_space<vmem>> -> memref<1x1x128xi32, #tpu.memory_space<vmem>>
    %dma_start3A_205 = tpu.memref_squeeze %dma_start3A_204 : memref<1x1x128xi32, #tpu.memory_space<vmem>> -> memref<128xi32, #tpu.memory_space<vmem>>
    %dma_start3A_206 = tpu.memref_slice %arg3[%mul3A_197] : memref<819200xi32, #tpu.memory_space<hbm>> -> memref<128xi32, #tpu.memory_space<hbm>>
    %dma_start3A_207 = tpu.memref_slice %arg9[%dma_start3A_202] : memref<8x!tpu.dma_semaphore, #tpu.memory_space<semaphore_mem>> -> memref<1x!tpu.dma_semaphore, #tpu.memory_space<semaphore_mem>>
    %dma_start3A_208 = tpu.memref_squeeze %dma_start3A_207 : memref<1x!tpu.dma_semaphore, #tpu.memory_space<semaphore_mem>> -> memref<!tpu.dma_semaphore, #tpu.memory_space<semaphore_mem>>
    %dma_start3A_209 = arith.constant 0 : i32
    %dma_start3A_210 = tpu.memref_slice %arg6[%dma_start3A_200, %dma_start3A_201, %dma_start3A_209] : memref<8x2x128xi32, #tpu.memory_space<vmem>> -> memref<1x1x128xi32, #tpu.memory_space<vmem>>
    %dma_start3A_211 = tpu.memref_squeeze %dma_start3A_210 : memref<1x1x128xi32, #tpu.memory_space<vmem>> -> memref<128xi32, #tpu.memory_space<vmem>>
    %dma_start3A_212 = tpu.memref_slice %arg3[%mul3A_197] : memref<819200xi32, #tpu.memory_space<hbm>> -> memref<128xi32, #tpu.memory_space<hbm>>
    tpu.enqueue_dma source(%dma_start3A_212 : memref<128xi32, #tpu.memory_space<hbm>>) target(%dma_start3A_211 : memref<128xi32, #tpu.memory_space<vmem>>) target_semaphore(%dma_start3A_208 : memref<!tpu.dma_semaphore, #tpu.memory_space<semaphore_mem>>)
    %dma_start3A_213 = arith.constant 6 : i32
    %dma_start3A_214 = arith.constant 1 : i32
    %dma_start3A_215 = arith.constant 6 : i32
    %dma_start3A_216 = arith.constant 0 : i32
    %dma_start3A_217 = tpu.memref_slice %arg6[%dma_start3A_213, %dma_start3A_214, %dma_start3A_216] : memref<8x2x128xi32, #tpu.memory_space<vmem>> -> memref<1x1x72xi32, #tpu.memory_space<vmem>>
    %dma_start3A_218 = tpu.memref_squeeze %dma_start3A_217 : memref<1x1x72xi32, #tpu.memory_space<vmem>> -> memref<72xi32, #tpu.memory_space<vmem>>
    %dma_start3A_219 = tpu.memref_slice %arg3[%add3A_199] : memref<819200xi32, #tpu.memory_space<hbm>> -> memref<72xi32, #tpu.memory_space<hbm>>
    %dma_start3A_220 = tpu.memref_slice %arg9[%dma_start3A_215] : memref<8x!tpu.dma_semaphore, #tpu.memory_space<semaphore_mem>> -> memref<1x!tpu.dma_semaphore, #tpu.memory_space<semaphore_mem>>
    %dma_start3A_221 = tpu.memref_squeeze %dma_start3A_220 : memref<1x!tpu.dma_semaphore, #tpu.memory_space<semaphore_mem>> -> memref<!tpu.dma_semaphore, #tpu.memory_space<semaphore_mem>>
    %dma_start3A_222 = arith.constant 0 : i32
    %dma_start3A_223 = tpu.memref_slice %arg6[%dma_start3A_213, %dma_start3A_214, %dma_start3A_222] : memref<8x2x128xi32, #tpu.memory_space<vmem>> -> memref<1x1x72xi32, #tpu.memory_space<vmem>>
    %dma_start3A_224 = tpu.memref_squeeze %dma_start3A_223 : memref<1x1x72xi32, #tpu.memory_space<vmem>> -> memref<72xi32, #tpu.memory_space<vmem>>
    %dma_start3A_225 = tpu.memref_slice %arg3[%add3A_199] : memref<819200xi32, #tpu.memory_space<hbm>> -> memref<72xi32, #tpu.memory_space<hbm>>
    tpu.enqueue_dma source(%dma_start3A_225 : memref<72xi32, #tpu.memory_space<hbm>>) target(%dma_start3A_224 : memref<72xi32, #tpu.memory_space<vmem>>) target_semaphore(%dma_start3A_221 : memref<!tpu.dma_semaphore, #tpu.memory_space<semaphore_mem>>)
    %add3A_226 = arith.constant 7 : i32
    %add3A_227 = arith.addi %mul3A_2, %add3A_226 : i32
    %mul3A_228 = arith.constant 200 : i32
    %mul3A_229 = arith.muli %add3A_227, %mul3A_228 : i32
    %add3A_230 = arith.constant 128 : i32
    %add3A_231 = arith.addi %mul3A_229, %add3A_230 : i32
    %dma_start3A_232 = arith.constant 7 : i32
    %dma_start3A_233 = arith.constant 0 : i32
    %dma_start3A_234 = arith.constant 7 : i32
    %dma_start3A_235 = arith.constant 0 : i32
    %dma_start3A_236 = tpu.memref_slice %arg6[%dma_start3A_232, %dma_start3A_233, %dma_start3A_235] : memref<8x2x128xi32, #tpu.memory_space<vmem>> -> memref<1x1x128xi32, #tpu.memory_space<vmem>>
    %dma_start3A_237 = tpu.memref_squeeze %dma_start3A_236 : memref<1x1x128xi32, #tpu.memory_space<vmem>> -> memref<128xi32, #tpu.memory_space<vmem>>
    %dma_start3A_238 = tpu.memref_slice %arg3[%mul3A_229] : memref<819200xi32, #tpu.memory_space<hbm>> -> memref<128xi32, #tpu.memory_space<hbm>>
    %dma_start3A_239 = tpu.memref_slice %arg9[%dma_start3A_234] : memref<8x!tpu.dma_semaphore, #tpu.memory_space<semaphore_mem>> -> memref<1x!tpu.dma_semaphore, #tpu.memory_space<semaphore_mem>>
    %dma_start3A_240 = tpu.memref_squeeze %dma_start3A_239 : memref<1x!tpu.dma_semaphore, #tpu.memory_space<semaphore_mem>> -> memref<!tpu.dma_semaphore, #tpu.memory_space<semaphore_mem>>
    %dma_start3A_241 = arith.constant 0 : i32
    %dma_start3A_242 = tpu.memref_slice %arg6[%dma_start3A_232, %dma_start3A_233, %dma_start3A_241] : memref<8x2x128xi32, #tpu.memory_space<vmem>> -> memref<1x1x128xi32, #tpu.memory_space<vmem>>
    %dma_start3A_243 = tpu.memref_squeeze %dma_start3A_242 : memref<1x1x128xi32, #tpu.memory_space<vmem>> -> memref<128xi32, #tpu.memory_space<vmem>>
    %dma_start3A_244 = tpu.memref_slice %arg3[%mul3A_229] : memref<819200xi32, #tpu.memory_space<hbm>> -> memref<128xi32, #tpu.memory_space<hbm>>
    tpu.enqueue_dma source(%dma_start3A_244 : memref<128xi32, #tpu.memory_space<hbm>>) target(%dma_start3A_243 : memref<128xi32, #tpu.memory_space<vmem>>) target_semaphore(%dma_start3A_240 : memref<!tpu.dma_semaphore, #tpu.memory_space<semaphore_mem>>)
    %dma_start3A_245 = arith.constant 7 : i32
    %dma_start3A_246 = arith.constant 1 : i32
    %dma_start3A_247 = arith.constant 7 : i32
    %dma_start3A_248 = arith.constant 0 : i32
    %dma_start3A_249 = tpu.memref_slice %arg6[%dma_start3A_245, %dma_start3A_246, %dma_start3A_248] : memref<8x2x128xi32, #tpu.memory_space<vmem>> -> memref<1x1x72xi32, #tpu.memory_space<vmem>>
    %dma_start3A_250 = tpu.memref_squeeze %dma_start3A_249 : memref<1x1x72xi32, #tpu.memory_space<vmem>> -> memref<72xi32, #tpu.memory_space<vmem>>
    %dma_start3A_251 = tpu.memref_slice %arg3[%add3A_231] : memref<819200xi32, #tpu.memory_space<hbm>> -> memref<72xi32, #tpu.memory_space<hbm>>
    %dma_start3A_252 = tpu.memref_slice %arg9[%dma_start3A_247] : memref<8x!tpu.dma_semaphore, #tpu.memory_space<semaphore_mem>> -> memref<1x!tpu.dma_semaphore, #tpu.memory_space<semaphore_mem>>
    %dma_start3A_253 = tpu.memref_squeeze %dma_start3A_252 : memref<1x!tpu.dma_semaphore, #tpu.memory_space<semaphore_mem>> -> memref<!tpu.dma_semaphore, #tpu.memory_space<semaphore_mem>>
    %dma_start3A_254 = arith.constant 0 : i32
    %dma_start3A_255 = tpu.memref_slice %arg6[%dma_start3A_245, %dma_start3A_246, %dma_start3A_254] : memref<8x2x128xi32, #tpu.memory_space<vmem>> -> memref<1x1x72xi32, #tpu.memory_space<vmem>>
    %dma_start3A_256 = tpu.memref_squeeze %dma_start3A_255 : memref<1x1x72xi32, #tpu.memory_space<vmem>> -> memref<72xi32, #tpu.memory_space<vmem>>
    %dma_start3A_257 = tpu.memref_slice %arg3[%add3A_231] : memref<819200xi32, #tpu.memory_space<hbm>> -> memref<72xi32, #tpu.memory_space<hbm>>
    tpu.enqueue_dma source(%dma_start3A_257 : memref<72xi32, #tpu.memory_space<hbm>>) target(%dma_start3A_256 : memref<72xi32, #tpu.memory_space<vmem>>) target_semaphore(%dma_start3A_253 : memref<!tpu.dma_semaphore, #tpu.memory_space<semaphore_mem>>)
    %add3A_258 = arith.constant 0 : i32
    %add3A_259 = arith.addi %mul3A_2, %add3A_258 : i32
    %mul3A_260 = arith.constant 200 : i32
    %mul3A_261 = arith.muli %add3A_259, %mul3A_260 : i32
    %add3A_262 = arith.constant 128 : i32
    %add3A_263 = arith.addi %mul3A_261, %add3A_262 : i32
    %dma_wait3A = arith.constant 0 : i32
    %dma_wait3A_264 = arith.constant 0 : i32
    %dma_wait3A_265 = arith.constant 0 : i32
    %dma_wait3A_266 = arith.constant 0 : i32
    %dma_wait3A_267 = tpu.memref_slice %arg6[%dma_wait3A, %dma_wait3A_264, %dma_wait3A_266] : memref<8x2x128xi32, #tpu.memory_space<vmem>> -> memref<1x1x128xi32, #tpu.memory_space<vmem>>
    %dma_wait3A_268 = tpu.memref_squeeze %dma_wait3A_267 : memref<1x1x128xi32, #tpu.memory_space<vmem>> -> memref<128xi32, #tpu.memory_space<vmem>>
    %dma_wait3A_269 = tpu.memref_slice %arg3[%mul3A_261] : memref<819200xi32, #tpu.memory_space<hbm>> -> memref<128xi32, #tpu.memory_space<hbm>>
    %dma_wait3A_270 = tpu.memref_slice %arg9[%dma_wait3A_265] : memref<8x!tpu.dma_semaphore, #tpu.memory_space<semaphore_mem>> -> memref<1x!tpu.dma_semaphore, #tpu.memory_space<semaphore_mem>>
    %dma_wait3A_271 = tpu.memref_squeeze %dma_wait3A_270 : memref<1x!tpu.dma_semaphore, #tpu.memory_space<semaphore_mem>> -> memref<!tpu.dma_semaphore, #tpu.memory_space<semaphore_mem>>
    %dma_wait3A_272 = arith.constant 0 : i32
    %dma_wait3A_273 = tpu.memref_slice %arg6[%dma_wait3A, %dma_wait3A_264, %dma_wait3A_272] : memref<8x2x128xi32, #tpu.memory_space<vmem>> -> memref<1x1x128xi32, #tpu.memory_space<vmem>>
    %dma_wait3A_274 = tpu.memref_squeeze %dma_wait3A_273 : memref<1x1x128xi32, #tpu.memory_space<vmem>> -> memref<128xi32, #tpu.memory_space<vmem>>
    %dma_wait3A_275 = tpu.memref_slice %arg3[%mul3A_261] : memref<819200xi32, #tpu.memory_space<hbm>> -> memref<128xi32, #tpu.memory_space<hbm>>
    tpu.wait_dma2 semaphore(%dma_wait3A_271 : memref<!tpu.dma_semaphore, #tpu.memory_space<semaphore_mem>>) src(%dma_wait3A_275 : memref<128xi32, #tpu.memory_space<hbm>>) dst(%dma_wait3A_274 : memref<128xi32, #tpu.memory_space<vmem>>)
    %dma_wait3A_276 = arith.constant 0 : i32
    %dma_wait3A_277 = arith.constant 1 : i32
    %dma_wait3A_278 = arith.constant 0 : i32
    %dma_wait3A_279 = arith.constant 0 : i32
    %dma_wait3A_280 = tpu.memref_slice %arg6[%dma_wait3A_276, %dma_wait3A_277, %dma_wait3A_279] : memref<8x2x128xi32, #tpu.memory_space<vmem>> -> memref<1x1x72xi32, #tpu.memory_space<vmem>>
    %dma_wait3A_281 = tpu.memref_squeeze %dma_wait3A_280 : memref<1x1x72xi32, #tpu.memory_space<vmem>> -> memref<72xi32, #tpu.memory_space<vmem>>
    %dma_wait3A_282 = tpu.memref_slice %arg3[%add3A_263] : memref<819200xi32, #tpu.memory_space<hbm>> -> memref<72xi32, #tpu.memory_space<hbm>>
    %dma_wait3A_283 = tpu.memref_slice %arg9[%dma_wait3A_278] : memref<8x!tpu.dma_semaphore, #tpu.memory_space<semaphore_mem>> -> memref<1x!tpu.dma_semaphore, #tpu.memory_space<semaphore_mem>>
    %dma_wait3A_284 = tpu.memref_squeeze %dma_wait3A_283 : memref<1x!tpu.dma_semaphore, #tpu.memory_space<semaphore_mem>> -> memref<!tpu.dma_semaphore, #tpu.memory_space<semaphore_mem>>
    %dma_wait3A_285 = arith.constant 0 : i32
    %dma_wait3A_286 = tpu.memref_slice %arg6[%dma_wait3A_276, %dma_wait3A_277, %dma_wait3A_285] : memref<8x2x128xi32, #tpu.memory_space<vmem>> -> memref<1x1x72xi32, #tpu.memory_space<vmem>>
    %dma_wait3A_287 = tpu.memref_squeeze %dma_wait3A_286 : memref<1x1x72xi32, #tpu.memory_space<vmem>> -> memref<72xi32, #tpu.memory_space<vmem>>
    %dma_wait3A_288 = tpu.memref_slice %arg3[%add3A_263] : memref<819200xi32, #tpu.memory_space<hbm>> -> memref<72xi32, #tpu.memory_space<hbm>>
    tpu.wait_dma2 semaphore(%dma_wait3A_284 : memref<!tpu.dma_semaphore, #tpu.memory_space<semaphore_mem>>) src(%dma_wait3A_288 : memref<72xi32, #tpu.memory_space<hbm>>) dst(%dma_wait3A_287 : memref<72xi32, #tpu.memory_space<vmem>>)
    %dma_start3A_289 = arith.constant 0 : i32
    %dma_start3A_290 = arith.constant 0 : i32
    %dma_start3A_291 = arith.constant 0 : i32
    %dma_start3A_292 = arith.constant 0 : i32
    %dma_start3A_293 = arith.constant 0 : i32
    %dma_start3A_294 = arith.constant 0 : i32
    %dma_start3A_295 = tpu.memref_slice %arg7[%dma_start3A_291, %dma_start3A_293, %dma_start3A_294] : memref<8x200x64xf32, #tpu.memory_space<vmem>> -> memref<1x128x64xf32, #tpu.memory_space<vmem>>
    %dma_start3A_296 = tpu.memref_squeeze %dma_start3A_295 : memref<1x128x64xf32, #tpu.memory_space<vmem>> -> memref<128x64xf32, #tpu.memory_space<vmem>>
    %dma_start3A_297 = arith.constant 0 : i32
    %dma_start3A_298 = tpu.memref_slice %arg6[%dma_start3A_289, %dma_start3A_290, %dma_start3A_297] : memref<8x2x128xi32, #tpu.memory_space<vmem>> -> memref<1x1x128xi32, #tpu.memory_space<vmem>>
    %dma_start3A_299 = tpu.memref_squeeze %dma_start3A_298 : memref<1x1x128xi32, #tpu.memory_space<vmem>> -> memref<128xi32, #tpu.memory_space<vmem>>
    %dma_start3A_300 = arith.constant 0 : i32
    %dma_start3A_301 = arith.constant 0 : i32
    %dma_start3A_302 = tpu.memref_slice %arg2[%dma_start3A_300, %dma_start3A_301] : memref<1000000x64xf32, #tpu.memory_space<hbm>> -> memref<1000000x64xf32, #tpu.memory_space<hbm>>
    %dma_start3A_303 = tpu.memref_slice %arg10[%dma_start3A_292] : memref<8x!tpu.dma_semaphore, #tpu.memory_space<semaphore_mem>> -> memref<1x!tpu.dma_semaphore, #tpu.memory_space<semaphore_mem>>
    %dma_start3A_304 = tpu.memref_squeeze %dma_start3A_303 : memref<1x!tpu.dma_semaphore, #tpu.memory_space<semaphore_mem>> -> memref<!tpu.dma_semaphore, #tpu.memory_space<semaphore_mem>>
    tpu.enqueue_indirect_dma source(%dma_start3A_302 : memref<1000000x64xf32, #tpu.memory_space<hbm>>) target(%dma_start3A_296 : memref<128x64xf32, #tpu.memory_space<vmem>>) offsets(%dma_start3A_299 : memref<128xi32, #tpu.memory_space<vmem>>) semaphore(%dma_start3A_304 : memref<!tpu.dma_semaphore, #tpu.memory_space<semaphore_mem>>)
    %dma_start3A_305 = arith.constant 0 : i32
    %dma_start3A_306 = arith.constant 1 : i32
    %dma_start3A_307 = arith.constant 0 : i32
    %dma_start3A_308 = arith.constant 0 : i32
    %dma_start3A_309 = arith.constant 128 : i32
    %dma_start3A_310 = arith.constant 0 : i32
    %dma_start3A_311 = tpu.memref_slice %arg7[%dma_start3A_307, %dma_start3A_309, %dma_start3A_310] : memref<8x200x64xf32, #tpu.memory_space<vmem>> -> memref<1x72x64xf32, #tpu.memory_space<vmem>>
    %dma_start3A_312 = tpu.memref_squeeze %dma_start3A_311 : memref<1x72x64xf32, #tpu.memory_space<vmem>> -> memref<72x64xf32, #tpu.memory_space<vmem>>
    %dma_start3A_313 = arith.constant 0 : i32
    %dma_start3A_314 = tpu.memref_slice %arg6[%dma_start3A_305, %dma_start3A_306, %dma_start3A_313] : memref<8x2x128xi32, #tpu.memory_space<vmem>> -> memref<1x1x72xi32, #tpu.memory_space<vmem>>
    %dma_start3A_315 = tpu.memref_squeeze %dma_start3A_314 : memref<1x1x72xi32, #tpu.memory_space<vmem>> -> memref<72xi32, #tpu.memory_space<vmem>>
    %dma_start3A_316 = arith.constant 0 : i32
    %dma_start3A_317 = arith.constant 0 : i32
    %dma_start3A_318 = tpu.memref_slice %arg2[%dma_start3A_316, %dma_start3A_317] : memref<1000000x64xf32, #tpu.memory_space<hbm>> -> memref<1000000x64xf32, #tpu.memory_space<hbm>>
    %dma_start3A_319 = tpu.memref_slice %arg10[%dma_start3A_308] : memref<8x!tpu.dma_semaphore, #tpu.memory_space<semaphore_mem>> -> memref<1x!tpu.dma_semaphore, #tpu.memory_space<semaphore_mem>>
    %dma_start3A_320 = tpu.memref_squeeze %dma_start3A_319 : memref<1x!tpu.dma_semaphore, #tpu.memory_space<semaphore_mem>> -> memref<!tpu.dma_semaphore, #tpu.memory_space<semaphore_mem>>
    tpu.enqueue_indirect_dma source(%dma_start3A_318 : memref<1000000x64xf32, #tpu.memory_space<hbm>>) target(%dma_start3A_312 : memref<72x64xf32, #tpu.memory_space<vmem>>) offsets(%dma_start3A_315 : memref<72xi32, #tpu.memory_space<vmem>>) semaphore(%dma_start3A_320 : memref<!tpu.dma_semaphore, #tpu.memory_space<semaphore_mem>>)
    %add3A_321 = arith.constant 1 : i32
    %add3A_322 = arith.addi %mul3A_2, %add3A_321 : i32
    %mul3A_323 = arith.constant 200 : i32
    %mul3A_324 = arith.muli %add3A_322, %mul3A_323 : i32
    %add3A_325 = arith.constant 128 : i32
    %add3A_326 = arith.addi %mul3A_324, %add3A_325 : i32
    %dma_wait3A_327 = arith.constant 1 : i32
    %dma_wait3A_328 = arith.constant 0 : i32
    %dma_wait3A_329 = arith.constant 1 : i32
    %dma_wait3A_330 = arith.constant 0 : i32
    %dma_wait3A_331 = tpu.memref_slice %arg6[%dma_wait3A_327, %dma_wait3A_328, %dma_wait3A_330] : memref<8x2x128xi32, #tpu.memory_space<vmem>> -> memref<1x1x128xi32, #tpu.memory_space<vmem>>
    %dma_wait3A_332 = tpu.memref_squeeze %dma_wait3A_331 : memref<1x1x128xi32, #tpu.memory_space<vmem>> -> memref<128xi32, #tpu.memory_space<vmem>>
    %dma_wait3A_333 = tpu.memref_slice %arg3[%mul3A_324] : memref<819200xi32, #tpu.memory_space<hbm>> -> memref<128xi32, #tpu.memory_space<hbm>>
    %dma_wait3A_334 = tpu.memref_slice %arg9[%dma_wait3A_329] : memref<8x!tpu.dma_semaphore, #tpu.memory_space<semaphore_mem>> -> memref<1x!tpu.dma_semaphore, #tpu.memory_space<semaphore_mem>>
    %dma_wait3A_335 = tpu.memref_squeeze %dma_wait3A_334 : memref<1x!tpu.dma_semaphore, #tpu.memory_space<semaphore_mem>> -> memref<!tpu.dma_semaphore, #tpu.memory_space<semaphore_mem>>
    %dma_wait3A_336 = arith.constant 0 : i32
    %dma_wait3A_337 = tpu.memref_slice %arg6[%dma_wait3A_327, %dma_wait3A_328, %dma_wait3A_336] : memref<8x2x128xi32, #tpu.memory_space<vmem>> -> memref<1x1x128xi32, #tpu.memory_space<vmem>>
    %dma_wait3A_338 = tpu.memref_squeeze %dma_wait3A_337 : memref<1x1x128xi32, #tpu.memory_space<vmem>> -> memref<128xi32, #tpu.memory_space<vmem>>
    %dma_wait3A_339 = tpu.memref_slice %arg3[%mul3A_324] : memref<819200xi32, #tpu.memory_space<hbm>> -> memref<128xi32, #tpu.memory_space<hbm>>
    tpu.wait_dma2 semaphore(%dma_wait3A_335 : memref<!tpu.dma_semaphore, #tpu.memory_space<semaphore_mem>>) src(%dma_wait3A_339 : memref<128xi32, #tpu.memory_space<hbm>>) dst(%dma_wait3A_338 : memref<128xi32, #tpu.memory_space<vmem>>)
    %dma_wait3A_340 = arith.constant 1 : i32
    %dma_wait3A_341 = arith.constant 1 : i32
    %dma_wait3A_342 = arith.constant 1 : i32
    %dma_wait3A_343 = arith.constant 0 : i32
    %dma_wait3A_344 = tpu.memref_slice %arg6[%dma_wait3A_340, %dma_wait3A_341, %dma_wait3A_343] : memref<8x2x128xi32, #tpu.memory_space<vmem>> -> memref<1x1x72xi32, #tpu.memory_space<vmem>>
    %dma_wait3A_345 = tpu.memref_squeeze %dma_wait3A_344 : memref<1x1x72xi32, #tpu.memory_space<vmem>> -> memref<72xi32, #tpu.memory_space<vmem>>
    %dma_wait3A_346 = tpu.memref_slice %arg3[%add3A_326] : memref<819200xi32, #tpu.memory_space<hbm>> -> memref<72xi32, #tpu.memory_space<hbm>>
    %dma_wait3A_347 = tpu.memref_slice %arg9[%dma_wait3A_342] : memref<8x!tpu.dma_semaphore, #tpu.memory_space<semaphore_mem>> -> memref<1x!tpu.dma_semaphore, #tpu.memory_space<semaphore_mem>>
    %dma_wait3A_348 = tpu.memref_squeeze %dma_wait3A_347 : memref<1x!tpu.dma_semaphore, #tpu.memory_space<semaphore_mem>> -> memref<!tpu.dma_semaphore, #tpu.memory_space<semaphore_mem>>
    %dma_wait3A_349 = arith.constant 0 : i32
    %dma_wait3A_350 = tpu.memref_slice %arg6[%dma_wait3A_340, %dma_wait3A_341, %dma_wait3A_349] : memref<8x2x128xi32, #tpu.memory_space<vmem>> -> memref<1x1x72xi32, #tpu.memory_space<vmem>>
    %dma_wait3A_351 = tpu.memref_squeeze %dma_wait3A_350 : memref<1x1x72xi32, #tpu.memory_space<vmem>> -> memref<72xi32, #tpu.memory_space<vmem>>
    %dma_wait3A_352 = tpu.memref_slice %arg3[%add3A_326] : memref<819200xi32, #tpu.memory_space<hbm>> -> memref<72xi32, #tpu.memory_space<hbm>>
    tpu.wait_dma2 semaphore(%dma_wait3A_348 : memref<!tpu.dma_semaphore, #tpu.memory_space<semaphore_mem>>) src(%dma_wait3A_352 : memref<72xi32, #tpu.memory_space<hbm>>) dst(%dma_wait3A_351 : memref<72xi32, #tpu.memory_space<vmem>>)
    %dma_start3A_353 = arith.constant 1 : i32
    %dma_start3A_354 = arith.constant 0 : i32
    %dma_start3A_355 = arith.constant 1 : i32
    %dma_start3A_356 = arith.constant 1 : i32
    %dma_start3A_357 = arith.constant 0 : i32
    %dma_start3A_358 = arith.constant 0 : i32
    %dma_start3A_359 = tpu.memref_slice %arg7[%dma_start3A_355, %dma_start3A_357, %dma_start3A_358] : memref<8x200x64xf32, #tpu.memory_space<vmem>> -> memref<1x128x64xf32, #tpu.memory_space<vmem>>
    %dma_start3A_360 = tpu.memref_squeeze %dma_start3A_359 : memref<1x128x64xf32, #tpu.memory_space<vmem>> -> memref<128x64xf32, #tpu.memory_space<vmem>>
    %dma_start3A_361 = arith.constant 0 : i32
    %dma_start3A_362 = tpu.memref_slice %arg6[%dma_start3A_353, %dma_start3A_354, %dma_start3A_361] : memref<8x2x128xi32, #tpu.memory_space<vmem>> -> memref<1x1x128xi32, #tpu.memory_space<vmem>>
    %dma_start3A_363 = tpu.memref_squeeze %dma_start3A_362 : memref<1x1x128xi32, #tpu.memory_space<vmem>> -> memref<128xi32, #tpu.memory_space<vmem>>
    %dma_start3A_364 = arith.constant 0 : i32
    %dma_start3A_365 = arith.constant 0 : i32
    %dma_start3A_366 = tpu.memref_slice %arg2[%dma_start3A_364, %dma_start3A_365] : memref<1000000x64xf32, #tpu.memory_space<hbm>> -> memref<1000000x64xf32, #tpu.memory_space<hbm>>
    %dma_start3A_367 = tpu.memref_slice %arg10[%dma_start3A_356] : memref<8x!tpu.dma_semaphore, #tpu.memory_space<semaphore_mem>> -> memref<1x!tpu.dma_semaphore, #tpu.memory_space<semaphore_mem>>
    %dma_start3A_368 = tpu.memref_squeeze %dma_start3A_367 : memref<1x!tpu.dma_semaphore, #tpu.memory_space<semaphore_mem>> -> memref<!tpu.dma_semaphore, #tpu.memory_space<semaphore_mem>>
    tpu.enqueue_indirect_dma source(%dma_start3A_366 : memref<1000000x64xf32, #tpu.memory_space<hbm>>) target(%dma_start3A_360 : memref<128x64xf32, #tpu.memory_space<vmem>>) offsets(%dma_start3A_363 : memref<128xi32, #tpu.memory_space<vmem>>) semaphore(%dma_start3A_368 : memref<!tpu.dma_semaphore, #tpu.memory_space<semaphore_mem>>)
    %dma_start3A_369 = arith.constant 1 : i32
    %dma_start3A_370 = arith.constant 1 : i32
    %dma_start3A_371 = arith.constant 1 : i32
    %dma_start3A_372 = arith.constant 1 : i32
    %dma_start3A_373 = arith.constant 128 : i32
    %dma_start3A_374 = arith.constant 0 : i32
    %dma_start3A_375 = tpu.memref_slice %arg7[%dma_start3A_371, %dma_start3A_373, %dma_start3A_374] : memref<8x200x64xf32, #tpu.memory_space<vmem>> -> memref<1x72x64xf32, #tpu.memory_space<vmem>>
    %dma_start3A_376 = tpu.memref_squeeze %dma_start3A_375 : memref<1x72x64xf32, #tpu.memory_space<vmem>> -> memref<72x64xf32, #tpu.memory_space<vmem>>
    %dma_start3A_377 = arith.constant 0 : i32
    %dma_start3A_378 = tpu.memref_slice %arg6[%dma_start3A_369, %dma_start3A_370, %dma_start3A_377] : memref<8x2x128xi32, #tpu.memory_space<vmem>> -> memref<1x1x72xi32, #tpu.memory_space<vmem>>
    %dma_start3A_379 = tpu.memref_squeeze %dma_start3A_378 : memref<1x1x72xi32, #tpu.memory_space<vmem>> -> memref<72xi32, #tpu.memory_space<vmem>>
    %dma_start3A_380 = arith.constant 0 : i32
    %dma_start3A_381 = arith.constant 0 : i32
    %dma_start3A_382 = tpu.memref_slice %arg2[%dma_start3A_380, %dma_start3A_381] : memref<1000000x64xf32, #tpu.memory_space<hbm>> -> memref<1000000x64xf32, #tpu.memory_space<hbm>>
    %dma_start3A_383 = tpu.memref_slice %arg10[%dma_start3A_372] : memref<8x!tpu.dma_semaphore, #tpu.memory_space<semaphore_mem>> -> memref<1x!tpu.dma_semaphore, #tpu.memory_space<semaphore_mem>>
    %dma_start3A_384 = tpu.memref_squeeze %dma_start3A_383 : memref<1x!tpu.dma_semaphore, #tpu.memory_space<semaphore_mem>> -> memref<!tpu.dma_semaphore, #tpu.memory_space<semaphore_mem>>
    tpu.enqueue_indirect_dma source(%dma_start3A_382 : memref<1000000x64xf32, #tpu.memory_space<hbm>>) target(%dma_start3A_376 : memref<72x64xf32, #tpu.memory_space<vmem>>) offsets(%dma_start3A_379 : memref<72xi32, #tpu.memory_space<vmem>>) semaphore(%dma_start3A_384 : memref<!tpu.dma_semaphore, #tpu.memory_space<semaphore_mem>>)
    %scan3A = arith.constant 0 : i32
    %scan3A_385 = arith.constant 0 : i32
    %scan3A_386 = arith.constant 16 : i32
    %scan3A_387 = arith.addi %scan3A_385, %scan3A_386 : i32
    %scan3A_388 = arith.constant 1 : i32
    scf.for %scan3A_566 = %scan3A_385 to %scan3A_387 step %scan3A_388  : i32 {
      %mul3A_567 = arith.constant 8 : i32
      %mul3A_568 = arith.muli %scan3A_566, %mul3A_567 : i32
      %add3A_569 = arith.constant 0 : i32
      %add3A_570 = arith.addi %mul3A_568, %add3A_569 : i32
      %add3A_571 = arith.constant 2 : i32
      %add3A_572 = arith.addi %add3A_570, %add3A_571 : i32
      %lt3A = arith.constant 128 : i32
      %lt3A_573 = arith.cmpi slt, %add3A_572, %lt3A : i32
      %convert_element_type3A = arith.extui %lt3A_573 : i1 to i32
      %cond3A = arith.constant 0 : i32
      %cond3A_574 = arith.cmpi ne, %convert_element_type3A, %cond3A : i32
      scf.if %cond3A_574 {
        %add3A_1180 = arith.constant 2 : i32
        %add3A_1181 = arith.addi %add3A_570, %add3A_1180 : i32
        %add3A_1182 = arith.addi %mul3A_2, %add3A_1181 : i32
        %mul3A_1183 = arith.constant 200 : i32
        %mul3A_1184 = arith.muli %add3A_1182, %mul3A_1183 : i32
        %add3A_1185 = arith.constant 128 : i32
        %add3A_1186 = arith.addi %mul3A_1184, %add3A_1185 : i32
        %dma_wait3A_1187 = arith.constant 2 : i32
        %dma_wait3A_1188 = arith.constant 0 : i32
        %dma_wait3A_1189 = arith.constant 2 : i32
        %dma_wait3A_1190 = arith.constant 0 : i32
        %dma_wait3A_1191 = tpu.memref_slice %arg6[%dma_wait3A_1187, %dma_wait3A_1188, %dma_wait3A_1190] : memref<8x2x128xi32, #tpu.memory_space<vmem>> -> memref<1x1x128xi32, #tpu.memory_space<vmem>>
        %dma_wait3A_1192 = tpu.memref_squeeze %dma_wait3A_1191 : memref<1x1x128xi32, #tpu.memory_space<vmem>> -> memref<128xi32, #tpu.memory_space<vmem>>
        %dma_wait3A_1193 = tpu.memref_slice %arg3[%mul3A_1184] : memref<819200xi32, #tpu.memory_space<hbm>> -> memref<128xi32, #tpu.memory_space<hbm>>
        %dma_wait3A_1194 = tpu.memref_slice %arg9[%dma_wait3A_1189] : memref<8x!tpu.dma_semaphore, #tpu.memory_space<semaphore_mem>> -> memref<1x!tpu.dma_semaphore, #tpu.memory_space<semaphore_mem>>
        %dma_wait3A_1195 = tpu.memref_squeeze %dma_wait3A_1194 : memref<1x!tpu.dma_semaphore, #tpu.memory_space<semaphore_mem>> -> memref<!tpu.dma_semaphore, #tpu.memory_space<semaphore_mem>>
        %dma_wait3A_1196 = arith.constant 0 : i32
        %dma_wait3A_1197 = tpu.memref_slice %arg6[%dma_wait3A_1187, %dma_wait3A_1188, %dma_wait3A_1196] : memref<8x2x128xi32, #tpu.memory_space<vmem>> -> memref<1x1x128xi32, #tpu.memory_space<vmem>>
        %dma_wait3A_1198 = tpu.memref_squeeze %dma_wait3A_1197 : memref<1x1x128xi32, #tpu.memory_space<vmem>> -> memref<128xi32, #tpu.memory_space<vmem>>
        %dma_wait3A_1199 = tpu.memref_slice %arg3[%mul3A_1184] : memref<819200xi32, #tpu.memory_space<hbm>> -> memref<128xi32, #tpu.memory_space<hbm>>
        tpu.wait_dma2 semaphore(%dma_wait3A_1195 : memref<!tpu.dma_semaphore, #tpu.memory_space<semaphore_mem>>) src(%dma_wait3A_1199 : memref<128xi32, #tpu.memory_space<hbm>>) dst(%dma_wait3A_1198 : memref<128xi32, #tpu.memory_space<vmem>>)
        %dma_wait3A_1200 = arith.constant 2 : i32
        %dma_wait3A_1201 = arith.constant 1 : i32
        %dma_wait3A_1202 = arith.constant 2 : i32
        %dma_wait3A_1203 = arith.constant 0 : i32
        %dma_wait3A_1204 = tpu.memref_slice %arg6[%dma_wait3A_1200, %dma_wait3A_1201, %dma_wait3A_1203] : memref<8x2x128xi32, #tpu.memory_space<vmem>> -> memref<1x1x72xi32, #tpu.memory_space<vmem>>
        %dma_wait3A_1205 = tpu.memref_squeeze %dma_wait3A_1204 : memref<1x1x72xi32, #tpu.memory_space<vmem>> -> memref<72xi32, #tpu.memory_space<vmem>>
        %dma_wait3A_1206 = tpu.memref_slice %arg3[%add3A_1186] : memref<819200xi32, #tpu.memory_space<hbm>> -> memref<72xi32, #tpu.memory_space<hbm>>
        %dma_wait3A_1207 = tpu.memref_slice %arg9[%dma_wait3A_1202] : memref<8x!tpu.dma_semaphore, #tpu.memory_space<semaphore_mem>> -> memref<1x!tpu.dma_semaphore, #tpu.memory_space<semaphore_mem>>
        %dma_wait3A_1208 = tpu.memref_squeeze %dma_wait3A_1207 : memref<1x!tpu.dma_semaphore, #tpu.memory_space<semaphore_mem>> -> memref<!tpu.dma_semaphore, #tpu.memory_space<semaphore_mem>>
        %dma_wait3A_1209 = arith.constant 0 : i32
        %dma_wait3A_1210 = tpu.memref_slice %arg6[%dma_wait3A_1200, %dma_wait3A_1201, %dma_wait3A_1209] : memref<8x2x128xi32, #tpu.memory_space<vmem>> -> memref<1x1x72xi32, #tpu.memory_space<vmem>>
        %dma_wait3A_1211 = tpu.memref_squeeze %dma_wait3A_1210 : memref<1x1x72xi32, #tpu.memory_space<vmem>> -> memref<72xi32, #tpu.memory_space<vmem>>
        %dma_wait3A_1212 = tpu.memref_slice %arg3[%add3A_1186] : memref<819200xi32, #tpu.memory_space<hbm>> -> memref<72xi32, #tpu.memory_space<hbm>>
        tpu.wait_dma2 semaphore(%dma_wait3A_1208 : memref<!tpu.dma_semaphore, #tpu.memory_space<semaphore_mem>>) src(%dma_wait3A_1212 : memref<72xi32, #tpu.memory_space<hbm>>) dst(%dma_wait3A_1211 : memref<72xi32, #tpu.memory_space<vmem>>)
        %add3A_1213 = arith.constant 2 : i32
        %add3A_1214 = arith.addi %add3A_570, %add3A_1213 : i32
        %ge3A = arith.constant 8 : i32
        %ge3A_1215 = arith.cmpi sge, %add3A_1214, %ge3A : i32
        %convert_element_type3A_1216 = arith.extui %ge3A_1215 : i1 to i32
        %cond3A_1217 = arith.constant 0 : i32
        %cond3A_1218 = arith.cmpi ne, %convert_element_type3A_1216, %cond3A_1217 : i32
        scf.if %cond3A_1218 {
          %add3A_1251 = arith.constant 0 : i32
          %add3A_1252 = arith.addi %mul3A_2, %add3A_1251 : i32
          %dma_wait3A_1253 = arith.constant 2 : i32
          %dma_wait3A_1254 = arith.constant 2 : i32
          %dma_wait3A_1255 = arith.constant 0 : i32
          %dma_wait3A_1256 = arith.constant 0 : i32
          %dma_wait3A_1257 = tpu.memref_slice %arg7[%dma_wait3A_1253, %dma_wait3A_1255, %dma_wait3A_1256] : memref<8x200x64xf32, #tpu.memory_space<vmem>> -> memref<1x200x64xf32, #tpu.memory_space<vmem>>
          %dma_wait3A_1258 = tpu.memref_squeeze %dma_wait3A_1257 : memref<1x200x64xf32, #tpu.memory_space<vmem>> -> memref<200x64xf32, #tpu.memory_space<vmem>>
          %dma_wait3A_1259 = arith.constant 0 : i32
          %dma_wait3A_1260 = arith.constant 0 : i32
          %dma_wait3A_1261 = tpu.memref_slice %arg5[%add3A_1252, %dma_wait3A_1259, %dma_wait3A_1260] : memref<4096x200x64xf32, #tpu.memory_space<hbm>> -> memref<1x200x64xf32, #tpu.memory_space<hbm>>
          %dma_wait3A_1262 = tpu.memref_squeeze %dma_wait3A_1261 : memref<1x200x64xf32, #tpu.memory_space<hbm>> -> memref<200x64xf32, #tpu.memory_space<hbm>>
          %dma_wait3A_1263 = tpu.memref_slice %arg11[%dma_wait3A_1254] : memref<8x!tpu.dma_semaphore, #tpu.memory_space<semaphore_mem>> -> memref<1x!tpu.dma_semaphore, #tpu.memory_space<semaphore_mem>>
          %dma_wait3A_1264 = tpu.memref_squeeze %dma_wait3A_1263 : memref<1x!tpu.dma_semaphore, #tpu.memory_space<semaphore_mem>> -> memref<!tpu.dma_semaphore, #tpu.memory_space<semaphore_mem>>
          %dma_wait3A_1265 = arith.constant 0 : i32
          %dma_wait3A_1266 = arith.constant 0 : i32
          %dma_wait3A_1267 = tpu.memref_slice %arg5[%add3A_1252, %dma_wait3A_1265, %dma_wait3A_1266] : memref<4096x200x64xf32, #tpu.memory_space<hbm>> -> memref<1x200x64xf32, #tpu.memory_space<hbm>>
          %dma_wait3A_1268 = tpu.memref_squeeze %dma_wait3A_1267 : memref<1x200x64xf32, #tpu.memory_space<hbm>> -> memref<200x64xf32, #tpu.memory_space<hbm>>
          %dma_wait3A_1269 = arith.constant 0 : i32
          %dma_wait3A_1270 = arith.constant 0 : i32
          %dma_wait3A_1271 = tpu.memref_slice %arg7[%dma_wait3A_1253, %dma_wait3A_1269, %dma_wait3A_1270] : memref<8x200x64xf32, #tpu.memory_space<vmem>> -> memref<1x200x64xf32, #tpu.memory_space<vmem>>
          %dma_wait3A_1272 = tpu.memref_squeeze %dma_wait3A_1271 : memref<1x200x64xf32, #tpu.memory_space<vmem>> -> memref<200x64xf32, #tpu.memory_space<vmem>>
          tpu.wait_dma2 semaphore(%dma_wait3A_1264 : memref<!tpu.dma_semaphore, #tpu.memory_space<semaphore_mem>>) src(%dma_wait3A_1272 : memref<200x64xf32, #tpu.memory_space<vmem>>) dst(%dma_wait3A_1268 : memref<200x64xf32, #tpu.memory_space<hbm>>)
        } else {
        }
        %dma_start3A_1219 = arith.constant 2 : i32
        %dma_start3A_1220 = arith.constant 0 : i32
        %dma_start3A_1221 = arith.constant 2 : i32
        %dma_start3A_1222 = arith.constant 2 : i32
        %dma_start3A_1223 = arith.constant 0 : i32
        %dma_start3A_1224 = arith.constant 0 : i32
        %dma_start3A_1225 = tpu.memref_slice %arg7[%dma_start3A_1221, %dma_start3A_1223, %dma_start3A_1224] : memref<8x200x64xf32, #tpu.memory_space<vmem>> -> memref<1x128x64xf32, #tpu.memory_space<vmem>>
        %dma_start3A_1226 = tpu.memref_squeeze %dma_start3A_1225 : memref<1x128x64xf32, #tpu.memory_space<vmem>> -> memref<128x64xf32, #tpu.memory_space<vmem>>
        %dma_start3A_1227 = arith.constant 0 : i32
        %dma_start3A_1228 = tpu.memref_slice %arg6[%dma_start3A_1219, %dma_start3A_1220, %dma_start3A_1227] : memref<8x2x128xi32, #tpu.memory_space<vmem>> -> memref<1x1x128xi32, #tpu.memory_space<vmem>>
        %dma_start3A_1229 = tpu.memref_squeeze %dma_start3A_1228 : memref<1x1x128xi32, #tpu.memory_space<vmem>> -> memref<128xi32, #tpu.memory_space<vmem>>
        %dma_start3A_1230 = arith.constant 0 : i32
        %dma_start3A_1231 = arith.constant 0 : i32
        %dma_start3A_1232 = tpu.memref_slice %arg2[%dma_start3A_1230, %dma_start3A_1231] : memref<1000000x64xf32, #tpu.memory_space<hbm>> -> memref<1000000x64xf32, #tpu.memory_space<hbm>>
        %dma_start3A_1233 = tpu.memref_slice %arg10[%dma_start3A_1222] : memref<8x!tpu.dma_semaphore, #tpu.memory_space<semaphore_mem>> -> memref<1x!tpu.dma_semaphore, #tpu.memory_space<semaphore_mem>>
        %dma_start3A_1234 = tpu.memref_squeeze %dma_start3A_1233 : memref<1x!tpu.dma_semaphore, #tpu.memory_space<semaphore_mem>> -> memref<!tpu.dma_semaphore, #tpu.memory_space<semaphore_mem>>
        tpu.enqueue_indirect_dma source(%dma_start3A_1232 : memref<1000000x64xf32, #tpu.memory_space<hbm>>) target(%dma_start3A_1226 : memref<128x64xf32, #tpu.memory_space<vmem>>) offsets(%dma_start3A_1229 : memref<128xi32, #tpu.memory_space<vmem>>) semaphore(%dma_start3A_1234 : memref<!tpu.dma_semaphore, #tpu.memory_space<semaphore_mem>>)
        %dma_start3A_1235 = arith.constant 2 : i32
        %dma_start3A_1236 = arith.constant 1 : i32
        %dma_start3A_1237 = arith.constant 2 : i32
        %dma_start3A_1238 = arith.constant 2 : i32
        %dma_start3A_1239 = arith.constant 128 : i32
        %dma_start3A_1240 = arith.constant 0 : i32
        %dma_start3A_1241 = tpu.memref_slice %arg7[%dma_start3A_1237, %dma_start3A_1239, %dma_start3A_1240] : memref<8x200x64xf32, #tpu.memory_space<vmem>> -> memref<1x72x64xf32, #tpu.memory_space<vmem>>
        %dma_start3A_1242 = tpu.memref_squeeze %dma_start3A_1241 : memref<1x72x64xf32, #tpu.memory_space<vmem>> -> memref<72x64xf32, #tpu.memory_space<vmem>>
        %dma_start3A_1243 = arith.constant 0 : i32
        %dma_start3A_1244 = tpu.memref_slice %arg6[%dma_start3A_1235, %dma_start3A_1236, %dma_start3A_1243] : memref<8x2x128xi32, #tpu.memory_space<vmem>> -> memref<1x1x72xi32, #tpu.memory_space<vmem>>
        %dma_start3A_1245 = tpu.memref_squeeze %dma_start3A_1244 : memref<1x1x72xi32, #tpu.memory_space<vmem>> -> memref<72xi32, #tpu.memory_space<vmem>>
        %dma_start3A_1246 = arith.constant 0 : i32
        %dma_start3A_1247 = arith.constant 0 : i32
        %dma_start3A_1248 = tpu.memref_slice %arg2[%dma_start3A_1246, %dma_start3A_1247] : memref<1000000x64xf32, #tpu.memory_space<hbm>> -> memref<1000000x64xf32, #tpu.memory_space<hbm>>
        %dma_start3A_1249 = tpu.memref_slice %arg10[%dma_start3A_1238] : memref<8x!tpu.dma_semaphore, #tpu.memory_space<semaphore_mem>> -> memref<1x!tpu.dma_semaphore, #tpu.memory_space<semaphore_mem>>
        %dma_start3A_1250 = tpu.memref_squeeze %dma_start3A_1249 : memref<1x!tpu.dma_semaphore, #tpu.memory_space<semaphore_mem>> -> memref<!tpu.dma_semaphore, #tpu.memory_space<semaphore_mem>>
        tpu.enqueue_indirect_dma source(%dma_start3A_1248 : memref<1000000x64xf32, #tpu.memory_space<hbm>>) target(%dma_start3A_1242 : memref<72x64xf32, #tpu.memory_space<vmem>>) offsets(%dma_start3A_1245 : memref<72xi32, #tpu.memory_space<vmem>>) semaphore(%dma_start3A_1250 : memref<!tpu.dma_semaphore, #tpu.memory_space<semaphore_mem>>)
      } else {
      }
      %dma_wait3A_575 = arith.constant 0 : i32
      %dma_wait3A_576 = arith.constant 0 : i32
      %dma_wait3A_577 = arith.constant 0 : i32
      %dma_wait3A_578 = arith.constant 0 : i32
      %dma_wait3A_579 = arith.constant 0 : i32
      %dma_wait3A_580 = arith.constant 0 : i32
      %dma_wait3A_581 = tpu.memref_slice %arg7[%dma_wait3A_577, %dma_wait3A_579, %dma_wait3A_580] : memref<8x200x64xf32, #tpu.memory_space<vmem>> -> memref<1x128x64xf32, #tpu.memory_space<vmem>>
      %dma_wait3A_582 = tpu.memref_squeeze %dma_wait3A_581 : memref<1x128x64xf32, #tpu.memory_space<vmem>> -> memref<128x64xf32, #tpu.memory_space<vmem>>
      %dma_wait3A_583 = arith.constant 0 : i32
      %dma_wait3A_584 = tpu.memref_slice %arg6[%dma_wait3A_575, %dma_wait3A_576, %dma_wait3A_583] : memref<8x2x128xi32, #tpu.memory_space<vmem>> -> memref<1x1x128xi32, #tpu.memory_space<vmem>>
      %dma_wait3A_585 = tpu.memref_squeeze %dma_wait3A_584 : memref<1x1x128xi32, #tpu.memory_space<vmem>> -> memref<128xi32, #tpu.memory_space<vmem>>
      %dma_wait3A_586 = arith.constant 0 : i32
      %dma_wait3A_587 = arith.constant 0 : i32
      %dma_wait3A_588 = tpu.memref_slice %arg2[%dma_wait3A_586, %dma_wait3A_587] : memref<1000000x64xf32, #tpu.memory_space<hbm>> -> memref<1000000x64xf32, #tpu.memory_space<hbm>>
      %dma_wait3A_589 = tpu.memref_slice %arg10[%dma_wait3A_578] : memref<8x!tpu.dma_semaphore, #tpu.memory_space<semaphore_mem>> -> memref<1x!tpu.dma_semaphore, #tpu.memory_space<semaphore_mem>>
      %dma_wait3A_590 = tpu.memref_squeeze %dma_wait3A_589 : memref<1x!tpu.dma_semaphore, #tpu.memory_space<semaphore_mem>> -> memref<!tpu.dma_semaphore, #tpu.memory_space<semaphore_mem>>
      tpu.wait_indirect_dma semaphore(%dma_wait3A_590 : memref<!tpu.dma_semaphore, #tpu.memory_space<semaphore_mem>>) src(%dma_wait3A_588 : memref<1000000x64xf32, #tpu.memory_space<hbm>>) dst(%dma_wait3A_582 : memref<128x64xf32, #tpu.memory_space<vmem>>)
      %dma_wait3A_591 = arith.constant 0 : i32
      %dma_wait3A_592 = arith.constant 1 : i32
      %dma_wait3A_593 = arith.constant 0 : i32
      %dma_wait3A_594 = arith.constant 0 : i32
      %dma_wait3A_595 = arith.constant 128 : i32
      %dma_wait3A_596 = arith.constant 0 : i32
      %dma_wait3A_597 = tpu.memref_slice %arg7[%dma_wait3A_593, %dma_wait3A_595, %dma_wait3A_596] : memref<8x200x64xf32, #tpu.memory_space<vmem>> -> memref<1x72x64xf32, #tpu.memory_space<vmem>>
      %dma_wait3A_598 = tpu.memref_squeeze %dma_wait3A_597 : memref<1x72x64xf32, #tpu.memory_space<vmem>> -> memref<72x64xf32, #tpu.memory_space<vmem>>
      %dma_wait3A_599 = arith.constant 0 : i32
      %dma_wait3A_600 = tpu.memref_slice %arg6[%dma_wait3A_591, %dma_wait3A_592, %dma_wait3A_599] : memref<8x2x128xi32, #tpu.memory_space<vmem>> -> memref<1x1x72xi32, #tpu.memory_space<vmem>>
      %dma_wait3A_601 = tpu.memref_squeeze %dma_wait3A_600 : memref<1x1x72xi32, #tpu.memory_space<vmem>> -> memref<72xi32, #tpu.memory_space<vmem>>
      %dma_wait3A_602 = arith.constant 0 : i32
      %dma_wait3A_603 = arith.constant 0 : i32
      %dma_wait3A_604 = tpu.memref_slice %arg2[%dma_wait3A_602, %dma_wait3A_603] : memref<1000000x64xf32, #tpu.memory_space<hbm>> -> memref<1000000x64xf32, #tpu.memory_space<hbm>>
      %dma_wait3A_605 = tpu.memref_slice %arg10[%dma_wait3A_594] : memref<8x!tpu.dma_semaphore, #tpu.memory_space<semaphore_mem>> -> memref<1x!tpu.dma_semaphore, #tpu.memory_space<semaphore_mem>>
      %dma_wait3A_606 = tpu.memref_squeeze %dma_wait3A_605 : memref<1x!tpu.dma_semaphore, #tpu.memory_space<semaphore_mem>> -> memref<!tpu.dma_semaphore, #tpu.memory_space<semaphore_mem>>
      tpu.wait_indirect_dma semaphore(%dma_wait3A_606 : memref<!tpu.dma_semaphore, #tpu.memory_space<semaphore_mem>>) src(%dma_wait3A_604 : memref<1000000x64xf32, #tpu.memory_space<hbm>>) dst(%dma_wait3A_598 : memref<72x64xf32, #tpu.memory_space<vmem>>)
      %add3A_607 = arith.constant 8 : i32
      %add3A_608 = arith.addi %add3A_570, %add3A_607 : i32
      %lt3A_609 = arith.constant 128 : i32
      %lt3A_610 = arith.cmpi slt, %add3A_608, %lt3A_609 : i32
      %convert_element_type3A_611 = arith.extui %lt3A_610 : i1 to i32
      %cond3A_612 = arith.constant 0 : i32
      %cond3A_613 = arith.cmpi ne, %convert_element_type3A_611, %cond3A_612 : i32
      scf.if %cond3A_613 {
        %add3A_1180 = arith.constant 8 : i32
        %add3A_1181 = arith.addi %add3A_570, %add3A_1180 : i32
        %add3A_1182 = arith.addi %mul3A_2, %add3A_1181 : i32
        %mul3A_1183 = arith.constant 200 : i32
        %mul3A_1184 = arith.muli %add3A_1182, %mul3A_1183 : i32
        %add3A_1185 = arith.constant 128 : i32
        %add3A_1186 = arith.addi %mul3A_1184, %add3A_1185 : i32
        %dma_start3A_1187 = arith.constant 0 : i32
        %dma_start3A_1188 = arith.constant 0 : i32
        %dma_start3A_1189 = arith.constant 0 : i32
        %dma_start3A_1190 = arith.constant 0 : i32
        %dma_start3A_1191 = tpu.memref_slice %arg6[%dma_start3A_1187, %dma_start3A_1188, %dma_start3A_1190] : memref<8x2x128xi32, #tpu.memory_space<vmem>> -> memref<1x1x128xi32, #tpu.memory_space<vmem>>
        %dma_start3A_1192 = tpu.memref_squeeze %dma_start3A_1191 : memref<1x1x128xi32, #tpu.memory_space<vmem>> -> memref<128xi32, #tpu.memory_space<vmem>>
        %dma_start3A_1193 = tpu.memref_slice %arg3[%mul3A_1184] : memref<819200xi32, #tpu.memory_space<hbm>> -> memref<128xi32, #tpu.memory_space<hbm>>
        %dma_start3A_1194 = tpu.memref_slice %arg9[%dma_start3A_1189] : memref<8x!tpu.dma_semaphore, #tpu.memory_space<semaphore_mem>> -> memref<1x!tpu.dma_semaphore, #tpu.memory_space<semaphore_mem>>
        %dma_start3A_1195 = tpu.memref_squeeze %dma_start3A_1194 : memref<1x!tpu.dma_semaphore, #tpu.memory_space<semaphore_mem>> -> memref<!tpu.dma_semaphore, #tpu.memory_space<semaphore_mem>>
        %dma_start3A_1196 = arith.constant 0 : i32
        %dma_start3A_1197 = tpu.memref_slice %arg6[%dma_start3A_1187, %dma_start3A_1188, %dma_start3A_1196] : memref<8x2x128xi32, #tpu.memory_space<vmem>> -> memref<1x1x128xi32, #tpu.memory_space<vmem>>
        %dma_start3A_1198 = tpu.memref_squeeze %dma_start3A_1197 : memref<1x1x128xi32, #tpu.memory_space<vmem>> -> memref<128xi32, #tpu.memory_space<vmem>>
        %dma_start3A_1199 = tpu.memref_slice %arg3[%mul3A_1184] : memref<819200xi32, #tpu.memory_space<hbm>> -> memref<128xi32, #tpu.memory_space<hbm>>
        tpu.enqueue_dma source(%dma_start3A_1199 : memref<128xi32, #tpu.memory_space<hbm>>) target(%dma_start3A_1198 : memref<128xi32, #tpu.memory_space<vmem>>) target_semaphore(%dma_start3A_1195 : memref<!tpu.dma_semaphore, #tpu.memory_space<semaphore_mem>>)
        %dma_start3A_1200 = arith.constant 0 : i32
        %dma_start3A_1201 = arith.constant 1 : i32
        %dma_start3A_1202 = arith.constant 0 : i32
        %dma_start3A_1203 = arith.constant 0 : i32
        %dma_start3A_1204 = tpu.memref_slice %arg6[%dma_start3A_1200, %dma_start3A_1201, %dma_start3A_1203] : memref<8x2x128xi32, #tpu.memory_space<vmem>> -> memref<1x1x72xi32, #tpu.memory_space<vmem>>
        %dma_start3A_1205 = tpu.memref_squeeze %dma_start3A_1204 : memref<1x1x72xi32, #tpu.memory_space<vmem>> -> memref<72xi32, #tpu.memory_space<vmem>>
        %dma_start3A_1206 = tpu.memref_slice %arg3[%add3A_1186] : memref<819200xi32, #tpu.memory_space<hbm>> -> memref<72xi32, #tpu.memory_space<hbm>>
        %dma_start3A_1207 = tpu.memref_slice %arg9[%dma_start3A_1202] : memref<8x!tpu.dma_semaphore, #tpu.memory_space<semaphore_mem>> -> memref<1x!tpu.dma_semaphore, #tpu.memory_space<semaphore_mem>>
        %dma_start3A_1208 = tpu.memref_squeeze %dma_start3A_1207 : memref<1x!tpu.dma_semaphore, #tpu.memory_space<semaphore_mem>> -> memref<!tpu.dma_semaphore, #tpu.memory_space<semaphore_mem>>
        %dma_start3A_1209 = arith.constant 0 : i32
        %dma_start3A_1210 = tpu.memref_slice %arg6[%dma_start3A_1200, %dma_start3A_1201, %dma_start3A_1209] : memref<8x2x128xi32, #tpu.memory_space<vmem>> -> memref<1x1x72xi32, #tpu.memory_space<vmem>>
        %dma_start3A_1211 = tpu.memref_squeeze %dma_start3A_1210 : memref<1x1x72xi32, #tpu.memory_space<vmem>> -> memref<72xi32, #tpu.memory_space<vmem>>
        %dma_start3A_1212 = tpu.memref_slice %arg3[%add3A_1186] : memref<819200xi32, #tpu.memory_space<hbm>> -> memref<72xi32, #tpu.memory_space<hbm>>
        tpu.enqueue_dma source(%dma_start3A_1212 : memref<72xi32, #tpu.memory_space<hbm>>) target(%dma_start3A_1211 : memref<72xi32, #tpu.memory_space<vmem>>) target_semaphore(%dma_start3A_1208 : memref<!tpu.dma_semaphore, #tpu.memory_space<semaphore_mem>>)
      } else {
      }
      %scan3A_614 = arith.constant 0 : i32
      %scan3A_615 = arith.constant 0 : i32
      %scan3A_616 = arith.constant 50 : i32
      %scan3A_617 = arith.addi %scan3A_615, %scan3A_616 : i32
      %scan3A_618 = arith.constant 1 : i32
      scf.for %scan3A_1180 = %scan3A_615 to %scan3A_617 step %scan3A_618  : i32 {
        %mul3A_1181 = arith.constant 4 : i32
        %mul3A_1182 = arith.muli %scan3A_1180, %mul3A_1181 : i32
        %add3A_1183 = arith.constant 0 : i32
        %add3A_1184 = arith.addi %mul3A_1182, %add3A_1183 : i32
        %get3A = arith.index_cast %add3A_1184 : i32 to index
        %get3A_1185 = arith.constant 0 : index
        %get3A_1186 = tpu.vector_load %arg8[%get3A, %get3A_1185] {strides = array<i32>} : memref<200x64xf32, #tpu.memory_space<vmem>>, vector<1x16xf32>,
        %get3A_1187 = vector.shape_cast %get3A_1186 : vector<1x16xf32> to vector<16xf32>
        %swap3A = arith.constant 0 : i32
        %swap3A_1188 = arith.index_cast %swap3A : i32 to index
        %swap3A_1189 = arith.index_cast %add3A_1184 : i32 to index
        %swap3A_1190 = arith.constant 0 : index
        %swap3A_1191 = tpu.vector_load %arg7[%swap3A_1188, %swap3A_1189, %swap3A_1190] {strides = array<i32>} : memref<8x200x64xf32, #tpu.memory_space<vmem>>, vector<1x1x16xf32>,
        %swap3A_1192 = vector.shape_cast %swap3A_1191 : vector<1x1x16xf32> to vector<16xf32>
        %swap3A_1193 = vector.shape_cast %get3A_1187 : vector<16xf32> to vector<1x1x16xf32>
        tpu.vector_store %arg7[%swap3A_1188, %swap3A_1189, %swap3A_1190], %swap3A_1193 {add = true, strides = array<i32>} : memref<8x200x64xf32, #tpu.memory_space<vmem>>, vector<1x1x16xf32>,
        %get3A_1194 = arith.index_cast %add3A_1184 : i32 to index
        %get3A_1195 = arith.constant 16 : index
        %get3A_1196 = tpu.vector_load %arg8[%get3A_1194, %get3A_1195] {strides = array<i32>} : memref<200x64xf32, #tpu.memory_space<vmem>>, vector<1x16xf32>,
        %get3A_1197 = vector.shape_cast %get3A_1196 : vector<1x16xf32> to vector<16xf32>
        %swap3A_1198 = arith.constant 0 : i32
        %swap3A_1199 = arith.index_cast %swap3A_1198 : i32 to index
        %swap3A_1200 = arith.index_cast %add3A_1184 : i32 to index
        %swap3A_1201 = arith.constant 16 : index
        %swap3A_1202 = tpu.vector_load %arg7[%swap3A_1199, %swap3A_1200, %swap3A_1201] {strides = array<i32>} : memref<8x200x64xf32, #tpu.memory_space<vmem>>, vector<1x1x16xf32>,
        %swap3A_1203 = vector.shape_cast %swap3A_1202 : vector<1x1x16xf32> to vector<16xf32>
        %swap3A_1204 = vector.shape_cast %get3A_1197 : vector<16xf32> to vector<1x1x16xf32>
        tpu.vector_store %arg7[%swap3A_1199, %swap3A_1200, %swap3A_1201], %swap3A_1204 {add = true, strides = array<i32>} : memref<8x200x64xf32, #tpu.memory_space<vmem>>, vector<1x1x16xf32>,
        %get3A_1205 = arith.index_cast %add3A_1184 : i32 to index
        %get3A_1206 = arith.constant 32 : index
        %get3A_1207 = tpu.vector_load %arg8[%get3A_1205, %get3A_1206] {strides = array<i32>} : memref<200x64xf32, #tpu.memory_space<vmem>>, vector<1x16xf32>,
        %get3A_1208 = vector.shape_cast %get3A_1207 : vector<1x16xf32> to vector<16xf32>
        %swap3A_1209 = arith.constant 0 : i32
        %swap3A_1210 = arith.index_cast %swap3A_1209 : i32 to index
        %swap3A_1211 = arith.index_cast %add3A_1184 : i32 to index
        %swap3A_1212 = arith.constant 32 : index
        %swap3A_1213 = tpu.vector_load %arg7[%swap3A_1210, %swap3A_1211, %swap3A_1212] {strides = array<i32>} : memref<8x200x64xf32, #tpu.memory_space<vmem>>, vector<1x1x16xf32>,
        %swap3A_1214 = vector.shape_cast %swap3A_1213 : vector<1x1x16xf32> to vector<16xf32>
        %swap3A_1215 = vector.shape_cast %get3A_1208 : vector<16xf32> to vector<1x1x16xf32>
        tpu.vector_store %arg7[%swap3A_1210, %swap3A_1211, %swap3A_1212], %swap3A_1215 {add = true, strides = array<i32>} : memref<8x200x64xf32, #tpu.memory_space<vmem>>, vector<1x1x16xf32>,
        %get3A_1216 = arith.index_cast %add3A_1184 : i32 to index
        %get3A_1217 = arith.constant 48 : index
        %get3A_1218 = tpu.vector_load %arg8[%get3A_1216, %get3A_1217] {strides = array<i32>} : memref<200x64xf32, #tpu.memory_space<vmem>>, vector<1x16xf32>,
        %get3A_1219 = vector.shape_cast %get3A_1218 : vector<1x16xf32> to vector<16xf32>
        %swap3A_1220 = arith.constant 0 : i32
        %swap3A_1221 = arith.index_cast %swap3A_1220 : i32 to index
        %swap3A_1222 = arith.index_cast %add3A_1184 : i32 to index
        %swap3A_1223 = arith.constant 48 : index
        %swap3A_1224 = tpu.vector_load %arg7[%swap3A_1221, %swap3A_1222, %swap3A_1223] {strides = array<i32>} : memref<8x200x64xf32, #tpu.memory_space<vmem>>, vector<1x1x16xf32>,
        %swap3A_1225 = vector.shape_cast %swap3A_1224 : vector<1x1x16xf32> to vector<16xf32>
        %swap3A_1226 = vector.shape_cast %get3A_1219 : vector<16xf32> to vector<1x1x16xf32>
        tpu.vector_store %arg7[%swap3A_1221, %swap3A_1222, %swap3A_1223], %swap3A_1226 {add = true, strides = array<i32>} : memref<8x200x64xf32, #tpu.memory_space<vmem>>, vector<1x1x16xf32>,
        %mul3A_1227 = arith.constant 4 : i32
        %mul3A_1228 = arith.muli %scan3A_1180, %mul3A_1227 : i32
        %add3A_1229 = arith.constant 1 : i32
        %add3A_1230 = arith.addi %mul3A_1228, %add3A_1229 : i32
        %get3A_1231 = arith.index_cast %add3A_1230 : i32 to index
        %get3A_1232 = arith.constant 0 : index
        %get3A_1233 = tpu.vector_load %arg8[%get3A_1231, %get3A_1232] {strides = array<i32>} : memref<200x64xf32, #tpu.memory_space<vmem>>, vector<1x16xf32>,
        %get3A_1234 = vector.shape_cast %get3A_1233 : vector<1x16xf32> to vector<16xf32>
        %swap3A_1235 = arith.constant 0 : i32
        %swap3A_1236 = arith.index_cast %swap3A_1235 : i32 to index
        %swap3A_1237 = arith.index_cast %add3A_1230 : i32 to index
        %swap3A_1238 = arith.constant 0 : index
        %swap3A_1239 = tpu.vector_load %arg7[%swap3A_1236, %swap3A_1237, %swap3A_1238] {strides = array<i32>} : memref<8x200x64xf32, #tpu.memory_space<vmem>>, vector<1x1x16xf32>,
        %swap3A_1240 = vector.shape_cast %swap3A_1239 : vector<1x1x16xf32> to vector<16xf32>
        %swap3A_1241 = vector.shape_cast %get3A_1234 : vector<16xf32> to vector<1x1x16xf32>
        tpu.vector_store %arg7[%swap3A_1236, %swap3A_1237, %swap3A_1238], %swap3A_1241 {add = true, strides = array<i32>} : memref<8x200x64xf32, #tpu.memory_space<vmem>>, vector<1x1x16xf32>,
        %get3A_1242 = arith.index_cast %add3A_1230 : i32 to index
        %get3A_1243 = arith.constant 16 : index
        %get3A_1244 = tpu.vector_load %arg8[%get3A_1242, %get3A_1243] {strides = array<i32>} : memref<200x64xf32, #tpu.memory_space<vmem>>, vector<1x16xf32>,
        %get3A_1245 = vector.shape_cast %get3A_1244 : vector<1x16xf32> to vector<16xf32>
        %swap3A_1246 = arith.constant 0 : i32
        %swap3A_1247 = arith.index_cast %swap3A_1246 : i32 to index
        %swap3A_1248 = arith.index_cast %add3A_1230 : i32 to index
        %swap3A_1249 = arith.constant 16 : index
        %swap3A_1250 = tpu.vector_load %arg7[%swap3A_1247, %swap3A_1248, %swap3A_1249] {strides = array<i32>} : memref<8x200x64xf32, #tpu.memory_space<vmem>>, vector<1x1x16xf32>,
        %swap3A_1251 = vector.shape_cast %swap3A_1250 : vector<1x1x16xf32> to vector<16xf32>
        %swap3A_1252 = vector.shape_cast %get3A_1245 : vector<16xf32> to vector<1x1x16xf32>
        tpu.vector_store %arg7[%swap3A_1247, %swap3A_1248, %swap3A_1249], %swap3A_1252 {add = true, strides = array<i32>} : memref<8x200x64xf32, #tpu.memory_space<vmem>>, vector<1x1x16xf32>,
        %get3A_1253 = arith.index_cast %add3A_1230 : i32 to index
        %get3A_1254 = arith.constant 32 : index
        %get3A_1255 = tpu.vector_load %arg8[%get3A_1253, %get3A_1254] {strides = array<i32>} : memref<200x64xf32, #tpu.memory_space<vmem>>, vector<1x16xf32>,
        %get3A_1256 = vector.shape_cast %get3A_1255 : vector<1x16xf32> to vector<16xf32>
        %swap3A_1257 = arith.constant 0 : i32
        %swap3A_1258 = arith.index_cast %swap3A_1257 : i32 to index
        %swap3A_1259 = arith.index_cast %add3A_1230 : i32 to index
        %swap3A_1260 = arith.constant 32 : index
        %swap3A_1261 = tpu.vector_load %arg7[%swap3A_1258, %swap3A_1259, %swap3A_1260] {strides = array<i32>} : memref<8x200x64xf32, #tpu.memory_space<vmem>>, vector<1x1x16xf32>,
        %swap3A_1262 = vector.shape_cast %swap3A_1261 : vector<1x1x16xf32> to vector<16xf32>
        %swap3A_1263 = vector.shape_cast %get3A_1256 : vector<16xf32> to vector<1x1x16xf32>
        tpu.vector_store %arg7[%swap3A_1258, %swap3A_1259, %swap3A_1260], %swap3A_1263 {add = true, strides = array<i32>} : memref<8x200x64xf32, #tpu.memory_space<vmem>>, vector<1x1x16xf32>,
        %get3A_1264 = arith.index_cast %add3A_1230 : i32 to index
        %get3A_1265 = arith.constant 48 : index
        %get3A_1266 = tpu.vector_load %arg8[%get3A_1264, %get3A_1265] {strides = array<i32>} : memref<200x64xf32, #tpu.memory_space<vmem>>, vector<1x16xf32>,
        %get3A_1267 = vector.shape_cast %get3A_1266 : vector<1x16xf32> to vector<16xf32>
        %swap3A_1268 = arith.constant 0 : i32
        %swap3A_1269 = arith.index_cast %swap3A_1268 : i32 to index
        %swap3A_1270 = arith.index_cast %add3A_1230 : i32 to index
        %swap3A_1271 = arith.constant 48 : index
        %swap3A_1272 = tpu.vector_load %arg7[%swap3A_1269, %swap3A_1270, %swap3A_1271] {strides = array<i32>} : memref<8x200x64xf32, #tpu.memory_space<vmem>>, vector<1x1x16xf32>,
        %swap3A_1273 = vector.shape_cast %swap3A_1272 : vector<1x1x16xf32> to vector<16xf32>
        %swap3A_1274 = vector.shape_cast %get3A_1267 : vector<16xf32> to vector<1x1x16xf32>
        tpu.vector_store %arg7[%swap3A_1269, %swap3A_1270, %swap3A_1271], %swap3A_1274 {add = true, strides = array<i32>} : memref<8x200x64xf32, #tpu.memory_space<vmem>>, vector<1x1x16xf32>,
        %mul3A_1275 = arith.constant 4 : i32
        %mul3A_1276 = arith.muli %scan3A_1180, %mul3A_1275 : i32
        %add3A_1277 = arith.constant 2 : i32
        %add3A_1278 = arith.addi %mul3A_1276, %add3A_1277 : i32
        %get3A_1279 = arith.index_cast %add3A_1278 : i32 to index
        %get3A_1280 = arith.constant 0 : index
        %get3A_1281 = tpu.vector_load %arg8[%get3A_1279, %get3A_1280] {strides = array<i32>} : memref<200x64xf32, #tpu.memory_space<vmem>>, vector<1x16xf32>,
        %get3A_1282 = vector.shape_cast %get3A_1281 : vector<1x16xf32> to vector<16xf32>
        %swap3A_1283 = arith.constant 0 : i32
        %swap3A_1284 = arith.index_cast %swap3A_1283 : i32 to index
        %swap3A_1285 = arith.index_cast %add3A_1278 : i32 to index
        %swap3A_1286 = arith.constant 0 : index
        %swap3A_1287 = tpu.vector_load %arg7[%swap3A_1284, %swap3A_1285, %swap3A_1286] {strides = array<i32>} : memref<8x200x64xf32, #tpu.memory_space<vmem>>, vector<1x1x16xf32>,
        %swap3A_1288 = vector.shape_cast %swap3A_1287 : vector<1x1x16xf32> to vector<16xf32>
        %swap3A_1289 = vector.shape_cast %get3A_1282 : vector<16xf32> to vector<1x1x16xf32>
        tpu.vector_store %arg7[%swap3A_1284, %swap3A_1285, %swap3A_1286], %swap3A_1289 {add = true, strides = array<i32>} : memref<8x200x64xf32, #tpu.memory_space<vmem>>, vector<1x1x16xf32>,
        %get3A_1290 = arith.index_cast %add3A_1278 : i32 to index
        %get3A_1291 = arith.constant 16 : index
        %get3A_1292 = tpu.vector_load %arg8[%get3A_1290, %get3A_1291] {strides = array<i32>} : memref<200x64xf32, #tpu.memory_space<vmem>>, vector<1x16xf32>,
        %get3A_1293 = vector.shape_cast %get3A_1292 : vector<1x16xf32> to vector<16xf32>
        %swap3A_1294 = arith.constant 0 : i32
        %swap3A_1295 = arith.index_cast %swap3A_1294 : i32 to index
        %swap3A_1296 = arith.index_cast %add3A_1278 : i32 to index
        %swap3A_1297 = arith.constant 16 : index
        %swap3A_1298 = tpu.vector_load %arg7[%swap3A_1295, %swap3A_1296, %swap3A_1297] {strides = array<i32>} : memref<8x200x64xf32, #tpu.memory_space<vmem>>, vector<1x1x16xf32>,
        %swap3A_1299 = vector.shape_cast %swap3A_1298 : vector<1x1x16xf32> to vector<16xf32>
        %swap3A_1300 = vector.shape_cast %get3A_1293 : vector<16xf32> to vector<1x1x16xf32>
        tpu.vector_store %arg7[%swap3A_1295, %swap3A_1296, %swap3A_1297], %swap3A_1300 {add = true, strides = array<i32>} : memref<8x200x64xf32, #tpu.memory_space<vmem>>, vector<1x1x16xf32>,
        %get3A_1301 = arith.index_cast %add3A_1278 : i32 to index
        %get3A_1302 = arith.constant 32 : index
        %get3A_1303 = tpu.vector_load %arg8[%get3A_1301, %get3A_1302] {strides = array<i32>} : memref<200x64xf32, #tpu.memory_space<vmem>>, vector<1x16xf32>,
        %get3A_1304 = vector.shape_cast %get3A_1303 : vector<1x16xf32> to vector<16xf32>
        %swap3A_1305 = arith.constant 0 : i32
        %swap3A_1306 = arith.index_cast %swap3A_1305 : i32 to index
        %swap3A_1307 = arith.index_cast %add3A_1278 : i32 to index
        %swap3A_1308 = arith.constant 32 : index
        %swap3A_1309 = tpu.vector_load %arg7[%swap3A_1306, %swap3A_1307, %swap3A_1308] {strides = array<i32>} : memref<8x200x64xf32, #tpu.memory_space<vmem>>, vector<1x1x16xf32>,
        %swap3A_1310 = vector.shape_cast %swap3A_1309 : vector<1x1x16xf32> to vector<16xf32>
        %swap3A_1311 = vector.shape_cast %get3A_1304 : vector<16xf32> to vector<1x1x16xf32>
        tpu.vector_store %arg7[%swap3A_1306, %swap3A_1307, %swap3A_1308], %swap3A_1311 {add = true, strides = array<i32>} : memref<8x200x64xf32, #tpu.memory_space<vmem>>, vector<1x1x16xf32>,
        %get3A_1312 = arith.index_cast %add3A_1278 : i32 to index
        %get3A_1313 = arith.constant 48 : index
        %get3A_1314 = tpu.vector_load %arg8[%get3A_1312, %get3A_1313] {strides = array<i32>} : memref<200x64xf32, #tpu.memory_space<vmem>>, vector<1x16xf32>,
        %get3A_1315 = vector.shape_cast %get3A_1314 : vector<1x16xf32> to vector<16xf32>
        %swap3A_1316 = arith.constant 0 : i32
        %swap3A_1317 = arith.index_cast %swap3A_1316 : i32 to index
        %swap3A_1318 = arith.index_cast %add3A_1278 : i32 to index
        %swap3A_1319 = arith.constant 48 : index
        %swap3A_1320 = tpu.vector_load %arg7[%swap3A_1317, %swap3A_1318, %swap3A_1319] {strides = array<i32>} : memref<8x200x64xf32, #tpu.memory_space<vmem>>, vector<1x1x16xf32>,
        %swap3A_1321 = vector.shape_cast %swap3A_1320 : vector<1x1x16xf32> to vector<16xf32>
        %swap3A_1322 = vector.shape_cast %get3A_1315 : vector<16xf32> to vector<1x1x16xf32>
        tpu.vector_store %arg7[%swap3A_1317, %swap3A_1318, %swap3A_1319], %swap3A_1322 {add = true, strides = array<i32>} : memref<8x200x64xf32, #tpu.memory_space<vmem>>, vector<1x1x16xf32>,
        %mul3A_1323 = arith.constant 4 : i32
        %mul3A_1324 = arith.muli %scan3A_1180, %mul3A_1323 : i32
        %add3A_1325 = arith.constant 3 : i32
        %add3A_1326 = arith.addi %mul3A_1324, %add3A_1325 : i32
        %get3A_1327 = arith.index_cast %add3A_1326 : i32 to index
        %get3A_1328 = arith.constant 0 : index
        %get3A_1329 = tpu.vector_load %arg8[%get3A_1327, %get3A_1328] {strides = array<i32>} : memref<200x64xf32, #tpu.memory_space<vmem>>, vector<1x16xf32>,
        %get3A_1330 = vector.shape_cast %get3A_1329 : vector<1x16xf32> to vector<16xf32>
        %swap3A_1331 = arith.constant 0 : i32
        %swap3A_1332 = arith.index_cast %swap3A_1331 : i32 to index
        %swap3A_1333 = arith.index_cast %add3A_1326 : i32 to index
        %swap3A_1334 = arith.constant 0 : index
        %swap3A_1335 = tpu.vector_load %arg7[%swap3A_1332, %swap3A_1333, %swap3A_1334] {strides = array<i32>} : memref<8x200x64xf32, #tpu.memory_space<vmem>>, vector<1x1x16xf32>,
        %swap3A_1336 = vector.shape_cast %swap3A_1335 : vector<1x1x16xf32> to vector<16xf32>
        %swap3A_1337 = vector.shape_cast %get3A_1330 : vector<16xf32> to vector<1x1x16xf32>
        tpu.vector_store %arg7[%swap3A_1332, %swap3A_1333, %swap3A_1334], %swap3A_1337 {add = true, strides = array<i32>} : memref<8x200x64xf32, #tpu.memory_space<vmem>>, vector<1x1x16xf32>,
        %get3A_1338 = arith.index_cast %add3A_1326 : i32 to index
        %get3A_1339 = arith.constant 16 : index
        %get3A_1340 = tpu.vector_load %arg8[%get3A_1338, %get3A_1339] {strides = array<i32>} : memref<200x64xf32, #tpu.memory_space<vmem>>, vector<1x16xf32>,
        %get3A_1341 = vector.shape_cast %get3A_1340 : vector<1x16xf32> to vector<16xf32>
        %swap3A_1342 = arith.constant 0 : i32
        %swap3A_1343 = arith.index_cast %swap3A_1342 : i32 to index
        %swap3A_1344 = arith.index_cast %add3A_1326 : i32 to index
        %swap3A_1345 = arith.constant 16 : index
        %swap3A_1346 = tpu.vector_load %arg7[%swap3A_1343, %swap3A_1344, %swap3A_1345] {strides = array<i32>} : memref<8x200x64xf32, #tpu.memory_space<vmem>>, vector<1x1x16xf32>,
        %swap3A_1347 = vector.shape_cast %swap3A_1346 : vector<1x1x16xf32> to vector<16xf32>
        %swap3A_1348 = vector.shape_cast %get3A_1341 : vector<16xf32> to vector<1x1x16xf32>
        tpu.vector_store %arg7[%swap3A_1343, %swap3A_1344, %swap3A_1345], %swap3A_1348 {add = true, strides = array<i32>} : memref<8x200x64xf32, #tpu.memory_space<vmem>>, vector<1x1x16xf32>,
        %get3A_1349 = arith.index_cast %add3A_1326 : i32 to index
        %get3A_1350 = arith.constant 32 : index
        %get3A_1351 = tpu.vector_load %arg8[%get3A_1349, %get3A_1350] {strides = array<i32>} : memref<200x64xf32, #tpu.memory_space<vmem>>, vector<1x16xf32>,
        %get3A_1352 = vector.shape_cast %get3A_1351 : vector<1x16xf32> to vector<16xf32>
        %swap3A_1353 = arith.constant 0 : i32
        %swap3A_1354 = arith.index_cast %swap3A_1353 : i32 to index
        %swap3A_1355 = arith.index_cast %add3A_1326 : i32 to index
        %swap3A_1356 = arith.constant 32 : index
        %swap3A_1357 = tpu.vector_load %arg7[%swap3A_1354, %swap3A_1355, %swap3A_1356] {strides = array<i32>} : memref<8x200x64xf32, #tpu.memory_space<vmem>>, vector<1x1x16xf32>,
        %swap3A_1358 = vector.shape_cast %swap3A_1357 : vector<1x1x16xf32> to vector<16xf32>
        %swap3A_1359 = vector.shape_cast %get3A_1352 : vector<16xf32> to vector<1x1x16xf32>
        tpu.vector_store %arg7[%swap3A_1354, %swap3A_1355, %swap3A_1356], %swap3A_1359 {add = true, strides = array<i32>} : memref<8x200x64xf32, #tpu.memory_space<vmem>>, vector<1x1x16xf32>,
        %get3A_1360 = arith.index_cast %add3A_1326 : i32 to index
        %get3A_1361 = arith.constant 48 : index
        %get3A_1362 = tpu.vector_load %arg8[%get3A_1360, %get3A_1361] {strides = array<i32>} : memref<200x64xf32, #tpu.memory_space<vmem>>, vector<1x16xf32>,
        %get3A_1363 = vector.shape_cast %get3A_1362 : vector<1x16xf32> to vector<16xf32>
        %swap3A_1364 = arith.constant 0 : i32
        %swap3A_1365 = arith.index_cast %swap3A_1364 : i32 to index
        %swap3A_1366 = arith.index_cast %add3A_1326 : i32 to index
        %swap3A_1367 = arith.constant 48 : index
        %swap3A_1368 = tpu.vector_load %arg7[%swap3A_1365, %swap3A_1366, %swap3A_1367] {strides = array<i32>} : memref<8x200x64xf32, #tpu.memory_space<vmem>>, vector<1x1x16xf32>,
        %swap3A_1369 = vector.shape_cast %swap3A_1368 : vector<1x1x16xf32> to vector<16xf32>
        %swap3A_1370 = vector.shape_cast %get3A_1363 : vector<16xf32> to vector<1x1x16xf32>
        tpu.vector_store %arg7[%swap3A_1365, %swap3A_1366, %swap3A_1367], %swap3A_1370 {add = true, strides = array<i32>} : memref<8x200x64xf32, #tpu.memory_space<vmem>>, vector<1x1x16xf32>,
      }
      %scan3A_619 = arith.constant 50 : i32
      %add3A_620 = arith.addi %mul3A_2, %add3A_570 : i32
      %dma_start3A_621 = arith.constant 0 : i32
      %dma_start3A_622 = arith.constant 0 : i32
      %dma_start3A_623 = arith.constant 0 : i32
      %dma_start3A_624 = arith.constant 0 : i32
      %dma_start3A_625 = tpu.memref_slice %arg7[%dma_start3A_621, %dma_start3A_623, %dma_start3A_624] : memref<8x200x64xf32, #tpu.memory_space<vmem>> -> memref<1x200x64xf32, #tpu.memory_space<vmem>>
      %dma_start3A_626 = tpu.memref_squeeze %dma_start3A_625 : memref<1x200x64xf32, #tpu.memory_space<vmem>> -> memref<200x64xf32, #tpu.memory_space<vmem>>
      %dma_start3A_627 = arith.constant 0 : i32
      %dma_start3A_628 = arith.constant 0 : i32
      %dma_start3A_629 = tpu.memref_slice %arg5[%add3A_620, %dma_start3A_627, %dma_start3A_628] : memref<4096x200x64xf32, #tpu.memory_space<hbm>> -> memref<1x200x64xf32, #tpu.memory_space<hbm>>
      %dma_start3A_630 = tpu.memref_squeeze %dma_start3A_629 : memref<1x200x64xf32, #tpu.memory_space<hbm>> -> memref<200x64xf32, #tpu.memory_space<hbm>>
      %dma_start3A_631 = tpu.memref_slice %arg11[%dma_start3A_622] : memref<8x!tpu.dma_semaphore, #tpu.memory_space<semaphore_mem>> -> memref<1x!tpu.dma_semaphore, #tpu.memory_space<semaphore_mem>>
      %dma_start3A_632 = tpu.memref_squeeze %dma_start3A_631 : memref<1x!tpu.dma_semaphore, #tpu.memory_space<semaphore_mem>> -> memref<!tpu.dma_semaphore, #tpu.memory_space<semaphore_mem>>
      %dma_start3A_633 = arith.constant 0 : i32
      %dma_start3A_634 = arith.constant 0 : i32
      %dma_start3A_635 = tpu.memref_slice %arg5[%add3A_620, %dma_start3A_633, %dma_start3A_634] : memref<4096x200x64xf32, #tpu.memory_space<hbm>> -> memref<1x200x64xf32, #tpu.memory_space<hbm>>
      %dma_start3A_636 = tpu.memref_squeeze %dma_start3A_635 : memref<1x200x64xf32, #tpu.memory_space<hbm>> -> memref<200x64xf32, #tpu.memory_space<hbm>>
      %dma_start3A_637 = arith.constant 0 : i32
      %dma_start3A_638 = arith.constant 0 : i32
      %dma_start3A_639 = tpu.memref_slice %arg7[%dma_start3A_621, %dma_start3A_637, %dma_start3A_638] : memref<8x200x64xf32, #tpu.memory_space<vmem>> -> memref<1x200x64xf32, #tpu.memory_space<vmem>>
      %dma_start3A_640 = tpu.memref_squeeze %dma_start3A_639 : memref<1x200x64xf32, #tpu.memory_space<vmem>> -> memref<200x64xf32, #tpu.memory_space<vmem>>
      tpu.enqueue_dma source(%dma_start3A_640 : memref<200x64xf32, #tpu.memory_space<vmem>>) target(%dma_start3A_636 : memref<200x64xf32, #tpu.memory_space<hbm>>) target_semaphore(%dma_start3A_632 : memref<!tpu.dma_semaphore, #tpu.memory_space<semaphore_mem>>)
      %mul3A_641 = arith.constant 8 : i32
      %mul3A_642 = arith.muli %scan3A_566, %mul3A_641 : i32
      %add3A_643 = arith.constant 1 : i32
      %add3A_644 = arith.addi %mul3A_642, %add3A_643 : i32
      %add3A_645 = arith.constant 2 : i32
      %add3A_646 = arith.addi %add3A_644, %add3A_645 : i32
      %lt3A_647 = arith.constant 128 : i32
      %lt3A_648 = arith.cmpi slt, %add3A_646, %lt3A_647 : i32
      %convert_element_type3A_649 = arith.extui %lt3A_648 : i1 to i32
      %cond3A_650 = arith.constant 0 : i32
      %cond3A_651 = arith.cmpi ne, %convert_element_type3A_649, %cond3A_650 : i32
      scf.if %cond3A_651 {
        %add3A_1180 = arith.constant 2 : i32
        %add3A_1181 = arith.addi %add3A_644, %add3A_1180 : i32
        %add3A_1182 = arith.addi %mul3A_2, %add3A_1181 : i32
        %mul3A_1183 = arith.constant 200 : i32
        %mul3A_1184 = arith.muli %add3A_1182, %mul3A_1183 : i32
        %add3A_1185 = arith.constant 128 : i32
        %add3A_1186 = arith.addi %mul3A_1184, %add3A_1185 : i32
        %dma_wait3A_1187 = arith.constant 3 : i32
        %dma_wait3A_1188 = arith.constant 0 : i32
        %dma_wait3A_1189 = arith.constant 3 : i32
        %dma_wait3A_1190 = arith.constant 0 : i32
        %dma_wait3A_1191 = tpu.memref_slice %arg6[%dma_wait3A_1187, %dma_wait3A_1188, %dma_wait3A_1190] : memref<8x2x128xi32, #tpu.memory_space<vmem>> -> memref<1x1x128xi32, #tpu.memory_space<vmem>>
        %dma_wait3A_1192 = tpu.memref_squeeze %dma_wait3A_1191 : memref<1x1x128xi32, #tpu.memory_space<vmem>> -> memref<128xi32, #tpu.memory_space<vmem>>
        %dma_wait3A_1193 = tpu.memref_slice %arg3[%mul3A_1184] : memref<819200xi32, #tpu.memory_space<hbm>> -> memref<128xi32, #tpu.memory_space<hbm>>
        %dma_wait3A_1194 = tpu.memref_slice %arg9[%dma_wait3A_1189] : memref<8x!tpu.dma_semaphore, #tpu.memory_space<semaphore_mem>> -> memref<1x!tpu.dma_semaphore, #tpu.memory_space<semaphore_mem>>
        %dma_wait3A_1195 = tpu.memref_squeeze %dma_wait3A_1194 : memref<1x!tpu.dma_semaphore, #tpu.memory_space<semaphore_mem>> -> memref<!tpu.dma_semaphore, #tpu.memory_space<semaphore_mem>>
        %dma_wait3A_1196 = arith.constant 0 : i32
        %dma_wait3A_1197 = tpu.memref_slice %arg6[%dma_wait3A_1187, %dma_wait3A_1188, %dma_wait3A_1196] : memref<8x2x128xi32, #tpu.memory_space<vmem>> -> memref<1x1x128xi32, #tpu.memory_space<vmem>>
        %dma_wait3A_1198 = tpu.memref_squeeze %dma_wait3A_1197 : memref<1x1x128xi32, #tpu.memory_space<vmem>> -> memref<128xi32, #tpu.memory_space<vmem>>
        %dma_wait3A_1199 = tpu.memref_slice %arg3[%mul3A_1184] : memref<819200xi32, #tpu.memory_space<hbm>> -> memref<128xi32, #tpu.memory_space<hbm>>
        tpu.wait_dma2 semaphore(%dma_wait3A_1195 : memref<!tpu.dma_semaphore, #tpu.memory_space<semaphore_mem>>) src(%dma_wait3A_1199 : memref<128xi32, #tpu.memory_space<hbm>>) dst(%dma_wait3A_1198 : memref<128xi32, #tpu.memory_space<vmem>>)
        %dma_wait3A_1200 = arith.constant 3 : i32
        %dma_wait3A_1201 = arith.constant 1 : i32
        %dma_wait3A_1202 = arith.constant 3 : i32
        %dma_wait3A_1203 = arith.constant 0 : i32
        %dma_wait3A_1204 = tpu.memref_slice %arg6[%dma_wait3A_1200, %dma_wait3A_1201, %dma_wait3A_1203] : memref<8x2x128xi32, #tpu.memory_space<vmem>> -> memref<1x1x72xi32, #tpu.memory_space<vmem>>
        %dma_wait3A_1205 = tpu.memref_squeeze %dma_wait3A_1204 : memref<1x1x72xi32, #tpu.memory_space<vmem>> -> memref<72xi32, #tpu.memory_space<vmem>>
        %dma_wait3A_1206 = tpu.memref_slice %arg3[%add3A_1186] : memref<819200xi32, #tpu.memory_space<hbm>> -> memref<72xi32, #tpu.memory_space<hbm>>
        %dma_wait3A_1207 = tpu.memref_slice %arg9[%dma_wait3A_1202] : memref<8x!tpu.dma_semaphore, #tpu.memory_space<semaphore_mem>> -> memref<1x!tpu.dma_semaphore, #tpu.memory_space<semaphore_mem>>
        %dma_wait3A_1208 = tpu.memref_squeeze %dma_wait3A_1207 : memref<1x!tpu.dma_semaphore, #tpu.memory_space<semaphore_mem>> -> memref<!tpu.dma_semaphore, #tpu.memory_space<semaphore_mem>>
        %dma_wait3A_1209 = arith.constant 0 : i32
        %dma_wait3A_1210 = tpu.memref_slice %arg6[%dma_wait3A_1200, %dma_wait3A_1201, %dma_wait3A_1209] : memref<8x2x128xi32, #tpu.memory_space<vmem>> -> memref<1x1x72xi32, #tpu.memory_space<vmem>>
        %dma_wait3A_1211 = tpu.memref_squeeze %dma_wait3A_1210 : memref<1x1x72xi32, #tpu.memory_space<vmem>> -> memref<72xi32, #tpu.memory_space<vmem>>
        %dma_wait3A_1212 = tpu.memref_slice %arg3[%add3A_1186] : memref<819200xi32, #tpu.memory_space<hbm>> -> memref<72xi32, #tpu.memory_space<hbm>>
        tpu.wait_dma2 semaphore(%dma_wait3A_1208 : memref<!tpu.dma_semaphore, #tpu.memory_space<semaphore_mem>>) src(%dma_wait3A_1212 : memref<72xi32, #tpu.memory_space<hbm>>) dst(%dma_wait3A_1211 : memref<72xi32, #tpu.memory_space<vmem>>)
        %add3A_1213 = arith.constant 2 : i32
        %add3A_1214 = arith.addi %add3A_644, %add3A_1213 : i32
        %ge3A = arith.constant 8 : i32
        %ge3A_1215 = arith.cmpi sge, %add3A_1214, %ge3A : i32
        %convert_element_type3A_1216 = arith.extui %ge3A_1215 : i1 to i32
        %cond3A_1217 = arith.constant 0 : i32
        %cond3A_1218 = arith.cmpi ne, %convert_element_type3A_1216, %cond3A_1217 : i32
        scf.if %cond3A_1218 {
          %add3A_1251 = arith.constant 0 : i32
          %add3A_1252 = arith.addi %mul3A_2, %add3A_1251 : i32
          %dma_wait3A_1253 = arith.constant 3 : i32
          %dma_wait3A_1254 = arith.constant 3 : i32
          %dma_wait3A_1255 = arith.constant 0 : i32
          %dma_wait3A_1256 = arith.constant 0 : i32
          %dma_wait3A_1257 = tpu.memref_slice %arg7[%dma_wait3A_1253, %dma_wait3A_1255, %dma_wait3A_1256] : memref<8x200x64xf32, #tpu.memory_space<vmem>> -> memref<1x200x64xf32, #tpu.memory_space<vmem>>
          %dma_wait3A_1258 = tpu.memref_squeeze %dma_wait3A_1257 : memref<1x200x64xf32, #tpu.memory_space<vmem>> -> memref<200x64xf32, #tpu.memory_space<vmem>>
          %dma_wait3A_1259 = arith.constant 0 : i32
          %dma_wait3A_1260 = arith.constant 0 : i32
          %dma_wait3A_1261 = tpu.memref_slice %arg5[%add3A_1252, %dma_wait3A_1259, %dma_wait3A_1260] : memref<4096x200x64xf32, #tpu.memory_space<hbm>> -> memref<1x200x64xf32, #tpu.memory_space<hbm>>
          %dma_wait3A_1262 = tpu.memref_squeeze %dma_wait3A_1261 : memref<1x200x64xf32, #tpu.memory_space<hbm>> -> memref<200x64xf32, #tpu.memory_space<hbm>>
          %dma_wait3A_1263 = tpu.memref_slice %arg11[%dma_wait3A_1254] : memref<8x!tpu.dma_semaphore, #tpu.memory_space<semaphore_mem>> -> memref<1x!tpu.dma_semaphore, #tpu.memory_space<semaphore_mem>>
          %dma_wait3A_1264 = tpu.memref_squeeze %dma_wait3A_1263 : memref<1x!tpu.dma_semaphore, #tpu.memory_space<semaphore_mem>> -> memref<!tpu.dma_semaphore, #tpu.memory_space<semaphore_mem>>
          %dma_wait3A_1265 = arith.constant 0 : i32
          %dma_wait3A_1266 = arith.constant 0 : i32
          %dma_wait3A_1267 = tpu.memref_slice %arg5[%add3A_1252, %dma_wait3A_1265, %dma_wait3A_1266] : memref<4096x200x64xf32, #tpu.memory_space<hbm>> -> memref<1x200x64xf32, #tpu.memory_space<hbm>>
          %dma_wait3A_1268 = tpu.memref_squeeze %dma_wait3A_1267 : memref<1x200x64xf32, #tpu.memory_space<hbm>> -> memref<200x64xf32, #tpu.memory_space<hbm>>
          %dma_wait3A_1269 = arith.constant 0 : i32
          %dma_wait3A_1270 = arith.constant 0 : i32
          %dma_wait3A_1271 = tpu.memref_slice %arg7[%dma_wait3A_1253, %dma_wait3A_1269, %dma_wait3A_1270] : memref<8x200x64xf32, #tpu.memory_space<vmem>> -> memref<1x200x64xf32, #tpu.memory_space<vmem>>
          %dma_wait3A_1272 = tpu.memref_squeeze %dma_wait3A_1271 : memref<1x200x64xf32, #tpu.memory_space<vmem>> -> memref<200x64xf32, #tpu.memory_space<vmem>>
          tpu.wait_dma2 semaphore(%dma_wait3A_1264 : memref<!tpu.dma_semaphore, #tpu.memory_space<semaphore_mem>>) src(%dma_wait3A_1272 : memref<200x64xf32, #tpu.memory_space<vmem>>) dst(%dma_wait3A_1268 : memref<200x64xf32, #tpu.memory_space<hbm>>)
        } else {
        }
        %dma_start3A_1219 = arith.constant 3 : i32
        %dma_start3A_1220 = arith.constant 0 : i32
        %dma_start3A_1221 = arith.constant 3 : i32
        %dma_start3A_1222 = arith.constant 3 : i32
        %dma_start3A_1223 = arith.constant 0 : i32
        %dma_start3A_1224 = arith.constant 0 : i32
        %dma_start3A_1225 = tpu.memref_slice %arg7[%dma_start3A_1221, %dma_start3A_1223, %dma_start3A_1224] : memref<8x200x64xf32, #tpu.memory_space<vmem>> -> memref<1x128x64xf32, #tpu.memory_space<vmem>>
        %dma_start3A_1226 = tpu.memref_squeeze %dma_start3A_1225 : memref<1x128x64xf32, #tpu.memory_space<vmem>> -> memref<128x64xf32, #tpu.memory_space<vmem>>
        %dma_start3A_1227 = arith.constant 0 : i32
        %dma_start3A_1228 = tpu.memref_slice %arg6[%dma_start3A_1219, %dma_start3A_1220, %dma_start3A_1227] : memref<8x2x128xi32, #tpu.memory_space<vmem>> -> memref<1x1x128xi32, #tpu.memory_space<vmem>>
        %dma_start3A_1229 = tpu.memref_squeeze %dma_start3A_1228 : memref<1x1x128xi32, #tpu.memory_space<vmem>> -> memref<128xi32, #tpu.memory_space<vmem>>
        %dma_start3A_1230 = arith.constant 0 : i32
        %dma_start3A_1231 = arith.constant 0 : i32
        %dma_start3A_1232 = tpu.memref_slice %arg2[%dma_start3A_1230, %dma_start3A_1231] : memref<1000000x64xf32, #tpu.memory_space<hbm>> -> memref<1000000x64xf32, #tpu.memory_space<hbm>>
        %dma_start3A_1233 = tpu.memref_slice %arg10[%dma_start3A_1222] : memref<8x!tpu.dma_semaphore, #tpu.memory_space<semaphore_mem>> -> memref<1x!tpu.dma_semaphore, #tpu.memory_space<semaphore_mem>>
        %dma_start3A_1234 = tpu.memref_squeeze %dma_start3A_1233 : memref<1x!tpu.dma_semaphore, #tpu.memory_space<semaphore_mem>> -> memref<!tpu.dma_semaphore, #tpu.memory_space<semaphore_mem>>
        tpu.enqueue_indirect_dma source(%dma_start3A_1232 : memref<1000000x64xf32, #tpu.memory_space<hbm>>) target(%dma_start3A_1226 : memref<128x64xf32, #tpu.memory_space<vmem>>) offsets(%dma_start3A_1229 : memref<128xi32, #tpu.memory_space<vmem>>) semaphore(%dma_start3A_1234 : memref<!tpu.dma_semaphore, #tpu.memory_space<semaphore_mem>>)
        %dma_start3A_1235 = arith.constant 3 : i32
        %dma_start3A_1236 = arith.constant 1 : i32
        %dma_start3A_1237 = arith.constant 3 : i32
        %dma_start3A_1238 = arith.constant 3 : i32
        %dma_start3A_1239 = arith.constant 128 : i32
        %dma_start3A_1240 = arith.constant 0 : i32
        %dma_start3A_1241 = tpu.memref_slice %arg7[%dma_start3A_1237, %dma_start3A_1239, %dma_start3A_1240] : memref<8x200x64xf32, #tpu.memory_space<vmem>> -> memref<1x72x64xf32, #tpu.memory_space<vmem>>
        %dma_start3A_1242 = tpu.memref_squeeze %dma_start3A_1241 : memref<1x72x64xf32, #tpu.memory_space<vmem>> -> memref<72x64xf32, #tpu.memory_space<vmem>>
        %dma_start3A_1243 = arith.constant 0 : i32
        %dma_start3A_1244 = tpu.memref_slice %arg6[%dma_start3A_1235, %dma_start3A_1236, %dma_start3A_1243] : memref<8x2x128xi32, #tpu.memory_space<vmem>> -> memref<1x1x72xi32, #tpu.memory_space<vmem>>
        %dma_start3A_1245 = tpu.memref_squeeze %dma_start3A_1244 : memref<1x1x72xi32, #tpu.memory_space<vmem>> -> memref<72xi32, #tpu.memory_space<vmem>>
        %dma_start3A_1246 = arith.constant 0 : i32
        %dma_start3A_1247 = arith.constant 0 : i32
        %dma_start3A_1248 = tpu.memref_slice %arg2[%dma_start3A_1246, %dma_start3A_1247] : memref<1000000x64xf32, #tpu.memory_space<hbm>> -> memref<1000000x64xf32, #tpu.memory_space<hbm>>
        %dma_start3A_1249 = tpu.memref_slice %arg10[%dma_start3A_1238] : memref<8x!tpu.dma_semaphore, #tpu.memory_space<semaphore_mem>> -> memref<1x!tpu.dma_semaphore, #tpu.memory_space<semaphore_mem>>
        %dma_start3A_1250 = tpu.memref_squeeze %dma_start3A_1249 : memref<1x!tpu.dma_semaphore, #tpu.memory_space<semaphore_mem>> -> memref<!tpu.dma_semaphore, #tpu.memory_space<semaphore_mem>>
        tpu.enqueue_indirect_dma source(%dma_start3A_1248 : memref<1000000x64xf32, #tpu.memory_space<hbm>>) target(%dma_start3A_1242 : memref<72x64xf32, #tpu.memory_space<vmem>>) offsets(%dma_start3A_1245 : memref<72xi32, #tpu.memory_space<vmem>>) semaphore(%dma_start3A_1250 : memref<!tpu.dma_semaphore, #tpu.memory_space<semaphore_mem>>)
      } else {
      }
      %dma_wait3A_652 = arith.constant 1 : i32
      %dma_wait3A_653 = arith.constant 0 : i32
      %dma_wait3A_654 = arith.constant 1 : i32
      %dma_wait3A_655 = arith.constant 1 : i32
      %dma_wait3A_656 = arith.constant 0 : i32
      %dma_wait3A_657 = arith.constant 0 : i32
      %dma_wait3A_658 = tpu.memref_slice %arg7[%dma_wait3A_654, %dma_wait3A_656, %dma_wait3A_657] : memref<8x200x64xf32, #tpu.memory_space<vmem>> -> memref<1x128x64xf32, #tpu.memory_space<vmem>>
      %dma_wait3A_659 = tpu.memref_squeeze %dma_wait3A_658 : memref<1x128x64xf32, #tpu.memory_space<vmem>> -> memref<128x64xf32, #tpu.memory_space<vmem>>
      %dma_wait3A_660 = arith.constant 0 : i32
      %dma_wait3A_661 = tpu.memref_slice %arg6[%dma_wait3A_652, %dma_wait3A_653, %dma_wait3A_660] : memref<8x2x128xi32, #tpu.memory_space<vmem>> -> memref<1x1x128xi32, #tpu.memory_space<vmem>>
      %dma_wait3A_662 = tpu.memref_squeeze %dma_wait3A_661 : memref<1x1x128xi32, #tpu.memory_space<vmem>> -> memref<128xi32, #tpu.memory_space<vmem>>
      %dma_wait3A_663 = arith.constant 0 : i32
      %dma_wait3A_664 = arith.constant 0 : i32
      %dma_wait3A_665 = tpu.memref_slice %arg2[%dma_wait3A_663, %dma_wait3A_664] : memref<1000000x64xf32, #tpu.memory_space<hbm>> -> memref<1000000x64xf32, #tpu.memory_space<hbm>>
      %dma_wait3A_666 = tpu.memref_slice %arg10[%dma_wait3A_655] : memref<8x!tpu.dma_semaphore, #tpu.memory_space<semaphore_mem>> -> memref<1x!tpu.dma_semaphore, #tpu.memory_space<semaphore_mem>>
      %dma_wait3A_667 = tpu.memref_squeeze %dma_wait3A_666 : memref<1x!tpu.dma_semaphore, #tpu.memory_space<semaphore_mem>> -> memref<!tpu.dma_semaphore, #tpu.memory_space<semaphore_mem>>
      tpu.wait_indirect_dma semaphore(%dma_wait3A_667 : memref<!tpu.dma_semaphore, #tpu.memory_space<semaphore_mem>>) src(%dma_wait3A_665 : memref<1000000x64xf32, #tpu.memory_space<hbm>>) dst(%dma_wait3A_659 : memref<128x64xf32, #tpu.memory_space<vmem>>)
      %dma_wait3A_668 = arith.constant 1 : i32
      %dma_wait3A_669 = arith.constant 1 : i32
      %dma_wait3A_670 = arith.constant 1 : i32
      %dma_wait3A_671 = arith.constant 1 : i32
      %dma_wait3A_672 = arith.constant 128 : i32
      %dma_wait3A_673 = arith.constant 0 : i32
      %dma_wait3A_674 = tpu.memref_slice %arg7[%dma_wait3A_670, %dma_wait3A_672, %dma_wait3A_673] : memref<8x200x64xf32, #tpu.memory_space<vmem>> -> memref<1x72x64xf32, #tpu.memory_space<vmem>>
      %dma_wait3A_675 = tpu.memref_squeeze %dma_wait3A_674 : memref<1x72x64xf32, #tpu.memory_space<vmem>> -> memref<72x64xf32, #tpu.memory_space<vmem>>
      %dma_wait3A_676 = arith.constant 0 : i32
      %dma_wait3A_677 = tpu.memref_slice %arg6[%dma_wait3A_668, %dma_wait3A_669, %dma_wait3A_676] : memref<8x2x128xi32, #tpu.memory_space<vmem>> -> memref<1x1x72xi32, #tpu.memory_space<vmem>>
      %dma_wait3A_678 = tpu.memref_squeeze %dma_wait3A_677 : memref<1x1x72xi32, #tpu.memory_space<vmem>> -> memref<72xi32, #tpu.memory_space<vmem>>
      %dma_wait3A_679 = arith.constant 0 : i32
      %dma_wait3A_680 = arith.constant 0 : i32
      %dma_wait3A_681 = tpu.memref_slice %arg2[%dma_wait3A_679, %dma_wait3A_680] : memref<1000000x64xf32, #tpu.memory_space<hbm>> -> memref<1000000x64xf32, #tpu.memory_space<hbm>>
      %dma_wait3A_682 = tpu.memref_slice %arg10[%dma_wait3A_671] : memref<8x!tpu.dma_semaphore, #tpu.memory_space<semaphore_mem>> -> memref<1x!tpu.dma_semaphore, #tpu.memory_space<semaphore_mem>>
      %dma_wait3A_683 = tpu.memref_squeeze %dma_wait3A_682 : memref<1x!tpu.dma_semaphore, #tpu.memory_space<semaphore_mem>> -> memref<!tpu.dma_semaphore, #tpu.memory_space<semaphore_mem>>
      tpu.wait_indirect_dma semaphore(%dma_wait3A_683 : memref<!tpu.dma_semaphore, #tpu.memory_space<semaphore_mem>>) src(%dma_wait3A_681 : memref<1000000x64xf32, #tpu.memory_space<hbm>>) dst(%dma_wait3A_675 : memref<72x64xf32, #tpu.memory_space<vmem>>)
      %add3A_684 = arith.constant 8 : i32
      %add3A_685 = arith.addi %add3A_644, %add3A_684 : i32
      %lt3A_686 = arith.constant 128 : i32
      %lt3A_687 = arith.cmpi slt, %add3A_685, %lt3A_686 : i32
      %convert_element_type3A_688 = arith.extui %lt3A_687 : i1 to i32
      %cond3A_689 = arith.constant 0 : i32
      %cond3A_690 = arith.cmpi ne, %convert_element_type3A_688, %cond3A_689 : i32
      scf.if %cond3A_690 {
        %add3A_1180 = arith.constant 8 : i32
        %add3A_1181 = arith.addi %add3A_644, %add3A_1180 : i32
        %add3A_1182 = arith.addi %mul3A_2, %add3A_1181 : i32
        %mul3A_1183 = arith.constant 200 : i32
        %mul3A_1184 = arith.muli %add3A_1182, %mul3A_1183 : i32
        %add3A_1185 = arith.constant 128 : i32
        %add3A_1186 = arith.addi %mul3A_1184, %add3A_1185 : i32
        %dma_start3A_1187 = arith.constant 1 : i32
        %dma_start3A_1188 = arith.constant 0 : i32
        %dma_start3A_1189 = arith.constant 1 : i32
        %dma_start3A_1190 = arith.constant 0 : i32
        %dma_start3A_1191 = tpu.memref_slice %arg6[%dma_start3A_1187, %dma_start3A_1188, %dma_start3A_1190] : memref<8x2x128xi32, #tpu.memory_space<vmem>> -> memref<1x1x128xi32, #tpu.memory_space<vmem>>
        %dma_start3A_1192 = tpu.memref_squeeze %dma_start3A_1191 : memref<1x1x128xi32, #tpu.memory_space<vmem>> -> memref<128xi32, #tpu.memory_space<vmem>>
        %dma_start3A_1193 = tpu.memref_slice %arg3[%mul3A_1184] : memref<819200xi32, #tpu.memory_space<hbm>> -> memref<128xi32, #tpu.memory_space<hbm>>
        %dma_start3A_1194 = tpu.memref_slice %arg9[%dma_start3A_1189] : memref<8x!tpu.dma_semaphore, #tpu.memory_space<semaphore_mem>> -> memref<1x!tpu.dma_semaphore, #tpu.memory_space<semaphore_mem>>
        %dma_start3A_1195 = tpu.memref_squeeze %dma_start3A_1194 : memref<1x!tpu.dma_semaphore, #tpu.memory_space<semaphore_mem>> -> memref<!tpu.dma_semaphore, #tpu.memory_space<semaphore_mem>>
        %dma_start3A_1196 = arith.constant 0 : i32
        %dma_start3A_1197 = tpu.memref_slice %arg6[%dma_start3A_1187, %dma_start3A_1188, %dma_start3A_1196] : memref<8x2x128xi32, #tpu.memory_space<vmem>> -> memref<1x1x128xi32, #tpu.memory_space<vmem>>
        %dma_start3A_1198 = tpu.memref_squeeze %dma_start3A_1197 : memref<1x1x128xi32, #tpu.memory_space<vmem>> -> memref<128xi32, #tpu.memory_space<vmem>>
        %dma_start3A_1199 = tpu.memref_slice %arg3[%mul3A_1184] : memref<819200xi32, #tpu.memory_space<hbm>> -> memref<128xi32, #tpu.memory_space<hbm>>
        tpu.enqueue_dma source(%dma_start3A_1199 : memref<128xi32, #tpu.memory_space<hbm>>) target(%dma_start3A_1198 : memref<128xi32, #tpu.memory_space<vmem>>) target_semaphore(%dma_start3A_1195 : memref<!tpu.dma_semaphore, #tpu.memory_space<semaphore_mem>>)
        %dma_start3A_1200 = arith.constant 1 : i32
        %dma_start3A_1201 = arith.constant 1 : i32
        %dma_start3A_1202 = arith.constant 1 : i32
        %dma_start3A_1203 = arith.constant 0 : i32
        %dma_start3A_1204 = tpu.memref_slice %arg6[%dma_start3A_1200, %dma_start3A_1201, %dma_start3A_1203] : memref<8x2x128xi32, #tpu.memory_space<vmem>> -> memref<1x1x72xi32, #tpu.memory_space<vmem>>
        %dma_start3A_1205 = tpu.memref_squeeze %dma_start3A_1204 : memref<1x1x72xi32, #tpu.memory_space<vmem>> -> memref<72xi32, #tpu.memory_space<vmem>>
        %dma_start3A_1206 = tpu.memref_slice %arg3[%add3A_1186] : memref<819200xi32, #tpu.memory_space<hbm>> -> memref<72xi32, #tpu.memory_space<hbm>>
        %dma_start3A_1207 = tpu.memref_slice %arg9[%dma_start3A_1202] : memref<8x!tpu.dma_semaphore, #tpu.memory_space<semaphore_mem>> -> memref<1x!tpu.dma_semaphore, #tpu.memory_space<semaphore_mem>>
        %dma_start3A_1208 = tpu.memref_squeeze %dma_start3A_1207 : memref<1x!tpu.dma_semaphore, #tpu.memory_space<semaphore_mem>> -> memref<!tpu.dma_semaphore, #tpu.memory_space<semaphore_mem>>
        %dma_start3A_1209 = arith.constant 0 : i32
        %dma_start3A_1210 = tpu.memref_slice %arg6[%dma_start3A_1200, %dma_start3A_1201, %dma_start3A_1209] : memref<8x2x128xi32, #tpu.memory_space<vmem>> -> memref<1x1x72xi32, #tpu.memory_space<vmem>>
        %dma_start3A_1211 = tpu.memref_squeeze %dma_start3A_1210 : memref<1x1x72xi32, #tpu.memory_space<vmem>> -> memref<72xi32, #tpu.memory_space<vmem>>
        %dma_start3A_1212 = tpu.memref_slice %arg3[%add3A_1186] : memref<819200xi32, #tpu.memory_space<hbm>> -> memref<72xi32, #tpu.memory_space<hbm>>
        tpu.enqueue_dma source(%dma_start3A_1212 : memref<72xi32, #tpu.memory_space<hbm>>) target(%dma_start3A_1211 : memref<72xi32, #tpu.memory_space<vmem>>) target_semaphore(%dma_start3A_1208 : memref<!tpu.dma_semaphore, #tpu.memory_space<semaphore_mem>>)
      } else {
      }
      %scan3A_691 = arith.constant 0 : i32
      %scan3A_692 = arith.constant 0 : i32
      %scan3A_693 = arith.constant 50 : i32
      %scan3A_694 = arith.addi %scan3A_692, %scan3A_693 : i32
      %scan3A_695 = arith.constant 1 : i32
      scf.for %scan3A_1180 = %scan3A_692 to %scan3A_694 step %scan3A_695  : i32 {
        %mul3A_1181 = arith.constant 4 : i32
        %mul3A_1182 = arith.muli %scan3A_1180, %mul3A_1181 : i32
        %add3A_1183 = arith.constant 0 : i32
        %add3A_1184 = arith.addi %mul3A_1182, %add3A_1183 : i32
        %get3A = arith.index_cast %add3A_1184 : i32 to index
        %get3A_1185 = arith.constant 0 : index
        %get3A_1186 = tpu.vector_load %arg8[%get3A, %get3A_1185] {strides = array<i32>} : memref<200x64xf32, #tpu.memory_space<vmem>>, vector<1x16xf32>,
        %get3A_1187 = vector.shape_cast %get3A_1186 : vector<1x16xf32> to vector<16xf32>
        %swap3A = arith.constant 1 : i32
        %swap3A_1188 = arith.index_cast %swap3A : i32 to index
        %swap3A_1189 = arith.index_cast %add3A_1184 : i32 to index
        %swap3A_1190 = arith.constant 0 : index
        %swap3A_1191 = tpu.vector_load %arg7[%swap3A_1188, %swap3A_1189, %swap3A_1190] {strides = array<i32>} : memref<8x200x64xf32, #tpu.memory_space<vmem>>, vector<1x1x16xf32>,
        %swap3A_1192 = vector.shape_cast %swap3A_1191 : vector<1x1x16xf32> to vector<16xf32>
        %swap3A_1193 = vector.shape_cast %get3A_1187 : vector<16xf32> to vector<1x1x16xf32>
        tpu.vector_store %arg7[%swap3A_1188, %swap3A_1189, %swap3A_1190], %swap3A_1193 {add = true, strides = array<i32>} : memref<8x200x64xf32, #tpu.memory_space<vmem>>, vector<1x1x16xf32>,
        %get3A_1194 = arith.index_cast %add3A_1184 : i32 to index
        %get3A_1195 = arith.constant 16 : index
        %get3A_1196 = tpu.vector_load %arg8[%get3A_1194, %get3A_1195] {strides = array<i32>} : memref<200x64xf32, #tpu.memory_space<vmem>>, vector<1x16xf32>,
        %get3A_1197 = vector.shape_cast %get3A_1196 : vector<1x16xf32> to vector<16xf32>
        %swap3A_1198 = arith.constant 1 : i32
        %swap3A_1199 = arith.index_cast %swap3A_1198 : i32 to index
        %swap3A_1200 = arith.index_cast %add3A_1184 : i32 to index
        %swap3A_1201 = arith.constant 16 : index
        %swap3A_1202 = tpu.vector_load %arg7[%swap3A_1199, %swap3A_1200, %swap3A_1201] {strides = array<i32>} : memref<8x200x64xf32, #tpu.memory_space<vmem>>, vector<1x1x16xf32>,
        %swap3A_1203 = vector.shape_cast %swap3A_1202 : vector<1x1x16xf32> to vector<16xf32>
        %swap3A_1204 = vector.shape_cast %get3A_1197 : vector<16xf32> to vector<1x1x16xf32>
        tpu.vector_store %arg7[%swap3A_1199, %swap3A_1200, %swap3A_1201], %swap3A_1204 {add = true, strides = array<i32>} : memref<8x200x64xf32, #tpu.memory_space<vmem>>, vector<1x1x16xf32>,
        %get3A_1205 = arith.index_cast %add3A_1184 : i32 to index
        %get3A_1206 = arith.constant 32 : index
        %get3A_1207 = tpu.vector_load %arg8[%get3A_1205, %get3A_1206] {strides = array<i32>} : memref<200x64xf32, #tpu.memory_space<vmem>>, vector<1x16xf32>,
        %get3A_1208 = vector.shape_cast %get3A_1207 : vector<1x16xf32> to vector<16xf32>
        %swap3A_1209 = arith.constant 1 : i32
        %swap3A_1210 = arith.index_cast %swap3A_1209 : i32 to index
        %swap3A_1211 = arith.index_cast %add3A_1184 : i32 to index
        %swap3A_1212 = arith.constant 32 : index
        %swap3A_1213 = tpu.vector_load %arg7[%swap3A_1210, %swap3A_1211, %swap3A_1212] {strides = array<i32>} : memref<8x200x64xf32, #tpu.memory_space<vmem>>, vector<1x1x16xf32>,
        %swap3A_1214 = vector.shape_cast %swap3A_1213 : vector<1x1x16xf32> to vector<16xf32>
        %swap3A_1215 = vector.shape_cast %get3A_1208 : vector<16xf32> to vector<1x1x16xf32>
        tpu.vector_store %arg7[%swap3A_1210, %swap3A_1211, %swap3A_1212], %swap3A_1215 {add = true, strides = array<i32>} : memref<8x200x64xf32, #tpu.memory_space<vmem>>, vector<1x1x16xf32>,
        %get3A_1216 = arith.index_cast %add3A_1184 : i32 to index
        %get3A_1217 = arith.constant 48 : index
        %get3A_1218 = tpu.vector_load %arg8[%get3A_1216, %get3A_1217] {strides = array<i32>} : memref<200x64xf32, #tpu.memory_space<vmem>>, vector<1x16xf32>,
        %get3A_1219 = vector.shape_cast %get3A_1218 : vector<1x16xf32> to vector<16xf32>
        %swap3A_1220 = arith.constant 1 : i32
        %swap3A_1221 = arith.index_cast %swap3A_1220 : i32 to index
        %swap3A_1222 = arith.index_cast %add3A_1184 : i32 to index
        %swap3A_1223 = arith.constant 48 : index
        %swap3A_1224 = tpu.vector_load %arg7[%swap3A_1221, %swap3A_1222, %swap3A_1223] {strides = array<i32>} : memref<8x200x64xf32, #tpu.memory_space<vmem>>, vector<1x1x16xf32>,
        %swap3A_1225 = vector.shape_cast %swap3A_1224 : vector<1x1x16xf32> to vector<16xf32>
        %swap3A_1226 = vector.shape_cast %get3A_1219 : vector<16xf32> to vector<1x1x16xf32>
        tpu.vector_store %arg7[%swap3A_1221, %swap3A_1222, %swap3A_1223], %swap3A_1226 {add = true, strides = array<i32>} : memref<8x200x64xf32, #tpu.memory_space<vmem>>, vector<1x1x16xf32>,
        %mul3A_1227 = arith.constant 4 : i32
        %mul3A_1228 = arith.muli %scan3A_1180, %mul3A_1227 : i32
        %add3A_1229 = arith.constant 1 : i32
        %add3A_1230 = arith.addi %mul3A_1228, %add3A_1229 : i32
        %get3A_1231 = arith.index_cast %add3A_1230 : i32 to index
        %get3A_1232 = arith.constant 0 : index
        %get3A_1233 = tpu.vector_load %arg8[%get3A_1231, %get3A_1232] {strides = array<i32>} : memref<200x64xf32, #tpu.memory_space<vmem>>, vector<1x16xf32>,
        %get3A_1234 = vector.shape_cast %get3A_1233 : vector<1x16xf32> to vector<16xf32>
        %swap3A_1235 = arith.constant 1 : i32
        %swap3A_1236 = arith.index_cast %swap3A_1235 : i32 to index
        %swap3A_1237 = arith.index_cast %add3A_1230 : i32 to index
        %swap3A_1238 = arith.constant 0 : index
        %swap3A_1239 = tpu.vector_load %arg7[%swap3A_1236, %swap3A_1237, %swap3A_1238] {strides = array<i32>} : memref<8x200x64xf32, #tpu.memory_space<vmem>>, vector<1x1x16xf32>,
        %swap3A_1240 = vector.shape_cast %swap3A_1239 : vector<1x1x16xf32> to vector<16xf32>
        %swap3A_1241 = vector.shape_cast %get3A_1234 : vector<16xf32> to vector<1x1x16xf32>
        tpu.vector_store %arg7[%swap3A_1236, %swap3A_1237, %swap3A_1238], %swap3A_1241 {add = true, strides = array<i32>} : memref<8x200x64xf32, #tpu.memory_space<vmem>>, vector<1x1x16xf32>,
        %get3A_1242 = arith.index_cast %add3A_1230 : i32 to index
        %get3A_1243 = arith.constant 16 : index
        %get3A_1244 = tpu.vector_load %arg8[%get3A_1242, %get3A_1243] {strides = array<i32>} : memref<200x64xf32, #tpu.memory_space<vmem>>, vector<1x16xf32>,
        %get3A_1245 = vector.shape_cast %get3A_1244 : vector<1x16xf32> to vector<16xf32>
        %swap3A_1246 = arith.constant 1 : i32
        %swap3A_1247 = arith.index_cast %swap3A_1246 : i32 to index
        %swap3A_1248 = arith.index_cast %add3A_1230 : i32 to index
        %swap3A_1249 = arith.constant 16 : index
        %swap3A_1250 = tpu.vector_load %arg7[%swap3A_1247, %swap3A_1248, %swap3A_1249] {strides = array<i32>} : memref<8x200x64xf32, #tpu.memory_space<vmem>>, vector<1x1x16xf32>,
        %swap3A_1251 = vector.shape_cast %swap3A_1250 : vector<1x1x16xf32> to vector<16xf32>
        %swap3A_1252 = vector.shape_cast %get3A_1245 : vector<16xf32> to vector<1x1x16xf32>
        tpu.vector_store %arg7[%swap3A_1247, %swap3A_1248, %swap3A_1249], %swap3A_1252 {add = true, strides = array<i32>} : memref<8x200x64xf32, #tpu.memory_space<vmem>>, vector<1x1x16xf32>,
        %get3A_1253 = arith.index_cast %add3A_1230 : i32 to index
        %get3A_1254 = arith.constant 32 : index
        %get3A_1255 = tpu.vector_load %arg8[%get3A_1253, %get3A_1254] {strides = array<i32>} : memref<200x64xf32, #tpu.memory_space<vmem>>, vector<1x16xf32>,
        %get3A_1256 = vector.shape_cast %get3A_1255 : vector<1x16xf32> to vector<16xf32>
        %swap3A_1257 = arith.constant 1 : i32
        %swap3A_1258 = arith.index_cast %swap3A_1257 : i32 to index
        %swap3A_1259 = arith.index_cast %add3A_1230 : i32 to index
        %swap3A_1260 = arith.constant 32 : index
        %swap3A_1261 = tpu.vector_load %arg7[%swap3A_1258, %swap3A_1259, %swap3A_1260] {strides = array<i32>} : memref<8x200x64xf32, #tpu.memory_space<vmem>>, vector<1x1x16xf32>,
        %swap3A_1262 = vector.shape_cast %swap3A_1261 : vector<1x1x16xf32> to vector<16xf32>
        %swap3A_1263 = vector.shape_cast %get3A_1256 : vector<16xf32> to vector<1x1x16xf32>
        tpu.vector_store %arg7[%swap3A_1258, %swap3A_1259, %swap3A_1260], %swap3A_1263 {add = true, strides = array<i32>} : memref<8x200x64xf32, #tpu.memory_space<vmem>>, vector<1x1x16xf32>,
        %get3A_1264 = arith.index_cast %add3A_1230 : i32 to index
        %get3A_1265 = arith.constant 48 : index
        %get3A_1266 = tpu.vector_load %arg8[%get3A_1264, %get3A_1265] {strides = array<i32>} : memref<200x64xf32, #tpu.memory_space<vmem>>, vector<1x16xf32>,
        %get3A_1267 = vector.shape_cast %get3A_1266 : vector<1x16xf32> to vector<16xf32>
        %swap3A_1268 = arith.constant 1 : i32
        %swap3A_1269 = arith.index_cast %swap3A_1268 : i32 to index
        %swap3A_1270 = arith.index_cast %add3A_1230 : i32 to index
        %swap3A_1271 = arith.constant 48 : index
        %swap3A_1272 = tpu.vector_load %arg7[%swap3A_1269, %swap3A_1270, %swap3A_1271] {strides = array<i32>} : memref<8x200x64xf32, #tpu.memory_space<vmem>>, vector<1x1x16xf32>,
        %swap3A_1273 = vector.shape_cast %swap3A_1272 : vector<1x1x16xf32> to vector<16xf32>
        %swap3A_1274 = vector.shape_cast %get3A_1267 : vector<16xf32> to vector<1x1x16xf32>
        tpu.vector_store %arg7[%swap3A_1269, %swap3A_1270, %swap3A_1271], %swap3A_1274 {add = true, strides = array<i32>} : memref<8x200x64xf32, #tpu.memory_space<vmem>>, vector<1x1x16xf32>,
        %mul3A_1275 = arith.constant 4 : i32
        %mul3A_1276 = arith.muli %scan3A_1180, %mul3A_1275 : i32
        %add3A_1277 = arith.constant 2 : i32
        %add3A_1278 = arith.addi %mul3A_1276, %add3A_1277 : i32
        %get3A_1279 = arith.index_cast %add3A_1278 : i32 to index
        %get3A_1280 = arith.constant 0 : index
        %get3A_1281 = tpu.vector_load %arg8[%get3A_1279, %get3A_1280] {strides = array<i32>} : memref<200x64xf32, #tpu.memory_space<vmem>>, vector<1x16xf32>,
        %get3A_1282 = vector.shape_cast %get3A_1281 : vector<1x16xf32> to vector<16xf32>
        %swap3A_1283 = arith.constant 1 : i32
        %swap3A_1284 = arith.index_cast %swap3A_1283 : i32 to index
        %swap3A_1285 = arith.index_cast %add3A_1278 : i32 to index
        %swap3A_1286 = arith.constant 0 : index
        %swap3A_1287 = tpu.vector_load %arg7[%swap3A_1284, %swap3A_1285, %swap3A_1286] {strides = array<i32>} : memref<8x200x64xf32, #tpu.memory_space<vmem>>, vector<1x1x16xf32>,
        %swap3A_1288 = vector.shape_cast %swap3A_1287 : vector<1x1x16xf32> to vector<16xf32>
        %swap3A_1289 = vector.shape_cast %get3A_1282 : vector<16xf32> to vector<1x1x16xf32>
        tpu.vector_store %arg7[%swap3A_1284, %swap3A_1285, %swap3A_1286], %swap3A_1289 {add = true, strides = array<i32>} : memref<8x200x64xf32, #tpu.memory_space<vmem>>, vector<1x1x16xf32>,
        %get3A_1290 = arith.index_cast %add3A_1278 : i32 to index
        %get3A_1291 = arith.constant 16 : index
        %get3A_1292 = tpu.vector_load %arg8[%get3A_1290, %get3A_1291] {strides = array<i32>} : memref<200x64xf32, #tpu.memory_space<vmem>>, vector<1x16xf32>,
        %get3A_1293 = vector.shape_cast %get3A_1292 : vector<1x16xf32> to vector<16xf32>
        %swap3A_1294 = arith.constant 1 : i32
        %swap3A_1295 = arith.index_cast %swap3A_1294 : i32 to index
        %swap3A_1296 = arith.index_cast %add3A_1278 : i32 to index
        %swap3A_1297 = arith.constant 16 : index
        %swap3A_1298 = tpu.vector_load %arg7[%swap3A_1295, %swap3A_1296, %swap3A_1297] {strides = array<i32>} : memref<8x200x64xf32, #tpu.memory_space<vmem>>, vector<1x1x16xf32>,
        %swap3A_1299 = vector.shape_cast %swap3A_1298 : vector<1x1x16xf32> to vector<16xf32>
        %swap3A_1300 = vector.shape_cast %get3A_1293 : vector<16xf32> to vector<1x1x16xf32>
        tpu.vector_store %arg7[%swap3A_1295, %swap3A_1296, %swap3A_1297], %swap3A_1300 {add = true, strides = array<i32>} : memref<8x200x64xf32, #tpu.memory_space<vmem>>, vector<1x1x16xf32>,
        %get3A_1301 = arith.index_cast %add3A_1278 : i32 to index
        %get3A_1302 = arith.constant 32 : index
        %get3A_1303 = tpu.vector_load %arg8[%get3A_1301, %get3A_1302] {strides = array<i32>} : memref<200x64xf32, #tpu.memory_space<vmem>>, vector<1x16xf32>,
        %get3A_1304 = vector.shape_cast %get3A_1303 : vector<1x16xf32> to vector<16xf32>
        %swap3A_1305 = arith.constant 1 : i32
        %swap3A_1306 = arith.index_cast %swap3A_1305 : i32 to index
        %swap3A_1307 = arith.index_cast %add3A_1278 : i32 to index
        %swap3A_1308 = arith.constant 32 : index
        %swap3A_1309 = tpu.vector_load %arg7[%swap3A_1306, %swap3A_1307, %swap3A_1308] {strides = array<i32>} : memref<8x200x64xf32, #tpu.memory_space<vmem>>, vector<1x1x16xf32>,
        %swap3A_1310 = vector.shape_cast %swap3A_1309 : vector<1x1x16xf32> to vector<16xf32>
        %swap3A_1311 = vector.shape_cast %get3A_1304 : vector<16xf32> to vector<1x1x16xf32>
        tpu.vector_store %arg7[%swap3A_1306, %swap3A_1307, %swap3A_1308], %swap3A_1311 {add = true, strides = array<i32>} : memref<8x200x64xf32, #tpu.memory_space<vmem>>, vector<1x1x16xf32>,
        %get3A_1312 = arith.index_cast %add3A_1278 : i32 to index
        %get3A_1313 = arith.constant 48 : index
        %get3A_1314 = tpu.vector_load %arg8[%get3A_1312, %get3A_1313] {strides = array<i32>} : memref<200x64xf32, #tpu.memory_space<vmem>>, vector<1x16xf32>,
        %get3A_1315 = vector.shape_cast %get3A_1314 : vector<1x16xf32> to vector<16xf32>
        %swap3A_1316 = arith.constant 1 : i32
        %swap3A_1317 = arith.index_cast %swap3A_1316 : i32 to index
        %swap3A_1318 = arith.index_cast %add3A_1278 : i32 to index
        %swap3A_1319 = arith.constant 48 : index
        %swap3A_1320 = tpu.vector_load %arg7[%swap3A_1317, %swap3A_1318, %swap3A_1319] {strides = array<i32>} : memref<8x200x64xf32, #tpu.memory_space<vmem>>, vector<1x1x16xf32>,
        %swap3A_1321 = vector.shape_cast %swap3A_1320 : vector<1x1x16xf32> to vector<16xf32>
        %swap3A_1322 = vector.shape_cast %get3A_1315 : vector<16xf32> to vector<1x1x16xf32>
        tpu.vector_store %arg7[%swap3A_1317, %swap3A_1318, %swap3A_1319], %swap3A_1322 {add = true, strides = array<i32>} : memref<8x200x64xf32, #tpu.memory_space<vmem>>, vector<1x1x16xf32>,
        %mul3A_1323 = arith.constant 4 : i32
        %mul3A_1324 = arith.muli %scan3A_1180, %mul3A_1323 : i32
        %add3A_1325 = arith.constant 3 : i32
        %add3A_1326 = arith.addi %mul3A_1324, %add3A_1325 : i32
        %get3A_1327 = arith.index_cast %add3A_1326 : i32 to index
        %get3A_1328 = arith.constant 0 : index
        %get3A_1329 = tpu.vector_load %arg8[%get3A_1327, %get3A_1328] {strides = array<i32>} : memref<200x64xf32, #tpu.memory_space<vmem>>, vector<1x16xf32>,
        %get3A_1330 = vector.shape_cast %get3A_1329 : vector<1x16xf32> to vector<16xf32>
        %swap3A_1331 = arith.constant 1 : i32
        %swap3A_1332 = arith.index_cast %swap3A_1331 : i32 to index
        %swap3A_1333 = arith.index_cast %add3A_1326 : i32 to index
        %swap3A_1334 = arith.constant 0 : index
        %swap3A_1335 = tpu.vector_load %arg7[%swap3A_1332, %swap3A_1333, %swap3A_1334] {strides = array<i32>} : memref<8x200x64xf32, #tpu.memory_space<vmem>>, vector<1x1x16xf32>,
        %swap3A_1336 = vector.shape_cast %swap3A_1335 : vector<1x1x16xf32> to vector<16xf32>
        %swap3A_1337 = vector.shape_cast %get3A_1330 : vector<16xf32> to vector<1x1x16xf32>
        tpu.vector_store %arg7[%swap3A_1332, %swap3A_1333, %swap3A_1334], %swap3A_1337 {add = true, strides = array<i32>} : memref<8x200x64xf32, #tpu.memory_space<vmem>>, vector<1x1x16xf32>,
        %get3A_1338 = arith.index_cast %add3A_1326 : i32 to index
        %get3A_1339 = arith.constant 16 : index
        %get3A_1340 = tpu.vector_load %arg8[%get3A_1338, %get3A_1339] {strides = array<i32>} : memref<200x64xf32, #tpu.memory_space<vmem>>, vector<1x16xf32>,
        %get3A_1341 = vector.shape_cast %get3A_1340 : vector<1x16xf32> to vector<16xf32>
        %swap3A_1342 = arith.constant 1 : i32
        %swap3A_1343 = arith.index_cast %swap3A_1342 : i32 to index
        %swap3A_1344 = arith.index_cast %add3A_1326 : i32 to index
        %swap3A_1345 = arith.constant 16 : index
        %swap3A_1346 = tpu.vector_load %arg7[%swap3A_1343, %swap3A_1344, %swap3A_1345] {strides = array<i32>} : memref<8x200x64xf32, #tpu.memory_space<vmem>>, vector<1x1x16xf32>,
        %swap3A_1347 = vector.shape_cast %swap3A_1346 : vector<1x1x16xf32> to vector<16xf32>
        %swap3A_1348 = vector.shape_cast %get3A_1341 : vector<16xf32> to vector<1x1x16xf32>
        tpu.vector_store %arg7[%swap3A_1343, %swap3A_1344, %swap3A_1345], %swap3A_1348 {add = true, strides = array<i32>} : memref<8x200x64xf32, #tpu.memory_space<vmem>>, vector<1x1x16xf32>,
        %get3A_1349 = arith.index_cast %add3A_1326 : i32 to index
        %get3A_1350 = arith.constant 32 : index
        %get3A_1351 = tpu.vector_load %arg8[%get3A_1349, %get3A_1350] {strides = array<i32>} : memref<200x64xf32, #tpu.memory_space<vmem>>, vector<1x16xf32>,
        %get3A_1352 = vector.shape_cast %get3A_1351 : vector<1x16xf32> to vector<16xf32>
        %swap3A_1353 = arith.constant 1 : i32
        %swap3A_1354 = arith.index_cast %swap3A_1353 : i32 to index
        %swap3A_1355 = arith.index_cast %add3A_1326 : i32 to index
        %swap3A_1356 = arith.constant 32 : index
        %swap3A_1357 = tpu.vector_load %arg7[%swap3A_1354, %swap3A_1355, %swap3A_1356] {strides = array<i32>} : memref<8x200x64xf32, #tpu.memory_space<vmem>>, vector<1x1x16xf32>,
        %swap3A_1358 = vector.shape_cast %swap3A_1357 : vector<1x1x16xf32> to vector<16xf32>
        %swap3A_1359 = vector.shape_cast %get3A_1352 : vector<16xf32> to vector<1x1x16xf32>
        tpu.vector_store %arg7[%swap3A_1354, %swap3A_1355, %swap3A_1356], %swap3A_1359 {add = true, strides = array<i32>} : memref<8x200x64xf32, #tpu.memory_space<vmem>>, vector<1x1x16xf32>,
        %get3A_1360 = arith.index_cast %add3A_1326 : i32 to index
        %get3A_1361 = arith.constant 48 : index
        %get3A_1362 = tpu.vector_load %arg8[%get3A_1360, %get3A_1361] {strides = array<i32>} : memref<200x64xf32, #tpu.memory_space<vmem>>, vector<1x16xf32>,
        %get3A_1363 = vector.shape_cast %get3A_1362 : vector<1x16xf32> to vector<16xf32>
        %swap3A_1364 = arith.constant 1 : i32
        %swap3A_1365 = arith.index_cast %swap3A_1364 : i32 to index
        %swap3A_1366 = arith.index_cast %add3A_1326 : i32 to index
        %swap3A_1367 = arith.constant 48 : index
        %swap3A_1368 = tpu.vector_load %arg7[%swap3A_1365, %swap3A_1366, %swap3A_1367] {strides = array<i32>} : memref<8x200x64xf32, #tpu.memory_space<vmem>>, vector<1x1x16xf32>,
        %swap3A_1369 = vector.shape_cast %swap3A_1368 : vector<1x1x16xf32> to vector<16xf32>
        %swap3A_1370 = vector.shape_cast %get3A_1363 : vector<16xf32> to vector<1x1x16xf32>
        tpu.vector_store %arg7[%swap3A_1365, %swap3A_1366, %swap3A_1367], %swap3A_1370 {add = true, strides = array<i32>} : memref<8x200x64xf32, #tpu.memory_space<vmem>>, vector<1x1x16xf32>,
      }
      %scan3A_696 = arith.constant 50 : i32
      %add3A_697 = arith.addi %mul3A_2, %add3A_644 : i32
      %dma_start3A_698 = arith.constant 1 : i32
      %dma_start3A_699 = arith.constant 1 : i32
      %dma_start3A_700 = arith.constant 0 : i32
      %dma_start3A_701 = arith.constant 0 : i32
      %dma_start3A_702 = tpu.memref_slice %arg7[%dma_start3A_698, %dma_start3A_700, %dma_start3A_701] : memref<8x200x64xf32, #tpu.memory_space<vmem>> -> memref<1x200x64xf32, #tpu.memory_space<vmem>>
      %dma_start3A_703 = tpu.memref_squeeze %dma_start3A_702 : memref<1x200x64xf32, #tpu.memory_space<vmem>> -> memref<200x64xf32, #tpu.memory_space<vmem>>
      %dma_start3A_704 = arith.constant 0 : i32
      %dma_start3A_705 = arith.constant 0 : i32
      %dma_start3A_706 = tpu.memref_slice %arg5[%add3A_697, %dma_start3A_704, %dma_start3A_705] : memref<4096x200x64xf32, #tpu.memory_space<hbm>> -> memref<1x200x64xf32, #tpu.memory_space<hbm>>
      %dma_start3A_707 = tpu.memref_squeeze %dma_start3A_706 : memref<1x200x64xf32, #tpu.memory_space<hbm>> -> memref<200x64xf32, #tpu.memory_space<hbm>>
      %dma_start3A_708 = tpu.memref_slice %arg11[%dma_start3A_699] : memref<8x!tpu.dma_semaphore, #tpu.memory_space<semaphore_mem>> -> memref<1x!tpu.dma_semaphore, #tpu.memory_space<semaphore_mem>>
      %dma_start3A_709 = tpu.memref_squeeze %dma_start3A_708 : memref<1x!tpu.dma_semaphore, #tpu.memory_space<semaphore_mem>> -> memref<!tpu.dma_semaphore, #tpu.memory_space<semaphore_mem>>
      %dma_start3A_710 = arith.constant 0 : i32
      %dma_start3A_711 = arith.constant 0 : i32
      %dma_start3A_712 = tpu.memref_slice %arg5[%add3A_697, %dma_start3A_710, %dma_start3A_711] : memref<4096x200x64xf32, #tpu.memory_space<hbm>> -> memref<1x200x64xf32, #tpu.memory_space<hbm>>
      %dma_start3A_713 = tpu.memref_squeeze %dma_start3A_712 : memref<1x200x64xf32, #tpu.memory_space<hbm>> -> memref<200x64xf32, #tpu.memory_space<hbm>>
      %dma_start3A_714 = arith.constant 0 : i32
      %dma_start3A_715 = arith.constant 0 : i32
      %dma_start3A_716 = tpu.memref_slice %arg7[%dma_start3A_698, %dma_start3A_714, %dma_start3A_715] : memref<8x200x64xf32, #tpu.memory_space<vmem>> -> memref<1x200x64xf32, #tpu.memory_space<vmem>>
      %dma_start3A_717 = tpu.memref_squeeze %dma_start3A_716 : memref<1x200x64xf32, #tpu.memory_space<vmem>> -> memref<200x64xf32, #tpu.memory_space<vmem>>
      tpu.enqueue_dma source(%dma_start3A_717 : memref<200x64xf32, #tpu.memory_space<vmem>>) target(%dma_start3A_713 : memref<200x64xf32, #tpu.memory_space<hbm>>) target_semaphore(%dma_start3A_709 : memref<!tpu.dma_semaphore, #tpu.memory_space<semaphore_mem>>)
      %mul3A_718 = arith.constant 8 : i32
      %mul3A_719 = arith.muli %scan3A_566, %mul3A_718 : i32
      %add3A_720 = arith.constant 2 : i32
      %add3A_721 = arith.addi %mul3A_719, %add3A_720 : i32
      %add3A_722 = arith.constant 2 : i32
      %add3A_723 = arith.addi %add3A_721, %add3A_722 : i32
      %lt3A_724 = arith.constant 128 : i32
      %lt3A_725 = arith.cmpi slt, %add3A_723, %lt3A_724 : i32
      %convert_element_type3A_726 = arith.extui %lt3A_725 : i1 to i32
      %cond3A_727 = arith.constant 0 : i32
      %cond3A_728 = arith.cmpi ne, %convert_element_type3A_726, %cond3A_727 : i32
      scf.if %cond3A_728 {
        %add3A_1180 = arith.constant 2 : i32
        %add3A_1181 = arith.addi %add3A_721, %add3A_1180 : i32
        %add3A_1182 = arith.addi %mul3A_2, %add3A_1181 : i32
        %mul3A_1183 = arith.constant 200 : i32
        %mul3A_1184 = arith.muli %add3A_1182, %mul3A_1183 : i32
        %add3A_1185 = arith.constant 128 : i32
        %add3A_1186 = arith.addi %mul3A_1184, %add3A_1185 : i32
        %dma_wait3A_1187 = arith.constant 4 : i32
        %dma_wait3A_1188 = arith.constant 0 : i32
        %dma_wait3A_1189 = arith.constant 4 : i32
        %dma_wait3A_1190 = arith.constant 0 : i32
        %dma_wait3A_1191 = tpu.memref_slice %arg6[%dma_wait3A_1187, %dma_wait3A_1188, %dma_wait3A_1190] : memref<8x2x128xi32, #tpu.memory_space<vmem>> -> memref<1x1x128xi32, #tpu.memory_space<vmem>>
        %dma_wait3A_1192 = tpu.memref_squeeze %dma_wait3A_1191 : memref<1x1x128xi32, #tpu.memory_space<vmem>> -> memref<128xi32, #tpu.memory_space<vmem>>
        %dma_wait3A_1193 = tpu.memref_slice %arg3[%mul3A_1184] : memref<819200xi32, #tpu.memory_space<hbm>> -> memref<128xi32, #tpu.memory_space<hbm>>
        %dma_wait3A_1194 = tpu.memref_slice %arg9[%dma_wait3A_1189] : memref<8x!tpu.dma_semaphore, #tpu.memory_space<semaphore_mem>> -> memref<1x!tpu.dma_semaphore, #tpu.memory_space<semaphore_mem>>
        %dma_wait3A_1195 = tpu.memref_squeeze %dma_wait3A_1194 : memref<1x!tpu.dma_semaphore, #tpu.memory_space<semaphore_mem>> -> memref<!tpu.dma_semaphore, #tpu.memory_space<semaphore_mem>>
        %dma_wait3A_1196 = arith.constant 0 : i32
        %dma_wait3A_1197 = tpu.memref_slice %arg6[%dma_wait3A_1187, %dma_wait3A_1188, %dma_wait3A_1196] : memref<8x2x128xi32, #tpu.memory_space<vmem>> -> memref<1x1x128xi32, #tpu.memory_space<vmem>>
        %dma_wait3A_1198 = tpu.memref_squeeze %dma_wait3A_1197 : memref<1x1x128xi32, #tpu.memory_space<vmem>> -> memref<128xi32, #tpu.memory_space<vmem>>
        %dma_wait3A_1199 = tpu.memref_slice %arg3[%mul3A_1184] : memref<819200xi32, #tpu.memory_space<hbm>> -> memref<128xi32, #tpu.memory_space<hbm>>
        tpu.wait_dma2 semaphore(%dma_wait3A_1195 : memref<!tpu.dma_semaphore, #tpu.memory_space<semaphore_mem>>) src(%dma_wait3A_1199 : memref<128xi32, #tpu.memory_space<hbm>>) dst(%dma_wait3A_1198 : memref<128xi32, #tpu.memory_space<vmem>>)
        %dma_wait3A_1200 = arith.constant 4 : i32
        %dma_wait3A_1201 = arith.constant 1 : i32
        %dma_wait3A_1202 = arith.constant 4 : i32
        %dma_wait3A_1203 = arith.constant 0 : i32
        %dma_wait3A_1204 = tpu.memref_slice %arg6[%dma_wait3A_1200, %dma_wait3A_1201, %dma_wait3A_1203] : memref<8x2x128xi32, #tpu.memory_space<vmem>> -> memref<1x1x72xi32, #tpu.memory_space<vmem>>
        %dma_wait3A_1205 = tpu.memref_squeeze %dma_wait3A_1204 : memref<1x1x72xi32, #tpu.memory_space<vmem>> -> memref<72xi32, #tpu.memory_space<vmem>>
        %dma_wait3A_1206 = tpu.memref_slice %arg3[%add3A_1186] : memref<819200xi32, #tpu.memory_space<hbm>> -> memref<72xi32, #tpu.memory_space<hbm>>
        %dma_wait3A_1207 = tpu.memref_slice %arg9[%dma_wait3A_1202] : memref<8x!tpu.dma_semaphore, #tpu.memory_space<semaphore_mem>> -> memref<1x!tpu.dma_semaphore, #tpu.memory_space<semaphore_mem>>
        %dma_wait3A_1208 = tpu.memref_squeeze %dma_wait3A_1207 : memref<1x!tpu.dma_semaphore, #tpu.memory_space<semaphore_mem>> -> memref<!tpu.dma_semaphore, #tpu.memory_space<semaphore_mem>>
        %dma_wait3A_1209 = arith.constant 0 : i32
        %dma_wait3A_1210 = tpu.memref_slice %arg6[%dma_wait3A_1200, %dma_wait3A_1201, %dma_wait3A_1209] : memref<8x2x128xi32, #tpu.memory_space<vmem>> -> memref<1x1x72xi32, #tpu.memory_space<vmem>>
        %dma_wait3A_1211 = tpu.memref_squeeze %dma_wait3A_1210 : memref<1x1x72xi32, #tpu.memory_space<vmem>> -> memref<72xi32, #tpu.memory_space<vmem>>
        %dma_wait3A_1212 = tpu.memref_slice %arg3[%add3A_1186] : memref<819200xi32, #tpu.memory_space<hbm>> -> memref<72xi32, #tpu.memory_space<hbm>>
        tpu.wait_dma2 semaphore(%dma_wait3A_1208 : memref<!tpu.dma_semaphore, #tpu.memory_space<semaphore_mem>>) src(%dma_wait3A_1212 : memref<72xi32, #tpu.memory_space<hbm>>) dst(%dma_wait3A_1211 : memref<72xi32, #tpu.memory_space<vmem>>)
        %add3A_1213 = arith.constant 2 : i32
        %add3A_1214 = arith.addi %add3A_721, %add3A_1213 : i32
        %ge3A = arith.constant 8 : i32
        %ge3A_1215 = arith.cmpi sge, %add3A_1214, %ge3A : i32
        %convert_element_type3A_1216 = arith.extui %ge3A_1215 : i1 to i32
        %cond3A_1217 = arith.constant 0 : i32
        %cond3A_1218 = arith.cmpi ne, %convert_element_type3A_1216, %cond3A_1217 : i32
        scf.if %cond3A_1218 {
          %add3A_1251 = arith.constant 0 : i32
          %add3A_1252 = arith.addi %mul3A_2, %add3A_1251 : i32
          %dma_wait3A_1253 = arith.constant 4 : i32
          %dma_wait3A_1254 = arith.constant 4 : i32
          %dma_wait3A_1255 = arith.constant 0 : i32
          %dma_wait3A_1256 = arith.constant 0 : i32
          %dma_wait3A_1257 = tpu.memref_slice %arg7[%dma_wait3A_1253, %dma_wait3A_1255, %dma_wait3A_1256] : memref<8x200x64xf32, #tpu.memory_space<vmem>> -> memref<1x200x64xf32, #tpu.memory_space<vmem>>
          %dma_wait3A_1258 = tpu.memref_squeeze %dma_wait3A_1257 : memref<1x200x64xf32, #tpu.memory_space<vmem>> -> memref<200x64xf32, #tpu.memory_space<vmem>>
          %dma_wait3A_1259 = arith.constant 0 : i32
          %dma_wait3A_1260 = arith.constant 0 : i32
          %dma_wait3A_1261 = tpu.memref_slice %arg5[%add3A_1252, %dma_wait3A_1259, %dma_wait3A_1260] : memref<4096x200x64xf32, #tpu.memory_space<hbm>> -> memref<1x200x64xf32, #tpu.memory_space<hbm>>
          %dma_wait3A_1262 = tpu.memref_squeeze %dma_wait3A_1261 : memref<1x200x64xf32, #tpu.memory_space<hbm>> -> memref<200x64xf32, #tpu.memory_space<hbm>>
          %dma_wait3A_1263 = tpu.memref_slice %arg11[%dma_wait3A_1254] : memref<8x!tpu.dma_semaphore, #tpu.memory_space<semaphore_mem>> -> memref<1x!tpu.dma_semaphore, #tpu.memory_space<semaphore_mem>>
          %dma_wait3A_1264 = tpu.memref_squeeze %dma_wait3A_1263 : memref<1x!tpu.dma_semaphore, #tpu.memory_space<semaphore_mem>> -> memref<!tpu.dma_semaphore, #tpu.memory_space<semaphore_mem>>
          %dma_wait3A_1265 = arith.constant 0 : i32
          %dma_wait3A_1266 = arith.constant 0 : i32
          %dma_wait3A_1267 = tpu.memref_slice %arg5[%add3A_1252, %dma_wait3A_1265, %dma_wait3A_1266] : memref<4096x200x64xf32, #tpu.memory_space<hbm>> -> memref<1x200x64xf32, #tpu.memory_space<hbm>>
          %dma_wait3A_1268 = tpu.memref_squeeze %dma_wait3A_1267 : memref<1x200x64xf32, #tpu.memory_space<hbm>> -> memref<200x64xf32, #tpu.memory_space<hbm>>
          %dma_wait3A_1269 = arith.constant 0 : i32
          %dma_wait3A_1270 = arith.constant 0 : i32
          %dma_wait3A_1271 = tpu.memref_slice %arg7[%dma_wait3A_1253, %dma_wait3A_1269, %dma_wait3A_1270] : memref<8x200x64xf32, #tpu.memory_space<vmem>> -> memref<1x200x64xf32, #tpu.memory_space<vmem>>
          %dma_wait3A_1272 = tpu.memref_squeeze %dma_wait3A_1271 : memref<1x200x64xf32, #tpu.memory_space<vmem>> -> memref<200x64xf32, #tpu.memory_space<vmem>>
          tpu.wait_dma2 semaphore(%dma_wait3A_1264 : memref<!tpu.dma_semaphore, #tpu.memory_space<semaphore_mem>>) src(%dma_wait3A_1272 : memref<200x64xf32, #tpu.memory_space<vmem>>) dst(%dma_wait3A_1268 : memref<200x64xf32, #tpu.memory_space<hbm>>)
        } else {
        }
        %dma_start3A_1219 = arith.constant 4 : i32
        %dma_start3A_1220 = arith.constant 0 : i32
        %dma_start3A_1221 = arith.constant 4 : i32
        %dma_start3A_1222 = arith.constant 4 : i32
        %dma_start3A_1223 = arith.constant 0 : i32
        %dma_start3A_1224 = arith.constant 0 : i32
        %dma_start3A_1225 = tpu.memref_slice %arg7[%dma_start3A_1221, %dma_start3A_1223, %dma_start3A_1224] : memref<8x200x64xf32, #tpu.memory_space<vmem>> -> memref<1x128x64xf32, #tpu.memory_space<vmem>>
        %dma_start3A_1226 = tpu.memref_squeeze %dma_start3A_1225 : memref<1x128x64xf32, #tpu.memory_space<vmem>> -> memref<128x64xf32, #tpu.memory_space<vmem>>
        %dma_start3A_1227 = arith.constant 0 : i32
        %dma_start3A_1228 = tpu.memref_slice %arg6[%dma_start3A_1219, %dma_start3A_1220, %dma_start3A_1227] : memref<8x2x128xi32, #tpu.memory_space<vmem>> -> memref<1x1x128xi32, #tpu.memory_space<vmem>>
        %dma_start3A_1229 = tpu.memref_squeeze %dma_start3A_1228 : memref<1x1x128xi32, #tpu.memory_space<vmem>> -> memref<128xi32, #tpu.memory_space<vmem>>
        %dma_start3A_1230 = arith.constant 0 : i32
        %dma_start3A_1231 = arith.constant 0 : i32
        %dma_start3A_1232 = tpu.memref_slice %arg2[%dma_start3A_1230, %dma_start3A_1231] : memref<1000000x64xf32, #tpu.memory_space<hbm>> -> memref<1000000x64xf32, #tpu.memory_space<hbm>>
        %dma_start3A_1233 = tpu.memref_slice %arg10[%dma_start3A_1222] : memref<8x!tpu.dma_semaphore, #tpu.memory_space<semaphore_mem>> -> memref<1x!tpu.dma_semaphore, #tpu.memory_space<semaphore_mem>>
        %dma_start3A_1234 = tpu.memref_squeeze %dma_start3A_1233 : memref<1x!tpu.dma_semaphore, #tpu.memory_space<semaphore_mem>> -> memref<!tpu.dma_semaphore, #tpu.memory_space<semaphore_mem>>
        tpu.enqueue_indirect_dma source(%dma_start3A_1232 : memref<1000000x64xf32, #tpu.memory_space<hbm>>) target(%dma_start3A_1226 : memref<128x64xf32, #tpu.memory_space<vmem>>) offsets(%dma_start3A_1229 : memref<128xi32, #tpu.memory_space<vmem>>) semaphore(%dma_start3A_1234 : memref<!tpu.dma_semaphore, #tpu.memory_space<semaphore_mem>>)
        %dma_start3A_1235 = arith.constant 4 : i32
        %dma_start3A_1236 = arith.constant 1 : i32
        %dma_start3A_1237 = arith.constant 4 : i32
        %dma_start3A_1238 = arith.constant 4 : i32
        %dma_start3A_1239 = arith.constant 128 : i32
        %dma_start3A_1240 = arith.constant 0 : i32
        %dma_start3A_1241 = tpu.memref_slice %arg7[%dma_start3A_1237, %dma_start3A_1239, %dma_start3A_1240] : memref<8x200x64xf32, #tpu.memory_space<vmem>> -> memref<1x72x64xf32, #tpu.memory_space<vmem>>
        %dma_start3A_1242 = tpu.memref_squeeze %dma_start3A_1241 : memref<1x72x64xf32, #tpu.memory_space<vmem>> -> memref<72x64xf32, #tpu.memory_space<vmem>>
        %dma_start3A_1243 = arith.constant 0 : i32
        %dma_start3A_1244 = tpu.memref_slice %arg6[%dma_start3A_1235, %dma_start3A_1236, %dma_start3A_1243] : memref<8x2x128xi32, #tpu.memory_space<vmem>> -> memref<1x1x72xi32, #tpu.memory_space<vmem>>
        %dma_start3A_1245 = tpu.memref_squeeze %dma_start3A_1244 : memref<1x1x72xi32, #tpu.memory_space<vmem>> -> memref<72xi32, #tpu.memory_space<vmem>>
        %dma_start3A_1246 = arith.constant 0 : i32
        %dma_start3A_1247 = arith.constant 0 : i32
        %dma_start3A_1248 = tpu.memref_slice %arg2[%dma_start3A_1246, %dma_start3A_1247] : memref<1000000x64xf32, #tpu.memory_space<hbm>> -> memref<1000000x64xf32, #tpu.memory_space<hbm>>
        %dma_start3A_1249 = tpu.memref_slice %arg10[%dma_start3A_1238] : memref<8x!tpu.dma_semaphore, #tpu.memory_space<semaphore_mem>> -> memref<1x!tpu.dma_semaphore, #tpu.memory_space<semaphore_mem>>
        %dma_start3A_1250 = tpu.memref_squeeze %dma_start3A_1249 : memref<1x!tpu.dma_semaphore, #tpu.memory_space<semaphore_mem>> -> memref<!tpu.dma_semaphore, #tpu.memory_space<semaphore_mem>>
        tpu.enqueue_indirect_dma source(%dma_start3A_1248 : memref<1000000x64xf32, #tpu.memory_space<hbm>>) target(%dma_start3A_1242 : memref<72x64xf32, #tpu.memory_space<vmem>>) offsets(%dma_start3A_1245 : memref<72xi32, #tpu.memory_space<vmem>>) semaphore(%dma_start3A_1250 : memref<!tpu.dma_semaphore, #tpu.memory_space<semaphore_mem>>)
      } else {
      }
      %dma_wait3A_729 = arith.constant 2 : i32
      %dma_wait3A_730 = arith.constant 0 : i32
      %dma_wait3A_731 = arith.constant 2 : i32
      %dma_wait3A_732 = arith.constant 2 : i32
      %dma_wait3A_733 = arith.constant 0 : i32
      %dma_wait3A_734 = arith.constant 0 : i32
      %dma_wait3A_735 = tpu.memref_slice %arg7[%dma_wait3A_731, %dma_wait3A_733, %dma_wait3A_734] : memref<8x200x64xf32, #tpu.memory_space<vmem>> -> memref<1x128x64xf32, #tpu.memory_space<vmem>>
      %dma_wait3A_736 = tpu.memref_squeeze %dma_wait3A_735 : memref<1x128x64xf32, #tpu.memory_space<vmem>> -> memref<128x64xf32, #tpu.memory_space<vmem>>
      %dma_wait3A_737 = arith.constant 0 : i32
      %dma_wait3A_738 = tpu.memref_slice %arg6[%dma_wait3A_729, %dma_wait3A_730, %dma_wait3A_737] : memref<8x2x128xi32, #tpu.memory_space<vmem>> -> memref<1x1x128xi32, #tpu.memory_space<vmem>>
      %dma_wait3A_739 = tpu.memref_squeeze %dma_wait3A_738 : memref<1x1x128xi32, #tpu.memory_space<vmem>> -> memref<128xi32, #tpu.memory_space<vmem>>
      %dma_wait3A_740 = arith.constant 0 : i32
      %dma_wait3A_741 = arith.constant 0 : i32
      %dma_wait3A_742 = tpu.memref_slice %arg2[%dma_wait3A_740, %dma_wait3A_741] : memref<1000000x64xf32, #tpu.memory_space<hbm>> -> memref<1000000x64xf32, #tpu.memory_space<hbm>>
      %dma_wait3A_743 = tpu.memref_slice %arg10[%dma_wait3A_732] : memref<8x!tpu.dma_semaphore, #tpu.memory_space<semaphore_mem>> -> memref<1x!tpu.dma_semaphore, #tpu.memory_space<semaphore_mem>>
      %dma_wait3A_744 = tpu.memref_squeeze %dma_wait3A_743 : memref<1x!tpu.dma_semaphore, #tpu.memory_space<semaphore_mem>> -> memref<!tpu.dma_semaphore, #tpu.memory_space<semaphore_mem>>
      tpu.wait_indirect_dma semaphore(%dma_wait3A_744 : memref<!tpu.dma_semaphore, #tpu.memory_space<semaphore_mem>>) src(%dma_wait3A_742 : memref<1000000x64xf32, #tpu.memory_space<hbm>>) dst(%dma_wait3A_736 : memref<128x64xf32, #tpu.memory_space<vmem>>)
      %dma_wait3A_745 = arith.constant 2 : i32
      %dma_wait3A_746 = arith.constant 1 : i32
      %dma_wait3A_747 = arith.constant 2 : i32
      %dma_wait3A_748 = arith.constant 2 : i32
      %dma_wait3A_749 = arith.constant 128 : i32
      %dma_wait3A_750 = arith.constant 0 : i32
      %dma_wait3A_751 = tpu.memref_slice %arg7[%dma_wait3A_747, %dma_wait3A_749, %dma_wait3A_750] : memref<8x200x64xf32, #tpu.memory_space<vmem>> -> memref<1x72x64xf32, #tpu.memory_space<vmem>>
      %dma_wait3A_752 = tpu.memref_squeeze %dma_wait3A_751 : memref<1x72x64xf32, #tpu.memory_space<vmem>> -> memref<72x64xf32, #tpu.memory_space<vmem>>
      %dma_wait3A_753 = arith.constant 0 : i32
      %dma_wait3A_754 = tpu.memref_slice %arg6[%dma_wait3A_745, %dma_wait3A_746, %dma_wait3A_753] : memref<8x2x128xi32, #tpu.memory_space<vmem>> -> memref<1x1x72xi32, #tpu.memory_space<vmem>>
      %dma_wait3A_755 = tpu.memref_squeeze %dma_wait3A_754 : memref<1x1x72xi32, #tpu.memory_space<vmem>> -> memref<72xi32, #tpu.memory_space<vmem>>
      %dma_wait3A_756 = arith.constant 0 : i32
      %dma_wait3A_757 = arith.constant 0 : i32
      %dma_wait3A_758 = tpu.memref_slice %arg2[%dma_wait3A_756, %dma_wait3A_757] : memref<1000000x64xf32, #tpu.memory_space<hbm>> -> memref<1000000x64xf32, #tpu.memory_space<hbm>>
      %dma_wait3A_759 = tpu.memref_slice %arg10[%dma_wait3A_748] : memref<8x!tpu.dma_semaphore, #tpu.memory_space<semaphore_mem>> -> memref<1x!tpu.dma_semaphore, #tpu.memory_space<semaphore_mem>>
      %dma_wait3A_760 = tpu.memref_squeeze %dma_wait3A_759 : memref<1x!tpu.dma_semaphore, #tpu.memory_space<semaphore_mem>> -> memref<!tpu.dma_semaphore, #tpu.memory_space<semaphore_mem>>
      tpu.wait_indirect_dma semaphore(%dma_wait3A_760 : memref<!tpu.dma_semaphore, #tpu.memory_space<semaphore_mem>>) src(%dma_wait3A_758 : memref<1000000x64xf32, #tpu.memory_space<hbm>>) dst(%dma_wait3A_752 : memref<72x64xf32, #tpu.memory_space<vmem>>)
      %add3A_761 = arith.constant 8 : i32
      %add3A_762 = arith.addi %add3A_721, %add3A_761 : i32
      %lt3A_763 = arith.constant 128 : i32
      %lt3A_764 = arith.cmpi slt, %add3A_762, %lt3A_763 : i32
      %convert_element_type3A_765 = arith.extui %lt3A_764 : i1 to i32
      %cond3A_766 = arith.constant 0 : i32
      %cond3A_767 = arith.cmpi ne, %convert_element_type3A_765, %cond3A_766 : i32
      scf.if %cond3A_767 {
        %add3A_1180 = arith.constant 8 : i32
        %add3A_1181 = arith.addi %add3A_721, %add3A_1180 : i32
        %add3A_1182 = arith.addi %mul3A_2, %add3A_1181 : i32
        %mul3A_1183 = arith.constant 200 : i32
        %mul3A_1184 = arith.muli %add3A_1182, %mul3A_1183 : i32
        %add3A_1185 = arith.constant 128 : i32
        %add3A_1186 = arith.addi %mul3A_1184, %add3A_1185 : i32
        %dma_start3A_1187 = arith.constant 2 : i32
        %dma_start3A_1188 = arith.constant 0 : i32
        %dma_start3A_1189 = arith.constant 2 : i32
        %dma_start3A_1190 = arith.constant 0 : i32
        %dma_start3A_1191 = tpu.memref_slice %arg6[%dma_start3A_1187, %dma_start3A_1188, %dma_start3A_1190] : memref<8x2x128xi32, #tpu.memory_space<vmem>> -> memref<1x1x128xi32, #tpu.memory_space<vmem>>
        %dma_start3A_1192 = tpu.memref_squeeze %dma_start3A_1191 : memref<1x1x128xi32, #tpu.memory_space<vmem>> -> memref<128xi32, #tpu.memory_space<vmem>>
        %dma_start3A_1193 = tpu.memref_slice %arg3[%mul3A_1184] : memref<819200xi32, #tpu.memory_space<hbm>> -> memref<128xi32, #tpu.memory_space<hbm>>
        %dma_start3A_1194 = tpu.memref_slice %arg9[%dma_start3A_1189] : memref<8x!tpu.dma_semaphore, #tpu.memory_space<semaphore_mem>> -> memref<1x!tpu.dma_semaphore, #tpu.memory_space<semaphore_mem>>
        %dma_start3A_1195 = tpu.memref_squeeze %dma_start3A_1194 : memref<1x!tpu.dma_semaphore, #tpu.memory_space<semaphore_mem>> -> memref<!tpu.dma_semaphore, #tpu.memory_space<semaphore_mem>>
        %dma_start3A_1196 = arith.constant 0 : i32
        %dma_start3A_1197 = tpu.memref_slice %arg6[%dma_start3A_1187, %dma_start3A_1188, %dma_start3A_1196] : memref<8x2x128xi32, #tpu.memory_space<vmem>> -> memref<1x1x128xi32, #tpu.memory_space<vmem>>
        %dma_start3A_1198 = tpu.memref_squeeze %dma_start3A_1197 : memref<1x1x128xi32, #tpu.memory_space<vmem>> -> memref<128xi32, #tpu.memory_space<vmem>>
        %dma_start3A_1199 = tpu.memref_slice %arg3[%mul3A_1184] : memref<819200xi32, #tpu.memory_space<hbm>> -> memref<128xi32, #tpu.memory_space<hbm>>
        tpu.enqueue_dma source(%dma_start3A_1199 : memref<128xi32, #tpu.memory_space<hbm>>) target(%dma_start3A_1198 : memref<128xi32, #tpu.memory_space<vmem>>) target_semaphore(%dma_start3A_1195 : memref<!tpu.dma_semaphore, #tpu.memory_space<semaphore_mem>>)
        %dma_start3A_1200 = arith.constant 2 : i32
        %dma_start3A_1201 = arith.constant 1 : i32
        %dma_start3A_1202 = arith.constant 2 : i32
        %dma_start3A_1203 = arith.constant 0 : i32
        %dma_start3A_1204 = tpu.memref_slice %arg6[%dma_start3A_1200, %dma_start3A_1201, %dma_start3A_1203] : memref<8x2x128xi32, #tpu.memory_space<vmem>> -> memref<1x1x72xi32, #tpu.memory_space<vmem>>
        %dma_start3A_1205 = tpu.memref_squeeze %dma_start3A_1204 : memref<1x1x72xi32, #tpu.memory_space<vmem>> -> memref<72xi32, #tpu.memory_space<vmem>>
        %dma_start3A_1206 = tpu.memref_slice %arg3[%add3A_1186] : memref<819200xi32, #tpu.memory_space<hbm>> -> memref<72xi32, #tpu.memory_space<hbm>>
        %dma_start3A_1207 = tpu.memref_slice %arg9[%dma_start3A_1202] : memref<8x!tpu.dma_semaphore, #tpu.memory_space<semaphore_mem>> -> memref<1x!tpu.dma_semaphore, #tpu.memory_space<semaphore_mem>>
        %dma_start3A_1208 = tpu.memref_squeeze %dma_start3A_1207 : memref<1x!tpu.dma_semaphore, #tpu.memory_space<semaphore_mem>> -> memref<!tpu.dma_semaphore, #tpu.memory_space<semaphore_mem>>
        %dma_start3A_1209 = arith.constant 0 : i32
        %dma_start3A_1210 = tpu.memref_slice %arg6[%dma_start3A_1200, %dma_start3A_1201, %dma_start3A_1209] : memref<8x2x128xi32, #tpu.memory_space<vmem>> -> memref<1x1x72xi32, #tpu.memory_space<vmem>>
        %dma_start3A_1211 = tpu.memref_squeeze %dma_start3A_1210 : memref<1x1x72xi32, #tpu.memory_space<vmem>> -> memref<72xi32, #tpu.memory_space<vmem>>
        %dma_start3A_1212 = tpu.memref_slice %arg3[%add3A_1186] : memref<819200xi32, #tpu.memory_space<hbm>> -> memref<72xi32, #tpu.memory_space<hbm>>
        tpu.enqueue_dma source(%dma_start3A_1212 : memref<72xi32, #tpu.memory_space<hbm>>) target(%dma_start3A_1211 : memref<72xi32, #tpu.memory_space<vmem>>) target_semaphore(%dma_start3A_1208 : memref<!tpu.dma_semaphore, #tpu.memory_space<semaphore_mem>>)
      } else {
      }
      %scan3A_768 = arith.constant 0 : i32
      %scan3A_769 = arith.constant 0 : i32
      %scan3A_770 = arith.constant 50 : i32
      %scan3A_771 = arith.addi %scan3A_769, %scan3A_770 : i32
      %scan3A_772 = arith.constant 1 : i32
      scf.for %scan3A_1180 = %scan3A_769 to %scan3A_771 step %scan3A_772  : i32 {
        %mul3A_1181 = arith.constant 4 : i32
        %mul3A_1182 = arith.muli %scan3A_1180, %mul3A_1181 : i32
        %add3A_1183 = arith.constant 0 : i32
        %add3A_1184 = arith.addi %mul3A_1182, %add3A_1183 : i32
        %get3A = arith.index_cast %add3A_1184 : i32 to index
        %get3A_1185 = arith.constant 0 : index
        %get3A_1186 = tpu.vector_load %arg8[%get3A, %get3A_1185] {strides = array<i32>} : memref<200x64xf32, #tpu.memory_space<vmem>>, vector<1x16xf32>,
        %get3A_1187 = vector.shape_cast %get3A_1186 : vector<1x16xf32> to vector<16xf32>
        %swap3A = arith.constant 2 : i32
        %swap3A_1188 = arith.index_cast %swap3A : i32 to index
        %swap3A_1189 = arith.index_cast %add3A_1184 : i32 to index
        %swap3A_1190 = arith.constant 0 : index
        %swap3A_1191 = tpu.vector_load %arg7[%swap3A_1188, %swap3A_1189, %swap3A_1190] {strides = array<i32>} : memref<8x200x64xf32, #tpu.memory_space<vmem>>, vector<1x1x16xf32>,
        %swap3A_1192 = vector.shape_cast %swap3A_1191 : vector<1x1x16xf32> to vector<16xf32>
        %swap3A_1193 = vector.shape_cast %get3A_1187 : vector<16xf32> to vector<1x1x16xf32>
        tpu.vector_store %arg7[%swap3A_1188, %swap3A_1189, %swap3A_1190], %swap3A_1193 {add = true, strides = array<i32>} : memref<8x200x64xf32, #tpu.memory_space<vmem>>, vector<1x1x16xf32>,
        %get3A_1194 = arith.index_cast %add3A_1184 : i32 to index
        %get3A_1195 = arith.constant 16 : index
        %get3A_1196 = tpu.vector_load %arg8[%get3A_1194, %get3A_1195] {strides = array<i32>} : memref<200x64xf32, #tpu.memory_space<vmem>>, vector<1x16xf32>,
        %get3A_1197 = vector.shape_cast %get3A_1196 : vector<1x16xf32> to vector<16xf32>
        %swap3A_1198 = arith.constant 2 : i32
        %swap3A_1199 = arith.index_cast %swap3A_1198 : i32 to index
        %swap3A_1200 = arith.index_cast %add3A_1184 : i32 to index
        %swap3A_1201 = arith.constant 16 : index
        %swap3A_1202 = tpu.vector_load %arg7[%swap3A_1199, %swap3A_1200, %swap3A_1201] {strides = array<i32>} : memref<8x200x64xf32, #tpu.memory_space<vmem>>, vector<1x1x16xf32>,
        %swap3A_1203 = vector.shape_cast %swap3A_1202 : vector<1x1x16xf32> to vector<16xf32>
        %swap3A_1204 = vector.shape_cast %get3A_1197 : vector<16xf32> to vector<1x1x16xf32>
        tpu.vector_store %arg7[%swap3A_1199, %swap3A_1200, %swap3A_1201], %swap3A_1204 {add = true, strides = array<i32>} : memref<8x200x64xf32, #tpu.memory_space<vmem>>, vector<1x1x16xf32>,
        %get3A_1205 = arith.index_cast %add3A_1184 : i32 to index
        %get3A_1206 = arith.constant 32 : index
        %get3A_1207 = tpu.vector_load %arg8[%get3A_1205, %get3A_1206] {strides = array<i32>} : memref<200x64xf32, #tpu.memory_space<vmem>>, vector<1x16xf32>,
        %get3A_1208 = vector.shape_cast %get3A_1207 : vector<1x16xf32> to vector<16xf32>
        %swap3A_1209 = arith.constant 2 : i32
        %swap3A_1210 = arith.index_cast %swap3A_1209 : i32 to index
        %swap3A_1211 = arith.index_cast %add3A_1184 : i32 to index
        %swap3A_1212 = arith.constant 32 : index
        %swap3A_1213 = tpu.vector_load %arg7[%swap3A_1210, %swap3A_1211, %swap3A_1212] {strides = array<i32>} : memref<8x200x64xf32, #tpu.memory_space<vmem>>, vector<1x1x16xf32>,
        %swap3A_1214 = vector.shape_cast %swap3A_1213 : vector<1x1x16xf32> to vector<16xf32>
        %swap3A_1215 = vector.shape_cast %get3A_1208 : vector<16xf32> to vector<1x1x16xf32>
        tpu.vector_store %arg7[%swap3A_1210, %swap3A_1211, %swap3A_1212], %swap3A_1215 {add = true, strides = array<i32>} : memref<8x200x64xf32, #tpu.memory_space<vmem>>, vector<1x1x16xf32>,
        %get3A_1216 = arith.index_cast %add3A_1184 : i32 to index
        %get3A_1217 = arith.constant 48 : index
        %get3A_1218 = tpu.vector_load %arg8[%get3A_1216, %get3A_1217] {strides = array<i32>} : memref<200x64xf32, #tpu.memory_space<vmem>>, vector<1x16xf32>,
        %get3A_1219 = vector.shape_cast %get3A_1218 : vector<1x16xf32> to vector<16xf32>
        %swap3A_1220 = arith.constant 2 : i32
        %swap3A_1221 = arith.index_cast %swap3A_1220 : i32 to index
        %swap3A_1222 = arith.index_cast %add3A_1184 : i32 to index
        %swap3A_1223 = arith.constant 48 : index
        %swap3A_1224 = tpu.vector_load %arg7[%swap3A_1221, %swap3A_1222, %swap3A_1223] {strides = array<i32>} : memref<8x200x64xf32, #tpu.memory_space<vmem>>, vector<1x1x16xf32>,
        %swap3A_1225 = vector.shape_cast %swap3A_1224 : vector<1x1x16xf32> to vector<16xf32>
        %swap3A_1226 = vector.shape_cast %get3A_1219 : vector<16xf32> to vector<1x1x16xf32>
        tpu.vector_store %arg7[%swap3A_1221, %swap3A_1222, %swap3A_1223], %swap3A_1226 {add = true, strides = array<i32>} : memref<8x200x64xf32, #tpu.memory_space<vmem>>, vector<1x1x16xf32>,
        %mul3A_1227 = arith.constant 4 : i32
        %mul3A_1228 = arith.muli %scan3A_1180, %mul3A_1227 : i32
        %add3A_1229 = arith.constant 1 : i32
        %add3A_1230 = arith.addi %mul3A_1228, %add3A_1229 : i32
        %get3A_1231 = arith.index_cast %add3A_1230 : i32 to index
        %get3A_1232 = arith.constant 0 : index
        %get3A_1233 = tpu.vector_load %arg8[%get3A_1231, %get3A_1232] {strides = array<i32>} : memref<200x64xf32, #tpu.memory_space<vmem>>, vector<1x16xf32>,
        %get3A_1234 = vector.shape_cast %get3A_1233 : vector<1x16xf32> to vector<16xf32>
        %swap3A_1235 = arith.constant 2 : i32
        %swap3A_1236 = arith.index_cast %swap3A_1235 : i32 to index
        %swap3A_1237 = arith.index_cast %add3A_1230 : i32 to index
        %swap3A_1238 = arith.constant 0 : index
        %swap3A_1239 = tpu.vector_load %arg7[%swap3A_1236, %swap3A_1237, %swap3A_1238] {strides = array<i32>} : memref<8x200x64xf32, #tpu.memory_space<vmem>>, vector<1x1x16xf32>,
        %swap3A_1240 = vector.shape_cast %swap3A_1239 : vector<1x1x16xf32> to vector<16xf32>
        %swap3A_1241 = vector.shape_cast %get3A_1234 : vector<16xf32> to vector<1x1x16xf32>
        tpu.vector_store %arg7[%swap3A_1236, %swap3A_1237, %swap3A_1238], %swap3A_1241 {add = true, strides = array<i32>} : memref<8x200x64xf32, #tpu.memory_space<vmem>>, vector<1x1x16xf32>,
        %get3A_1242 = arith.index_cast %add3A_1230 : i32 to index
        %get3A_1243 = arith.constant 16 : index
        %get3A_1244 = tpu.vector_load %arg8[%get3A_1242, %get3A_1243] {strides = array<i32>} : memref<200x64xf32, #tpu.memory_space<vmem>>, vector<1x16xf32>,
        %get3A_1245 = vector.shape_cast %get3A_1244 : vector<1x16xf32> to vector<16xf32>
        %swap3A_1246 = arith.constant 2 : i32
        %swap3A_1247 = arith.index_cast %swap3A_1246 : i32 to index
        %swap3A_1248 = arith.index_cast %add3A_1230 : i32 to index
        %swap3A_1249 = arith.constant 16 : index
        %swap3A_1250 = tpu.vector_load %arg7[%swap3A_1247, %swap3A_1248, %swap3A_1249] {strides = array<i32>} : memref<8x200x64xf32, #tpu.memory_space<vmem>>, vector<1x1x16xf32>,
        %swap3A_1251 = vector.shape_cast %swap3A_1250 : vector<1x1x16xf32> to vector<16xf32>
        %swap3A_1252 = vector.shape_cast %get3A_1245 : vector<16xf32> to vector<1x1x16xf32>
        tpu.vector_store %arg7[%swap3A_1247, %swap3A_1248, %swap3A_1249], %swap3A_1252 {add = true, strides = array<i32>} : memref<8x200x64xf32, #tpu.memory_space<vmem>>, vector<1x1x16xf32>,
        %get3A_1253 = arith.index_cast %add3A_1230 : i32 to index
        %get3A_1254 = arith.constant 32 : index
        %get3A_1255 = tpu.vector_load %arg8[%get3A_1253, %get3A_1254] {strides = array<i32>} : memref<200x64xf32, #tpu.memory_space<vmem>>, vector<1x16xf32>,
        %get3A_1256 = vector.shape_cast %get3A_1255 : vector<1x16xf32> to vector<16xf32>
        %swap3A_1257 = arith.constant 2 : i32
        %swap3A_1258 = arith.index_cast %swap3A_1257 : i32 to index
        %swap3A_1259 = arith.index_cast %add3A_1230 : i32 to index
        %swap3A_1260 = arith.constant 32 : index
        %swap3A_1261 = tpu.vector_load %arg7[%swap3A_1258, %swap3A_1259, %swap3A_1260] {strides = array<i32>} : memref<8x200x64xf32, #tpu.memory_space<vmem>>, vector<1x1x16xf32>,
        %swap3A_1262 = vector.shape_cast %swap3A_1261 : vector<1x1x16xf32> to vector<16xf32>
        %swap3A_1263 = vector.shape_cast %get3A_1256 : vector<16xf32> to vector<1x1x16xf32>
        tpu.vector_store %arg7[%swap3A_1258, %swap3A_1259, %swap3A_1260], %swap3A_1263 {add = true, strides = array<i32>} : memref<8x200x64xf32, #tpu.memory_space<vmem>>, vector<1x1x16xf32>,
        %get3A_1264 = arith.index_cast %add3A_1230 : i32 to index
        %get3A_1265 = arith.constant 48 : index
        %get3A_1266 = tpu.vector_load %arg8[%get3A_1264, %get3A_1265] {strides = array<i32>} : memref<200x64xf32, #tpu.memory_space<vmem>>, vector<1x16xf32>,
        %get3A_1267 = vector.shape_cast %get3A_1266 : vector<1x16xf32> to vector<16xf32>
        %swap3A_1268 = arith.constant 2 : i32
        %swap3A_1269 = arith.index_cast %swap3A_1268 : i32 to index
        %swap3A_1270 = arith.index_cast %add3A_1230 : i32 to index
        %swap3A_1271 = arith.constant 48 : index
        %swap3A_1272 = tpu.vector_load %arg7[%swap3A_1269, %swap3A_1270, %swap3A_1271] {strides = array<i32>} : memref<8x200x64xf32, #tpu.memory_space<vmem>>, vector<1x1x16xf32>,
        %swap3A_1273 = vector.shape_cast %swap3A_1272 : vector<1x1x16xf32> to vector<16xf32>
        %swap3A_1274 = vector.shape_cast %get3A_1267 : vector<16xf32> to vector<1x1x16xf32>
        tpu.vector_store %arg7[%swap3A_1269, %swap3A_1270, %swap3A_1271], %swap3A_1274 {add = true, strides = array<i32>} : memref<8x200x64xf32, #tpu.memory_space<vmem>>, vector<1x1x16xf32>,
        %mul3A_1275 = arith.constant 4 : i32
        %mul3A_1276 = arith.muli %scan3A_1180, %mul3A_1275 : i32
        %add3A_1277 = arith.constant 2 : i32
        %add3A_1278 = arith.addi %mul3A_1276, %add3A_1277 : i32
        %get3A_1279 = arith.index_cast %add3A_1278 : i32 to index
        %get3A_1280 = arith.constant 0 : index
        %get3A_1281 = tpu.vector_load %arg8[%get3A_1279, %get3A_1280] {strides = array<i32>} : memref<200x64xf32, #tpu.memory_space<vmem>>, vector<1x16xf32>,
        %get3A_1282 = vector.shape_cast %get3A_1281 : vector<1x16xf32> to vector<16xf32>
        %swap3A_1283 = arith.constant 2 : i32
        %swap3A_1284 = arith.index_cast %swap3A_1283 : i32 to index
        %swap3A_1285 = arith.index_cast %add3A_1278 : i32 to index
        %swap3A_1286 = arith.constant 0 : index
        %swap3A_1287 = tpu.vector_load %arg7[%swap3A_1284, %swap3A_1285, %swap3A_1286] {strides = array<i32>} : memref<8x200x64xf32, #tpu.memory_space<vmem>>, vector<1x1x16xf32>,
        %swap3A_1288 = vector.shape_cast %swap3A_1287 : vector<1x1x16xf32> to vector<16xf32>
        %swap3A_1289 = vector.shape_cast %get3A_1282 : vector<16xf32> to vector<1x1x16xf32>
        tpu.vector_store %arg7[%swap3A_1284, %swap3A_1285, %swap3A_1286], %swap3A_1289 {add = true, strides = array<i32>} : memref<8x200x64xf32, #tpu.memory_space<vmem>>, vector<1x1x16xf32>,
        %get3A_1290 = arith.index_cast %add3A_1278 : i32 to index
        %get3A_1291 = arith.constant 16 : index
        %get3A_1292 = tpu.vector_load %arg8[%get3A_1290, %get3A_1291] {strides = array<i32>} : memref<200x64xf32, #tpu.memory_space<vmem>>, vector<1x16xf32>,
        %get3A_1293 = vector.shape_cast %get3A_1292 : vector<1x16xf32> to vector<16xf32>
        %swap3A_1294 = arith.constant 2 : i32
        %swap3A_1295 = arith.index_cast %swap3A_1294 : i32 to index
        %swap3A_1296 = arith.index_cast %add3A_1278 : i32 to index
        %swap3A_1297 = arith.constant 16 : index
        %swap3A_1298 = tpu.vector_load %arg7[%swap3A_1295, %swap3A_1296, %swap3A_1297] {strides = array<i32>} : memref<8x200x64xf32, #tpu.memory_space<vmem>>, vector<1x1x16xf32>,
        %swap3A_1299 = vector.shape_cast %swap3A_1298 : vector<1x1x16xf32> to vector<16xf32>
        %swap3A_1300 = vector.shape_cast %get3A_1293 : vector<16xf32> to vector<1x1x16xf32>
        tpu.vector_store %arg7[%swap3A_1295, %swap3A_1296, %swap3A_1297], %swap3A_1300 {add = true, strides = array<i32>} : memref<8x200x64xf32, #tpu.memory_space<vmem>>, vector<1x1x16xf32>,
        %get3A_1301 = arith.index_cast %add3A_1278 : i32 to index
        %get3A_1302 = arith.constant 32 : index
        %get3A_1303 = tpu.vector_load %arg8[%get3A_1301, %get3A_1302] {strides = array<i32>} : memref<200x64xf32, #tpu.memory_space<vmem>>, vector<1x16xf32>,
        %get3A_1304 = vector.shape_cast %get3A_1303 : vector<1x16xf32> to vector<16xf32>
        %swap3A_1305 = arith.constant 2 : i32
        %swap3A_1306 = arith.index_cast %swap3A_1305 : i32 to index
        %swap3A_1307 = arith.index_cast %add3A_1278 : i32 to index
        %swap3A_1308 = arith.constant 32 : index
        %swap3A_1309 = tpu.vector_load %arg7[%swap3A_1306, %swap3A_1307, %swap3A_1308] {strides = array<i32>} : memref<8x200x64xf32, #tpu.memory_space<vmem>>, vector<1x1x16xf32>,
        %swap3A_1310 = vector.shape_cast %swap3A_1309 : vector<1x1x16xf32> to vector<16xf32>
        %swap3A_1311 = vector.shape_cast %get3A_1304 : vector<16xf32> to vector<1x1x16xf32>
        tpu.vector_store %arg7[%swap3A_1306, %swap3A_1307, %swap3A_1308], %swap3A_1311 {add = true, strides = array<i32>} : memref<8x200x64xf32, #tpu.memory_space<vmem>>, vector<1x1x16xf32>,
        %get3A_1312 = arith.index_cast %add3A_1278 : i32 to index
        %get3A_1313 = arith.constant 48 : index
        %get3A_1314 = tpu.vector_load %arg8[%get3A_1312, %get3A_1313] {strides = array<i32>} : memref<200x64xf32, #tpu.memory_space<vmem>>, vector<1x16xf32>,
        %get3A_1315 = vector.shape_cast %get3A_1314 : vector<1x16xf32> to vector<16xf32>
        %swap3A_1316 = arith.constant 2 : i32
        %swap3A_1317 = arith.index_cast %swap3A_1316 : i32 to index
        %swap3A_1318 = arith.index_cast %add3A_1278 : i32 to index
        %swap3A_1319 = arith.constant 48 : index
        %swap3A_1320 = tpu.vector_load %arg7[%swap3A_1317, %swap3A_1318, %swap3A_1319] {strides = array<i32>} : memref<8x200x64xf32, #tpu.memory_space<vmem>>, vector<1x1x16xf32>,
        %swap3A_1321 = vector.shape_cast %swap3A_1320 : vector<1x1x16xf32> to vector<16xf32>
        %swap3A_1322 = vector.shape_cast %get3A_1315 : vector<16xf32> to vector<1x1x16xf32>
        tpu.vector_store %arg7[%swap3A_1317, %swap3A_1318, %swap3A_1319], %swap3A_1322 {add = true, strides = array<i32>} : memref<8x200x64xf32, #tpu.memory_space<vmem>>, vector<1x1x16xf32>,
        %mul3A_1323 = arith.constant 4 : i32
        %mul3A_1324 = arith.muli %scan3A_1180, %mul3A_1323 : i32
        %add3A_1325 = arith.constant 3 : i32
        %add3A_1326 = arith.addi %mul3A_1324, %add3A_1325 : i32
        %get3A_1327 = arith.index_cast %add3A_1326 : i32 to index
        %get3A_1328 = arith.constant 0 : index
        %get3A_1329 = tpu.vector_load %arg8[%get3A_1327, %get3A_1328] {strides = array<i32>} : memref<200x64xf32, #tpu.memory_space<vmem>>, vector<1x16xf32>,
        %get3A_1330 = vector.shape_cast %get3A_1329 : vector<1x16xf32> to vector<16xf32>
        %swap3A_1331 = arith.constant 2 : i32
        %swap3A_1332 = arith.index_cast %swap3A_1331 : i32 to index
        %swap3A_1333 = arith.index_cast %add3A_1326 : i32 to index
        %swap3A_1334 = arith.constant 0 : index
        %swap3A_1335 = tpu.vector_load %arg7[%swap3A_1332, %swap3A_1333, %swap3A_1334] {strides = array<i32>} : memref<8x200x64xf32, #tpu.memory_space<vmem>>, vector<1x1x16xf32>,
        %swap3A_1336 = vector.shape_cast %swap3A_1335 : vector<1x1x16xf32> to vector<16xf32>
        %swap3A_1337 = vector.shape_cast %get3A_1330 : vector<16xf32> to vector<1x1x16xf32>
        tpu.vector_store %arg7[%swap3A_1332, %swap3A_1333, %swap3A_1334], %swap3A_1337 {add = true, strides = array<i32>} : memref<8x200x64xf32, #tpu.memory_space<vmem>>, vector<1x1x16xf32>,
        %get3A_1338 = arith.index_cast %add3A_1326 : i32 to index
        %get3A_1339 = arith.constant 16 : index
        %get3A_1340 = tpu.vector_load %arg8[%get3A_1338, %get3A_1339] {strides = array<i32>} : memref<200x64xf32, #tpu.memory_space<vmem>>, vector<1x16xf32>,
        %get3A_1341 = vector.shape_cast %get3A_1340 : vector<1x16xf32> to vector<16xf32>
        %swap3A_1342 = arith.constant 2 : i32
        %swap3A_1343 = arith.index_cast %swap3A_1342 : i32 to index
        %swap3A_1344 = arith.index_cast %add3A_1326 : i32 to index
        %swap3A_1345 = arith.constant 16 : index
        %swap3A_1346 = tpu.vector_load %arg7[%swap3A_1343, %swap3A_1344, %swap3A_1345] {strides = array<i32>} : memref<8x200x64xf32, #tpu.memory_space<vmem>>, vector<1x1x16xf32>,
        %swap3A_1347 = vector.shape_cast %swap3A_1346 : vector<1x1x16xf32> to vector<16xf32>
        %swap3A_1348 = vector.shape_cast %get3A_1341 : vector<16xf32> to vector<1x1x16xf32>
        tpu.vector_store %arg7[%swap3A_1343, %swap3A_1344, %swap3A_1345], %swap3A_1348 {add = true, strides = array<i32>} : memref<8x200x64xf32, #tpu.memory_space<vmem>>, vector<1x1x16xf32>,
        %get3A_1349 = arith.index_cast %add3A_1326 : i32 to index
        %get3A_1350 = arith.constant 32 : index
        %get3A_1351 = tpu.vector_load %arg8[%get3A_1349, %get3A_1350] {strides = array<i32>} : memref<200x64xf32, #tpu.memory_space<vmem>>, vector<1x16xf32>,
        %get3A_1352 = vector.shape_cast %get3A_1351 : vector<1x16xf32> to vector<16xf32>
        %swap3A_1353 = arith.constant 2 : i32
        %swap3A_1354 = arith.index_cast %swap3A_1353 : i32 to index
        %swap3A_1355 = arith.index_cast %add3A_1326 : i32 to index
        %swap3A_1356 = arith.constant 32 : index
        %swap3A_1357 = tpu.vector_load %arg7[%swap3A_1354, %swap3A_1355, %swap3A_1356] {strides = array<i32>} : memref<8x200x64xf32, #tpu.memory_space<vmem>>, vector<1x1x16xf32>,
        %swap3A_1358 = vector.shape_cast %swap3A_1357 : vector<1x1x16xf32> to vector<16xf32>
        %swap3A_1359 = vector.shape_cast %get3A_1352 : vector<16xf32> to vector<1x1x16xf32>
        tpu.vector_store %arg7[%swap3A_1354, %swap3A_1355, %swap3A_1356], %swap3A_1359 {add = true, strides = array<i32>} : memref<8x200x64xf32, #tpu.memory_space<vmem>>, vector<1x1x16xf32>,
        %get3A_1360 = arith.index_cast %add3A_1326 : i32 to index
        %get3A_1361 = arith.constant 48 : index
        %get3A_1362 = tpu.vector_load %arg8[%get3A_1360, %get3A_1361] {strides = array<i32>} : memref<200x64xf32, #tpu.memory_space<vmem>>, vector<1x16xf32>,
        %get3A_1363 = vector.shape_cast %get3A_1362 : vector<1x16xf32> to vector<16xf32>
        %swap3A_1364 = arith.constant 2 : i32
        %swap3A_1365 = arith.index_cast %swap3A_1364 : i32 to index
        %swap3A_1366 = arith.index_cast %add3A_1326 : i32 to index
        %swap3A_1367 = arith.constant 48 : index
        %swap3A_1368 = tpu.vector_load %arg7[%swap3A_1365, %swap3A_1366, %swap3A_1367] {strides = array<i32>} : memref<8x200x64xf32, #tpu.memory_space<vmem>>, vector<1x1x16xf32>,
        %swap3A_1369 = vector.shape_cast %swap3A_1368 : vector<1x1x16xf32> to vector<16xf32>
        %swap3A_1370 = vector.shape_cast %get3A_1363 : vector<16xf32> to vector<1x1x16xf32>
        tpu.vector_store %arg7[%swap3A_1365, %swap3A_1366, %swap3A_1367], %swap3A_1370 {add = true, strides = array<i32>} : memref<8x200x64xf32, #tpu.memory_space<vmem>>, vector<1x1x16xf32>,
      }
      %scan3A_773 = arith.constant 50 : i32
      %add3A_774 = arith.addi %mul3A_2, %add3A_721 : i32
      %dma_start3A_775 = arith.constant 2 : i32
      %dma_start3A_776 = arith.constant 2 : i32
      %dma_start3A_777 = arith.constant 0 : i32
      %dma_start3A_778 = arith.constant 0 : i32
      %dma_start3A_779 = tpu.memref_slice %arg7[%dma_start3A_775, %dma_start3A_777, %dma_start3A_778] : memref<8x200x64xf32, #tpu.memory_space<vmem>> -> memref<1x200x64xf32, #tpu.memory_space<vmem>>
      %dma_start3A_780 = tpu.memref_squeeze %dma_start3A_779 : memref<1x200x64xf32, #tpu.memory_space<vmem>> -> memref<200x64xf32, #tpu.memory_space<vmem>>
      %dma_start3A_781 = arith.constant 0 : i32
      %dma_start3A_782 = arith.constant 0 : i32
      %dma_start3A_783 = tpu.memref_slice %arg5[%add3A_774, %dma_start3A_781, %dma_start3A_782] : memref<4096x200x64xf32, #tpu.memory_space<hbm>> -> memref<1x200x64xf32, #tpu.memory_space<hbm>>
      %dma_start3A_784 = tpu.memref_squeeze %dma_start3A_783 : memref<1x200x64xf32, #tpu.memory_space<hbm>> -> memref<200x64xf32, #tpu.memory_space<hbm>>
      %dma_start3A_785 = tpu.memref_slice %arg11[%dma_start3A_776] : memref<8x!tpu.dma_semaphore, #tpu.memory_space<semaphore_mem>> -> memref<1x!tpu.dma_semaphore, #tpu.memory_space<semaphore_mem>>
      %dma_start3A_786 = tpu.memref_squeeze %dma_start3A_785 : memref<1x!tpu.dma_semaphore, #tpu.memory_space<semaphore_mem>> -> memref<!tpu.dma_semaphore, #tpu.memory_space<semaphore_mem>>
      %dma_start3A_787 = arith.constant 0 : i32
      %dma_start3A_788 = arith.constant 0 : i32
      %dma_start3A_789 = tpu.memref_slice %arg5[%add3A_774, %dma_start3A_787, %dma_start3A_788] : memref<4096x200x64xf32, #tpu.memory_space<hbm>> -> memref<1x200x64xf32, #tpu.memory_space<hbm>>
      %dma_start3A_790 = tpu.memref_squeeze %dma_start3A_789 : memref<1x200x64xf32, #tpu.memory_space<hbm>> -> memref<200x64xf32, #tpu.memory_space<hbm>>
      %dma_start3A_791 = arith.constant 0 : i32
      %dma_start3A_792 = arith.constant 0 : i32
      %dma_start3A_793 = tpu.memref_slice %arg7[%dma_start3A_775, %dma_start3A_791, %dma_start3A_792] : memref<8x200x64xf32, #tpu.memory_space<vmem>> -> memref<1x200x64xf32, #tpu.memory_space<vmem>>
      %dma_start3A_794 = tpu.memref_squeeze %dma_start3A_793 : memref<1x200x64xf32, #tpu.memory_space<vmem>> -> memref<200x64xf32, #tpu.memory_space<vmem>>
      tpu.enqueue_dma source(%dma_start3A_794 : memref<200x64xf32, #tpu.memory_space<vmem>>) target(%dma_start3A_790 : memref<200x64xf32, #tpu.memory_space<hbm>>) target_semaphore(%dma_start3A_786 : memref<!tpu.dma_semaphore, #tpu.memory_space<semaphore_mem>>)
      %mul3A_795 = arith.constant 8 : i32
      %mul3A_796 = arith.muli %scan3A_566, %mul3A_795 : i32
      %add3A_797 = arith.constant 3 : i32
      %add3A_798 = arith.addi %mul3A_796, %add3A_797 : i32
      %add3A_799 = arith.constant 2 : i32
      %add3A_800 = arith.addi %add3A_798, %add3A_799 : i32
      %lt3A_801 = arith.constant 128 : i32
      %lt3A_802 = arith.cmpi slt, %add3A_800, %lt3A_801 : i32
      %convert_element_type3A_803 = arith.extui %lt3A_802 : i1 to i32
      %cond3A_804 = arith.constant 0 : i32
      %cond3A_805 = arith.cmpi ne, %convert_element_type3A_803, %cond3A_804 : i32
      scf.if %cond3A_805 {
        %add3A_1180 = arith.constant 2 : i32
        %add3A_1181 = arith.addi %add3A_798, %add3A_1180 : i32
        %add3A_1182 = arith.addi %mul3A_2, %add3A_1181 : i32
        %mul3A_1183 = arith.constant 200 : i32
        %mul3A_1184 = arith.muli %add3A_1182, %mul3A_1183 : i32
        %add3A_1185 = arith.constant 128 : i32
        %add3A_1186 = arith.addi %mul3A_1184, %add3A_1185 : i32
        %dma_wait3A_1187 = arith.constant 5 : i32
        %dma_wait3A_1188 = arith.constant 0 : i32
        %dma_wait3A_1189 = arith.constant 5 : i32
        %dma_wait3A_1190 = arith.constant 0 : i32
        %dma_wait3A_1191 = tpu.memref_slice %arg6[%dma_wait3A_1187, %dma_wait3A_1188, %dma_wait3A_1190] : memref<8x2x128xi32, #tpu.memory_space<vmem>> -> memref<1x1x128xi32, #tpu.memory_space<vmem>>
        %dma_wait3A_1192 = tpu.memref_squeeze %dma_wait3A_1191 : memref<1x1x128xi32, #tpu.memory_space<vmem>> -> memref<128xi32, #tpu.memory_space<vmem>>
        %dma_wait3A_1193 = tpu.memref_slice %arg3[%mul3A_1184] : memref<819200xi32, #tpu.memory_space<hbm>> -> memref<128xi32, #tpu.memory_space<hbm>>
        %dma_wait3A_1194 = tpu.memref_slice %arg9[%dma_wait3A_1189] : memref<8x!tpu.dma_semaphore, #tpu.memory_space<semaphore_mem>> -> memref<1x!tpu.dma_semaphore, #tpu.memory_space<semaphore_mem>>
        %dma_wait3A_1195 = tpu.memref_squeeze %dma_wait3A_1194 : memref<1x!tpu.dma_semaphore, #tpu.memory_space<semaphore_mem>> -> memref<!tpu.dma_semaphore, #tpu.memory_space<semaphore_mem>>
        %dma_wait3A_1196 = arith.constant 0 : i32
        %dma_wait3A_1197 = tpu.memref_slice %arg6[%dma_wait3A_1187, %dma_wait3A_1188, %dma_wait3A_1196] : memref<8x2x128xi32, #tpu.memory_space<vmem>> -> memref<1x1x128xi32, #tpu.memory_space<vmem>>
        %dma_wait3A_1198 = tpu.memref_squeeze %dma_wait3A_1197 : memref<1x1x128xi32, #tpu.memory_space<vmem>> -> memref<128xi32, #tpu.memory_space<vmem>>
        %dma_wait3A_1199 = tpu.memref_slice %arg3[%mul3A_1184] : memref<819200xi32, #tpu.memory_space<hbm>> -> memref<128xi32, #tpu.memory_space<hbm>>
        tpu.wait_dma2 semaphore(%dma_wait3A_1195 : memref<!tpu.dma_semaphore, #tpu.memory_space<semaphore_mem>>) src(%dma_wait3A_1199 : memref<128xi32, #tpu.memory_space<hbm>>) dst(%dma_wait3A_1198 : memref<128xi32, #tpu.memory_space<vmem>>)
        %dma_wait3A_1200 = arith.constant 5 : i32
        %dma_wait3A_1201 = arith.constant 1 : i32
        %dma_wait3A_1202 = arith.constant 5 : i32
        %dma_wait3A_1203 = arith.constant 0 : i32
        %dma_wait3A_1204 = tpu.memref_slice %arg6[%dma_wait3A_1200, %dma_wait3A_1201, %dma_wait3A_1203] : memref<8x2x128xi32, #tpu.memory_space<vmem>> -> memref<1x1x72xi32, #tpu.memory_space<vmem>>
        %dma_wait3A_1205 = tpu.memref_squeeze %dma_wait3A_1204 : memref<1x1x72xi32, #tpu.memory_space<vmem>> -> memref<72xi32, #tpu.memory_space<vmem>>
        %dma_wait3A_1206 = tpu.memref_slice %arg3[%add3A_1186] : memref<819200xi32, #tpu.memory_space<hbm>> -> memref<72xi32, #tpu.memory_space<hbm>>
        %dma_wait3A_1207 = tpu.memref_slice %arg9[%dma_wait3A_1202] : memref<8x!tpu.dma_semaphore, #tpu.memory_space<semaphore_mem>> -> memref<1x!tpu.dma_semaphore, #tpu.memory_space<semaphore_mem>>
        %dma_wait3A_1208 = tpu.memref_squeeze %dma_wait3A_1207 : memref<1x!tpu.dma_semaphore, #tpu.memory_space<semaphore_mem>> -> memref<!tpu.dma_semaphore, #tpu.memory_space<semaphore_mem>>
        %dma_wait3A_1209 = arith.constant 0 : i32
        %dma_wait3A_1210 = tpu.memref_slice %arg6[%dma_wait3A_1200, %dma_wait3A_1201, %dma_wait3A_1209] : memref<8x2x128xi32, #tpu.memory_space<vmem>> -> memref<1x1x72xi32, #tpu.memory_space<vmem>>
        %dma_wait3A_1211 = tpu.memref_squeeze %dma_wait3A_1210 : memref<1x1x72xi32, #tpu.memory_space<vmem>> -> memref<72xi32, #tpu.memory_space<vmem>>
        %dma_wait3A_1212 = tpu.memref_slice %arg3[%add3A_1186] : memref<819200xi32, #tpu.memory_space<hbm>> -> memref<72xi32, #tpu.memory_space<hbm>>
        tpu.wait_dma2 semaphore(%dma_wait3A_1208 : memref<!tpu.dma_semaphore, #tpu.memory_space<semaphore_mem>>) src(%dma_wait3A_1212 : memref<72xi32, #tpu.memory_space<hbm>>) dst(%dma_wait3A_1211 : memref<72xi32, #tpu.memory_space<vmem>>)
        %add3A_1213 = arith.constant 2 : i32
        %add3A_1214 = arith.addi %add3A_798, %add3A_1213 : i32
        %ge3A = arith.constant 8 : i32
        %ge3A_1215 = arith.cmpi sge, %add3A_1214, %ge3A : i32
        %convert_element_type3A_1216 = arith.extui %ge3A_1215 : i1 to i32
        %cond3A_1217 = arith.constant 0 : i32
        %cond3A_1218 = arith.cmpi ne, %convert_element_type3A_1216, %cond3A_1217 : i32
        scf.if %cond3A_1218 {
          %add3A_1251 = arith.constant 0 : i32
          %add3A_1252 = arith.addi %mul3A_2, %add3A_1251 : i32
          %dma_wait3A_1253 = arith.constant 5 : i32
          %dma_wait3A_1254 = arith.constant 5 : i32
          %dma_wait3A_1255 = arith.constant 0 : i32
          %dma_wait3A_1256 = arith.constant 0 : i32
          %dma_wait3A_1257 = tpu.memref_slice %arg7[%dma_wait3A_1253, %dma_wait3A_1255, %dma_wait3A_1256] : memref<8x200x64xf32, #tpu.memory_space<vmem>> -> memref<1x200x64xf32, #tpu.memory_space<vmem>>
          %dma_wait3A_1258 = tpu.memref_squeeze %dma_wait3A_1257 : memref<1x200x64xf32, #tpu.memory_space<vmem>> -> memref<200x64xf32, #tpu.memory_space<vmem>>
          %dma_wait3A_1259 = arith.constant 0 : i32
          %dma_wait3A_1260 = arith.constant 0 : i32
          %dma_wait3A_1261 = tpu.memref_slice %arg5[%add3A_1252, %dma_wait3A_1259, %dma_wait3A_1260] : memref<4096x200x64xf32, #tpu.memory_space<hbm>> -> memref<1x200x64xf32, #tpu.memory_space<hbm>>
          %dma_wait3A_1262 = tpu.memref_squeeze %dma_wait3A_1261 : memref<1x200x64xf32, #tpu.memory_space<hbm>> -> memref<200x64xf32, #tpu.memory_space<hbm>>
          %dma_wait3A_1263 = tpu.memref_slice %arg11[%dma_wait3A_1254] : memref<8x!tpu.dma_semaphore, #tpu.memory_space<semaphore_mem>> -> memref<1x!tpu.dma_semaphore, #tpu.memory_space<semaphore_mem>>
          %dma_wait3A_1264 = tpu.memref_squeeze %dma_wait3A_1263 : memref<1x!tpu.dma_semaphore, #tpu.memory_space<semaphore_mem>> -> memref<!tpu.dma_semaphore, #tpu.memory_space<semaphore_mem>>
          %dma_wait3A_1265 = arith.constant 0 : i32
          %dma_wait3A_1266 = arith.constant 0 : i32
          %dma_wait3A_1267 = tpu.memref_slice %arg5[%add3A_1252, %dma_wait3A_1265, %dma_wait3A_1266] : memref<4096x200x64xf32, #tpu.memory_space<hbm>> -> memref<1x200x64xf32, #tpu.memory_space<hbm>>
          %dma_wait3A_1268 = tpu.memref_squeeze %dma_wait3A_1267 : memref<1x200x64xf32, #tpu.memory_space<hbm>> -> memref<200x64xf32, #tpu.memory_space<hbm>>
          %dma_wait3A_1269 = arith.constant 0 : i32
          %dma_wait3A_1270 = arith.constant 0 : i32
          %dma_wait3A_1271 = tpu.memref_slice %arg7[%dma_wait3A_1253, %dma_wait3A_1269, %dma_wait3A_1270] : memref<8x200x64xf32, #tpu.memory_space<vmem>> -> memref<1x200x64xf32, #tpu.memory_space<vmem>>
          %dma_wait3A_1272 = tpu.memref_squeeze %dma_wait3A_1271 : memref<1x200x64xf32, #tpu.memory_space<vmem>> -> memref<200x64xf32, #tpu.memory_space<vmem>>
          tpu.wait_dma2 semaphore(%dma_wait3A_1264 : memref<!tpu.dma_semaphore, #tpu.memory_space<semaphore_mem>>) src(%dma_wait3A_1272 : memref<200x64xf32, #tpu.memory_space<vmem>>) dst(%dma_wait3A_1268 : memref<200x64xf32, #tpu.memory_space<hbm>>)
        } else {
        }
        %dma_start3A_1219 = arith.constant 5 : i32
        %dma_start3A_1220 = arith.constant 0 : i32
        %dma_start3A_1221 = arith.constant 5 : i32
        %dma_start3A_1222 = arith.constant 5 : i32
        %dma_start3A_1223 = arith.constant 0 : i32
        %dma_start3A_1224 = arith.constant 0 : i32
        %dma_start3A_1225 = tpu.memref_slice %arg7[%dma_start3A_1221, %dma_start3A_1223, %dma_start3A_1224] : memref<8x200x64xf32, #tpu.memory_space<vmem>> -> memref<1x128x64xf32, #tpu.memory_space<vmem>>
        %dma_start3A_1226 = tpu.memref_squeeze %dma_start3A_1225 : memref<1x128x64xf32, #tpu.memory_space<vmem>> -> memref<128x64xf32, #tpu.memory_space<vmem>>
        %dma_start3A_1227 = arith.constant 0 : i32
        %dma_start3A_1228 = tpu.memref_slice %arg6[%dma_start3A_1219, %dma_start3A_1220, %dma_start3A_1227] : memref<8x2x128xi32, #tpu.memory_space<vmem>> -> memref<1x1x128xi32, #tpu.memory_space<vmem>>
        %dma_start3A_1229 = tpu.memref_squeeze %dma_start3A_1228 : memref<1x1x128xi32, #tpu.memory_space<vmem>> -> memref<128xi32, #tpu.memory_space<vmem>>
        %dma_start3A_1230 = arith.constant 0 : i32
        %dma_start3A_1231 = arith.constant 0 : i32
        %dma_start3A_1232 = tpu.memref_slice %arg2[%dma_start3A_1230, %dma_start3A_1231] : memref<1000000x64xf32, #tpu.memory_space<hbm>> -> memref<1000000x64xf32, #tpu.memory_space<hbm>>
        %dma_start3A_1233 = tpu.memref_slice %arg10[%dma_start3A_1222] : memref<8x!tpu.dma_semaphore, #tpu.memory_space<semaphore_mem>> -> memref<1x!tpu.dma_semaphore, #tpu.memory_space<semaphore_mem>>
        %dma_start3A_1234 = tpu.memref_squeeze %dma_start3A_1233 : memref<1x!tpu.dma_semaphore, #tpu.memory_space<semaphore_mem>> -> memref<!tpu.dma_semaphore, #tpu.memory_space<semaphore_mem>>
        tpu.enqueue_indirect_dma source(%dma_start3A_1232 : memref<1000000x64xf32, #tpu.memory_space<hbm>>) target(%dma_start3A_1226 : memref<128x64xf32, #tpu.memory_space<vmem>>) offsets(%dma_start3A_1229 : memref<128xi32, #tpu.memory_space<vmem>>) semaphore(%dma_start3A_1234 : memref<!tpu.dma_semaphore, #tpu.memory_space<semaphore_mem>>)
        %dma_start3A_1235 = arith.constant 5 : i32
        %dma_start3A_1236 = arith.constant 1 : i32
        %dma_start3A_1237 = arith.constant 5 : i32
        %dma_start3A_1238 = arith.constant 5 : i32
        %dma_start3A_1239 = arith.constant 128 : i32
        %dma_start3A_1240 = arith.constant 0 : i32
        %dma_start3A_1241 = tpu.memref_slice %arg7[%dma_start3A_1237, %dma_start3A_1239, %dma_start3A_1240] : memref<8x200x64xf32, #tpu.memory_space<vmem>> -> memref<1x72x64xf32, #tpu.memory_space<vmem>>
        %dma_start3A_1242 = tpu.memref_squeeze %dma_start3A_1241 : memref<1x72x64xf32, #tpu.memory_space<vmem>> -> memref<72x64xf32, #tpu.memory_space<vmem>>
        %dma_start3A_1243 = arith.constant 0 : i32
        %dma_start3A_1244 = tpu.memref_slice %arg6[%dma_start3A_1235, %dma_start3A_1236, %dma_start3A_1243] : memref<8x2x128xi32, #tpu.memory_space<vmem>> -> memref<1x1x72xi32, #tpu.memory_space<vmem>>
        %dma_start3A_1245 = tpu.memref_squeeze %dma_start3A_1244 : memref<1x1x72xi32, #tpu.memory_space<vmem>> -> memref<72xi32, #tpu.memory_space<vmem>>
        %dma_start3A_1246 = arith.constant 0 : i32
        %dma_start3A_1247 = arith.constant 0 : i32
        %dma_start3A_1248 = tpu.memref_slice %arg2[%dma_start3A_1246, %dma_start3A_1247] : memref<1000000x64xf32, #tpu.memory_space<hbm>> -> memref<1000000x64xf32, #tpu.memory_space<hbm>>
        %dma_start3A_1249 = tpu.memref_slice %arg10[%dma_start3A_1238] : memref<8x!tpu.dma_semaphore, #tpu.memory_space<semaphore_mem>> -> memref<1x!tpu.dma_semaphore, #tpu.memory_space<semaphore_mem>>
        %dma_start3A_1250 = tpu.memref_squeeze %dma_start3A_1249 : memref<1x!tpu.dma_semaphore, #tpu.memory_space<semaphore_mem>> -> memref<!tpu.dma_semaphore, #tpu.memory_space<semaphore_mem>>
        tpu.enqueue_indirect_dma source(%dma_start3A_1248 : memref<1000000x64xf32, #tpu.memory_space<hbm>>) target(%dma_start3A_1242 : memref<72x64xf32, #tpu.memory_space<vmem>>) offsets(%dma_start3A_1245 : memref<72xi32, #tpu.memory_space<vmem>>) semaphore(%dma_start3A_1250 : memref<!tpu.dma_semaphore, #tpu.memory_space<semaphore_mem>>)
      } else {
      }
      %dma_wait3A_806 = arith.constant 3 : i32
      %dma_wait3A_807 = arith.constant 0 : i32
      %dma_wait3A_808 = arith.constant 3 : i32
      %dma_wait3A_809 = arith.constant 3 : i32
      %dma_wait3A_810 = arith.constant 0 : i32
      %dma_wait3A_811 = arith.constant 0 : i32
      %dma_wait3A_812 = tpu.memref_slice %arg7[%dma_wait3A_808, %dma_wait3A_810, %dma_wait3A_811] : memref<8x200x64xf32, #tpu.memory_space<vmem>> -> memref<1x128x64xf32, #tpu.memory_space<vmem>>
      %dma_wait3A_813 = tpu.memref_squeeze %dma_wait3A_812 : memref<1x128x64xf32, #tpu.memory_space<vmem>> -> memref<128x64xf32, #tpu.memory_space<vmem>>
      %dma_wait3A_814 = arith.constant 0 : i32
      %dma_wait3A_815 = tpu.memref_slice %arg6[%dma_wait3A_806, %dma_wait3A_807, %dma_wait3A_814] : memref<8x2x128xi32, #tpu.memory_space<vmem>> -> memref<1x1x128xi32, #tpu.memory_space<vmem>>
      %dma_wait3A_816 = tpu.memref_squeeze %dma_wait3A_815 : memref<1x1x128xi32, #tpu.memory_space<vmem>> -> memref<128xi32, #tpu.memory_space<vmem>>
      %dma_wait3A_817 = arith.constant 0 : i32
      %dma_wait3A_818 = arith.constant 0 : i32
      %dma_wait3A_819 = tpu.memref_slice %arg2[%dma_wait3A_817, %dma_wait3A_818] : memref<1000000x64xf32, #tpu.memory_space<hbm>> -> memref<1000000x64xf32, #tpu.memory_space<hbm>>
      %dma_wait3A_820 = tpu.memref_slice %arg10[%dma_wait3A_809] : memref<8x!tpu.dma_semaphore, #tpu.memory_space<semaphore_mem>> -> memref<1x!tpu.dma_semaphore, #tpu.memory_space<semaphore_mem>>
      %dma_wait3A_821 = tpu.memref_squeeze %dma_wait3A_820 : memref<1x!tpu.dma_semaphore, #tpu.memory_space<semaphore_mem>> -> memref<!tpu.dma_semaphore, #tpu.memory_space<semaphore_mem>>
      tpu.wait_indirect_dma semaphore(%dma_wait3A_821 : memref<!tpu.dma_semaphore, #tpu.memory_space<semaphore_mem>>) src(%dma_wait3A_819 : memref<1000000x64xf32, #tpu.memory_space<hbm>>) dst(%dma_wait3A_813 : memref<128x64xf32, #tpu.memory_space<vmem>>)
      %dma_wait3A_822 = arith.constant 3 : i32
      %dma_wait3A_823 = arith.constant 1 : i32
      %dma_wait3A_824 = arith.constant 3 : i32
      %dma_wait3A_825 = arith.constant 3 : i32
      %dma_wait3A_826 = arith.constant 128 : i32
      %dma_wait3A_827 = arith.constant 0 : i32
      %dma_wait3A_828 = tpu.memref_slice %arg7[%dma_wait3A_824, %dma_wait3A_826, %dma_wait3A_827] : memref<8x200x64xf32, #tpu.memory_space<vmem>> -> memref<1x72x64xf32, #tpu.memory_space<vmem>>
      %dma_wait3A_829 = tpu.memref_squeeze %dma_wait3A_828 : memref<1x72x64xf32, #tpu.memory_space<vmem>> -> memref<72x64xf32, #tpu.memory_space<vmem>>
      %dma_wait3A_830 = arith.constant 0 : i32
      %dma_wait3A_831 = tpu.memref_slice %arg6[%dma_wait3A_822, %dma_wait3A_823, %dma_wait3A_830] : memref<8x2x128xi32, #tpu.memory_space<vmem>> -> memref<1x1x72xi32, #tpu.memory_space<vmem>>
      %dma_wait3A_832 = tpu.memref_squeeze %dma_wait3A_831 : memref<1x1x72xi32, #tpu.memory_space<vmem>> -> memref<72xi32, #tpu.memory_space<vmem>>
      %dma_wait3A_833 = arith.constant 0 : i32
      %dma_wait3A_834 = arith.constant 0 : i32
      %dma_wait3A_835 = tpu.memref_slice %arg2[%dma_wait3A_833, %dma_wait3A_834] : memref<1000000x64xf32, #tpu.memory_space<hbm>> -> memref<1000000x64xf32, #tpu.memory_space<hbm>>
      %dma_wait3A_836 = tpu.memref_slice %arg10[%dma_wait3A_825] : memref<8x!tpu.dma_semaphore, #tpu.memory_space<semaphore_mem>> -> memref<1x!tpu.dma_semaphore, #tpu.memory_space<semaphore_mem>>
      %dma_wait3A_837 = tpu.memref_squeeze %dma_wait3A_836 : memref<1x!tpu.dma_semaphore, #tpu.memory_space<semaphore_mem>> -> memref<!tpu.dma_semaphore, #tpu.memory_space<semaphore_mem>>
      tpu.wait_indirect_dma semaphore(%dma_wait3A_837 : memref<!tpu.dma_semaphore, #tpu.memory_space<semaphore_mem>>) src(%dma_wait3A_835 : memref<1000000x64xf32, #tpu.memory_space<hbm>>) dst(%dma_wait3A_829 : memref<72x64xf32, #tpu.memory_space<vmem>>)
      %add3A_838 = arith.constant 8 : i32
      %add3A_839 = arith.addi %add3A_798, %add3A_838 : i32
      %lt3A_840 = arith.constant 128 : i32
      %lt3A_841 = arith.cmpi slt, %add3A_839, %lt3A_840 : i32
      %convert_element_type3A_842 = arith.extui %lt3A_841 : i1 to i32
      %cond3A_843 = arith.constant 0 : i32
      %cond3A_844 = arith.cmpi ne, %convert_element_type3A_842, %cond3A_843 : i32
      scf.if %cond3A_844 {
        %add3A_1180 = arith.constant 8 : i32
        %add3A_1181 = arith.addi %add3A_798, %add3A_1180 : i32
        %add3A_1182 = arith.addi %mul3A_2, %add3A_1181 : i32
        %mul3A_1183 = arith.constant 200 : i32
        %mul3A_1184 = arith.muli %add3A_1182, %mul3A_1183 : i32
        %add3A_1185 = arith.constant 128 : i32
        %add3A_1186 = arith.addi %mul3A_1184, %add3A_1185 : i32
        %dma_start3A_1187 = arith.constant 3 : i32
        %dma_start3A_1188 = arith.constant 0 : i32
        %dma_start3A_1189 = arith.constant 3 : i32
        %dma_start3A_1190 = arith.constant 0 : i32
        %dma_start3A_1191 = tpu.memref_slice %arg6[%dma_start3A_1187, %dma_start3A_1188, %dma_start3A_1190] : memref<8x2x128xi32, #tpu.memory_space<vmem>> -> memref<1x1x128xi32, #tpu.memory_space<vmem>>
        %dma_start3A_1192 = tpu.memref_squeeze %dma_start3A_1191 : memref<1x1x128xi32, #tpu.memory_space<vmem>> -> memref<128xi32, #tpu.memory_space<vmem>>
        %dma_start3A_1193 = tpu.memref_slice %arg3[%mul3A_1184] : memref<819200xi32, #tpu.memory_space<hbm>> -> memref<128xi32, #tpu.memory_space<hbm>>
        %dma_start3A_1194 = tpu.memref_slice %arg9[%dma_start3A_1189] : memref<8x!tpu.dma_semaphore, #tpu.memory_space<semaphore_mem>> -> memref<1x!tpu.dma_semaphore, #tpu.memory_space<semaphore_mem>>
        %dma_start3A_1195 = tpu.memref_squeeze %dma_start3A_1194 : memref<1x!tpu.dma_semaphore, #tpu.memory_space<semaphore_mem>> -> memref<!tpu.dma_semaphore, #tpu.memory_space<semaphore_mem>>
        %dma_start3A_1196 = arith.constant 0 : i32
        %dma_start3A_1197 = tpu.memref_slice %arg6[%dma_start3A_1187, %dma_start3A_1188, %dma_start3A_1196] : memref<8x2x128xi32, #tpu.memory_space<vmem>> -> memref<1x1x128xi32, #tpu.memory_space<vmem>>
        %dma_start3A_1198 = tpu.memref_squeeze %dma_start3A_1197 : memref<1x1x128xi32, #tpu.memory_space<vmem>> -> memref<128xi32, #tpu.memory_space<vmem>>
        %dma_start3A_1199 = tpu.memref_slice %arg3[%mul3A_1184] : memref<819200xi32, #tpu.memory_space<hbm>> -> memref<128xi32, #tpu.memory_space<hbm>>
        tpu.enqueue_dma source(%dma_start3A_1199 : memref<128xi32, #tpu.memory_space<hbm>>) target(%dma_start3A_1198 : memref<128xi32, #tpu.memory_space<vmem>>) target_semaphore(%dma_start3A_1195 : memref<!tpu.dma_semaphore, #tpu.memory_space<semaphore_mem>>)
        %dma_start3A_1200 = arith.constant 3 : i32
        %dma_start3A_1201 = arith.constant 1 : i32
        %dma_start3A_1202 = arith.constant 3 : i32
        %dma_start3A_1203 = arith.constant 0 : i32
        %dma_start3A_1204 = tpu.memref_slice %arg6[%dma_start3A_1200, %dma_start3A_1201, %dma_start3A_1203] : memref<8x2x128xi32, #tpu.memory_space<vmem>> -> memref<1x1x72xi32, #tpu.memory_space<vmem>>
        %dma_start3A_1205 = tpu.memref_squeeze %dma_start3A_1204 : memref<1x1x72xi32, #tpu.memory_space<vmem>> -> memref<72xi32, #tpu.memory_space<vmem>>
        %dma_start3A_1206 = tpu.memref_slice %arg3[%add3A_1186] : memref<819200xi32, #tpu.memory_space<hbm>> -> memref<72xi32, #tpu.memory_space<hbm>>
        %dma_start3A_1207 = tpu.memref_slice %arg9[%dma_start3A_1202] : memref<8x!tpu.dma_semaphore, #tpu.memory_space<semaphore_mem>> -> memref<1x!tpu.dma_semaphore, #tpu.memory_space<semaphore_mem>>
        %dma_start3A_1208 = tpu.memref_squeeze %dma_start3A_1207 : memref<1x!tpu.dma_semaphore, #tpu.memory_space<semaphore_mem>> -> memref<!tpu.dma_semaphore, #tpu.memory_space<semaphore_mem>>
        %dma_start3A_1209 = arith.constant 0 : i32
        %dma_start3A_1210 = tpu.memref_slice %arg6[%dma_start3A_1200, %dma_start3A_1201, %dma_start3A_1209] : memref<8x2x128xi32, #tpu.memory_space<vmem>> -> memref<1x1x72xi32, #tpu.memory_space<vmem>>
        %dma_start3A_1211 = tpu.memref_squeeze %dma_start3A_1210 : memref<1x1x72xi32, #tpu.memory_space<vmem>> -> memref<72xi32, #tpu.memory_space<vmem>>
        %dma_start3A_1212 = tpu.memref_slice %arg3[%add3A_1186] : memref<819200xi32, #tpu.memory_space<hbm>> -> memref<72xi32, #tpu.memory_space<hbm>>
        tpu.enqueue_dma source(%dma_start3A_1212 : memref<72xi32, #tpu.memory_space<hbm>>) target(%dma_start3A_1211 : memref<72xi32, #tpu.memory_space<vmem>>) target_semaphore(%dma_start3A_1208 : memref<!tpu.dma_semaphore, #tpu.memory_space<semaphore_mem>>)
      } else {
      }
      %scan3A_845 = arith.constant 0 : i32
      %scan3A_846 = arith.constant 0 : i32
      %scan3A_847 = arith.constant 50 : i32
      %scan3A_848 = arith.addi %scan3A_846, %scan3A_847 : i32
      %scan3A_849 = arith.constant 1 : i32
      scf.for %scan3A_1180 = %scan3A_846 to %scan3A_848 step %scan3A_849  : i32 {
        %mul3A_1181 = arith.constant 4 : i32
        %mul3A_1182 = arith.muli %scan3A_1180, %mul3A_1181 : i32
        %add3A_1183 = arith.constant 0 : i32
        %add3A_1184 = arith.addi %mul3A_1182, %add3A_1183 : i32
        %get3A = arith.index_cast %add3A_1184 : i32 to index
        %get3A_1185 = arith.constant 0 : index
        %get3A_1186 = tpu.vector_load %arg8[%get3A, %get3A_1185] {strides = array<i32>} : memref<200x64xf32, #tpu.memory_space<vmem>>, vector<1x16xf32>,
        %get3A_1187 = vector.shape_cast %get3A_1186 : vector<1x16xf32> to vector<16xf32>
        %swap3A = arith.constant 3 : i32
        %swap3A_1188 = arith.index_cast %swap3A : i32 to index
        %swap3A_1189 = arith.index_cast %add3A_1184 : i32 to index
        %swap3A_1190 = arith.constant 0 : index
        %swap3A_1191 = tpu.vector_load %arg7[%swap3A_1188, %swap3A_1189, %swap3A_1190] {strides = array<i32>} : memref<8x200x64xf32, #tpu.memory_space<vmem>>, vector<1x1x16xf32>,
        %swap3A_1192 = vector.shape_cast %swap3A_1191 : vector<1x1x16xf32> to vector<16xf32>
        %swap3A_1193 = vector.shape_cast %get3A_1187 : vector<16xf32> to vector<1x1x16xf32>
        tpu.vector_store %arg7[%swap3A_1188, %swap3A_1189, %swap3A_1190], %swap3A_1193 {add = true, strides = array<i32>} : memref<8x200x64xf32, #tpu.memory_space<vmem>>, vector<1x1x16xf32>,
        %get3A_1194 = arith.index_cast %add3A_1184 : i32 to index
        %get3A_1195 = arith.constant 16 : index
        %get3A_1196 = tpu.vector_load %arg8[%get3A_1194, %get3A_1195] {strides = array<i32>} : memref<200x64xf32, #tpu.memory_space<vmem>>, vector<1x16xf32>,
        %get3A_1197 = vector.shape_cast %get3A_1196 : vector<1x16xf32> to vector<16xf32>
        %swap3A_1198 = arith.constant 3 : i32
        %swap3A_1199 = arith.index_cast %swap3A_1198 : i32 to index
        %swap3A_1200 = arith.index_cast %add3A_1184 : i32 to index
        %swap3A_1201 = arith.constant 16 : index
        %swap3A_1202 = tpu.vector_load %arg7[%swap3A_1199, %swap3A_1200, %swap3A_1201] {strides = array<i32>} : memref<8x200x64xf32, #tpu.memory_space<vmem>>, vector<1x1x16xf32>,
        %swap3A_1203 = vector.shape_cast %swap3A_1202 : vector<1x1x16xf32> to vector<16xf32>
        %swap3A_1204 = vector.shape_cast %get3A_1197 : vector<16xf32> to vector<1x1x16xf32>
        tpu.vector_store %arg7[%swap3A_1199, %swap3A_1200, %swap3A_1201], %swap3A_1204 {add = true, strides = array<i32>} : memref<8x200x64xf32, #tpu.memory_space<vmem>>, vector<1x1x16xf32>,
        %get3A_1205 = arith.index_cast %add3A_1184 : i32 to index
        %get3A_1206 = arith.constant 32 : index
        %get3A_1207 = tpu.vector_load %arg8[%get3A_1205, %get3A_1206] {strides = array<i32>} : memref<200x64xf32, #tpu.memory_space<vmem>>, vector<1x16xf32>,
        %get3A_1208 = vector.shape_cast %get3A_1207 : vector<1x16xf32> to vector<16xf32>
        %swap3A_1209 = arith.constant 3 : i32
        %swap3A_1210 = arith.index_cast %swap3A_1209 : i32 to index
        %swap3A_1211 = arith.index_cast %add3A_1184 : i32 to index
        %swap3A_1212 = arith.constant 32 : index
        %swap3A_1213 = tpu.vector_load %arg7[%swap3A_1210, %swap3A_1211, %swap3A_1212] {strides = array<i32>} : memref<8x200x64xf32, #tpu.memory_space<vmem>>, vector<1x1x16xf32>,
        %swap3A_1214 = vector.shape_cast %swap3A_1213 : vector<1x1x16xf32> to vector<16xf32>
        %swap3A_1215 = vector.shape_cast %get3A_1208 : vector<16xf32> to vector<1x1x16xf32>
        tpu.vector_store %arg7[%swap3A_1210, %swap3A_1211, %swap3A_1212], %swap3A_1215 {add = true, strides = array<i32>} : memref<8x200x64xf32, #tpu.memory_space<vmem>>, vector<1x1x16xf32>,
        %get3A_1216 = arith.index_cast %add3A_1184 : i32 to index
        %get3A_1217 = arith.constant 48 : index
        %get3A_1218 = tpu.vector_load %arg8[%get3A_1216, %get3A_1217] {strides = array<i32>} : memref<200x64xf32, #tpu.memory_space<vmem>>, vector<1x16xf32>,
        %get3A_1219 = vector.shape_cast %get3A_1218 : vector<1x16xf32> to vector<16xf32>
        %swap3A_1220 = arith.constant 3 : i32
        %swap3A_1221 = arith.index_cast %swap3A_1220 : i32 to index
        %swap3A_1222 = arith.index_cast %add3A_1184 : i32 to index
        %swap3A_1223 = arith.constant 48 : index
        %swap3A_1224 = tpu.vector_load %arg7[%swap3A_1221, %swap3A_1222, %swap3A_1223] {strides = array<i32>} : memref<8x200x64xf32, #tpu.memory_space<vmem>>, vector<1x1x16xf32>,
        %swap3A_1225 = vector.shape_cast %swap3A_1224 : vector<1x1x16xf32> to vector<16xf32>
        %swap3A_1226 = vector.shape_cast %get3A_1219 : vector<16xf32> to vector<1x1x16xf32>
        tpu.vector_store %arg7[%swap3A_1221, %swap3A_1222, %swap3A_1223], %swap3A_1226 {add = true, strides = array<i32>} : memref<8x200x64xf32, #tpu.memory_space<vmem>>, vector<1x1x16xf32>,
        %mul3A_1227 = arith.constant 4 : i32
        %mul3A_1228 = arith.muli %scan3A_1180, %mul3A_1227 : i32
        %add3A_1229 = arith.constant 1 : i32
        %add3A_1230 = arith.addi %mul3A_1228, %add3A_1229 : i32
        %get3A_1231 = arith.index_cast %add3A_1230 : i32 to index
        %get3A_1232 = arith.constant 0 : index
        %get3A_1233 = tpu.vector_load %arg8[%get3A_1231, %get3A_1232] {strides = array<i32>} : memref<200x64xf32, #tpu.memory_space<vmem>>, vector<1x16xf32>,
        %get3A_1234 = vector.shape_cast %get3A_1233 : vector<1x16xf32> to vector<16xf32>
        %swap3A_1235 = arith.constant 3 : i32
        %swap3A_1236 = arith.index_cast %swap3A_1235 : i32 to index
        %swap3A_1237 = arith.index_cast %add3A_1230 : i32 to index
        %swap3A_1238 = arith.constant 0 : index
        %swap3A_1239 = tpu.vector_load %arg7[%swap3A_1236, %swap3A_1237, %swap3A_1238] {strides = array<i32>} : memref<8x200x64xf32, #tpu.memory_space<vmem>>, vector<1x1x16xf32>,
        %swap3A_1240 = vector.shape_cast %swap3A_1239 : vector<1x1x16xf32> to vector<16xf32>
        %swap3A_1241 = vector.shape_cast %get3A_1234 : vector<16xf32> to vector<1x1x16xf32>
        tpu.vector_store %arg7[%swap3A_1236, %swap3A_1237, %swap3A_1238], %swap3A_1241 {add = true, strides = array<i32>} : memref<8x200x64xf32, #tpu.memory_space<vmem>>, vector<1x1x16xf32>,
        %get3A_1242 = arith.index_cast %add3A_1230 : i32 to index
        %get3A_1243 = arith.constant 16 : index
        %get3A_1244 = tpu.vector_load %arg8[%get3A_1242, %get3A_1243] {strides = array<i32>} : memref<200x64xf32, #tpu.memory_space<vmem>>, vector<1x16xf32>,
        %get3A_1245 = vector.shape_cast %get3A_1244 : vector<1x16xf32> to vector<16xf32>
        %swap3A_1246 = arith.constant 3 : i32
        %swap3A_1247 = arith.index_cast %swap3A_1246 : i32 to index
        %swap3A_1248 = arith.index_cast %add3A_1230 : i32 to index
        %swap3A_1249 = arith.constant 16 : index
        %swap3A_1250 = tpu.vector_load %arg7[%swap3A_1247, %swap3A_1248, %swap3A_1249] {strides = array<i32>} : memref<8x200x64xf32, #tpu.memory_space<vmem>>, vector<1x1x16xf32>,
        %swap3A_1251 = vector.shape_cast %swap3A_1250 : vector<1x1x16xf32> to vector<16xf32>
        %swap3A_1252 = vector.shape_cast %get3A_1245 : vector<16xf32> to vector<1x1x16xf32>
        tpu.vector_store %arg7[%swap3A_1247, %swap3A_1248, %swap3A_1249], %swap3A_1252 {add = true, strides = array<i32>} : memref<8x200x64xf32, #tpu.memory_space<vmem>>, vector<1x1x16xf32>,
        %get3A_1253 = arith.index_cast %add3A_1230 : i32 to index
        %get3A_1254 = arith.constant 32 : index
        %get3A_1255 = tpu.vector_load %arg8[%get3A_1253, %get3A_1254] {strides = array<i32>} : memref<200x64xf32, #tpu.memory_space<vmem>>, vector<1x16xf32>,
        %get3A_1256 = vector.shape_cast %get3A_1255 : vector<1x16xf32> to vector<16xf32>
        %swap3A_1257 = arith.constant 3 : i32
        %swap3A_1258 = arith.index_cast %swap3A_1257 : i32 to index
        %swap3A_1259 = arith.index_cast %add3A_1230 : i32 to index
        %swap3A_1260 = arith.constant 32 : index
        %swap3A_1261 = tpu.vector_load %arg7[%swap3A_1258, %swap3A_1259, %swap3A_1260] {strides = array<i32>} : memref<8x200x64xf32, #tpu.memory_space<vmem>>, vector<1x1x16xf32>,
        %swap3A_1262 = vector.shape_cast %swap3A_1261 : vector<1x1x16xf32> to vector<16xf32>
        %swap3A_1263 = vector.shape_cast %get3A_1256 : vector<16xf32> to vector<1x1x16xf32>
        tpu.vector_store %arg7[%swap3A_1258, %swap3A_1259, %swap3A_1260], %swap3A_1263 {add = true, strides = array<i32>} : memref<8x200x64xf32, #tpu.memory_space<vmem>>, vector<1x1x16xf32>,
        %get3A_1264 = arith.index_cast %add3A_1230 : i32 to index
        %get3A_1265 = arith.constant 48 : index
        %get3A_1266 = tpu.vector_load %arg8[%get3A_1264, %get3A_1265] {strides = array<i32>} : memref<200x64xf32, #tpu.memory_space<vmem>>, vector<1x16xf32>,
        %get3A_1267 = vector.shape_cast %get3A_1266 : vector<1x16xf32> to vector<16xf32>
        %swap3A_1268 = arith.constant 3 : i32
        %swap3A_1269 = arith.index_cast %swap3A_1268 : i32 to index
        %swap3A_1270 = arith.index_cast %add3A_1230 : i32 to index
        %swap3A_1271 = arith.constant 48 : index
        %swap3A_1272 = tpu.vector_load %arg7[%swap3A_1269, %swap3A_1270, %swap3A_1271] {strides = array<i32>} : memref<8x200x64xf32, #tpu.memory_space<vmem>>, vector<1x1x16xf32>,
        %swap3A_1273 = vector.shape_cast %swap3A_1272 : vector<1x1x16xf32> to vector<16xf32>
        %swap3A_1274 = vector.shape_cast %get3A_1267 : vector<16xf32> to vector<1x1x16xf32>
        tpu.vector_store %arg7[%swap3A_1269, %swap3A_1270, %swap3A_1271], %swap3A_1274 {add = true, strides = array<i32>} : memref<8x200x64xf32, #tpu.memory_space<vmem>>, vector<1x1x16xf32>,
        %mul3A_1275 = arith.constant 4 : i32
        %mul3A_1276 = arith.muli %scan3A_1180, %mul3A_1275 : i32
        %add3A_1277 = arith.constant 2 : i32
        %add3A_1278 = arith.addi %mul3A_1276, %add3A_1277 : i32
        %get3A_1279 = arith.index_cast %add3A_1278 : i32 to index
        %get3A_1280 = arith.constant 0 : index
        %get3A_1281 = tpu.vector_load %arg8[%get3A_1279, %get3A_1280] {strides = array<i32>} : memref<200x64xf32, #tpu.memory_space<vmem>>, vector<1x16xf32>,
        %get3A_1282 = vector.shape_cast %get3A_1281 : vector<1x16xf32> to vector<16xf32>
        %swap3A_1283 = arith.constant 3 : i32
        %swap3A_1284 = arith.index_cast %swap3A_1283 : i32 to index
        %swap3A_1285 = arith.index_cast %add3A_1278 : i32 to index
        %swap3A_1286 = arith.constant 0 : index
        %swap3A_1287 = tpu.vector_load %arg7[%swap3A_1284, %swap3A_1285, %swap3A_1286] {strides = array<i32>} : memref<8x200x64xf32, #tpu.memory_space<vmem>>, vector<1x1x16xf32>,
        %swap3A_1288 = vector.shape_cast %swap3A_1287 : vector<1x1x16xf32> to vector<16xf32>
        %swap3A_1289 = vector.shape_cast %get3A_1282 : vector<16xf32> to vector<1x1x16xf32>
        tpu.vector_store %arg7[%swap3A_1284, %swap3A_1285, %swap3A_1286], %swap3A_1289 {add = true, strides = array<i32>} : memref<8x200x64xf32, #tpu.memory_space<vmem>>, vector<1x1x16xf32>,
        %get3A_1290 = arith.index_cast %add3A_1278 : i32 to index
        %get3A_1291 = arith.constant 16 : index
        %get3A_1292 = tpu.vector_load %arg8[%get3A_1290, %get3A_1291] {strides = array<i32>} : memref<200x64xf32, #tpu.memory_space<vmem>>, vector<1x16xf32>,
        %get3A_1293 = vector.shape_cast %get3A_1292 : vector<1x16xf32> to vector<16xf32>
        %swap3A_1294 = arith.constant 3 : i32
        %swap3A_1295 = arith.index_cast %swap3A_1294 : i32 to index
        %swap3A_1296 = arith.index_cast %add3A_1278 : i32 to index
        %swap3A_1297 = arith.constant 16 : index
        %swap3A_1298 = tpu.vector_load %arg7[%swap3A_1295, %swap3A_1296, %swap3A_1297] {strides = array<i32>} : memref<8x200x64xf32, #tpu.memory_space<vmem>>, vector<1x1x16xf32>,
        %swap3A_1299 = vector.shape_cast %swap3A_1298 : vector<1x1x16xf32> to vector<16xf32>
        %swap3A_1300 = vector.shape_cast %get3A_1293 : vector<16xf32> to vector<1x1x16xf32>
        tpu.vector_store %arg7[%swap3A_1295, %swap3A_1296, %swap3A_1297], %swap3A_1300 {add = true, strides = array<i32>} : memref<8x200x64xf32, #tpu.memory_space<vmem>>, vector<1x1x16xf32>,
        %get3A_1301 = arith.index_cast %add3A_1278 : i32 to index
        %get3A_1302 = arith.constant 32 : index
        %get3A_1303 = tpu.vector_load %arg8[%get3A_1301, %get3A_1302] {strides = array<i32>} : memref<200x64xf32, #tpu.memory_space<vmem>>, vector<1x16xf32>,
        %get3A_1304 = vector.shape_cast %get3A_1303 : vector<1x16xf32> to vector<16xf32>
        %swap3A_1305 = arith.constant 3 : i32
        %swap3A_1306 = arith.index_cast %swap3A_1305 : i32 to index
        %swap3A_1307 = arith.index_cast %add3A_1278 : i32 to index
        %swap3A_1308 = arith.constant 32 : index
        %swap3A_1309 = tpu.vector_load %arg7[%swap3A_1306, %swap3A_1307, %swap3A_1308] {strides = array<i32>} : memref<8x200x64xf32, #tpu.memory_space<vmem>>, vector<1x1x16xf32>,
        %swap3A_1310 = vector.shape_cast %swap3A_1309 : vector<1x1x16xf32> to vector<16xf32>
        %swap3A_1311 = vector.shape_cast %get3A_1304 : vector<16xf32> to vector<1x1x16xf32>
        tpu.vector_store %arg7[%swap3A_1306, %swap3A_1307, %swap3A_1308], %swap3A_1311 {add = true, strides = array<i32>} : memref<8x200x64xf32, #tpu.memory_space<vmem>>, vector<1x1x16xf32>,
        %get3A_1312 = arith.index_cast %add3A_1278 : i32 to index
        %get3A_1313 = arith.constant 48 : index
        %get3A_1314 = tpu.vector_load %arg8[%get3A_1312, %get3A_1313] {strides = array<i32>} : memref<200x64xf32, #tpu.memory_space<vmem>>, vector<1x16xf32>,
        %get3A_1315 = vector.shape_cast %get3A_1314 : vector<1x16xf32> to vector<16xf32>
        %swap3A_1316 = arith.constant 3 : i32
        %swap3A_1317 = arith.index_cast %swap3A_1316 : i32 to index
        %swap3A_1318 = arith.index_cast %add3A_1278 : i32 to index
        %swap3A_1319 = arith.constant 48 : index
        %swap3A_1320 = tpu.vector_load %arg7[%swap3A_1317, %swap3A_1318, %swap3A_1319] {strides = array<i32>} : memref<8x200x64xf32, #tpu.memory_space<vmem>>, vector<1x1x16xf32>,
        %swap3A_1321 = vector.shape_cast %swap3A_1320 : vector<1x1x16xf32> to vector<16xf32>
        %swap3A_1322 = vector.shape_cast %get3A_1315 : vector<16xf32> to vector<1x1x16xf32>
        tpu.vector_store %arg7[%swap3A_1317, %swap3A_1318, %swap3A_1319], %swap3A_1322 {add = true, strides = array<i32>} : memref<8x200x64xf32, #tpu.memory_space<vmem>>, vector<1x1x16xf32>,
        %mul3A_1323 = arith.constant 4 : i32
        %mul3A_1324 = arith.muli %scan3A_1180, %mul3A_1323 : i32
        %add3A_1325 = arith.constant 3 : i32
        %add3A_1326 = arith.addi %mul3A_1324, %add3A_1325 : i32
        %get3A_1327 = arith.index_cast %add3A_1326 : i32 to index
        %get3A_1328 = arith.constant 0 : index
        %get3A_1329 = tpu.vector_load %arg8[%get3A_1327, %get3A_1328] {strides = array<i32>} : memref<200x64xf32, #tpu.memory_space<vmem>>, vector<1x16xf32>,
        %get3A_1330 = vector.shape_cast %get3A_1329 : vector<1x16xf32> to vector<16xf32>
        %swap3A_1331 = arith.constant 3 : i32
        %swap3A_1332 = arith.index_cast %swap3A_1331 : i32 to index
        %swap3A_1333 = arith.index_cast %add3A_1326 : i32 to index
        %swap3A_1334 = arith.constant 0 : index
        %swap3A_1335 = tpu.vector_load %arg7[%swap3A_1332, %swap3A_1333, %swap3A_1334] {strides = array<i32>} : memref<8x200x64xf32, #tpu.memory_space<vmem>>, vector<1x1x16xf32>,
        %swap3A_1336 = vector.shape_cast %swap3A_1335 : vector<1x1x16xf32> to vector<16xf32>
        %swap3A_1337 = vector.shape_cast %get3A_1330 : vector<16xf32> to vector<1x1x16xf32>
        tpu.vector_store %arg7[%swap3A_1332, %swap3A_1333, %swap3A_1334], %swap3A_1337 {add = true, strides = array<i32>} : memref<8x200x64xf32, #tpu.memory_space<vmem>>, vector<1x1x16xf32>,
        %get3A_1338 = arith.index_cast %add3A_1326 : i32 to index
        %get3A_1339 = arith.constant 16 : index
        %get3A_1340 = tpu.vector_load %arg8[%get3A_1338, %get3A_1339] {strides = array<i32>} : memref<200x64xf32, #tpu.memory_space<vmem>>, vector<1x16xf32>,
        %get3A_1341 = vector.shape_cast %get3A_1340 : vector<1x16xf32> to vector<16xf32>
        %swap3A_1342 = arith.constant 3 : i32
        %swap3A_1343 = arith.index_cast %swap3A_1342 : i32 to index
        %swap3A_1344 = arith.index_cast %add3A_1326 : i32 to index
        %swap3A_1345 = arith.constant 16 : index
        %swap3A_1346 = tpu.vector_load %arg7[%swap3A_1343, %swap3A_1344, %swap3A_1345] {strides = array<i32>} : memref<8x200x64xf32, #tpu.memory_space<vmem>>, vector<1x1x16xf32>,
        %swap3A_1347 = vector.shape_cast %swap3A_1346 : vector<1x1x16xf32> to vector<16xf32>
        %swap3A_1348 = vector.shape_cast %get3A_1341 : vector<16xf32> to vector<1x1x16xf32>
        tpu.vector_store %arg7[%swap3A_1343, %swap3A_1344, %swap3A_1345], %swap3A_1348 {add = true, strides = array<i32>} : memref<8x200x64xf32, #tpu.memory_space<vmem>>, vector<1x1x16xf32>,
        %get3A_1349 = arith.index_cast %add3A_1326 : i32 to index
        %get3A_1350 = arith.constant 32 : index
        %get3A_1351 = tpu.vector_load %arg8[%get3A_1349, %get3A_1350] {strides = array<i32>} : memref<200x64xf32, #tpu.memory_space<vmem>>, vector<1x16xf32>,
        %get3A_1352 = vector.shape_cast %get3A_1351 : vector<1x16xf32> to vector<16xf32>
        %swap3A_1353 = arith.constant 3 : i32
        %swap3A_1354 = arith.index_cast %swap3A_1353 : i32 to index
        %swap3A_1355 = arith.index_cast %add3A_1326 : i32 to index
        %swap3A_1356 = arith.constant 32 : index
        %swap3A_1357 = tpu.vector_load %arg7[%swap3A_1354, %swap3A_1355, %swap3A_1356] {strides = array<i32>} : memref<8x200x64xf32, #tpu.memory_space<vmem>>, vector<1x1x16xf32>,
        %swap3A_1358 = vector.shape_cast %swap3A_1357 : vector<1x1x16xf32> to vector<16xf32>
        %swap3A_1359 = vector.shape_cast %get3A_1352 : vector<16xf32> to vector<1x1x16xf32>
        tpu.vector_store %arg7[%swap3A_1354, %swap3A_1355, %swap3A_1356], %swap3A_1359 {add = true, strides = array<i32>} : memref<8x200x64xf32, #tpu.memory_space<vmem>>, vector<1x1x16xf32>,
        %get3A_1360 = arith.index_cast %add3A_1326 : i32 to index
        %get3A_1361 = arith.constant 48 : index
        %get3A_1362 = tpu.vector_load %arg8[%get3A_1360, %get3A_1361] {strides = array<i32>} : memref<200x64xf32, #tpu.memory_space<vmem>>, vector<1x16xf32>,
        %get3A_1363 = vector.shape_cast %get3A_1362 : vector<1x16xf32> to vector<16xf32>
        %swap3A_1364 = arith.constant 3 : i32
        %swap3A_1365 = arith.index_cast %swap3A_1364 : i32 to index
        %swap3A_1366 = arith.index_cast %add3A_1326 : i32 to index
        %swap3A_1367 = arith.constant 48 : index
        %swap3A_1368 = tpu.vector_load %arg7[%swap3A_1365, %swap3A_1366, %swap3A_1367] {strides = array<i32>} : memref<8x200x64xf32, #tpu.memory_space<vmem>>, vector<1x1x16xf32>,
        %swap3A_1369 = vector.shape_cast %swap3A_1368 : vector<1x1x16xf32> to vector<16xf32>
        %swap3A_1370 = vector.shape_cast %get3A_1363 : vector<16xf32> to vector<1x1x16xf32>
        tpu.vector_store %arg7[%swap3A_1365, %swap3A_1366, %swap3A_1367], %swap3A_1370 {add = true, strides = array<i32>} : memref<8x200x64xf32, #tpu.memory_space<vmem>>, vector<1x1x16xf32>,
      }
      %scan3A_850 = arith.constant 50 : i32
      %add3A_851 = arith.addi %mul3A_2, %add3A_798 : i32
      %dma_start3A_852 = arith.constant 3 : i32
      %dma_start3A_853 = arith.constant 3 : i32
      %dma_start3A_854 = arith.constant 0 : i32
      %dma_start3A_855 = arith.constant 0 : i32
      %dma_start3A_856 = tpu.memref_slice %arg7[%dma_start3A_852, %dma_start3A_854, %dma_start3A_855] : memref<8x200x64xf32, #tpu.memory_space<vmem>> -> memref<1x200x64xf32, #tpu.memory_space<vmem>>
      %dma_start3A_857 = tpu.memref_squeeze %dma_start3A_856 : memref<1x200x64xf32, #tpu.memory_space<vmem>> -> memref<200x64xf32, #tpu.memory_space<vmem>>
      %dma_start3A_858 = arith.constant 0 : i32
      %dma_start3A_859 = arith.constant 0 : i32
      %dma_start3A_860 = tpu.memref_slice %arg5[%add3A_851, %dma_start3A_858, %dma_start3A_859] : memref<4096x200x64xf32, #tpu.memory_space<hbm>> -> memref<1x200x64xf32, #tpu.memory_space<hbm>>
      %dma_start3A_861 = tpu.memref_squeeze %dma_start3A_860 : memref<1x200x64xf32, #tpu.memory_space<hbm>> -> memref<200x64xf32, #tpu.memory_space<hbm>>
      %dma_start3A_862 = tpu.memref_slice %arg11[%dma_start3A_853] : memref<8x!tpu.dma_semaphore, #tpu.memory_space<semaphore_mem>> -> memref<1x!tpu.dma_semaphore, #tpu.memory_space<semaphore_mem>>
      %dma_start3A_863 = tpu.memref_squeeze %dma_start3A_862 : memref<1x!tpu.dma_semaphore, #tpu.memory_space<semaphore_mem>> -> memref<!tpu.dma_semaphore, #tpu.memory_space<semaphore_mem>>
      %dma_start3A_864 = arith.constant 0 : i32
      %dma_start3A_865 = arith.constant 0 : i32
      %dma_start3A_866 = tpu.memref_slice %arg5[%add3A_851, %dma_start3A_864, %dma_start3A_865] : memref<4096x200x64xf32, #tpu.memory_space<hbm>> -> memref<1x200x64xf32, #tpu.memory_space<hbm>>
      %dma_start3A_867 = tpu.memref_squeeze %dma_start3A_866 : memref<1x200x64xf32, #tpu.memory_space<hbm>> -> memref<200x64xf32, #tpu.memory_space<hbm>>
      %dma_start3A_868 = arith.constant 0 : i32
      %dma_start3A_869 = arith.constant 0 : i32
      %dma_start3A_870 = tpu.memref_slice %arg7[%dma_start3A_852, %dma_start3A_868, %dma_start3A_869] : memref<8x200x64xf32, #tpu.memory_space<vmem>> -> memref<1x200x64xf32, #tpu.memory_space<vmem>>
      %dma_start3A_871 = tpu.memref_squeeze %dma_start3A_870 : memref<1x200x64xf32, #tpu.memory_space<vmem>> -> memref<200x64xf32, #tpu.memory_space<vmem>>
      tpu.enqueue_dma source(%dma_start3A_871 : memref<200x64xf32, #tpu.memory_space<vmem>>) target(%dma_start3A_867 : memref<200x64xf32, #tpu.memory_space<hbm>>) target_semaphore(%dma_start3A_863 : memref<!tpu.dma_semaphore, #tpu.memory_space<semaphore_mem>>)
      %mul3A_872 = arith.constant 8 : i32
      %mul3A_873 = arith.muli %scan3A_566, %mul3A_872 : i32
      %add3A_874 = arith.constant 4 : i32
      %add3A_875 = arith.addi %mul3A_873, %add3A_874 : i32
      %add3A_876 = arith.constant 2 : i32
      %add3A_877 = arith.addi %add3A_875, %add3A_876 : i32
      %lt3A_878 = arith.constant 128 : i32
      %lt3A_879 = arith.cmpi slt, %add3A_877, %lt3A_878 : i32
      %convert_element_type3A_880 = arith.extui %lt3A_879 : i1 to i32
      %cond3A_881 = arith.constant 0 : i32
      %cond3A_882 = arith.cmpi ne, %convert_element_type3A_880, %cond3A_881 : i32
      scf.if %cond3A_882 {
        %add3A_1180 = arith.constant 2 : i32
        %add3A_1181 = arith.addi %add3A_875, %add3A_1180 : i32
        %add3A_1182 = arith.addi %mul3A_2, %add3A_1181 : i32
        %mul3A_1183 = arith.constant 200 : i32
        %mul3A_1184 = arith.muli %add3A_1182, %mul3A_1183 : i32
        %add3A_1185 = arith.constant 128 : i32
        %add3A_1186 = arith.addi %mul3A_1184, %add3A_1185 : i32
        %dma_wait3A_1187 = arith.constant 6 : i32
        %dma_wait3A_1188 = arith.constant 0 : i32
        %dma_wait3A_1189 = arith.constant 6 : i32
        %dma_wait3A_1190 = arith.constant 0 : i32
        %dma_wait3A_1191 = tpu.memref_slice %arg6[%dma_wait3A_1187, %dma_wait3A_1188, %dma_wait3A_1190] : memref<8x2x128xi32, #tpu.memory_space<vmem>> -> memref<1x1x128xi32, #tpu.memory_space<vmem>>
        %dma_wait3A_1192 = tpu.memref_squeeze %dma_wait3A_1191 : memref<1x1x128xi32, #tpu.memory_space<vmem>> -> memref<128xi32, #tpu.memory_space<vmem>>
        %dma_wait3A_1193 = tpu.memref_slice %arg3[%mul3A_1184] : memref<819200xi32, #tpu.memory_space<hbm>> -> memref<128xi32, #tpu.memory_space<hbm>>
        %dma_wait3A_1194 = tpu.memref_slice %arg9[%dma_wait3A_1189] : memref<8x!tpu.dma_semaphore, #tpu.memory_space<semaphore_mem>> -> memref<1x!tpu.dma_semaphore, #tpu.memory_space<semaphore_mem>>
        %dma_wait3A_1195 = tpu.memref_squeeze %dma_wait3A_1194 : memref<1x!tpu.dma_semaphore, #tpu.memory_space<semaphore_mem>> -> memref<!tpu.dma_semaphore, #tpu.memory_space<semaphore_mem>>
        %dma_wait3A_1196 = arith.constant 0 : i32
        %dma_wait3A_1197 = tpu.memref_slice %arg6[%dma_wait3A_1187, %dma_wait3A_1188, %dma_wait3A_1196] : memref<8x2x128xi32, #tpu.memory_space<vmem>> -> memref<1x1x128xi32, #tpu.memory_space<vmem>>
        %dma_wait3A_1198 = tpu.memref_squeeze %dma_wait3A_1197 : memref<1x1x128xi32, #tpu.memory_space<vmem>> -> memref<128xi32, #tpu.memory_space<vmem>>
        %dma_wait3A_1199 = tpu.memref_slice %arg3[%mul3A_1184] : memref<819200xi32, #tpu.memory_space<hbm>> -> memref<128xi32, #tpu.memory_space<hbm>>
        tpu.wait_dma2 semaphore(%dma_wait3A_1195 : memref<!tpu.dma_semaphore, #tpu.memory_space<semaphore_mem>>) src(%dma_wait3A_1199 : memref<128xi32, #tpu.memory_space<hbm>>) dst(%dma_wait3A_1198 : memref<128xi32, #tpu.memory_space<vmem>>)
        %dma_wait3A_1200 = arith.constant 6 : i32
        %dma_wait3A_1201 = arith.constant 1 : i32
        %dma_wait3A_1202 = arith.constant 6 : i32
        %dma_wait3A_1203 = arith.constant 0 : i32
        %dma_wait3A_1204 = tpu.memref_slice %arg6[%dma_wait3A_1200, %dma_wait3A_1201, %dma_wait3A_1203] : memref<8x2x128xi32, #tpu.memory_space<vmem>> -> memref<1x1x72xi32, #tpu.memory_space<vmem>>
        %dma_wait3A_1205 = tpu.memref_squeeze %dma_wait3A_1204 : memref<1x1x72xi32, #tpu.memory_space<vmem>> -> memref<72xi32, #tpu.memory_space<vmem>>
        %dma_wait3A_1206 = tpu.memref_slice %arg3[%add3A_1186] : memref<819200xi32, #tpu.memory_space<hbm>> -> memref<72xi32, #tpu.memory_space<hbm>>
        %dma_wait3A_1207 = tpu.memref_slice %arg9[%dma_wait3A_1202] : memref<8x!tpu.dma_semaphore, #tpu.memory_space<semaphore_mem>> -> memref<1x!tpu.dma_semaphore, #tpu.memory_space<semaphore_mem>>
        %dma_wait3A_1208 = tpu.memref_squeeze %dma_wait3A_1207 : memref<1x!tpu.dma_semaphore, #tpu.memory_space<semaphore_mem>> -> memref<!tpu.dma_semaphore, #tpu.memory_space<semaphore_mem>>
        %dma_wait3A_1209 = arith.constant 0 : i32
        %dma_wait3A_1210 = tpu.memref_slice %arg6[%dma_wait3A_1200, %dma_wait3A_1201, %dma_wait3A_1209] : memref<8x2x128xi32, #tpu.memory_space<vmem>> -> memref<1x1x72xi32, #tpu.memory_space<vmem>>
        %dma_wait3A_1211 = tpu.memref_squeeze %dma_wait3A_1210 : memref<1x1x72xi32, #tpu.memory_space<vmem>> -> memref<72xi32, #tpu.memory_space<vmem>>
        %dma_wait3A_1212 = tpu.memref_slice %arg3[%add3A_1186] : memref<819200xi32, #tpu.memory_space<hbm>> -> memref<72xi32, #tpu.memory_space<hbm>>
        tpu.wait_dma2 semaphore(%dma_wait3A_1208 : memref<!tpu.dma_semaphore, #tpu.memory_space<semaphore_mem>>) src(%dma_wait3A_1212 : memref<72xi32, #tpu.memory_space<hbm>>) dst(%dma_wait3A_1211 : memref<72xi32, #tpu.memory_space<vmem>>)
        %add3A_1213 = arith.constant 2 : i32
        %add3A_1214 = arith.addi %add3A_875, %add3A_1213 : i32
        %ge3A = arith.constant 8 : i32
        %ge3A_1215 = arith.cmpi sge, %add3A_1214, %ge3A : i32
        %convert_element_type3A_1216 = arith.extui %ge3A_1215 : i1 to i32
        %cond3A_1217 = arith.constant 0 : i32
        %cond3A_1218 = arith.cmpi ne, %convert_element_type3A_1216, %cond3A_1217 : i32
        scf.if %cond3A_1218 {
          %add3A_1251 = arith.constant 0 : i32
          %add3A_1252 = arith.addi %mul3A_2, %add3A_1251 : i32
          %dma_wait3A_1253 = arith.constant 6 : i32
          %dma_wait3A_1254 = arith.constant 6 : i32
          %dma_wait3A_1255 = arith.constant 0 : i32
          %dma_wait3A_1256 = arith.constant 0 : i32
          %dma_wait3A_1257 = tpu.memref_slice %arg7[%dma_wait3A_1253, %dma_wait3A_1255, %dma_wait3A_1256] : memref<8x200x64xf32, #tpu.memory_space<vmem>> -> memref<1x200x64xf32, #tpu.memory_space<vmem>>
          %dma_wait3A_1258 = tpu.memref_squeeze %dma_wait3A_1257 : memref<1x200x64xf32, #tpu.memory_space<vmem>> -> memref<200x64xf32, #tpu.memory_space<vmem>>
          %dma_wait3A_1259 = arith.constant 0 : i32
          %dma_wait3A_1260 = arith.constant 0 : i32
          %dma_wait3A_1261 = tpu.memref_slice %arg5[%add3A_1252, %dma_wait3A_1259, %dma_wait3A_1260] : memref<4096x200x64xf32, #tpu.memory_space<hbm>> -> memref<1x200x64xf32, #tpu.memory_space<hbm>>
          %dma_wait3A_1262 = tpu.memref_squeeze %dma_wait3A_1261 : memref<1x200x64xf32, #tpu.memory_space<hbm>> -> memref<200x64xf32, #tpu.memory_space<hbm>>
          %dma_wait3A_1263 = tpu.memref_slice %arg11[%dma_wait3A_1254] : memref<8x!tpu.dma_semaphore, #tpu.memory_space<semaphore_mem>> -> memref<1x!tpu.dma_semaphore, #tpu.memory_space<semaphore_mem>>
          %dma_wait3A_1264 = tpu.memref_squeeze %dma_wait3A_1263 : memref<1x!tpu.dma_semaphore, #tpu.memory_space<semaphore_mem>> -> memref<!tpu.dma_semaphore, #tpu.memory_space<semaphore_mem>>
          %dma_wait3A_1265 = arith.constant 0 : i32
          %dma_wait3A_1266 = arith.constant 0 : i32
          %dma_wait3A_1267 = tpu.memref_slice %arg5[%add3A_1252, %dma_wait3A_1265, %dma_wait3A_1266] : memref<4096x200x64xf32, #tpu.memory_space<hbm>> -> memref<1x200x64xf32, #tpu.memory_space<hbm>>
          %dma_wait3A_1268 = tpu.memref_squeeze %dma_wait3A_1267 : memref<1x200x64xf32, #tpu.memory_space<hbm>> -> memref<200x64xf32, #tpu.memory_space<hbm>>
          %dma_wait3A_1269 = arith.constant 0 : i32
          %dma_wait3A_1270 = arith.constant 0 : i32
          %dma_wait3A_1271 = tpu.memref_slice %arg7[%dma_wait3A_1253, %dma_wait3A_1269, %dma_wait3A_1270] : memref<8x200x64xf32, #tpu.memory_space<vmem>> -> memref<1x200x64xf32, #tpu.memory_space<vmem>>
          %dma_wait3A_1272 = tpu.memref_squeeze %dma_wait3A_1271 : memref<1x200x64xf32, #tpu.memory_space<vmem>> -> memref<200x64xf32, #tpu.memory_space<vmem>>
          tpu.wait_dma2 semaphore(%dma_wait3A_1264 : memref<!tpu.dma_semaphore, #tpu.memory_space<semaphore_mem>>) src(%dma_wait3A_1272 : memref<200x64xf32, #tpu.memory_space<vmem>>) dst(%dma_wait3A_1268 : memref<200x64xf32, #tpu.memory_space<hbm>>)
        } else {
        }
        %dma_start3A_1219 = arith.constant 6 : i32
        %dma_start3A_1220 = arith.constant 0 : i32
        %dma_start3A_1221 = arith.constant 6 : i32
        %dma_start3A_1222 = arith.constant 6 : i32
        %dma_start3A_1223 = arith.constant 0 : i32
        %dma_start3A_1224 = arith.constant 0 : i32
        %dma_start3A_1225 = tpu.memref_slice %arg7[%dma_start3A_1221, %dma_start3A_1223, %dma_start3A_1224] : memref<8x200x64xf32, #tpu.memory_space<vmem>> -> memref<1x128x64xf32, #tpu.memory_space<vmem>>
        %dma_start3A_1226 = tpu.memref_squeeze %dma_start3A_1225 : memref<1x128x64xf32, #tpu.memory_space<vmem>> -> memref<128x64xf32, #tpu.memory_space<vmem>>
        %dma_start3A_1227 = arith.constant 0 : i32
        %dma_start3A_1228 = tpu.memref_slice %arg6[%dma_start3A_1219, %dma_start3A_1220, %dma_start3A_1227] : memref<8x2x128xi32, #tpu.memory_space<vmem>> -> memref<1x1x128xi32, #tpu.memory_space<vmem>>
        %dma_start3A_1229 = tpu.memref_squeeze %dma_start3A_1228 : memref<1x1x128xi32, #tpu.memory_space<vmem>> -> memref<128xi32, #tpu.memory_space<vmem>>
        %dma_start3A_1230 = arith.constant 0 : i32
        %dma_start3A_1231 = arith.constant 0 : i32
        %dma_start3A_1232 = tpu.memref_slice %arg2[%dma_start3A_1230, %dma_start3A_1231] : memref<1000000x64xf32, #tpu.memory_space<hbm>> -> memref<1000000x64xf32, #tpu.memory_space<hbm>>
        %dma_start3A_1233 = tpu.memref_slice %arg10[%dma_start3A_1222] : memref<8x!tpu.dma_semaphore, #tpu.memory_space<semaphore_mem>> -> memref<1x!tpu.dma_semaphore, #tpu.memory_space<semaphore_mem>>
        %dma_start3A_1234 = tpu.memref_squeeze %dma_start3A_1233 : memref<1x!tpu.dma_semaphore, #tpu.memory_space<semaphore_mem>> -> memref<!tpu.dma_semaphore, #tpu.memory_space<semaphore_mem>>
        tpu.enqueue_indirect_dma source(%dma_start3A_1232 : memref<1000000x64xf32, #tpu.memory_space<hbm>>) target(%dma_start3A_1226 : memref<128x64xf32, #tpu.memory_space<vmem>>) offsets(%dma_start3A_1229 : memref<128xi32, #tpu.memory_space<vmem>>) semaphore(%dma_start3A_1234 : memref<!tpu.dma_semaphore, #tpu.memory_space<semaphore_mem>>)
        %dma_start3A_1235 = arith.constant 6 : i32
        %dma_start3A_1236 = arith.constant 1 : i32
        %dma_start3A_1237 = arith.constant 6 : i32
        %dma_start3A_1238 = arith.constant 6 : i32
        %dma_start3A_1239 = arith.constant 128 : i32
        %dma_start3A_1240 = arith.constant 0 : i32
        %dma_start3A_1241 = tpu.memref_slice %arg7[%dma_start3A_1237, %dma_start3A_1239, %dma_start3A_1240] : memref<8x200x64xf32, #tpu.memory_space<vmem>> -> memref<1x72x64xf32, #tpu.memory_space<vmem>>
        %dma_start3A_1242 = tpu.memref_squeeze %dma_start3A_1241 : memref<1x72x64xf32, #tpu.memory_space<vmem>> -> memref<72x64xf32, #tpu.memory_space<vmem>>
        %dma_start3A_1243 = arith.constant 0 : i32
        %dma_start3A_1244 = tpu.memref_slice %arg6[%dma_start3A_1235, %dma_start3A_1236, %dma_start3A_1243] : memref<8x2x128xi32, #tpu.memory_space<vmem>> -> memref<1x1x72xi32, #tpu.memory_space<vmem>>
        %dma_start3A_1245 = tpu.memref_squeeze %dma_start3A_1244 : memref<1x1x72xi32, #tpu.memory_space<vmem>> -> memref<72xi32, #tpu.memory_space<vmem>>
        %dma_start3A_1246 = arith.constant 0 : i32
        %dma_start3A_1247 = arith.constant 0 : i32
        %dma_start3A_1248 = tpu.memref_slice %arg2[%dma_start3A_1246, %dma_start3A_1247] : memref<1000000x64xf32, #tpu.memory_space<hbm>> -> memref<1000000x64xf32, #tpu.memory_space<hbm>>
        %dma_start3A_1249 = tpu.memref_slice %arg10[%dma_start3A_1238] : memref<8x!tpu.dma_semaphore, #tpu.memory_space<semaphore_mem>> -> memref<1x!tpu.dma_semaphore, #tpu.memory_space<semaphore_mem>>
        %dma_start3A_1250 = tpu.memref_squeeze %dma_start3A_1249 : memref<1x!tpu.dma_semaphore, #tpu.memory_space<semaphore_mem>> -> memref<!tpu.dma_semaphore, #tpu.memory_space<semaphore_mem>>
        tpu.enqueue_indirect_dma source(%dma_start3A_1248 : memref<1000000x64xf32, #tpu.memory_space<hbm>>) target(%dma_start3A_1242 : memref<72x64xf32, #tpu.memory_space<vmem>>) offsets(%dma_start3A_1245 : memref<72xi32, #tpu.memory_space<vmem>>) semaphore(%dma_start3A_1250 : memref<!tpu.dma_semaphore, #tpu.memory_space<semaphore_mem>>)
      } else {
      }
      %dma_wait3A_883 = arith.constant 4 : i32
      %dma_wait3A_884 = arith.constant 0 : i32
      %dma_wait3A_885 = arith.constant 4 : i32
      %dma_wait3A_886 = arith.constant 4 : i32
      %dma_wait3A_887 = arith.constant 0 : i32
      %dma_wait3A_888 = arith.constant 0 : i32
      %dma_wait3A_889 = tpu.memref_slice %arg7[%dma_wait3A_885, %dma_wait3A_887, %dma_wait3A_888] : memref<8x200x64xf32, #tpu.memory_space<vmem>> -> memref<1x128x64xf32, #tpu.memory_space<vmem>>
      %dma_wait3A_890 = tpu.memref_squeeze %dma_wait3A_889 : memref<1x128x64xf32, #tpu.memory_space<vmem>> -> memref<128x64xf32, #tpu.memory_space<vmem>>
      %dma_wait3A_891 = arith.constant 0 : i32
      %dma_wait3A_892 = tpu.memref_slice %arg6[%dma_wait3A_883, %dma_wait3A_884, %dma_wait3A_891] : memref<8x2x128xi32, #tpu.memory_space<vmem>> -> memref<1x1x128xi32, #tpu.memory_space<vmem>>
      %dma_wait3A_893 = tpu.memref_squeeze %dma_wait3A_892 : memref<1x1x128xi32, #tpu.memory_space<vmem>> -> memref<128xi32, #tpu.memory_space<vmem>>
      %dma_wait3A_894 = arith.constant 0 : i32
      %dma_wait3A_895 = arith.constant 0 : i32
      %dma_wait3A_896 = tpu.memref_slice %arg2[%dma_wait3A_894, %dma_wait3A_895] : memref<1000000x64xf32, #tpu.memory_space<hbm>> -> memref<1000000x64xf32, #tpu.memory_space<hbm>>
      %dma_wait3A_897 = tpu.memref_slice %arg10[%dma_wait3A_886] : memref<8x!tpu.dma_semaphore, #tpu.memory_space<semaphore_mem>> -> memref<1x!tpu.dma_semaphore, #tpu.memory_space<semaphore_mem>>
      %dma_wait3A_898 = tpu.memref_squeeze %dma_wait3A_897 : memref<1x!tpu.dma_semaphore, #tpu.memory_space<semaphore_mem>> -> memref<!tpu.dma_semaphore, #tpu.memory_space<semaphore_mem>>
      tpu.wait_indirect_dma semaphore(%dma_wait3A_898 : memref<!tpu.dma_semaphore, #tpu.memory_space<semaphore_mem>>) src(%dma_wait3A_896 : memref<1000000x64xf32, #tpu.memory_space<hbm>>) dst(%dma_wait3A_890 : memref<128x64xf32, #tpu.memory_space<vmem>>)
      %dma_wait3A_899 = arith.constant 4 : i32
      %dma_wait3A_900 = arith.constant 1 : i32
      %dma_wait3A_901 = arith.constant 4 : i32
      %dma_wait3A_902 = arith.constant 4 : i32
      %dma_wait3A_903 = arith.constant 128 : i32
      %dma_wait3A_904 = arith.constant 0 : i32
      %dma_wait3A_905 = tpu.memref_slice %arg7[%dma_wait3A_901, %dma_wait3A_903, %dma_wait3A_904] : memref<8x200x64xf32, #tpu.memory_space<vmem>> -> memref<1x72x64xf32, #tpu.memory_space<vmem>>
      %dma_wait3A_906 = tpu.memref_squeeze %dma_wait3A_905 : memref<1x72x64xf32, #tpu.memory_space<vmem>> -> memref<72x64xf32, #tpu.memory_space<vmem>>
      %dma_wait3A_907 = arith.constant 0 : i32
      %dma_wait3A_908 = tpu.memref_slice %arg6[%dma_wait3A_899, %dma_wait3A_900, %dma_wait3A_907] : memref<8x2x128xi32, #tpu.memory_space<vmem>> -> memref<1x1x72xi32, #tpu.memory_space<vmem>>
      %dma_wait3A_909 = tpu.memref_squeeze %dma_wait3A_908 : memref<1x1x72xi32, #tpu.memory_space<vmem>> -> memref<72xi32, #tpu.memory_space<vmem>>
      %dma_wait3A_910 = arith.constant 0 : i32
      %dma_wait3A_911 = arith.constant 0 : i32
      %dma_wait3A_912 = tpu.memref_slice %arg2[%dma_wait3A_910, %dma_wait3A_911] : memref<1000000x64xf32, #tpu.memory_space<hbm>> -> memref<1000000x64xf32, #tpu.memory_space<hbm>>
      %dma_wait3A_913 = tpu.memref_slice %arg10[%dma_wait3A_902] : memref<8x!tpu.dma_semaphore, #tpu.memory_space<semaphore_mem>> -> memref<1x!tpu.dma_semaphore, #tpu.memory_space<semaphore_mem>>
      %dma_wait3A_914 = tpu.memref_squeeze %dma_wait3A_913 : memref<1x!tpu.dma_semaphore, #tpu.memory_space<semaphore_mem>> -> memref<!tpu.dma_semaphore, #tpu.memory_space<semaphore_mem>>
      tpu.wait_indirect_dma semaphore(%dma_wait3A_914 : memref<!tpu.dma_semaphore, #tpu.memory_space<semaphore_mem>>) src(%dma_wait3A_912 : memref<1000000x64xf32, #tpu.memory_space<hbm>>) dst(%dma_wait3A_906 : memref<72x64xf32, #tpu.memory_space<vmem>>)
      %add3A_915 = arith.constant 8 : i32
      %add3A_916 = arith.addi %add3A_875, %add3A_915 : i32
      %lt3A_917 = arith.constant 128 : i32
      %lt3A_918 = arith.cmpi slt, %add3A_916, %lt3A_917 : i32
      %convert_element_type3A_919 = arith.extui %lt3A_918 : i1 to i32
      %cond3A_920 = arith.constant 0 : i32
      %cond3A_921 = arith.cmpi ne, %convert_element_type3A_919, %cond3A_920 : i32
      scf.if %cond3A_921 {
        %add3A_1180 = arith.constant 8 : i32
        %add3A_1181 = arith.addi %add3A_875, %add3A_1180 : i32
        %add3A_1182 = arith.addi %mul3A_2, %add3A_1181 : i32
        %mul3A_1183 = arith.constant 200 : i32
        %mul3A_1184 = arith.muli %add3A_1182, %mul3A_1183 : i32
        %add3A_1185 = arith.constant 128 : i32
        %add3A_1186 = arith.addi %mul3A_1184, %add3A_1185 : i32
        %dma_start3A_1187 = arith.constant 4 : i32
        %dma_start3A_1188 = arith.constant 0 : i32
        %dma_start3A_1189 = arith.constant 4 : i32
        %dma_start3A_1190 = arith.constant 0 : i32
        %dma_start3A_1191 = tpu.memref_slice %arg6[%dma_start3A_1187, %dma_start3A_1188, %dma_start3A_1190] : memref<8x2x128xi32, #tpu.memory_space<vmem>> -> memref<1x1x128xi32, #tpu.memory_space<vmem>>
        %dma_start3A_1192 = tpu.memref_squeeze %dma_start3A_1191 : memref<1x1x128xi32, #tpu.memory_space<vmem>> -> memref<128xi32, #tpu.memory_space<vmem>>
        %dma_start3A_1193 = tpu.memref_slice %arg3[%mul3A_1184] : memref<819200xi32, #tpu.memory_space<hbm>> -> memref<128xi32, #tpu.memory_space<hbm>>
        %dma_start3A_1194 = tpu.memref_slice %arg9[%dma_start3A_1189] : memref<8x!tpu.dma_semaphore, #tpu.memory_space<semaphore_mem>> -> memref<1x!tpu.dma_semaphore, #tpu.memory_space<semaphore_mem>>
        %dma_start3A_1195 = tpu.memref_squeeze %dma_start3A_1194 : memref<1x!tpu.dma_semaphore, #tpu.memory_space<semaphore_mem>> -> memref<!tpu.dma_semaphore, #tpu.memory_space<semaphore_mem>>
        %dma_start3A_1196 = arith.constant 0 : i32
        %dma_start3A_1197 = tpu.memref_slice %arg6[%dma_start3A_1187, %dma_start3A_1188, %dma_start3A_1196] : memref<8x2x128xi32, #tpu.memory_space<vmem>> -> memref<1x1x128xi32, #tpu.memory_space<vmem>>
        %dma_start3A_1198 = tpu.memref_squeeze %dma_start3A_1197 : memref<1x1x128xi32, #tpu.memory_space<vmem>> -> memref<128xi32, #tpu.memory_space<vmem>>
        %dma_start3A_1199 = tpu.memref_slice %arg3[%mul3A_1184] : memref<819200xi32, #tpu.memory_space<hbm>> -> memref<128xi32, #tpu.memory_space<hbm>>
        tpu.enqueue_dma source(%dma_start3A_1199 : memref<128xi32, #tpu.memory_space<hbm>>) target(%dma_start3A_1198 : memref<128xi32, #tpu.memory_space<vmem>>) target_semaphore(%dma_start3A_1195 : memref<!tpu.dma_semaphore, #tpu.memory_space<semaphore_mem>>)
        %dma_start3A_1200 = arith.constant 4 : i32
        %dma_start3A_1201 = arith.constant 1 : i32
        %dma_start3A_1202 = arith.constant 4 : i32
        %dma_start3A_1203 = arith.constant 0 : i32
        %dma_start3A_1204 = tpu.memref_slice %arg6[%dma_start3A_1200, %dma_start3A_1201, %dma_start3A_1203] : memref<8x2x128xi32, #tpu.memory_space<vmem>> -> memref<1x1x72xi32, #tpu.memory_space<vmem>>
        %dma_start3A_1205 = tpu.memref_squeeze %dma_start3A_1204 : memref<1x1x72xi32, #tpu.memory_space<vmem>> -> memref<72xi32, #tpu.memory_space<vmem>>
        %dma_start3A_1206 = tpu.memref_slice %arg3[%add3A_1186] : memref<819200xi32, #tpu.memory_space<hbm>> -> memref<72xi32, #tpu.memory_space<hbm>>
        %dma_start3A_1207 = tpu.memref_slice %arg9[%dma_start3A_1202] : memref<8x!tpu.dma_semaphore, #tpu.memory_space<semaphore_mem>> -> memref<1x!tpu.dma_semaphore, #tpu.memory_space<semaphore_mem>>
        %dma_start3A_1208 = tpu.memref_squeeze %dma_start3A_1207 : memref<1x!tpu.dma_semaphore, #tpu.memory_space<semaphore_mem>> -> memref<!tpu.dma_semaphore, #tpu.memory_space<semaphore_mem>>
        %dma_start3A_1209 = arith.constant 0 : i32
        %dma_start3A_1210 = tpu.memref_slice %arg6[%dma_start3A_1200, %dma_start3A_1201, %dma_start3A_1209] : memref<8x2x128xi32, #tpu.memory_space<vmem>> -> memref<1x1x72xi32, #tpu.memory_space<vmem>>
        %dma_start3A_1211 = tpu.memref_squeeze %dma_start3A_1210 : memref<1x1x72xi32, #tpu.memory_space<vmem>> -> memref<72xi32, #tpu.memory_space<vmem>>
        %dma_start3A_1212 = tpu.memref_slice %arg3[%add3A_1186] : memref<819200xi32, #tpu.memory_space<hbm>> -> memref<72xi32, #tpu.memory_space<hbm>>
        tpu.enqueue_dma source(%dma_start3A_1212 : memref<72xi32, #tpu.memory_space<hbm>>) target(%dma_start3A_1211 : memref<72xi32, #tpu.memory_space<vmem>>) target_semaphore(%dma_start3A_1208 : memref<!tpu.dma_semaphore, #tpu.memory_space<semaphore_mem>>)
      } else {
      }
      %scan3A_922 = arith.constant 0 : i32
      %scan3A_923 = arith.constant 0 : i32
      %scan3A_924 = arith.constant 50 : i32
      %scan3A_925 = arith.addi %scan3A_923, %scan3A_924 : i32
      %scan3A_926 = arith.constant 1 : i32
      scf.for %scan3A_1180 = %scan3A_923 to %scan3A_925 step %scan3A_926  : i32 {
        %mul3A_1181 = arith.constant 4 : i32
        %mul3A_1182 = arith.muli %scan3A_1180, %mul3A_1181 : i32
        %add3A_1183 = arith.constant 0 : i32
        %add3A_1184 = arith.addi %mul3A_1182, %add3A_1183 : i32
        %get3A = arith.index_cast %add3A_1184 : i32 to index
        %get3A_1185 = arith.constant 0 : index
        %get3A_1186 = tpu.vector_load %arg8[%get3A, %get3A_1185] {strides = array<i32>} : memref<200x64xf32, #tpu.memory_space<vmem>>, vector<1x16xf32>,
        %get3A_1187 = vector.shape_cast %get3A_1186 : vector<1x16xf32> to vector<16xf32>
        %swap3A = arith.constant 4 : i32
        %swap3A_1188 = arith.index_cast %swap3A : i32 to index
        %swap3A_1189 = arith.index_cast %add3A_1184 : i32 to index
        %swap3A_1190 = arith.constant 0 : index
        %swap3A_1191 = tpu.vector_load %arg7[%swap3A_1188, %swap3A_1189, %swap3A_1190] {strides = array<i32>} : memref<8x200x64xf32, #tpu.memory_space<vmem>>, vector<1x1x16xf32>,
        %swap3A_1192 = vector.shape_cast %swap3A_1191 : vector<1x1x16xf32> to vector<16xf32>
        %swap3A_1193 = vector.shape_cast %get3A_1187 : vector<16xf32> to vector<1x1x16xf32>
        tpu.vector_store %arg7[%swap3A_1188, %swap3A_1189, %swap3A_1190], %swap3A_1193 {add = true, strides = array<i32>} : memref<8x200x64xf32, #tpu.memory_space<vmem>>, vector<1x1x16xf32>,
        %get3A_1194 = arith.index_cast %add3A_1184 : i32 to index
        %get3A_1195 = arith.constant 16 : index
        %get3A_1196 = tpu.vector_load %arg8[%get3A_1194, %get3A_1195] {strides = array<i32>} : memref<200x64xf32, #tpu.memory_space<vmem>>, vector<1x16xf32>,
        %get3A_1197 = vector.shape_cast %get3A_1196 : vector<1x16xf32> to vector<16xf32>
        %swap3A_1198 = arith.constant 4 : i32
        %swap3A_1199 = arith.index_cast %swap3A_1198 : i32 to index
        %swap3A_1200 = arith.index_cast %add3A_1184 : i32 to index
        %swap3A_1201 = arith.constant 16 : index
        %swap3A_1202 = tpu.vector_load %arg7[%swap3A_1199, %swap3A_1200, %swap3A_1201] {strides = array<i32>} : memref<8x200x64xf32, #tpu.memory_space<vmem>>, vector<1x1x16xf32>,
        %swap3A_1203 = vector.shape_cast %swap3A_1202 : vector<1x1x16xf32> to vector<16xf32>
        %swap3A_1204 = vector.shape_cast %get3A_1197 : vector<16xf32> to vector<1x1x16xf32>
        tpu.vector_store %arg7[%swap3A_1199, %swap3A_1200, %swap3A_1201], %swap3A_1204 {add = true, strides = array<i32>} : memref<8x200x64xf32, #tpu.memory_space<vmem>>, vector<1x1x16xf32>,
        %get3A_1205 = arith.index_cast %add3A_1184 : i32 to index
        %get3A_1206 = arith.constant 32 : index
        %get3A_1207 = tpu.vector_load %arg8[%get3A_1205, %get3A_1206] {strides = array<i32>} : memref<200x64xf32, #tpu.memory_space<vmem>>, vector<1x16xf32>,
        %get3A_1208 = vector.shape_cast %get3A_1207 : vector<1x16xf32> to vector<16xf32>
        %swap3A_1209 = arith.constant 4 : i32
        %swap3A_1210 = arith.index_cast %swap3A_1209 : i32 to index
        %swap3A_1211 = arith.index_cast %add3A_1184 : i32 to index
        %swap3A_1212 = arith.constant 32 : index
        %swap3A_1213 = tpu.vector_load %arg7[%swap3A_1210, %swap3A_1211, %swap3A_1212] {strides = array<i32>} : memref<8x200x64xf32, #tpu.memory_space<vmem>>, vector<1x1x16xf32>,
        %swap3A_1214 = vector.shape_cast %swap3A_1213 : vector<1x1x16xf32> to vector<16xf32>
        %swap3A_1215 = vector.shape_cast %get3A_1208 : vector<16xf32> to vector<1x1x16xf32>
        tpu.vector_store %arg7[%swap3A_1210, %swap3A_1211, %swap3A_1212], %swap3A_1215 {add = true, strides = array<i32>} : memref<8x200x64xf32, #tpu.memory_space<vmem>>, vector<1x1x16xf32>,
        %get3A_1216 = arith.index_cast %add3A_1184 : i32 to index
        %get3A_1217 = arith.constant 48 : index
        %get3A_1218 = tpu.vector_load %arg8[%get3A_1216, %get3A_1217] {strides = array<i32>} : memref<200x64xf32, #tpu.memory_space<vmem>>, vector<1x16xf32>,
        %get3A_1219 = vector.shape_cast %get3A_1218 : vector<1x16xf32> to vector<16xf32>
        %swap3A_1220 = arith.constant 4 : i32
        %swap3A_1221 = arith.index_cast %swap3A_1220 : i32 to index
        %swap3A_1222 = arith.index_cast %add3A_1184 : i32 to index
        %swap3A_1223 = arith.constant 48 : index
        %swap3A_1224 = tpu.vector_load %arg7[%swap3A_1221, %swap3A_1222, %swap3A_1223] {strides = array<i32>} : memref<8x200x64xf32, #tpu.memory_space<vmem>>, vector<1x1x16xf32>,
        %swap3A_1225 = vector.shape_cast %swap3A_1224 : vector<1x1x16xf32> to vector<16xf32>
        %swap3A_1226 = vector.shape_cast %get3A_1219 : vector<16xf32> to vector<1x1x16xf32>
        tpu.vector_store %arg7[%swap3A_1221, %swap3A_1222, %swap3A_1223], %swap3A_1226 {add = true, strides = array<i32>} : memref<8x200x64xf32, #tpu.memory_space<vmem>>, vector<1x1x16xf32>,
        %mul3A_1227 = arith.constant 4 : i32
        %mul3A_1228 = arith.muli %scan3A_1180, %mul3A_1227 : i32
        %add3A_1229 = arith.constant 1 : i32
        %add3A_1230 = arith.addi %mul3A_1228, %add3A_1229 : i32
        %get3A_1231 = arith.index_cast %add3A_1230 : i32 to index
        %get3A_1232 = arith.constant 0 : index
        %get3A_1233 = tpu.vector_load %arg8[%get3A_1231, %get3A_1232] {strides = array<i32>} : memref<200x64xf32, #tpu.memory_space<vmem>>, vector<1x16xf32>,
        %get3A_1234 = vector.shape_cast %get3A_1233 : vector<1x16xf32> to vector<16xf32>
        %swap3A_1235 = arith.constant 4 : i32
        %swap3A_1236 = arith.index_cast %swap3A_1235 : i32 to index
        %swap3A_1237 = arith.index_cast %add3A_1230 : i32 to index
        %swap3A_1238 = arith.constant 0 : index
        %swap3A_1239 = tpu.vector_load %arg7[%swap3A_1236, %swap3A_1237, %swap3A_1238] {strides = array<i32>} : memref<8x200x64xf32, #tpu.memory_space<vmem>>, vector<1x1x16xf32>,
        %swap3A_1240 = vector.shape_cast %swap3A_1239 : vector<1x1x16xf32> to vector<16xf32>
        %swap3A_1241 = vector.shape_cast %get3A_1234 : vector<16xf32> to vector<1x1x16xf32>
        tpu.vector_store %arg7[%swap3A_1236, %swap3A_1237, %swap3A_1238], %swap3A_1241 {add = true, strides = array<i32>} : memref<8x200x64xf32, #tpu.memory_space<vmem>>, vector<1x1x16xf32>,
        %get3A_1242 = arith.index_cast %add3A_1230 : i32 to index
        %get3A_1243 = arith.constant 16 : index
        %get3A_1244 = tpu.vector_load %arg8[%get3A_1242, %get3A_1243] {strides = array<i32>} : memref<200x64xf32, #tpu.memory_space<vmem>>, vector<1x16xf32>,
        %get3A_1245 = vector.shape_cast %get3A_1244 : vector<1x16xf32> to vector<16xf32>
        %swap3A_1246 = arith.constant 4 : i32
        %swap3A_1247 = arith.index_cast %swap3A_1246 : i32 to index
        %swap3A_1248 = arith.index_cast %add3A_1230 : i32 to index
        %swap3A_1249 = arith.constant 16 : index
        %swap3A_1250 = tpu.vector_load %arg7[%swap3A_1247, %swap3A_1248, %swap3A_1249] {strides = array<i32>} : memref<8x200x64xf32, #tpu.memory_space<vmem>>, vector<1x1x16xf32>,
        %swap3A_1251 = vector.shape_cast %swap3A_1250 : vector<1x1x16xf32> to vector<16xf32>
        %swap3A_1252 = vector.shape_cast %get3A_1245 : vector<16xf32> to vector<1x1x16xf32>
        tpu.vector_store %arg7[%swap3A_1247, %swap3A_1248, %swap3A_1249], %swap3A_1252 {add = true, strides = array<i32>} : memref<8x200x64xf32, #tpu.memory_space<vmem>>, vector<1x1x16xf32>,
        %get3A_1253 = arith.index_cast %add3A_1230 : i32 to index
        %get3A_1254 = arith.constant 32 : index
        %get3A_1255 = tpu.vector_load %arg8[%get3A_1253, %get3A_1254] {strides = array<i32>} : memref<200x64xf32, #tpu.memory_space<vmem>>, vector<1x16xf32>,
        %get3A_1256 = vector.shape_cast %get3A_1255 : vector<1x16xf32> to vector<16xf32>
        %swap3A_1257 = arith.constant 4 : i32
        %swap3A_1258 = arith.index_cast %swap3A_1257 : i32 to index
        %swap3A_1259 = arith.index_cast %add3A_1230 : i32 to index
        %swap3A_1260 = arith.constant 32 : index
        %swap3A_1261 = tpu.vector_load %arg7[%swap3A_1258, %swap3A_1259, %swap3A_1260] {strides = array<i32>} : memref<8x200x64xf32, #tpu.memory_space<vmem>>, vector<1x1x16xf32>,
        %swap3A_1262 = vector.shape_cast %swap3A_1261 : vector<1x1x16xf32> to vector<16xf32>
        %swap3A_1263 = vector.shape_cast %get3A_1256 : vector<16xf32> to vector<1x1x16xf32>
        tpu.vector_store %arg7[%swap3A_1258, %swap3A_1259, %swap3A_1260], %swap3A_1263 {add = true, strides = array<i32>} : memref<8x200x64xf32, #tpu.memory_space<vmem>>, vector<1x1x16xf32>,
        %get3A_1264 = arith.index_cast %add3A_1230 : i32 to index
        %get3A_1265 = arith.constant 48 : index
        %get3A_1266 = tpu.vector_load %arg8[%get3A_1264, %get3A_1265] {strides = array<i32>} : memref<200x64xf32, #tpu.memory_space<vmem>>, vector<1x16xf32>,
        %get3A_1267 = vector.shape_cast %get3A_1266 : vector<1x16xf32> to vector<16xf32>
        %swap3A_1268 = arith.constant 4 : i32
        %swap3A_1269 = arith.index_cast %swap3A_1268 : i32 to index
        %swap3A_1270 = arith.index_cast %add3A_1230 : i32 to index
        %swap3A_1271 = arith.constant 48 : index
        %swap3A_1272 = tpu.vector_load %arg7[%swap3A_1269, %swap3A_1270, %swap3A_1271] {strides = array<i32>} : memref<8x200x64xf32, #tpu.memory_space<vmem>>, vector<1x1x16xf32>,
        %swap3A_1273 = vector.shape_cast %swap3A_1272 : vector<1x1x16xf32> to vector<16xf32>
        %swap3A_1274 = vector.shape_cast %get3A_1267 : vector<16xf32> to vector<1x1x16xf32>
        tpu.vector_store %arg7[%swap3A_1269, %swap3A_1270, %swap3A_1271], %swap3A_1274 {add = true, strides = array<i32>} : memref<8x200x64xf32, #tpu.memory_space<vmem>>, vector<1x1x16xf32>,
        %mul3A_1275 = arith.constant 4 : i32
        %mul3A_1276 = arith.muli %scan3A_1180, %mul3A_1275 : i32
        %add3A_1277 = arith.constant 2 : i32
        %add3A_1278 = arith.addi %mul3A_1276, %add3A_1277 : i32
        %get3A_1279 = arith.index_cast %add3A_1278 : i32 to index
        %get3A_1280 = arith.constant 0 : index
        %get3A_1281 = tpu.vector_load %arg8[%get3A_1279, %get3A_1280] {strides = array<i32>} : memref<200x64xf32, #tpu.memory_space<vmem>>, vector<1x16xf32>,
        %get3A_1282 = vector.shape_cast %get3A_1281 : vector<1x16xf32> to vector<16xf32>
        %swap3A_1283 = arith.constant 4 : i32
        %swap3A_1284 = arith.index_cast %swap3A_1283 : i32 to index
        %swap3A_1285 = arith.index_cast %add3A_1278 : i32 to index
        %swap3A_1286 = arith.constant 0 : index
        %swap3A_1287 = tpu.vector_load %arg7[%swap3A_1284, %swap3A_1285, %swap3A_1286] {strides = array<i32>} : memref<8x200x64xf32, #tpu.memory_space<vmem>>, vector<1x1x16xf32>,
        %swap3A_1288 = vector.shape_cast %swap3A_1287 : vector<1x1x16xf32> to vector<16xf32>
        %swap3A_1289 = vector.shape_cast %get3A_1282 : vector<16xf32> to vector<1x1x16xf32>
        tpu.vector_store %arg7[%swap3A_1284, %swap3A_1285, %swap3A_1286], %swap3A_1289 {add = true, strides = array<i32>} : memref<8x200x64xf32, #tpu.memory_space<vmem>>, vector<1x1x16xf32>,
        %get3A_1290 = arith.index_cast %add3A_1278 : i32 to index
        %get3A_1291 = arith.constant 16 : index
        %get3A_1292 = tpu.vector_load %arg8[%get3A_1290, %get3A_1291] {strides = array<i32>} : memref<200x64xf32, #tpu.memory_space<vmem>>, vector<1x16xf32>,
        %get3A_1293 = vector.shape_cast %get3A_1292 : vector<1x16xf32> to vector<16xf32>
        %swap3A_1294 = arith.constant 4 : i32
        %swap3A_1295 = arith.index_cast %swap3A_1294 : i32 to index
        %swap3A_1296 = arith.index_cast %add3A_1278 : i32 to index
        %swap3A_1297 = arith.constant 16 : index
        %swap3A_1298 = tpu.vector_load %arg7[%swap3A_1295, %swap3A_1296, %swap3A_1297] {strides = array<i32>} : memref<8x200x64xf32, #tpu.memory_space<vmem>>, vector<1x1x16xf32>,
        %swap3A_1299 = vector.shape_cast %swap3A_1298 : vector<1x1x16xf32> to vector<16xf32>
        %swap3A_1300 = vector.shape_cast %get3A_1293 : vector<16xf32> to vector<1x1x16xf32>
        tpu.vector_store %arg7[%swap3A_1295, %swap3A_1296, %swap3A_1297], %swap3A_1300 {add = true, strides = array<i32>} : memref<8x200x64xf32, #tpu.memory_space<vmem>>, vector<1x1x16xf32>,
        %get3A_1301 = arith.index_cast %add3A_1278 : i32 to index
        %get3A_1302 = arith.constant 32 : index
        %get3A_1303 = tpu.vector_load %arg8[%get3A_1301, %get3A_1302] {strides = array<i32>} : memref<200x64xf32, #tpu.memory_space<vmem>>, vector<1x16xf32>,
        %get3A_1304 = vector.shape_cast %get3A_1303 : vector<1x16xf32> to vector<16xf32>
        %swap3A_1305 = arith.constant 4 : i32
        %swap3A_1306 = arith.index_cast %swap3A_1305 : i32 to index
        %swap3A_1307 = arith.index_cast %add3A_1278 : i32 to index
        %swap3A_1308 = arith.constant 32 : index
        %swap3A_1309 = tpu.vector_load %arg7[%swap3A_1306, %swap3A_1307, %swap3A_1308] {strides = array<i32>} : memref<8x200x64xf32, #tpu.memory_space<vmem>>, vector<1x1x16xf32>,
        %swap3A_1310 = vector.shape_cast %swap3A_1309 : vector<1x1x16xf32> to vector<16xf32>
        %swap3A_1311 = vector.shape_cast %get3A_1304 : vector<16xf32> to vector<1x1x16xf32>
        tpu.vector_store %arg7[%swap3A_1306, %swap3A_1307, %swap3A_1308], %swap3A_1311 {add = true, strides = array<i32>} : memref<8x200x64xf32, #tpu.memory_space<vmem>>, vector<1x1x16xf32>,
        %get3A_1312 = arith.index_cast %add3A_1278 : i32 to index
        %get3A_1313 = arith.constant 48 : index
        %get3A_1314 = tpu.vector_load %arg8[%get3A_1312, %get3A_1313] {strides = array<i32>} : memref<200x64xf32, #tpu.memory_space<vmem>>, vector<1x16xf32>,
        %get3A_1315 = vector.shape_cast %get3A_1314 : vector<1x16xf32> to vector<16xf32>
        %swap3A_1316 = arith.constant 4 : i32
        %swap3A_1317 = arith.index_cast %swap3A_1316 : i32 to index
        %swap3A_1318 = arith.index_cast %add3A_1278 : i32 to index
        %swap3A_1319 = arith.constant 48 : index
        %swap3A_1320 = tpu.vector_load %arg7[%swap3A_1317, %swap3A_1318, %swap3A_1319] {strides = array<i32>} : memref<8x200x64xf32, #tpu.memory_space<vmem>>, vector<1x1x16xf32>,
        %swap3A_1321 = vector.shape_cast %swap3A_1320 : vector<1x1x16xf32> to vector<16xf32>
        %swap3A_1322 = vector.shape_cast %get3A_1315 : vector<16xf32> to vector<1x1x16xf32>
        tpu.vector_store %arg7[%swap3A_1317, %swap3A_1318, %swap3A_1319], %swap3A_1322 {add = true, strides = array<i32>} : memref<8x200x64xf32, #tpu.memory_space<vmem>>, vector<1x1x16xf32>,
        %mul3A_1323 = arith.constant 4 : i32
        %mul3A_1324 = arith.muli %scan3A_1180, %mul3A_1323 : i32
        %add3A_1325 = arith.constant 3 : i32
        %add3A_1326 = arith.addi %mul3A_1324, %add3A_1325 : i32
        %get3A_1327 = arith.index_cast %add3A_1326 : i32 to index
        %get3A_1328 = arith.constant 0 : index
        %get3A_1329 = tpu.vector_load %arg8[%get3A_1327, %get3A_1328] {strides = array<i32>} : memref<200x64xf32, #tpu.memory_space<vmem>>, vector<1x16xf32>,
        %get3A_1330 = vector.shape_cast %get3A_1329 : vector<1x16xf32> to vector<16xf32>
        %swap3A_1331 = arith.constant 4 : i32
        %swap3A_1332 = arith.index_cast %swap3A_1331 : i32 to index
        %swap3A_1333 = arith.index_cast %add3A_1326 : i32 to index
        %swap3A_1334 = arith.constant 0 : index
        %swap3A_1335 = tpu.vector_load %arg7[%swap3A_1332, %swap3A_1333, %swap3A_1334] {strides = array<i32>} : memref<8x200x64xf32, #tpu.memory_space<vmem>>, vector<1x1x16xf32>,
        %swap3A_1336 = vector.shape_cast %swap3A_1335 : vector<1x1x16xf32> to vector<16xf32>
        %swap3A_1337 = vector.shape_cast %get3A_1330 : vector<16xf32> to vector<1x1x16xf32>
        tpu.vector_store %arg7[%swap3A_1332, %swap3A_1333, %swap3A_1334], %swap3A_1337 {add = true, strides = array<i32>} : memref<8x200x64xf32, #tpu.memory_space<vmem>>, vector<1x1x16xf32>,
        %get3A_1338 = arith.index_cast %add3A_1326 : i32 to index
        %get3A_1339 = arith.constant 16 : index
        %get3A_1340 = tpu.vector_load %arg8[%get3A_1338, %get3A_1339] {strides = array<i32>} : memref<200x64xf32, #tpu.memory_space<vmem>>, vector<1x16xf32>,
        %get3A_1341 = vector.shape_cast %get3A_1340 : vector<1x16xf32> to vector<16xf32>
        %swap3A_1342 = arith.constant 4 : i32
        %swap3A_1343 = arith.index_cast %swap3A_1342 : i32 to index
        %swap3A_1344 = arith.index_cast %add3A_1326 : i32 to index
        %swap3A_1345 = arith.constant 16 : index
        %swap3A_1346 = tpu.vector_load %arg7[%swap3A_1343, %swap3A_1344, %swap3A_1345] {strides = array<i32>} : memref<8x200x64xf32, #tpu.memory_space<vmem>>, vector<1x1x16xf32>,
        %swap3A_1347 = vector.shape_cast %swap3A_1346 : vector<1x1x16xf32> to vector<16xf32>
        %swap3A_1348 = vector.shape_cast %get3A_1341 : vector<16xf32> to vector<1x1x16xf32>
        tpu.vector_store %arg7[%swap3A_1343, %swap3A_1344, %swap3A_1345], %swap3A_1348 {add = true, strides = array<i32>} : memref<8x200x64xf32, #tpu.memory_space<vmem>>, vector<1x1x16xf32>,
        %get3A_1349 = arith.index_cast %add3A_1326 : i32 to index
        %get3A_1350 = arith.constant 32 : index
        %get3A_1351 = tpu.vector_load %arg8[%get3A_1349, %get3A_1350] {strides = array<i32>} : memref<200x64xf32, #tpu.memory_space<vmem>>, vector<1x16xf32>,
        %get3A_1352 = vector.shape_cast %get3A_1351 : vector<1x16xf32> to vector<16xf32>
        %swap3A_1353 = arith.constant 4 : i32
        %swap3A_1354 = arith.index_cast %swap3A_1353 : i32 to index
        %swap3A_1355 = arith.index_cast %add3A_1326 : i32 to index
        %swap3A_1356 = arith.constant 32 : index
        %swap3A_1357 = tpu.vector_load %arg7[%swap3A_1354, %swap3A_1355, %swap3A_1356] {strides = array<i32>} : memref<8x200x64xf32, #tpu.memory_space<vmem>>, vector<1x1x16xf32>,
        %swap3A_1358 = vector.shape_cast %swap3A_1357 : vector<1x1x16xf32> to vector<16xf32>
        %swap3A_1359 = vector.shape_cast %get3A_1352 : vector<16xf32> to vector<1x1x16xf32>
        tpu.vector_store %arg7[%swap3A_1354, %swap3A_1355, %swap3A_1356], %swap3A_1359 {add = true, strides = array<i32>} : memref<8x200x64xf32, #tpu.memory_space<vmem>>, vector<1x1x16xf32>,
        %get3A_1360 = arith.index_cast %add3A_1326 : i32 to index
        %get3A_1361 = arith.constant 48 : index
        %get3A_1362 = tpu.vector_load %arg8[%get3A_1360, %get3A_1361] {strides = array<i32>} : memref<200x64xf32, #tpu.memory_space<vmem>>, vector<1x16xf32>,
        %get3A_1363 = vector.shape_cast %get3A_1362 : vector<1x16xf32> to vector<16xf32>
        %swap3A_1364 = arith.constant 4 : i32
        %swap3A_1365 = arith.index_cast %swap3A_1364 : i32 to index
        %swap3A_1366 = arith.index_cast %add3A_1326 : i32 to index
        %swap3A_1367 = arith.constant 48 : index
        %swap3A_1368 = tpu.vector_load %arg7[%swap3A_1365, %swap3A_1366, %swap3A_1367] {strides = array<i32>} : memref<8x200x64xf32, #tpu.memory_space<vmem>>, vector<1x1x16xf32>,
        %swap3A_1369 = vector.shape_cast %swap3A_1368 : vector<1x1x16xf32> to vector<16xf32>
        %swap3A_1370 = vector.shape_cast %get3A_1363 : vector<16xf32> to vector<1x1x16xf32>
        tpu.vector_store %arg7[%swap3A_1365, %swap3A_1366, %swap3A_1367], %swap3A_1370 {add = true, strides = array<i32>} : memref<8x200x64xf32, #tpu.memory_space<vmem>>, vector<1x1x16xf32>,
      }
      %scan3A_927 = arith.constant 50 : i32
      %add3A_928 = arith.addi %mul3A_2, %add3A_875 : i32
      %dma_start3A_929 = arith.constant 4 : i32
      %dma_start3A_930 = arith.constant 4 : i32
      %dma_start3A_931 = arith.constant 0 : i32
      %dma_start3A_932 = arith.constant 0 : i32
      %dma_start3A_933 = tpu.memref_slice %arg7[%dma_start3A_929, %dma_start3A_931, %dma_start3A_932] : memref<8x200x64xf32, #tpu.memory_space<vmem>> -> memref<1x200x64xf32, #tpu.memory_space<vmem>>
      %dma_start3A_934 = tpu.memref_squeeze %dma_start3A_933 : memref<1x200x64xf32, #tpu.memory_space<vmem>> -> memref<200x64xf32, #tpu.memory_space<vmem>>
      %dma_start3A_935 = arith.constant 0 : i32
      %dma_start3A_936 = arith.constant 0 : i32
      %dma_start3A_937 = tpu.memref_slice %arg5[%add3A_928, %dma_start3A_935, %dma_start3A_936] : memref<4096x200x64xf32, #tpu.memory_space<hbm>> -> memref<1x200x64xf32, #tpu.memory_space<hbm>>
      %dma_start3A_938 = tpu.memref_squeeze %dma_start3A_937 : memref<1x200x64xf32, #tpu.memory_space<hbm>> -> memref<200x64xf32, #tpu.memory_space<hbm>>
      %dma_start3A_939 = tpu.memref_slice %arg11[%dma_start3A_930] : memref<8x!tpu.dma_semaphore, #tpu.memory_space<semaphore_mem>> -> memref<1x!tpu.dma_semaphore, #tpu.memory_space<semaphore_mem>>
      %dma_start3A_940 = tpu.memref_squeeze %dma_start3A_939 : memref<1x!tpu.dma_semaphore, #tpu.memory_space<semaphore_mem>> -> memref<!tpu.dma_semaphore, #tpu.memory_space<semaphore_mem>>
      %dma_start3A_941 = arith.constant 0 : i32
      %dma_start3A_942 = arith.constant 0 : i32
      %dma_start3A_943 = tpu.memref_slice %arg5[%add3A_928, %dma_start3A_941, %dma_start3A_942] : memref<4096x200x64xf32, #tpu.memory_space<hbm>> -> memref<1x200x64xf32, #tpu.memory_space<hbm>>
      %dma_start3A_944 = tpu.memref_squeeze %dma_start3A_943 : memref<1x200x64xf32, #tpu.memory_space<hbm>> -> memref<200x64xf32, #tpu.memory_space<hbm>>
      %dma_start3A_945 = arith.constant 0 : i32
      %dma_start3A_946 = arith.constant 0 : i32
      %dma_start3A_947 = tpu.memref_slice %arg7[%dma_start3A_929, %dma_start3A_945, %dma_start3A_946] : memref<8x200x64xf32, #tpu.memory_space<vmem>> -> memref<1x200x64xf32, #tpu.memory_space<vmem>>
      %dma_start3A_948 = tpu.memref_squeeze %dma_start3A_947 : memref<1x200x64xf32, #tpu.memory_space<vmem>> -> memref<200x64xf32, #tpu.memory_space<vmem>>
      tpu.enqueue_dma source(%dma_start3A_948 : memref<200x64xf32, #tpu.memory_space<vmem>>) target(%dma_start3A_944 : memref<200x64xf32, #tpu.memory_space<hbm>>) target_semaphore(%dma_start3A_940 : memref<!tpu.dma_semaphore, #tpu.memory_space<semaphore_mem>>)
      %mul3A_949 = arith.constant 8 : i32
      %mul3A_950 = arith.muli %scan3A_566, %mul3A_949 : i32
      %add3A_951 = arith.constant 5 : i32
      %add3A_952 = arith.addi %mul3A_950, %add3A_951 : i32
      %add3A_953 = arith.constant 2 : i32
      %add3A_954 = arith.addi %add3A_952, %add3A_953 : i32
      %lt3A_955 = arith.constant 128 : i32
      %lt3A_956 = arith.cmpi slt, %add3A_954, %lt3A_955 : i32
      %convert_element_type3A_957 = arith.extui %lt3A_956 : i1 to i32
      %cond3A_958 = arith.constant 0 : i32
      %cond3A_959 = arith.cmpi ne, %convert_element_type3A_957, %cond3A_958 : i32
      scf.if %cond3A_959 {
        %add3A_1180 = arith.constant 2 : i32
        %add3A_1181 = arith.addi %add3A_952, %add3A_1180 : i32
        %add3A_1182 = arith.addi %mul3A_2, %add3A_1181 : i32
        %mul3A_1183 = arith.constant 200 : i32
        %mul3A_1184 = arith.muli %add3A_1182, %mul3A_1183 : i32
        %add3A_1185 = arith.constant 128 : i32
        %add3A_1186 = arith.addi %mul3A_1184, %add3A_1185 : i32
        %dma_wait3A_1187 = arith.constant 7 : i32
        %dma_wait3A_1188 = arith.constant 0 : i32
        %dma_wait3A_1189 = arith.constant 7 : i32
        %dma_wait3A_1190 = arith.constant 0 : i32
        %dma_wait3A_1191 = tpu.memref_slice %arg6[%dma_wait3A_1187, %dma_wait3A_1188, %dma_wait3A_1190] : memref<8x2x128xi32, #tpu.memory_space<vmem>> -> memref<1x1x128xi32, #tpu.memory_space<vmem>>
        %dma_wait3A_1192 = tpu.memref_squeeze %dma_wait3A_1191 : memref<1x1x128xi32, #tpu.memory_space<vmem>> -> memref<128xi32, #tpu.memory_space<vmem>>
        %dma_wait3A_1193 = tpu.memref_slice %arg3[%mul3A_1184] : memref<819200xi32, #tpu.memory_space<hbm>> -> memref<128xi32, #tpu.memory_space<hbm>>
        %dma_wait3A_1194 = tpu.memref_slice %arg9[%dma_wait3A_1189] : memref<8x!tpu.dma_semaphore, #tpu.memory_space<semaphore_mem>> -> memref<1x!tpu.dma_semaphore, #tpu.memory_space<semaphore_mem>>
        %dma_wait3A_1195 = tpu.memref_squeeze %dma_wait3A_1194 : memref<1x!tpu.dma_semaphore, #tpu.memory_space<semaphore_mem>> -> memref<!tpu.dma_semaphore, #tpu.memory_space<semaphore_mem>>
        %dma_wait3A_1196 = arith.constant 0 : i32
        %dma_wait3A_1197 = tpu.memref_slice %arg6[%dma_wait3A_1187, %dma_wait3A_1188, %dma_wait3A_1196] : memref<8x2x128xi32, #tpu.memory_space<vmem>> -> memref<1x1x128xi32, #tpu.memory_space<vmem>>
        %dma_wait3A_1198 = tpu.memref_squeeze %dma_wait3A_1197 : memref<1x1x128xi32, #tpu.memory_space<vmem>> -> memref<128xi32, #tpu.memory_space<vmem>>
        %dma_wait3A_1199 = tpu.memref_slice %arg3[%mul3A_1184] : memref<819200xi32, #tpu.memory_space<hbm>> -> memref<128xi32, #tpu.memory_space<hbm>>
        tpu.wait_dma2 semaphore(%dma_wait3A_1195 : memref<!tpu.dma_semaphore, #tpu.memory_space<semaphore_mem>>) src(%dma_wait3A_1199 : memref<128xi32, #tpu.memory_space<hbm>>) dst(%dma_wait3A_1198 : memref<128xi32, #tpu.memory_space<vmem>>)
        %dma_wait3A_1200 = arith.constant 7 : i32
        %dma_wait3A_1201 = arith.constant 1 : i32
        %dma_wait3A_1202 = arith.constant 7 : i32
        %dma_wait3A_1203 = arith.constant 0 : i32
        %dma_wait3A_1204 = tpu.memref_slice %arg6[%dma_wait3A_1200, %dma_wait3A_1201, %dma_wait3A_1203] : memref<8x2x128xi32, #tpu.memory_space<vmem>> -> memref<1x1x72xi32, #tpu.memory_space<vmem>>
        %dma_wait3A_1205 = tpu.memref_squeeze %dma_wait3A_1204 : memref<1x1x72xi32, #tpu.memory_space<vmem>> -> memref<72xi32, #tpu.memory_space<vmem>>
        %dma_wait3A_1206 = tpu.memref_slice %arg3[%add3A_1186] : memref<819200xi32, #tpu.memory_space<hbm>> -> memref<72xi32, #tpu.memory_space<hbm>>
        %dma_wait3A_1207 = tpu.memref_slice %arg9[%dma_wait3A_1202] : memref<8x!tpu.dma_semaphore, #tpu.memory_space<semaphore_mem>> -> memref<1x!tpu.dma_semaphore, #tpu.memory_space<semaphore_mem>>
        %dma_wait3A_1208 = tpu.memref_squeeze %dma_wait3A_1207 : memref<1x!tpu.dma_semaphore, #tpu.memory_space<semaphore_mem>> -> memref<!tpu.dma_semaphore, #tpu.memory_space<semaphore_mem>>
        %dma_wait3A_1209 = arith.constant 0 : i32
        %dma_wait3A_1210 = tpu.memref_slice %arg6[%dma_wait3A_1200, %dma_wait3A_1201, %dma_wait3A_1209] : memref<8x2x128xi32, #tpu.memory_space<vmem>> -> memref<1x1x72xi32, #tpu.memory_space<vmem>>
        %dma_wait3A_1211 = tpu.memref_squeeze %dma_wait3A_1210 : memref<1x1x72xi32, #tpu.memory_space<vmem>> -> memref<72xi32, #tpu.memory_space<vmem>>
        %dma_wait3A_1212 = tpu.memref_slice %arg3[%add3A_1186] : memref<819200xi32, #tpu.memory_space<hbm>> -> memref<72xi32, #tpu.memory_space<hbm>>
        tpu.wait_dma2 semaphore(%dma_wait3A_1208 : memref<!tpu.dma_semaphore, #tpu.memory_space<semaphore_mem>>) src(%dma_wait3A_1212 : memref<72xi32, #tpu.memory_space<hbm>>) dst(%dma_wait3A_1211 : memref<72xi32, #tpu.memory_space<vmem>>)
        %add3A_1213 = arith.constant 2 : i32
        %add3A_1214 = arith.addi %add3A_952, %add3A_1213 : i32
        %ge3A = arith.constant 8 : i32
        %ge3A_1215 = arith.cmpi sge, %add3A_1214, %ge3A : i32
        %convert_element_type3A_1216 = arith.extui %ge3A_1215 : i1 to i32
        %cond3A_1217 = arith.constant 0 : i32
        %cond3A_1218 = arith.cmpi ne, %convert_element_type3A_1216, %cond3A_1217 : i32
        scf.if %cond3A_1218 {
          %add3A_1251 = arith.constant 0 : i32
          %add3A_1252 = arith.addi %mul3A_2, %add3A_1251 : i32
          %dma_wait3A_1253 = arith.constant 7 : i32
          %dma_wait3A_1254 = arith.constant 7 : i32
          %dma_wait3A_1255 = arith.constant 0 : i32
          %dma_wait3A_1256 = arith.constant 0 : i32
          %dma_wait3A_1257 = tpu.memref_slice %arg7[%dma_wait3A_1253, %dma_wait3A_1255, %dma_wait3A_1256] : memref<8x200x64xf32, #tpu.memory_space<vmem>> -> memref<1x200x64xf32, #tpu.memory_space<vmem>>
          %dma_wait3A_1258 = tpu.memref_squeeze %dma_wait3A_1257 : memref<1x200x64xf32, #tpu.memory_space<vmem>> -> memref<200x64xf32, #tpu.memory_space<vmem>>
          %dma_wait3A_1259 = arith.constant 0 : i32
          %dma_wait3A_1260 = arith.constant 0 : i32
          %dma_wait3A_1261 = tpu.memref_slice %arg5[%add3A_1252, %dma_wait3A_1259, %dma_wait3A_1260] : memref<4096x200x64xf32, #tpu.memory_space<hbm>> -> memref<1x200x64xf32, #tpu.memory_space<hbm>>
          %dma_wait3A_1262 = tpu.memref_squeeze %dma_wait3A_1261 : memref<1x200x64xf32, #tpu.memory_space<hbm>> -> memref<200x64xf32, #tpu.memory_space<hbm>>
          %dma_wait3A_1263 = tpu.memref_slice %arg11[%dma_wait3A_1254] : memref<8x!tpu.dma_semaphore, #tpu.memory_space<semaphore_mem>> -> memref<1x!tpu.dma_semaphore, #tpu.memory_space<semaphore_mem>>
          %dma_wait3A_1264 = tpu.memref_squeeze %dma_wait3A_1263 : memref<1x!tpu.dma_semaphore, #tpu.memory_space<semaphore_mem>> -> memref<!tpu.dma_semaphore, #tpu.memory_space<semaphore_mem>>
          %dma_wait3A_1265 = arith.constant 0 : i32
          %dma_wait3A_1266 = arith.constant 0 : i32
          %dma_wait3A_1267 = tpu.memref_slice %arg5[%add3A_1252, %dma_wait3A_1265, %dma_wait3A_1266] : memref<4096x200x64xf32, #tpu.memory_space<hbm>> -> memref<1x200x64xf32, #tpu.memory_space<hbm>>
          %dma_wait3A_1268 = tpu.memref_squeeze %dma_wait3A_1267 : memref<1x200x64xf32, #tpu.memory_space<hbm>> -> memref<200x64xf32, #tpu.memory_space<hbm>>
          %dma_wait3A_1269 = arith.constant 0 : i32
          %dma_wait3A_1270 = arith.constant 0 : i32
          %dma_wait3A_1271 = tpu.memref_slice %arg7[%dma_wait3A_1253, %dma_wait3A_1269, %dma_wait3A_1270] : memref<8x200x64xf32, #tpu.memory_space<vmem>> -> memref<1x200x64xf32, #tpu.memory_space<vmem>>
          %dma_wait3A_1272 = tpu.memref_squeeze %dma_wait3A_1271 : memref<1x200x64xf32, #tpu.memory_space<vmem>> -> memref<200x64xf32, #tpu.memory_space<vmem>>
          tpu.wait_dma2 semaphore(%dma_wait3A_1264 : memref<!tpu.dma_semaphore, #tpu.memory_space<semaphore_mem>>) src(%dma_wait3A_1272 : memref<200x64xf32, #tpu.memory_space<vmem>>) dst(%dma_wait3A_1268 : memref<200x64xf32, #tpu.memory_space<hbm>>)
        } else {
        }
        %dma_start3A_1219 = arith.constant 7 : i32
        %dma_start3A_1220 = arith.constant 0 : i32
        %dma_start3A_1221 = arith.constant 7 : i32
        %dma_start3A_1222 = arith.constant 7 : i32
        %dma_start3A_1223 = arith.constant 0 : i32
        %dma_start3A_1224 = arith.constant 0 : i32
        %dma_start3A_1225 = tpu.memref_slice %arg7[%dma_start3A_1221, %dma_start3A_1223, %dma_start3A_1224] : memref<8x200x64xf32, #tpu.memory_space<vmem>> -> memref<1x128x64xf32, #tpu.memory_space<vmem>>
        %dma_start3A_1226 = tpu.memref_squeeze %dma_start3A_1225 : memref<1x128x64xf32, #tpu.memory_space<vmem>> -> memref<128x64xf32, #tpu.memory_space<vmem>>
        %dma_start3A_1227 = arith.constant 0 : i32
        %dma_start3A_1228 = tpu.memref_slice %arg6[%dma_start3A_1219, %dma_start3A_1220, %dma_start3A_1227] : memref<8x2x128xi32, #tpu.memory_space<vmem>> -> memref<1x1x128xi32, #tpu.memory_space<vmem>>
        %dma_start3A_1229 = tpu.memref_squeeze %dma_start3A_1228 : memref<1x1x128xi32, #tpu.memory_space<vmem>> -> memref<128xi32, #tpu.memory_space<vmem>>
        %dma_start3A_1230 = arith.constant 0 : i32
        %dma_start3A_1231 = arith.constant 0 : i32
        %dma_start3A_1232 = tpu.memref_slice %arg2[%dma_start3A_1230, %dma_start3A_1231] : memref<1000000x64xf32, #tpu.memory_space<hbm>> -> memref<1000000x64xf32, #tpu.memory_space<hbm>>
        %dma_start3A_1233 = tpu.memref_slice %arg10[%dma_start3A_1222] : memref<8x!tpu.dma_semaphore, #tpu.memory_space<semaphore_mem>> -> memref<1x!tpu.dma_semaphore, #tpu.memory_space<semaphore_mem>>
        %dma_start3A_1234 = tpu.memref_squeeze %dma_start3A_1233 : memref<1x!tpu.dma_semaphore, #tpu.memory_space<semaphore_mem>> -> memref<!tpu.dma_semaphore, #tpu.memory_space<semaphore_mem>>
        tpu.enqueue_indirect_dma source(%dma_start3A_1232 : memref<1000000x64xf32, #tpu.memory_space<hbm>>) target(%dma_start3A_1226 : memref<128x64xf32, #tpu.memory_space<vmem>>) offsets(%dma_start3A_1229 : memref<128xi32, #tpu.memory_space<vmem>>) semaphore(%dma_start3A_1234 : memref<!tpu.dma_semaphore, #tpu.memory_space<semaphore_mem>>)
        %dma_start3A_1235 = arith.constant 7 : i32
        %dma_start3A_1236 = arith.constant 1 : i32
        %dma_start3A_1237 = arith.constant 7 : i32
        %dma_start3A_1238 = arith.constant 7 : i32
        %dma_start3A_1239 = arith.constant 128 : i32
        %dma_start3A_1240 = arith.constant 0 : i32
        %dma_start3A_1241 = tpu.memref_slice %arg7[%dma_start3A_1237, %dma_start3A_1239, %dma_start3A_1240] : memref<8x200x64xf32, #tpu.memory_space<vmem>> -> memref<1x72x64xf32, #tpu.memory_space<vmem>>
        %dma_start3A_1242 = tpu.memref_squeeze %dma_start3A_1241 : memref<1x72x64xf32, #tpu.memory_space<vmem>> -> memref<72x64xf32, #tpu.memory_space<vmem>>
        %dma_start3A_1243 = arith.constant 0 : i32
        %dma_start3A_1244 = tpu.memref_slice %arg6[%dma_start3A_1235, %dma_start3A_1236, %dma_start3A_1243] : memref<8x2x128xi32, #tpu.memory_space<vmem>> -> memref<1x1x72xi32, #tpu.memory_space<vmem>>
        %dma_start3A_1245 = tpu.memref_squeeze %dma_start3A_1244 : memref<1x1x72xi32, #tpu.memory_space<vmem>> -> memref<72xi32, #tpu.memory_space<vmem>>
        %dma_start3A_1246 = arith.constant 0 : i32
        %dma_start3A_1247 = arith.constant 0 : i32
        %dma_start3A_1248 = tpu.memref_slice %arg2[%dma_start3A_1246, %dma_start3A_1247] : memref<1000000x64xf32, #tpu.memory_space<hbm>> -> memref<1000000x64xf32, #tpu.memory_space<hbm>>
        %dma_start3A_1249 = tpu.memref_slice %arg10[%dma_start3A_1238] : memref<8x!tpu.dma_semaphore, #tpu.memory_space<semaphore_mem>> -> memref<1x!tpu.dma_semaphore, #tpu.memory_space<semaphore_mem>>
        %dma_start3A_1250 = tpu.memref_squeeze %dma_start3A_1249 : memref<1x!tpu.dma_semaphore, #tpu.memory_space<semaphore_mem>> -> memref<!tpu.dma_semaphore, #tpu.memory_space<semaphore_mem>>
        tpu.enqueue_indirect_dma source(%dma_start3A_1248 : memref<1000000x64xf32, #tpu.memory_space<hbm>>) target(%dma_start3A_1242 : memref<72x64xf32, #tpu.memory_space<vmem>>) offsets(%dma_start3A_1245 : memref<72xi32, #tpu.memory_space<vmem>>) semaphore(%dma_start3A_1250 : memref<!tpu.dma_semaphore, #tpu.memory_space<semaphore_mem>>)
      } else {
      }
      %dma_wait3A_960 = arith.constant 5 : i32
      %dma_wait3A_961 = arith.constant 0 : i32
      %dma_wait3A_962 = arith.constant 5 : i32
      %dma_wait3A_963 = arith.constant 5 : i32
      %dma_wait3A_964 = arith.constant 0 : i32
      %dma_wait3A_965 = arith.constant 0 : i32
      %dma_wait3A_966 = tpu.memref_slice %arg7[%dma_wait3A_962, %dma_wait3A_964, %dma_wait3A_965] : memref<8x200x64xf32, #tpu.memory_space<vmem>> -> memref<1x128x64xf32, #tpu.memory_space<vmem>>
      %dma_wait3A_967 = tpu.memref_squeeze %dma_wait3A_966 : memref<1x128x64xf32, #tpu.memory_space<vmem>> -> memref<128x64xf32, #tpu.memory_space<vmem>>
      %dma_wait3A_968 = arith.constant 0 : i32
      %dma_wait3A_969 = tpu.memref_slice %arg6[%dma_wait3A_960, %dma_wait3A_961, %dma_wait3A_968] : memref<8x2x128xi32, #tpu.memory_space<vmem>> -> memref<1x1x128xi32, #tpu.memory_space<vmem>>
      %dma_wait3A_970 = tpu.memref_squeeze %dma_wait3A_969 : memref<1x1x128xi32, #tpu.memory_space<vmem>> -> memref<128xi32, #tpu.memory_space<vmem>>
      %dma_wait3A_971 = arith.constant 0 : i32
      %dma_wait3A_972 = arith.constant 0 : i32
      %dma_wait3A_973 = tpu.memref_slice %arg2[%dma_wait3A_971, %dma_wait3A_972] : memref<1000000x64xf32, #tpu.memory_space<hbm>> -> memref<1000000x64xf32, #tpu.memory_space<hbm>>
      %dma_wait3A_974 = tpu.memref_slice %arg10[%dma_wait3A_963] : memref<8x!tpu.dma_semaphore, #tpu.memory_space<semaphore_mem>> -> memref<1x!tpu.dma_semaphore, #tpu.memory_space<semaphore_mem>>
      %dma_wait3A_975 = tpu.memref_squeeze %dma_wait3A_974 : memref<1x!tpu.dma_semaphore, #tpu.memory_space<semaphore_mem>> -> memref<!tpu.dma_semaphore, #tpu.memory_space<semaphore_mem>>
      tpu.wait_indirect_dma semaphore(%dma_wait3A_975 : memref<!tpu.dma_semaphore, #tpu.memory_space<semaphore_mem>>) src(%dma_wait3A_973 : memref<1000000x64xf32, #tpu.memory_space<hbm>>) dst(%dma_wait3A_967 : memref<128x64xf32, #tpu.memory_space<vmem>>)
      %dma_wait3A_976 = arith.constant 5 : i32
      %dma_wait3A_977 = arith.constant 1 : i32
      %dma_wait3A_978 = arith.constant 5 : i32
      %dma_wait3A_979 = arith.constant 5 : i32
      %dma_wait3A_980 = arith.constant 128 : i32
      %dma_wait3A_981 = arith.constant 0 : i32
      %dma_wait3A_982 = tpu.memref_slice %arg7[%dma_wait3A_978, %dma_wait3A_980, %dma_wait3A_981] : memref<8x200x64xf32, #tpu.memory_space<vmem>> -> memref<1x72x64xf32, #tpu.memory_space<vmem>>
      %dma_wait3A_983 = tpu.memref_squeeze %dma_wait3A_982 : memref<1x72x64xf32, #tpu.memory_space<vmem>> -> memref<72x64xf32, #tpu.memory_space<vmem>>
      %dma_wait3A_984 = arith.constant 0 : i32
      %dma_wait3A_985 = tpu.memref_slice %arg6[%dma_wait3A_976, %dma_wait3A_977, %dma_wait3A_984] : memref<8x2x128xi32, #tpu.memory_space<vmem>> -> memref<1x1x72xi32, #tpu.memory_space<vmem>>
      %dma_wait3A_986 = tpu.memref_squeeze %dma_wait3A_985 : memref<1x1x72xi32, #tpu.memory_space<vmem>> -> memref<72xi32, #tpu.memory_space<vmem>>
      %dma_wait3A_987 = arith.constant 0 : i32
      %dma_wait3A_988 = arith.constant 0 : i32
      %dma_wait3A_989 = tpu.memref_slice %arg2[%dma_wait3A_987, %dma_wait3A_988] : memref<1000000x64xf32, #tpu.memory_space<hbm>> -> memref<1000000x64xf32, #tpu.memory_space<hbm>>
      %dma_wait3A_990 = tpu.memref_slice %arg10[%dma_wait3A_979] : memref<8x!tpu.dma_semaphore, #tpu.memory_space<semaphore_mem>> -> memref<1x!tpu.dma_semaphore, #tpu.memory_space<semaphore_mem>>
      %dma_wait3A_991 = tpu.memref_squeeze %dma_wait3A_990 : memref<1x!tpu.dma_semaphore, #tpu.memory_space<semaphore_mem>> -> memref<!tpu.dma_semaphore, #tpu.memory_space<semaphore_mem>>
      tpu.wait_indirect_dma semaphore(%dma_wait3A_991 : memref<!tpu.dma_semaphore, #tpu.memory_space<semaphore_mem>>) src(%dma_wait3A_989 : memref<1000000x64xf32, #tpu.memory_space<hbm>>) dst(%dma_wait3A_983 : memref<72x64xf32, #tpu.memory_space<vmem>>)
      %add3A_992 = arith.constant 8 : i32
      %add3A_993 = arith.addi %add3A_952, %add3A_992 : i32
      %lt3A_994 = arith.constant 128 : i32
      %lt3A_995 = arith.cmpi slt, %add3A_993, %lt3A_994 : i32
      %convert_element_type3A_996 = arith.extui %lt3A_995 : i1 to i32
      %cond3A_997 = arith.constant 0 : i32
      %cond3A_998 = arith.cmpi ne, %convert_element_type3A_996, %cond3A_997 : i32
      scf.if %cond3A_998 {
        %add3A_1180 = arith.constant 8 : i32
        %add3A_1181 = arith.addi %add3A_952, %add3A_1180 : i32
        %add3A_1182 = arith.addi %mul3A_2, %add3A_1181 : i32
        %mul3A_1183 = arith.constant 200 : i32
        %mul3A_1184 = arith.muli %add3A_1182, %mul3A_1183 : i32
        %add3A_1185 = arith.constant 128 : i32
        %add3A_1186 = arith.addi %mul3A_1184, %add3A_1185 : i32
        %dma_start3A_1187 = arith.constant 5 : i32
        %dma_start3A_1188 = arith.constant 0 : i32
        %dma_start3A_1189 = arith.constant 5 : i32
        %dma_start3A_1190 = arith.constant 0 : i32
        %dma_start3A_1191 = tpu.memref_slice %arg6[%dma_start3A_1187, %dma_start3A_1188, %dma_start3A_1190] : memref<8x2x128xi32, #tpu.memory_space<vmem>> -> memref<1x1x128xi32, #tpu.memory_space<vmem>>
        %dma_start3A_1192 = tpu.memref_squeeze %dma_start3A_1191 : memref<1x1x128xi32, #tpu.memory_space<vmem>> -> memref<128xi32, #tpu.memory_space<vmem>>
        %dma_start3A_1193 = tpu.memref_slice %arg3[%mul3A_1184] : memref<819200xi32, #tpu.memory_space<hbm>> -> memref<128xi32, #tpu.memory_space<hbm>>
        %dma_start3A_1194 = tpu.memref_slice %arg9[%dma_start3A_1189] : memref<8x!tpu.dma_semaphore, #tpu.memory_space<semaphore_mem>> -> memref<1x!tpu.dma_semaphore, #tpu.memory_space<semaphore_mem>>
        %dma_start3A_1195 = tpu.memref_squeeze %dma_start3A_1194 : memref<1x!tpu.dma_semaphore, #tpu.memory_space<semaphore_mem>> -> memref<!tpu.dma_semaphore, #tpu.memory_space<semaphore_mem>>
        %dma_start3A_1196 = arith.constant 0 : i32
        %dma_start3A_1197 = tpu.memref_slice %arg6[%dma_start3A_1187, %dma_start3A_1188, %dma_start3A_1196] : memref<8x2x128xi32, #tpu.memory_space<vmem>> -> memref<1x1x128xi32, #tpu.memory_space<vmem>>
        %dma_start3A_1198 = tpu.memref_squeeze %dma_start3A_1197 : memref<1x1x128xi32, #tpu.memory_space<vmem>> -> memref<128xi32, #tpu.memory_space<vmem>>
        %dma_start3A_1199 = tpu.memref_slice %arg3[%mul3A_1184] : memref<819200xi32, #tpu.memory_space<hbm>> -> memref<128xi32, #tpu.memory_space<hbm>>
        tpu.enqueue_dma source(%dma_start3A_1199 : memref<128xi32, #tpu.memory_space<hbm>>) target(%dma_start3A_1198 : memref<128xi32, #tpu.memory_space<vmem>>) target_semaphore(%dma_start3A_1195 : memref<!tpu.dma_semaphore, #tpu.memory_space<semaphore_mem>>)
        %dma_start3A_1200 = arith.constant 5 : i32
        %dma_start3A_1201 = arith.constant 1 : i32
        %dma_start3A_1202 = arith.constant 5 : i32
        %dma_start3A_1203 = arith.constant 0 : i32
        %dma_start3A_1204 = tpu.memref_slice %arg6[%dma_start3A_1200, %dma_start3A_1201, %dma_start3A_1203] : memref<8x2x128xi32, #tpu.memory_space<vmem>> -> memref<1x1x72xi32, #tpu.memory_space<vmem>>
        %dma_start3A_1205 = tpu.memref_squeeze %dma_start3A_1204 : memref<1x1x72xi32, #tpu.memory_space<vmem>> -> memref<72xi32, #tpu.memory_space<vmem>>
        %dma_start3A_1206 = tpu.memref_slice %arg3[%add3A_1186] : memref<819200xi32, #tpu.memory_space<hbm>> -> memref<72xi32, #tpu.memory_space<hbm>>
        %dma_start3A_1207 = tpu.memref_slice %arg9[%dma_start3A_1202] : memref<8x!tpu.dma_semaphore, #tpu.memory_space<semaphore_mem>> -> memref<1x!tpu.dma_semaphore, #tpu.memory_space<semaphore_mem>>
        %dma_start3A_1208 = tpu.memref_squeeze %dma_start3A_1207 : memref<1x!tpu.dma_semaphore, #tpu.memory_space<semaphore_mem>> -> memref<!tpu.dma_semaphore, #tpu.memory_space<semaphore_mem>>
        %dma_start3A_1209 = arith.constant 0 : i32
        %dma_start3A_1210 = tpu.memref_slice %arg6[%dma_start3A_1200, %dma_start3A_1201, %dma_start3A_1209] : memref<8x2x128xi32, #tpu.memory_space<vmem>> -> memref<1x1x72xi32, #tpu.memory_space<vmem>>
        %dma_start3A_1211 = tpu.memref_squeeze %dma_start3A_1210 : memref<1x1x72xi32, #tpu.memory_space<vmem>> -> memref<72xi32, #tpu.memory_space<vmem>>
        %dma_start3A_1212 = tpu.memref_slice %arg3[%add3A_1186] : memref<819200xi32, #tpu.memory_space<hbm>> -> memref<72xi32, #tpu.memory_space<hbm>>
        tpu.enqueue_dma source(%dma_start3A_1212 : memref<72xi32, #tpu.memory_space<hbm>>) target(%dma_start3A_1211 : memref<72xi32, #tpu.memory_space<vmem>>) target_semaphore(%dma_start3A_1208 : memref<!tpu.dma_semaphore, #tpu.memory_space<semaphore_mem>>)
      } else {
      }
      %scan3A_999 = arith.constant 0 : i32
      %scan3A_1000 = arith.constant 0 : i32
      %scan3A_1001 = arith.constant 50 : i32
      %scan3A_1002 = arith.addi %scan3A_1000, %scan3A_1001 : i32
      %scan3A_1003 = arith.constant 1 : i32
      scf.for %scan3A_1180 = %scan3A_1000 to %scan3A_1002 step %scan3A_1003  : i32 {
        %mul3A_1181 = arith.constant 4 : i32
        %mul3A_1182 = arith.muli %scan3A_1180, %mul3A_1181 : i32
        %add3A_1183 = arith.constant 0 : i32
        %add3A_1184 = arith.addi %mul3A_1182, %add3A_1183 : i32
        %get3A = arith.index_cast %add3A_1184 : i32 to index
        %get3A_1185 = arith.constant 0 : index
        %get3A_1186 = tpu.vector_load %arg8[%get3A, %get3A_1185] {strides = array<i32>} : memref<200x64xf32, #tpu.memory_space<vmem>>, vector<1x16xf32>,
        %get3A_1187 = vector.shape_cast %get3A_1186 : vector<1x16xf32> to vector<16xf32>
        %swap3A = arith.constant 5 : i32
        %swap3A_1188 = arith.index_cast %swap3A : i32 to index
        %swap3A_1189 = arith.index_cast %add3A_1184 : i32 to index
        %swap3A_1190 = arith.constant 0 : index
        %swap3A_1191 = tpu.vector_load %arg7[%swap3A_1188, %swap3A_1189, %swap3A_1190] {strides = array<i32>} : memref<8x200x64xf32, #tpu.memory_space<vmem>>, vector<1x1x16xf32>,
        %swap3A_1192 = vector.shape_cast %swap3A_1191 : vector<1x1x16xf32> to vector<16xf32>
        %swap3A_1193 = vector.shape_cast %get3A_1187 : vector<16xf32> to vector<1x1x16xf32>
        tpu.vector_store %arg7[%swap3A_1188, %swap3A_1189, %swap3A_1190], %swap3A_1193 {add = true, strides = array<i32>} : memref<8x200x64xf32, #tpu.memory_space<vmem>>, vector<1x1x16xf32>,
        %get3A_1194 = arith.index_cast %add3A_1184 : i32 to index
        %get3A_1195 = arith.constant 16 : index
        %get3A_1196 = tpu.vector_load %arg8[%get3A_1194, %get3A_1195] {strides = array<i32>} : memref<200x64xf32, #tpu.memory_space<vmem>>, vector<1x16xf32>,
        %get3A_1197 = vector.shape_cast %get3A_1196 : vector<1x16xf32> to vector<16xf32>
        %swap3A_1198 = arith.constant 5 : i32
        %swap3A_1199 = arith.index_cast %swap3A_1198 : i32 to index
        %swap3A_1200 = arith.index_cast %add3A_1184 : i32 to index
        %swap3A_1201 = arith.constant 16 : index
        %swap3A_1202 = tpu.vector_load %arg7[%swap3A_1199, %swap3A_1200, %swap3A_1201] {strides = array<i32>} : memref<8x200x64xf32, #tpu.memory_space<vmem>>, vector<1x1x16xf32>,
        %swap3A_1203 = vector.shape_cast %swap3A_1202 : vector<1x1x16xf32> to vector<16xf32>
        %swap3A_1204 = vector.shape_cast %get3A_1197 : vector<16xf32> to vector<1x1x16xf32>
        tpu.vector_store %arg7[%swap3A_1199, %swap3A_1200, %swap3A_1201], %swap3A_1204 {add = true, strides = array<i32>} : memref<8x200x64xf32, #tpu.memory_space<vmem>>, vector<1x1x16xf32>,
        %get3A_1205 = arith.index_cast %add3A_1184 : i32 to index
        %get3A_1206 = arith.constant 32 : index
        %get3A_1207 = tpu.vector_load %arg8[%get3A_1205, %get3A_1206] {strides = array<i32>} : memref<200x64xf32, #tpu.memory_space<vmem>>, vector<1x16xf32>,
        %get3A_1208 = vector.shape_cast %get3A_1207 : vector<1x16xf32> to vector<16xf32>
        %swap3A_1209 = arith.constant 5 : i32
        %swap3A_1210 = arith.index_cast %swap3A_1209 : i32 to index
        %swap3A_1211 = arith.index_cast %add3A_1184 : i32 to index
        %swap3A_1212 = arith.constant 32 : index
        %swap3A_1213 = tpu.vector_load %arg7[%swap3A_1210, %swap3A_1211, %swap3A_1212] {strides = array<i32>} : memref<8x200x64xf32, #tpu.memory_space<vmem>>, vector<1x1x16xf32>,
        %swap3A_1214 = vector.shape_cast %swap3A_1213 : vector<1x1x16xf32> to vector<16xf32>
        %swap3A_1215 = vector.shape_cast %get3A_1208 : vector<16xf32> to vector<1x1x16xf32>
        tpu.vector_store %arg7[%swap3A_1210, %swap3A_1211, %swap3A_1212], %swap3A_1215 {add = true, strides = array<i32>} : memref<8x200x64xf32, #tpu.memory_space<vmem>>, vector<1x1x16xf32>,
        %get3A_1216 = arith.index_cast %add3A_1184 : i32 to index
        %get3A_1217 = arith.constant 48 : index
        %get3A_1218 = tpu.vector_load %arg8[%get3A_1216, %get3A_1217] {strides = array<i32>} : memref<200x64xf32, #tpu.memory_space<vmem>>, vector<1x16xf32>,
        %get3A_1219 = vector.shape_cast %get3A_1218 : vector<1x16xf32> to vector<16xf32>
        %swap3A_1220 = arith.constant 5 : i32
        %swap3A_1221 = arith.index_cast %swap3A_1220 : i32 to index
        %swap3A_1222 = arith.index_cast %add3A_1184 : i32 to index
        %swap3A_1223 = arith.constant 48 : index
        %swap3A_1224 = tpu.vector_load %arg7[%swap3A_1221, %swap3A_1222, %swap3A_1223] {strides = array<i32>} : memref<8x200x64xf32, #tpu.memory_space<vmem>>, vector<1x1x16xf32>,
        %swap3A_1225 = vector.shape_cast %swap3A_1224 : vector<1x1x16xf32> to vector<16xf32>
        %swap3A_1226 = vector.shape_cast %get3A_1219 : vector<16xf32> to vector<1x1x16xf32>
        tpu.vector_store %arg7[%swap3A_1221, %swap3A_1222, %swap3A_1223], %swap3A_1226 {add = true, strides = array<i32>} : memref<8x200x64xf32, #tpu.memory_space<vmem>>, vector<1x1x16xf32>,
        %mul3A_1227 = arith.constant 4 : i32
        %mul3A_1228 = arith.muli %scan3A_1180, %mul3A_1227 : i32
        %add3A_1229 = arith.constant 1 : i32
        %add3A_1230 = arith.addi %mul3A_1228, %add3A_1229 : i32
        %get3A_1231 = arith.index_cast %add3A_1230 : i32 to index
        %get3A_1232 = arith.constant 0 : index
        %get3A_1233 = tpu.vector_load %arg8[%get3A_1231, %get3A_1232] {strides = array<i32>} : memref<200x64xf32, #tpu.memory_space<vmem>>, vector<1x16xf32>,
        %get3A_1234 = vector.shape_cast %get3A_1233 : vector<1x16xf32> to vector<16xf32>
        %swap3A_1235 = arith.constant 5 : i32
        %swap3A_1236 = arith.index_cast %swap3A_1235 : i32 to index
        %swap3A_1237 = arith.index_cast %add3A_1230 : i32 to index
        %swap3A_1238 = arith.constant 0 : index
        %swap3A_1239 = tpu.vector_load %arg7[%swap3A_1236, %swap3A_1237, %swap3A_1238] {strides = array<i32>} : memref<8x200x64xf32, #tpu.memory_space<vmem>>, vector<1x1x16xf32>,
        %swap3A_1240 = vector.shape_cast %swap3A_1239 : vector<1x1x16xf32> to vector<16xf32>
        %swap3A_1241 = vector.shape_cast %get3A_1234 : vector<16xf32> to vector<1x1x16xf32>
        tpu.vector_store %arg7[%swap3A_1236, %swap3A_1237, %swap3A_1238], %swap3A_1241 {add = true, strides = array<i32>} : memref<8x200x64xf32, #tpu.memory_space<vmem>>, vector<1x1x16xf32>,
        %get3A_1242 = arith.index_cast %add3A_1230 : i32 to index
        %get3A_1243 = arith.constant 16 : index
        %get3A_1244 = tpu.vector_load %arg8[%get3A_1242, %get3A_1243] {strides = array<i32>} : memref<200x64xf32, #tpu.memory_space<vmem>>, vector<1x16xf32>,
        %get3A_1245 = vector.shape_cast %get3A_1244 : vector<1x16xf32> to vector<16xf32>
        %swap3A_1246 = arith.constant 5 : i32
        %swap3A_1247 = arith.index_cast %swap3A_1246 : i32 to index
        %swap3A_1248 = arith.index_cast %add3A_1230 : i32 to index
        %swap3A_1249 = arith.constant 16 : index
        %swap3A_1250 = tpu.vector_load %arg7[%swap3A_1247, %swap3A_1248, %swap3A_1249] {strides = array<i32>} : memref<8x200x64xf32, #tpu.memory_space<vmem>>, vector<1x1x16xf32>,
        %swap3A_1251 = vector.shape_cast %swap3A_1250 : vector<1x1x16xf32> to vector<16xf32>
        %swap3A_1252 = vector.shape_cast %get3A_1245 : vector<16xf32> to vector<1x1x16xf32>
        tpu.vector_store %arg7[%swap3A_1247, %swap3A_1248, %swap3A_1249], %swap3A_1252 {add = true, strides = array<i32>} : memref<8x200x64xf32, #tpu.memory_space<vmem>>, vector<1x1x16xf32>,
        %get3A_1253 = arith.index_cast %add3A_1230 : i32 to index
        %get3A_1254 = arith.constant 32 : index
        %get3A_1255 = tpu.vector_load %arg8[%get3A_1253, %get3A_1254] {strides = array<i32>} : memref<200x64xf32, #tpu.memory_space<vmem>>, vector<1x16xf32>,
        %get3A_1256 = vector.shape_cast %get3A_1255 : vector<1x16xf32> to vector<16xf32>
        %swap3A_1257 = arith.constant 5 : i32
        %swap3A_1258 = arith.index_cast %swap3A_1257 : i32 to index
        %swap3A_1259 = arith.index_cast %add3A_1230 : i32 to index
        %swap3A_1260 = arith.constant 32 : index
        %swap3A_1261 = tpu.vector_load %arg7[%swap3A_1258, %swap3A_1259, %swap3A_1260] {strides = array<i32>} : memref<8x200x64xf32, #tpu.memory_space<vmem>>, vector<1x1x16xf32>,
        %swap3A_1262 = vector.shape_cast %swap3A_1261 : vector<1x1x16xf32> to vector<16xf32>
        %swap3A_1263 = vector.shape_cast %get3A_1256 : vector<16xf32> to vector<1x1x16xf32>
        tpu.vector_store %arg7[%swap3A_1258, %swap3A_1259, %swap3A_1260], %swap3A_1263 {add = true, strides = array<i32>} : memref<8x200x64xf32, #tpu.memory_space<vmem>>, vector<1x1x16xf32>,
        %get3A_1264 = arith.index_cast %add3A_1230 : i32 to index
        %get3A_1265 = arith.constant 48 : index
        %get3A_1266 = tpu.vector_load %arg8[%get3A_1264, %get3A_1265] {strides = array<i32>} : memref<200x64xf32, #tpu.memory_space<vmem>>, vector<1x16xf32>,
        %get3A_1267 = vector.shape_cast %get3A_1266 : vector<1x16xf32> to vector<16xf32>
        %swap3A_1268 = arith.constant 5 : i32
        %swap3A_1269 = arith.index_cast %swap3A_1268 : i32 to index
        %swap3A_1270 = arith.index_cast %add3A_1230 : i32 to index
        %swap3A_1271 = arith.constant 48 : index
        %swap3A_1272 = tpu.vector_load %arg7[%swap3A_1269, %swap3A_1270, %swap3A_1271] {strides = array<i32>} : memref<8x200x64xf32, #tpu.memory_space<vmem>>, vector<1x1x16xf32>,
        %swap3A_1273 = vector.shape_cast %swap3A_1272 : vector<1x1x16xf32> to vector<16xf32>
        %swap3A_1274 = vector.shape_cast %get3A_1267 : vector<16xf32> to vector<1x1x16xf32>
        tpu.vector_store %arg7[%swap3A_1269, %swap3A_1270, %swap3A_1271], %swap3A_1274 {add = true, strides = array<i32>} : memref<8x200x64xf32, #tpu.memory_space<vmem>>, vector<1x1x16xf32>,
        %mul3A_1275 = arith.constant 4 : i32
        %mul3A_1276 = arith.muli %scan3A_1180, %mul3A_1275 : i32
        %add3A_1277 = arith.constant 2 : i32
        %add3A_1278 = arith.addi %mul3A_1276, %add3A_1277 : i32
        %get3A_1279 = arith.index_cast %add3A_1278 : i32 to index
        %get3A_1280 = arith.constant 0 : index
        %get3A_1281 = tpu.vector_load %arg8[%get3A_1279, %get3A_1280] {strides = array<i32>} : memref<200x64xf32, #tpu.memory_space<vmem>>, vector<1x16xf32>,
        %get3A_1282 = vector.shape_cast %get3A_1281 : vector<1x16xf32> to vector<16xf32>
        %swap3A_1283 = arith.constant 5 : i32
        %swap3A_1284 = arith.index_cast %swap3A_1283 : i32 to index
        %swap3A_1285 = arith.index_cast %add3A_1278 : i32 to index
        %swap3A_1286 = arith.constant 0 : index
        %swap3A_1287 = tpu.vector_load %arg7[%swap3A_1284, %swap3A_1285, %swap3A_1286] {strides = array<i32>} : memref<8x200x64xf32, #tpu.memory_space<vmem>>, vector<1x1x16xf32>,
        %swap3A_1288 = vector.shape_cast %swap3A_1287 : vector<1x1x16xf32> to vector<16xf32>
        %swap3A_1289 = vector.shape_cast %get3A_1282 : vector<16xf32> to vector<1x1x16xf32>
        tpu.vector_store %arg7[%swap3A_1284, %swap3A_1285, %swap3A_1286], %swap3A_1289 {add = true, strides = array<i32>} : memref<8x200x64xf32, #tpu.memory_space<vmem>>, vector<1x1x16xf32>,
        %get3A_1290 = arith.index_cast %add3A_1278 : i32 to index
        %get3A_1291 = arith.constant 16 : index
        %get3A_1292 = tpu.vector_load %arg8[%get3A_1290, %get3A_1291] {strides = array<i32>} : memref<200x64xf32, #tpu.memory_space<vmem>>, vector<1x16xf32>,
        %get3A_1293 = vector.shape_cast %get3A_1292 : vector<1x16xf32> to vector<16xf32>
        %swap3A_1294 = arith.constant 5 : i32
        %swap3A_1295 = arith.index_cast %swap3A_1294 : i32 to index
        %swap3A_1296 = arith.index_cast %add3A_1278 : i32 to index
        %swap3A_1297 = arith.constant 16 : index
        %swap3A_1298 = tpu.vector_load %arg7[%swap3A_1295, %swap3A_1296, %swap3A_1297] {strides = array<i32>} : memref<8x200x64xf32, #tpu.memory_space<vmem>>, vector<1x1x16xf32>,
        %swap3A_1299 = vector.shape_cast %swap3A_1298 : vector<1x1x16xf32> to vector<16xf32>
        %swap3A_1300 = vector.shape_cast %get3A_1293 : vector<16xf32> to vector<1x1x16xf32>
        tpu.vector_store %arg7[%swap3A_1295, %swap3A_1296, %swap3A_1297], %swap3A_1300 {add = true, strides = array<i32>} : memref<8x200x64xf32, #tpu.memory_space<vmem>>, vector<1x1x16xf32>,
        %get3A_1301 = arith.index_cast %add3A_1278 : i32 to index
        %get3A_1302 = arith.constant 32 : index
        %get3A_1303 = tpu.vector_load %arg8[%get3A_1301, %get3A_1302] {strides = array<i32>} : memref<200x64xf32, #tpu.memory_space<vmem>>, vector<1x16xf32>,
        %get3A_1304 = vector.shape_cast %get3A_1303 : vector<1x16xf32> to vector<16xf32>
        %swap3A_1305 = arith.constant 5 : i32
        %swap3A_1306 = arith.index_cast %swap3A_1305 : i32 to index
        %swap3A_1307 = arith.index_cast %add3A_1278 : i32 to index
        %swap3A_1308 = arith.constant 32 : index
        %swap3A_1309 = tpu.vector_load %arg7[%swap3A_1306, %swap3A_1307, %swap3A_1308] {strides = array<i32>} : memref<8x200x64xf32, #tpu.memory_space<vmem>>, vector<1x1x16xf32>,
        %swap3A_1310 = vector.shape_cast %swap3A_1309 : vector<1x1x16xf32> to vector<16xf32>
        %swap3A_1311 = vector.shape_cast %get3A_1304 : vector<16xf32> to vector<1x1x16xf32>
        tpu.vector_store %arg7[%swap3A_1306, %swap3A_1307, %swap3A_1308], %swap3A_1311 {add = true, strides = array<i32>} : memref<8x200x64xf32, #tpu.memory_space<vmem>>, vector<1x1x16xf32>,
        %get3A_1312 = arith.index_cast %add3A_1278 : i32 to index
        %get3A_1313 = arith.constant 48 : index
        %get3A_1314 = tpu.vector_load %arg8[%get3A_1312, %get3A_1313] {strides = array<i32>} : memref<200x64xf32, #tpu.memory_space<vmem>>, vector<1x16xf32>,
        %get3A_1315 = vector.shape_cast %get3A_1314 : vector<1x16xf32> to vector<16xf32>
        %swap3A_1316 = arith.constant 5 : i32
        %swap3A_1317 = arith.index_cast %swap3A_1316 : i32 to index
        %swap3A_1318 = arith.index_cast %add3A_1278 : i32 to index
        %swap3A_1319 = arith.constant 48 : index
        %swap3A_1320 = tpu.vector_load %arg7[%swap3A_1317, %swap3A_1318, %swap3A_1319] {strides = array<i32>} : memref<8x200x64xf32, #tpu.memory_space<vmem>>, vector<1x1x16xf32>,
        %swap3A_1321 = vector.shape_cast %swap3A_1320 : vector<1x1x16xf32> to vector<16xf32>
        %swap3A_1322 = vector.shape_cast %get3A_1315 : vector<16xf32> to vector<1x1x16xf32>
        tpu.vector_store %arg7[%swap3A_1317, %swap3A_1318, %swap3A_1319], %swap3A_1322 {add = true, strides = array<i32>} : memref<8x200x64xf32, #tpu.memory_space<vmem>>, vector<1x1x16xf32>,
        %mul3A_1323 = arith.constant 4 : i32
        %mul3A_1324 = arith.muli %scan3A_1180, %mul3A_1323 : i32
        %add3A_1325 = arith.constant 3 : i32
        %add3A_1326 = arith.addi %mul3A_1324, %add3A_1325 : i32
        %get3A_1327 = arith.index_cast %add3A_1326 : i32 to index
        %get3A_1328 = arith.constant 0 : index
        %get3A_1329 = tpu.vector_load %arg8[%get3A_1327, %get3A_1328] {strides = array<i32>} : memref<200x64xf32, #tpu.memory_space<vmem>>, vector<1x16xf32>,
        %get3A_1330 = vector.shape_cast %get3A_1329 : vector<1x16xf32> to vector<16xf32>
        %swap3A_1331 = arith.constant 5 : i32
        %swap3A_1332 = arith.index_cast %swap3A_1331 : i32 to index
        %swap3A_1333 = arith.index_cast %add3A_1326 : i32 to index
        %swap3A_1334 = arith.constant 0 : index
        %swap3A_1335 = tpu.vector_load %arg7[%swap3A_1332, %swap3A_1333, %swap3A_1334] {strides = array<i32>} : memref<8x200x64xf32, #tpu.memory_space<vmem>>, vector<1x1x16xf32>,
        %swap3A_1336 = vector.shape_cast %swap3A_1335 : vector<1x1x16xf32> to vector<16xf32>
        %swap3A_1337 = vector.shape_cast %get3A_1330 : vector<16xf32> to vector<1x1x16xf32>
        tpu.vector_store %arg7[%swap3A_1332, %swap3A_1333, %swap3A_1334], %swap3A_1337 {add = true, strides = array<i32>} : memref<8x200x64xf32, #tpu.memory_space<vmem>>, vector<1x1x16xf32>,
        %get3A_1338 = arith.index_cast %add3A_1326 : i32 to index
        %get3A_1339 = arith.constant 16 : index
        %get3A_1340 = tpu.vector_load %arg8[%get3A_1338, %get3A_1339] {strides = array<i32>} : memref<200x64xf32, #tpu.memory_space<vmem>>, vector<1x16xf32>,
        %get3A_1341 = vector.shape_cast %get3A_1340 : vector<1x16xf32> to vector<16xf32>
        %swap3A_1342 = arith.constant 5 : i32
        %swap3A_1343 = arith.index_cast %swap3A_1342 : i32 to index
        %swap3A_1344 = arith.index_cast %add3A_1326 : i32 to index
        %swap3A_1345 = arith.constant 16 : index
        %swap3A_1346 = tpu.vector_load %arg7[%swap3A_1343, %swap3A_1344, %swap3A_1345] {strides = array<i32>} : memref<8x200x64xf32, #tpu.memory_space<vmem>>, vector<1x1x16xf32>,
        %swap3A_1347 = vector.shape_cast %swap3A_1346 : vector<1x1x16xf32> to vector<16xf32>
        %swap3A_1348 = vector.shape_cast %get3A_1341 : vector<16xf32> to vector<1x1x16xf32>
        tpu.vector_store %arg7[%swap3A_1343, %swap3A_1344, %swap3A_1345], %swap3A_1348 {add = true, strides = array<i32>} : memref<8x200x64xf32, #tpu.memory_space<vmem>>, vector<1x1x16xf32>,
        %get3A_1349 = arith.index_cast %add3A_1326 : i32 to index
        %get3A_1350 = arith.constant 32 : index
        %get3A_1351 = tpu.vector_load %arg8[%get3A_1349, %get3A_1350] {strides = array<i32>} : memref<200x64xf32, #tpu.memory_space<vmem>>, vector<1x16xf32>,
        %get3A_1352 = vector.shape_cast %get3A_1351 : vector<1x16xf32> to vector<16xf32>
        %swap3A_1353 = arith.constant 5 : i32
        %swap3A_1354 = arith.index_cast %swap3A_1353 : i32 to index
        %swap3A_1355 = arith.index_cast %add3A_1326 : i32 to index
        %swap3A_1356 = arith.constant 32 : index
        %swap3A_1357 = tpu.vector_load %arg7[%swap3A_1354, %swap3A_1355, %swap3A_1356] {strides = array<i32>} : memref<8x200x64xf32, #tpu.memory_space<vmem>>, vector<1x1x16xf32>,
        %swap3A_1358 = vector.shape_cast %swap3A_1357 : vector<1x1x16xf32> to vector<16xf32>
        %swap3A_1359 = vector.shape_cast %get3A_1352 : vector<16xf32> to vector<1x1x16xf32>
        tpu.vector_store %arg7[%swap3A_1354, %swap3A_1355, %swap3A_1356], %swap3A_1359 {add = true, strides = array<i32>} : memref<8x200x64xf32, #tpu.memory_space<vmem>>, vector<1x1x16xf32>,
        %get3A_1360 = arith.index_cast %add3A_1326 : i32 to index
        %get3A_1361 = arith.constant 48 : index
        %get3A_1362 = tpu.vector_load %arg8[%get3A_1360, %get3A_1361] {strides = array<i32>} : memref<200x64xf32, #tpu.memory_space<vmem>>, vector<1x16xf32>,
        %get3A_1363 = vector.shape_cast %get3A_1362 : vector<1x16xf32> to vector<16xf32>
        %swap3A_1364 = arith.constant 5 : i32
        %swap3A_1365 = arith.index_cast %swap3A_1364 : i32 to index
        %swap3A_1366 = arith.index_cast %add3A_1326 : i32 to index
        %swap3A_1367 = arith.constant 48 : index
        %swap3A_1368 = tpu.vector_load %arg7[%swap3A_1365, %swap3A_1366, %swap3A_1367] {strides = array<i32>} : memref<8x200x64xf32, #tpu.memory_space<vmem>>, vector<1x1x16xf32>,
        %swap3A_1369 = vector.shape_cast %swap3A_1368 : vector<1x1x16xf32> to vector<16xf32>
        %swap3A_1370 = vector.shape_cast %get3A_1363 : vector<16xf32> to vector<1x1x16xf32>
        tpu.vector_store %arg7[%swap3A_1365, %swap3A_1366, %swap3A_1367], %swap3A_1370 {add = true, strides = array<i32>} : memref<8x200x64xf32, #tpu.memory_space<vmem>>, vector<1x1x16xf32>,
      }
      %scan3A_1004 = arith.constant 50 : i32
      %add3A_1005 = arith.addi %mul3A_2, %add3A_952 : i32
      %dma_start3A_1006 = arith.constant 5 : i32
      %dma_start3A_1007 = arith.constant 5 : i32
      %dma_start3A_1008 = arith.constant 0 : i32
      %dma_start3A_1009 = arith.constant 0 : i32
      %dma_start3A_1010 = tpu.memref_slice %arg7[%dma_start3A_1006, %dma_start3A_1008, %dma_start3A_1009] : memref<8x200x64xf32, #tpu.memory_space<vmem>> -> memref<1x200x64xf32, #tpu.memory_space<vmem>>
      %dma_start3A_1011 = tpu.memref_squeeze %dma_start3A_1010 : memref<1x200x64xf32, #tpu.memory_space<vmem>> -> memref<200x64xf32, #tpu.memory_space<vmem>>
      %dma_start3A_1012 = arith.constant 0 : i32
      %dma_start3A_1013 = arith.constant 0 : i32
      %dma_start3A_1014 = tpu.memref_slice %arg5[%add3A_1005, %dma_start3A_1012, %dma_start3A_1013] : memref<4096x200x64xf32, #tpu.memory_space<hbm>> -> memref<1x200x64xf32, #tpu.memory_space<hbm>>
      %dma_start3A_1015 = tpu.memref_squeeze %dma_start3A_1014 : memref<1x200x64xf32, #tpu.memory_space<hbm>> -> memref<200x64xf32, #tpu.memory_space<hbm>>
      %dma_start3A_1016 = tpu.memref_slice %arg11[%dma_start3A_1007] : memref<8x!tpu.dma_semaphore, #tpu.memory_space<semaphore_mem>> -> memref<1x!tpu.dma_semaphore, #tpu.memory_space<semaphore_mem>>
      %dma_start3A_1017 = tpu.memref_squeeze %dma_start3A_1016 : memref<1x!tpu.dma_semaphore, #tpu.memory_space<semaphore_mem>> -> memref<!tpu.dma_semaphore, #tpu.memory_space<semaphore_mem>>
      %dma_start3A_1018 = arith.constant 0 : i32
      %dma_start3A_1019 = arith.constant 0 : i32
      %dma_start3A_1020 = tpu.memref_slice %arg5[%add3A_1005, %dma_start3A_1018, %dma_start3A_1019] : memref<4096x200x64xf32, #tpu.memory_space<hbm>> -> memref<1x200x64xf32, #tpu.memory_space<hbm>>
      %dma_start3A_1021 = tpu.memref_squeeze %dma_start3A_1020 : memref<1x200x64xf32, #tpu.memory_space<hbm>> -> memref<200x64xf32, #tpu.memory_space<hbm>>
      %dma_start3A_1022 = arith.constant 0 : i32
      %dma_start3A_1023 = arith.constant 0 : i32
      %dma_start3A_1024 = tpu.memref_slice %arg7[%dma_start3A_1006, %dma_start3A_1022, %dma_start3A_1023] : memref<8x200x64xf32, #tpu.memory_space<vmem>> -> memref<1x200x64xf32, #tpu.memory_space<vmem>>
      %dma_start3A_1025 = tpu.memref_squeeze %dma_start3A_1024 : memref<1x200x64xf32, #tpu.memory_space<vmem>> -> memref<200x64xf32, #tpu.memory_space<vmem>>
      tpu.enqueue_dma source(%dma_start3A_1025 : memref<200x64xf32, #tpu.memory_space<vmem>>) target(%dma_start3A_1021 : memref<200x64xf32, #tpu.memory_space<hbm>>) target_semaphore(%dma_start3A_1017 : memref<!tpu.dma_semaphore, #tpu.memory_space<semaphore_mem>>)
      %mul3A_1026 = arith.constant 8 : i32
      %mul3A_1027 = arith.muli %scan3A_566, %mul3A_1026 : i32
      %add3A_1028 = arith.constant 6 : i32
      %add3A_1029 = arith.addi %mul3A_1027, %add3A_1028 : i32
      %add3A_1030 = arith.constant 2 : i32
      %add3A_1031 = arith.addi %add3A_1029, %add3A_1030 : i32
      %lt3A_1032 = arith.constant 128 : i32
      %lt3A_1033 = arith.cmpi slt, %add3A_1031, %lt3A_1032 : i32
      %convert_element_type3A_1034 = arith.extui %lt3A_1033 : i1 to i32
      %cond3A_1035 = arith.constant 0 : i32
      %cond3A_1036 = arith.cmpi ne, %convert_element_type3A_1034, %cond3A_1035 : i32
      scf.if %cond3A_1036 {
        %add3A_1180 = arith.constant 2 : i32
        %add3A_1181 = arith.addi %add3A_1029, %add3A_1180 : i32
        %add3A_1182 = arith.addi %mul3A_2, %add3A_1181 : i32
        %mul3A_1183 = arith.constant 200 : i32
        %mul3A_1184 = arith.muli %add3A_1182, %mul3A_1183 : i32
        %add3A_1185 = arith.constant 128 : i32
        %add3A_1186 = arith.addi %mul3A_1184, %add3A_1185 : i32
        %dma_wait3A_1187 = arith.constant 0 : i32
        %dma_wait3A_1188 = arith.constant 0 : i32
        %dma_wait3A_1189 = arith.constant 0 : i32
        %dma_wait3A_1190 = arith.constant 0 : i32
        %dma_wait3A_1191 = tpu.memref_slice %arg6[%dma_wait3A_1187, %dma_wait3A_1188, %dma_wait3A_1190] : memref<8x2x128xi32, #tpu.memory_space<vmem>> -> memref<1x1x128xi32, #tpu.memory_space<vmem>>
        %dma_wait3A_1192 = tpu.memref_squeeze %dma_wait3A_1191 : memref<1x1x128xi32, #tpu.memory_space<vmem>> -> memref<128xi32, #tpu.memory_space<vmem>>
        %dma_wait3A_1193 = tpu.memref_slice %arg3[%mul3A_1184] : memref<819200xi32, #tpu.memory_space<hbm>> -> memref<128xi32, #tpu.memory_space<hbm>>
        %dma_wait3A_1194 = tpu.memref_slice %arg9[%dma_wait3A_1189] : memref<8x!tpu.dma_semaphore, #tpu.memory_space<semaphore_mem>> -> memref<1x!tpu.dma_semaphore, #tpu.memory_space<semaphore_mem>>
        %dma_wait3A_1195 = tpu.memref_squeeze %dma_wait3A_1194 : memref<1x!tpu.dma_semaphore, #tpu.memory_space<semaphore_mem>> -> memref<!tpu.dma_semaphore, #tpu.memory_space<semaphore_mem>>
        %dma_wait3A_1196 = arith.constant 0 : i32
        %dma_wait3A_1197 = tpu.memref_slice %arg6[%dma_wait3A_1187, %dma_wait3A_1188, %dma_wait3A_1196] : memref<8x2x128xi32, #tpu.memory_space<vmem>> -> memref<1x1x128xi32, #tpu.memory_space<vmem>>
        %dma_wait3A_1198 = tpu.memref_squeeze %dma_wait3A_1197 : memref<1x1x128xi32, #tpu.memory_space<vmem>> -> memref<128xi32, #tpu.memory_space<vmem>>
        %dma_wait3A_1199 = tpu.memref_slice %arg3[%mul3A_1184] : memref<819200xi32, #tpu.memory_space<hbm>> -> memref<128xi32, #tpu.memory_space<hbm>>
        tpu.wait_dma2 semaphore(%dma_wait3A_1195 : memref<!tpu.dma_semaphore, #tpu.memory_space<semaphore_mem>>) src(%dma_wait3A_1199 : memref<128xi32, #tpu.memory_space<hbm>>) dst(%dma_wait3A_1198 : memref<128xi32, #tpu.memory_space<vmem>>)
        %dma_wait3A_1200 = arith.constant 0 : i32
        %dma_wait3A_1201 = arith.constant 1 : i32
        %dma_wait3A_1202 = arith.constant 0 : i32
        %dma_wait3A_1203 = arith.constant 0 : i32
        %dma_wait3A_1204 = tpu.memref_slice %arg6[%dma_wait3A_1200, %dma_wait3A_1201, %dma_wait3A_1203] : memref<8x2x128xi32, #tpu.memory_space<vmem>> -> memref<1x1x72xi32, #tpu.memory_space<vmem>>
        %dma_wait3A_1205 = tpu.memref_squeeze %dma_wait3A_1204 : memref<1x1x72xi32, #tpu.memory_space<vmem>> -> memref<72xi32, #tpu.memory_space<vmem>>
        %dma_wait3A_1206 = tpu.memref_slice %arg3[%add3A_1186] : memref<819200xi32, #tpu.memory_space<hbm>> -> memref<72xi32, #tpu.memory_space<hbm>>
        %dma_wait3A_1207 = tpu.memref_slice %arg9[%dma_wait3A_1202] : memref<8x!tpu.dma_semaphore, #tpu.memory_space<semaphore_mem>> -> memref<1x!tpu.dma_semaphore, #tpu.memory_space<semaphore_mem>>
        %dma_wait3A_1208 = tpu.memref_squeeze %dma_wait3A_1207 : memref<1x!tpu.dma_semaphore, #tpu.memory_space<semaphore_mem>> -> memref<!tpu.dma_semaphore, #tpu.memory_space<semaphore_mem>>
        %dma_wait3A_1209 = arith.constant 0 : i32
        %dma_wait3A_1210 = tpu.memref_slice %arg6[%dma_wait3A_1200, %dma_wait3A_1201, %dma_wait3A_1209] : memref<8x2x128xi32, #tpu.memory_space<vmem>> -> memref<1x1x72xi32, #tpu.memory_space<vmem>>
        %dma_wait3A_1211 = tpu.memref_squeeze %dma_wait3A_1210 : memref<1x1x72xi32, #tpu.memory_space<vmem>> -> memref<72xi32, #tpu.memory_space<vmem>>
        %dma_wait3A_1212 = tpu.memref_slice %arg3[%add3A_1186] : memref<819200xi32, #tpu.memory_space<hbm>> -> memref<72xi32, #tpu.memory_space<hbm>>
        tpu.wait_dma2 semaphore(%dma_wait3A_1208 : memref<!tpu.dma_semaphore, #tpu.memory_space<semaphore_mem>>) src(%dma_wait3A_1212 : memref<72xi32, #tpu.memory_space<hbm>>) dst(%dma_wait3A_1211 : memref<72xi32, #tpu.memory_space<vmem>>)
        %add3A_1213 = arith.constant 2 : i32
        %add3A_1214 = arith.addi %add3A_1029, %add3A_1213 : i32
        %ge3A = arith.constant 8 : i32
        %ge3A_1215 = arith.cmpi sge, %add3A_1214, %ge3A : i32
        %convert_element_type3A_1216 = arith.extui %ge3A_1215 : i1 to i32
        %cond3A_1217 = arith.constant 0 : i32
        %cond3A_1218 = arith.cmpi ne, %convert_element_type3A_1216, %cond3A_1217 : i32
        scf.if %cond3A_1218 {
          %add3A_1251 = arith.constant 0 : i32
          %add3A_1252 = arith.addi %mul3A_2, %add3A_1251 : i32
          %dma_wait3A_1253 = arith.constant 0 : i32
          %dma_wait3A_1254 = arith.constant 0 : i32
          %dma_wait3A_1255 = arith.constant 0 : i32
          %dma_wait3A_1256 = arith.constant 0 : i32
          %dma_wait3A_1257 = tpu.memref_slice %arg7[%dma_wait3A_1253, %dma_wait3A_1255, %dma_wait3A_1256] : memref<8x200x64xf32, #tpu.memory_space<vmem>> -> memref<1x200x64xf32, #tpu.memory_space<vmem>>
          %dma_wait3A_1258 = tpu.memref_squeeze %dma_wait3A_1257 : memref<1x200x64xf32, #tpu.memory_space<vmem>> -> memref<200x64xf32, #tpu.memory_space<vmem>>
          %dma_wait3A_1259 = arith.constant 0 : i32
          %dma_wait3A_1260 = arith.constant 0 : i32
          %dma_wait3A_1261 = tpu.memref_slice %arg5[%add3A_1252, %dma_wait3A_1259, %dma_wait3A_1260] : memref<4096x200x64xf32, #tpu.memory_space<hbm>> -> memref<1x200x64xf32, #tpu.memory_space<hbm>>
          %dma_wait3A_1262 = tpu.memref_squeeze %dma_wait3A_1261 : memref<1x200x64xf32, #tpu.memory_space<hbm>> -> memref<200x64xf32, #tpu.memory_space<hbm>>
          %dma_wait3A_1263 = tpu.memref_slice %arg11[%dma_wait3A_1254] : memref<8x!tpu.dma_semaphore, #tpu.memory_space<semaphore_mem>> -> memref<1x!tpu.dma_semaphore, #tpu.memory_space<semaphore_mem>>
          %dma_wait3A_1264 = tpu.memref_squeeze %dma_wait3A_1263 : memref<1x!tpu.dma_semaphore, #tpu.memory_space<semaphore_mem>> -> memref<!tpu.dma_semaphore, #tpu.memory_space<semaphore_mem>>
          %dma_wait3A_1265 = arith.constant 0 : i32
          %dma_wait3A_1266 = arith.constant 0 : i32
          %dma_wait3A_1267 = tpu.memref_slice %arg5[%add3A_1252, %dma_wait3A_1265, %dma_wait3A_1266] : memref<4096x200x64xf32, #tpu.memory_space<hbm>> -> memref<1x200x64xf32, #tpu.memory_space<hbm>>
          %dma_wait3A_1268 = tpu.memref_squeeze %dma_wait3A_1267 : memref<1x200x64xf32, #tpu.memory_space<hbm>> -> memref<200x64xf32, #tpu.memory_space<hbm>>
          %dma_wait3A_1269 = arith.constant 0 : i32
          %dma_wait3A_1270 = arith.constant 0 : i32
          %dma_wait3A_1271 = tpu.memref_slice %arg7[%dma_wait3A_1253, %dma_wait3A_1269, %dma_wait3A_1270] : memref<8x200x64xf32, #tpu.memory_space<vmem>> -> memref<1x200x64xf32, #tpu.memory_space<vmem>>
          %dma_wait3A_1272 = tpu.memref_squeeze %dma_wait3A_1271 : memref<1x200x64xf32, #tpu.memory_space<vmem>> -> memref<200x64xf32, #tpu.memory_space<vmem>>
          tpu.wait_dma2 semaphore(%dma_wait3A_1264 : memref<!tpu.dma_semaphore, #tpu.memory_space<semaphore_mem>>) src(%dma_wait3A_1272 : memref<200x64xf32, #tpu.memory_space<vmem>>) dst(%dma_wait3A_1268 : memref<200x64xf32, #tpu.memory_space<hbm>>)
        } else {
        }
        %dma_start3A_1219 = arith.constant 0 : i32
        %dma_start3A_1220 = arith.constant 0 : i32
        %dma_start3A_1221 = arith.constant 0 : i32
        %dma_start3A_1222 = arith.constant 0 : i32
        %dma_start3A_1223 = arith.constant 0 : i32
        %dma_start3A_1224 = arith.constant 0 : i32
        %dma_start3A_1225 = tpu.memref_slice %arg7[%dma_start3A_1221, %dma_start3A_1223, %dma_start3A_1224] : memref<8x200x64xf32, #tpu.memory_space<vmem>> -> memref<1x128x64xf32, #tpu.memory_space<vmem>>
        %dma_start3A_1226 = tpu.memref_squeeze %dma_start3A_1225 : memref<1x128x64xf32, #tpu.memory_space<vmem>> -> memref<128x64xf32, #tpu.memory_space<vmem>>
        %dma_start3A_1227 = arith.constant 0 : i32
        %dma_start3A_1228 = tpu.memref_slice %arg6[%dma_start3A_1219, %dma_start3A_1220, %dma_start3A_1227] : memref<8x2x128xi32, #tpu.memory_space<vmem>> -> memref<1x1x128xi32, #tpu.memory_space<vmem>>
        %dma_start3A_1229 = tpu.memref_squeeze %dma_start3A_1228 : memref<1x1x128xi32, #tpu.memory_space<vmem>> -> memref<128xi32, #tpu.memory_space<vmem>>
        %dma_start3A_1230 = arith.constant 0 : i32
        %dma_start3A_1231 = arith.constant 0 : i32
        %dma_start3A_1232 = tpu.memref_slice %arg2[%dma_start3A_1230, %dma_start3A_1231] : memref<1000000x64xf32, #tpu.memory_space<hbm>> -> memref<1000000x64xf32, #tpu.memory_space<hbm>>
        %dma_start3A_1233 = tpu.memref_slice %arg10[%dma_start3A_1222] : memref<8x!tpu.dma_semaphore, #tpu.memory_space<semaphore_mem>> -> memref<1x!tpu.dma_semaphore, #tpu.memory_space<semaphore_mem>>
        %dma_start3A_1234 = tpu.memref_squeeze %dma_start3A_1233 : memref<1x!tpu.dma_semaphore, #tpu.memory_space<semaphore_mem>> -> memref<!tpu.dma_semaphore, #tpu.memory_space<semaphore_mem>>
        tpu.enqueue_indirect_dma source(%dma_start3A_1232 : memref<1000000x64xf32, #tpu.memory_space<hbm>>) target(%dma_start3A_1226 : memref<128x64xf32, #tpu.memory_space<vmem>>) offsets(%dma_start3A_1229 : memref<128xi32, #tpu.memory_space<vmem>>) semaphore(%dma_start3A_1234 : memref<!tpu.dma_semaphore, #tpu.memory_space<semaphore_mem>>)
        %dma_start3A_1235 = arith.constant 0 : i32
        %dma_start3A_1236 = arith.constant 1 : i32
        %dma_start3A_1237 = arith.constant 0 : i32
        %dma_start3A_1238 = arith.constant 0 : i32
        %dma_start3A_1239 = arith.constant 128 : i32
        %dma_start3A_1240 = arith.constant 0 : i32
        %dma_start3A_1241 = tpu.memref_slice %arg7[%dma_start3A_1237, %dma_start3A_1239, %dma_start3A_1240] : memref<8x200x64xf32, #tpu.memory_space<vmem>> -> memref<1x72x64xf32, #tpu.memory_space<vmem>>
        %dma_start3A_1242 = tpu.memref_squeeze %dma_start3A_1241 : memref<1x72x64xf32, #tpu.memory_space<vmem>> -> memref<72x64xf32, #tpu.memory_space<vmem>>
        %dma_start3A_1243 = arith.constant 0 : i32
        %dma_start3A_1244 = tpu.memref_slice %arg6[%dma_start3A_1235, %dma_start3A_1236, %dma_start3A_1243] : memref<8x2x128xi32, #tpu.memory_space<vmem>> -> memref<1x1x72xi32, #tpu.memory_space<vmem>>
        %dma_start3A_1245 = tpu.memref_squeeze %dma_start3A_1244 : memref<1x1x72xi32, #tpu.memory_space<vmem>> -> memref<72xi32, #tpu.memory_space<vmem>>
        %dma_start3A_1246 = arith.constant 0 : i32
        %dma_start3A_1247 = arith.constant 0 : i32
        %dma_start3A_1248 = tpu.memref_slice %arg2[%dma_start3A_1246, %dma_start3A_1247] : memref<1000000x64xf32, #tpu.memory_space<hbm>> -> memref<1000000x64xf32, #tpu.memory_space<hbm>>
        %dma_start3A_1249 = tpu.memref_slice %arg10[%dma_start3A_1238] : memref<8x!tpu.dma_semaphore, #tpu.memory_space<semaphore_mem>> -> memref<1x!tpu.dma_semaphore, #tpu.memory_space<semaphore_mem>>
        %dma_start3A_1250 = tpu.memref_squeeze %dma_start3A_1249 : memref<1x!tpu.dma_semaphore, #tpu.memory_space<semaphore_mem>> -> memref<!tpu.dma_semaphore, #tpu.memory_space<semaphore_mem>>
        tpu.enqueue_indirect_dma source(%dma_start3A_1248 : memref<1000000x64xf32, #tpu.memory_space<hbm>>) target(%dma_start3A_1242 : memref<72x64xf32, #tpu.memory_space<vmem>>) offsets(%dma_start3A_1245 : memref<72xi32, #tpu.memory_space<vmem>>) semaphore(%dma_start3A_1250 : memref<!tpu.dma_semaphore, #tpu.memory_space<semaphore_mem>>)
      } else {
      }
      %dma_wait3A_1037 = arith.constant 6 : i32
      %dma_wait3A_1038 = arith.constant 0 : i32
      %dma_wait3A_1039 = arith.constant 6 : i32
      %dma_wait3A_1040 = arith.constant 6 : i32
      %dma_wait3A_1041 = arith.constant 0 : i32
      %dma_wait3A_1042 = arith.constant 0 : i32
      %dma_wait3A_1043 = tpu.memref_slice %arg7[%dma_wait3A_1039, %dma_wait3A_1041, %dma_wait3A_1042] : memref<8x200x64xf32, #tpu.memory_space<vmem>> -> memref<1x128x64xf32, #tpu.memory_space<vmem>>
      %dma_wait3A_1044 = tpu.memref_squeeze %dma_wait3A_1043 : memref<1x128x64xf32, #tpu.memory_space<vmem>> -> memref<128x64xf32, #tpu.memory_space<vmem>>
      %dma_wait3A_1045 = arith.constant 0 : i32
      %dma_wait3A_1046 = tpu.memref_slice %arg6[%dma_wait3A_1037, %dma_wait3A_1038, %dma_wait3A_1045] : memref<8x2x128xi32, #tpu.memory_space<vmem>> -> memref<1x1x128xi32, #tpu.memory_space<vmem>>
      %dma_wait3A_1047 = tpu.memref_squeeze %dma_wait3A_1046 : memref<1x1x128xi32, #tpu.memory_space<vmem>> -> memref<128xi32, #tpu.memory_space<vmem>>
      %dma_wait3A_1048 = arith.constant 0 : i32
      %dma_wait3A_1049 = arith.constant 0 : i32
      %dma_wait3A_1050 = tpu.memref_slice %arg2[%dma_wait3A_1048, %dma_wait3A_1049] : memref<1000000x64xf32, #tpu.memory_space<hbm>> -> memref<1000000x64xf32, #tpu.memory_space<hbm>>
      %dma_wait3A_1051 = tpu.memref_slice %arg10[%dma_wait3A_1040] : memref<8x!tpu.dma_semaphore, #tpu.memory_space<semaphore_mem>> -> memref<1x!tpu.dma_semaphore, #tpu.memory_space<semaphore_mem>>
      %dma_wait3A_1052 = tpu.memref_squeeze %dma_wait3A_1051 : memref<1x!tpu.dma_semaphore, #tpu.memory_space<semaphore_mem>> -> memref<!tpu.dma_semaphore, #tpu.memory_space<semaphore_mem>>
      tpu.wait_indirect_dma semaphore(%dma_wait3A_1052 : memref<!tpu.dma_semaphore, #tpu.memory_space<semaphore_mem>>) src(%dma_wait3A_1050 : memref<1000000x64xf32, #tpu.memory_space<hbm>>) dst(%dma_wait3A_1044 : memref<128x64xf32, #tpu.memory_space<vmem>>)
      %dma_wait3A_1053 = arith.constant 6 : i32
      %dma_wait3A_1054 = arith.constant 1 : i32
      %dma_wait3A_1055 = arith.constant 6 : i32
      %dma_wait3A_1056 = arith.constant 6 : i32
      %dma_wait3A_1057 = arith.constant 128 : i32
      %dma_wait3A_1058 = arith.constant 0 : i32
      %dma_wait3A_1059 = tpu.memref_slice %arg7[%dma_wait3A_1055, %dma_wait3A_1057, %dma_wait3A_1058] : memref<8x200x64xf32, #tpu.memory_space<vmem>> -> memref<1x72x64xf32, #tpu.memory_space<vmem>>
      %dma_wait3A_1060 = tpu.memref_squeeze %dma_wait3A_1059 : memref<1x72x64xf32, #tpu.memory_space<vmem>> -> memref<72x64xf32, #tpu.memory_space<vmem>>
      %dma_wait3A_1061 = arith.constant 0 : i32
      %dma_wait3A_1062 = tpu.memref_slice %arg6[%dma_wait3A_1053, %dma_wait3A_1054, %dma_wait3A_1061] : memref<8x2x128xi32, #tpu.memory_space<vmem>> -> memref<1x1x72xi32, #tpu.memory_space<vmem>>
      %dma_wait3A_1063 = tpu.memref_squeeze %dma_wait3A_1062 : memref<1x1x72xi32, #tpu.memory_space<vmem>> -> memref<72xi32, #tpu.memory_space<vmem>>
      %dma_wait3A_1064 = arith.constant 0 : i32
      %dma_wait3A_1065 = arith.constant 0 : i32
      %dma_wait3A_1066 = tpu.memref_slice %arg2[%dma_wait3A_1064, %dma_wait3A_1065] : memref<1000000x64xf32, #tpu.memory_space<hbm>> -> memref<1000000x64xf32, #tpu.memory_space<hbm>>
      %dma_wait3A_1067 = tpu.memref_slice %arg10[%dma_wait3A_1056] : memref<8x!tpu.dma_semaphore, #tpu.memory_space<semaphore_mem>> -> memref<1x!tpu.dma_semaphore, #tpu.memory_space<semaphore_mem>>
      %dma_wait3A_1068 = tpu.memref_squeeze %dma_wait3A_1067 : memref<1x!tpu.dma_semaphore, #tpu.memory_space<semaphore_mem>> -> memref<!tpu.dma_semaphore, #tpu.memory_space<semaphore_mem>>
      tpu.wait_indirect_dma semaphore(%dma_wait3A_1068 : memref<!tpu.dma_semaphore, #tpu.memory_space<semaphore_mem>>) src(%dma_wait3A_1066 : memref<1000000x64xf32, #tpu.memory_space<hbm>>) dst(%dma_wait3A_1060 : memref<72x64xf32, #tpu.memory_space<vmem>>)
      %add3A_1069 = arith.constant 8 : i32
      %add3A_1070 = arith.addi %add3A_1029, %add3A_1069 : i32
      %lt3A_1071 = arith.constant 128 : i32
      %lt3A_1072 = arith.cmpi slt, %add3A_1070, %lt3A_1071 : i32
      %convert_element_type3A_1073 = arith.extui %lt3A_1072 : i1 to i32
      %cond3A_1074 = arith.constant 0 : i32
      %cond3A_1075 = arith.cmpi ne, %convert_element_type3A_1073, %cond3A_1074 : i32
      scf.if %cond3A_1075 {
        %add3A_1180 = arith.constant 8 : i32
        %add3A_1181 = arith.addi %add3A_1029, %add3A_1180 : i32
        %add3A_1182 = arith.addi %mul3A_2, %add3A_1181 : i32
        %mul3A_1183 = arith.constant 200 : i32
        %mul3A_1184 = arith.muli %add3A_1182, %mul3A_1183 : i32
        %add3A_1185 = arith.constant 128 : i32
        %add3A_1186 = arith.addi %mul3A_1184, %add3A_1185 : i32
        %dma_start3A_1187 = arith.constant 6 : i32
        %dma_start3A_1188 = arith.constant 0 : i32
        %dma_start3A_1189 = arith.constant 6 : i32
        %dma_start3A_1190 = arith.constant 0 : i32
        %dma_start3A_1191 = tpu.memref_slice %arg6[%dma_start3A_1187, %dma_start3A_1188, %dma_start3A_1190] : memref<8x2x128xi32, #tpu.memory_space<vmem>> -> memref<1x1x128xi32, #tpu.memory_space<vmem>>
        %dma_start3A_1192 = tpu.memref_squeeze %dma_start3A_1191 : memref<1x1x128xi32, #tpu.memory_space<vmem>> -> memref<128xi32, #tpu.memory_space<vmem>>
        %dma_start3A_1193 = tpu.memref_slice %arg3[%mul3A_1184] : memref<819200xi32, #tpu.memory_space<hbm>> -> memref<128xi32, #tpu.memory_space<hbm>>
        %dma_start3A_1194 = tpu.memref_slice %arg9[%dma_start3A_1189] : memref<8x!tpu.dma_semaphore, #tpu.memory_space<semaphore_mem>> -> memref<1x!tpu.dma_semaphore, #tpu.memory_space<semaphore_mem>>
        %dma_start3A_1195 = tpu.memref_squeeze %dma_start3A_1194 : memref<1x!tpu.dma_semaphore, #tpu.memory_space<semaphore_mem>> -> memref<!tpu.dma_semaphore, #tpu.memory_space<semaphore_mem>>
        %dma_start3A_1196 = arith.constant 0 : i32
        %dma_start3A_1197 = tpu.memref_slice %arg6[%dma_start3A_1187, %dma_start3A_1188, %dma_start3A_1196] : memref<8x2x128xi32, #tpu.memory_space<vmem>> -> memref<1x1x128xi32, #tpu.memory_space<vmem>>
        %dma_start3A_1198 = tpu.memref_squeeze %dma_start3A_1197 : memref<1x1x128xi32, #tpu.memory_space<vmem>> -> memref<128xi32, #tpu.memory_space<vmem>>
        %dma_start3A_1199 = tpu.memref_slice %arg3[%mul3A_1184] : memref<819200xi32, #tpu.memory_space<hbm>> -> memref<128xi32, #tpu.memory_space<hbm>>
        tpu.enqueue_dma source(%dma_start3A_1199 : memref<128xi32, #tpu.memory_space<hbm>>) target(%dma_start3A_1198 : memref<128xi32, #tpu.memory_space<vmem>>) target_semaphore(%dma_start3A_1195 : memref<!tpu.dma_semaphore, #tpu.memory_space<semaphore_mem>>)
        %dma_start3A_1200 = arith.constant 6 : i32
        %dma_start3A_1201 = arith.constant 1 : i32
        %dma_start3A_1202 = arith.constant 6 : i32
        %dma_start3A_1203 = arith.constant 0 : i32
        %dma_start3A_1204 = tpu.memref_slice %arg6[%dma_start3A_1200, %dma_start3A_1201, %dma_start3A_1203] : memref<8x2x128xi32, #tpu.memory_space<vmem>> -> memref<1x1x72xi32, #tpu.memory_space<vmem>>
        %dma_start3A_1205 = tpu.memref_squeeze %dma_start3A_1204 : memref<1x1x72xi32, #tpu.memory_space<vmem>> -> memref<72xi32, #tpu.memory_space<vmem>>
        %dma_start3A_1206 = tpu.memref_slice %arg3[%add3A_1186] : memref<819200xi32, #tpu.memory_space<hbm>> -> memref<72xi32, #tpu.memory_space<hbm>>
        %dma_start3A_1207 = tpu.memref_slice %arg9[%dma_start3A_1202] : memref<8x!tpu.dma_semaphore, #tpu.memory_space<semaphore_mem>> -> memref<1x!tpu.dma_semaphore, #tpu.memory_space<semaphore_mem>>
        %dma_start3A_1208 = tpu.memref_squeeze %dma_start3A_1207 : memref<1x!tpu.dma_semaphore, #tpu.memory_space<semaphore_mem>> -> memref<!tpu.dma_semaphore, #tpu.memory_space<semaphore_mem>>
        %dma_start3A_1209 = arith.constant 0 : i32
        %dma_start3A_1210 = tpu.memref_slice %arg6[%dma_start3A_1200, %dma_start3A_1201, %dma_start3A_1209] : memref<8x2x128xi32, #tpu.memory_space<vmem>> -> memref<1x1x72xi32, #tpu.memory_space<vmem>>
        %dma_start3A_1211 = tpu.memref_squeeze %dma_start3A_1210 : memref<1x1x72xi32, #tpu.memory_space<vmem>> -> memref<72xi32, #tpu.memory_space<vmem>>
        %dma_start3A_1212 = tpu.memref_slice %arg3[%add3A_1186] : memref<819200xi32, #tpu.memory_space<hbm>> -> memref<72xi32, #tpu.memory_space<hbm>>
        tpu.enqueue_dma source(%dma_start3A_1212 : memref<72xi32, #tpu.memory_space<hbm>>) target(%dma_start3A_1211 : memref<72xi32, #tpu.memory_space<vmem>>) target_semaphore(%dma_start3A_1208 : memref<!tpu.dma_semaphore, #tpu.memory_space<semaphore_mem>>)
      } else {
      }
      %scan3A_1076 = arith.constant 0 : i32
      %scan3A_1077 = arith.constant 0 : i32
      %scan3A_1078 = arith.constant 50 : i32
      %scan3A_1079 = arith.addi %scan3A_1077, %scan3A_1078 : i32
      %scan3A_1080 = arith.constant 1 : i32
      scf.for %scan3A_1180 = %scan3A_1077 to %scan3A_1079 step %scan3A_1080  : i32 {
        %mul3A_1181 = arith.constant 4 : i32
        %mul3A_1182 = arith.muli %scan3A_1180, %mul3A_1181 : i32
        %add3A_1183 = arith.constant 0 : i32
        %add3A_1184 = arith.addi %mul3A_1182, %add3A_1183 : i32
        %get3A = arith.index_cast %add3A_1184 : i32 to index
        %get3A_1185 = arith.constant 0 : index
        %get3A_1186 = tpu.vector_load %arg8[%get3A, %get3A_1185] {strides = array<i32>} : memref<200x64xf32, #tpu.memory_space<vmem>>, vector<1x16xf32>,
        %get3A_1187 = vector.shape_cast %get3A_1186 : vector<1x16xf32> to vector<16xf32>
        %swap3A = arith.constant 6 : i32
        %swap3A_1188 = arith.index_cast %swap3A : i32 to index
        %swap3A_1189 = arith.index_cast %add3A_1184 : i32 to index
        %swap3A_1190 = arith.constant 0 : index
        %swap3A_1191 = tpu.vector_load %arg7[%swap3A_1188, %swap3A_1189, %swap3A_1190] {strides = array<i32>} : memref<8x200x64xf32, #tpu.memory_space<vmem>>, vector<1x1x16xf32>,
        %swap3A_1192 = vector.shape_cast %swap3A_1191 : vector<1x1x16xf32> to vector<16xf32>
        %swap3A_1193 = vector.shape_cast %get3A_1187 : vector<16xf32> to vector<1x1x16xf32>
        tpu.vector_store %arg7[%swap3A_1188, %swap3A_1189, %swap3A_1190], %swap3A_1193 {add = true, strides = array<i32>} : memref<8x200x64xf32, #tpu.memory_space<vmem>>, vector<1x1x16xf32>,
        %get3A_1194 = arith.index_cast %add3A_1184 : i32 to index
        %get3A_1195 = arith.constant 16 : index
        %get3A_1196 = tpu.vector_load %arg8[%get3A_1194, %get3A_1195] {strides = array<i32>} : memref<200x64xf32, #tpu.memory_space<vmem>>, vector<1x16xf32>,
        %get3A_1197 = vector.shape_cast %get3A_1196 : vector<1x16xf32> to vector<16xf32>
        %swap3A_1198 = arith.constant 6 : i32
        %swap3A_1199 = arith.index_cast %swap3A_1198 : i32 to index
        %swap3A_1200 = arith.index_cast %add3A_1184 : i32 to index
        %swap3A_1201 = arith.constant 16 : index
        %swap3A_1202 = tpu.vector_load %arg7[%swap3A_1199, %swap3A_1200, %swap3A_1201] {strides = array<i32>} : memref<8x200x64xf32, #tpu.memory_space<vmem>>, vector<1x1x16xf32>,
        %swap3A_1203 = vector.shape_cast %swap3A_1202 : vector<1x1x16xf32> to vector<16xf32>
        %swap3A_1204 = vector.shape_cast %get3A_1197 : vector<16xf32> to vector<1x1x16xf32>
        tpu.vector_store %arg7[%swap3A_1199, %swap3A_1200, %swap3A_1201], %swap3A_1204 {add = true, strides = array<i32>} : memref<8x200x64xf32, #tpu.memory_space<vmem>>, vector<1x1x16xf32>,
        %get3A_1205 = arith.index_cast %add3A_1184 : i32 to index
        %get3A_1206 = arith.constant 32 : index
        %get3A_1207 = tpu.vector_load %arg8[%get3A_1205, %get3A_1206] {strides = array<i32>} : memref<200x64xf32, #tpu.memory_space<vmem>>, vector<1x16xf32>,
        %get3A_1208 = vector.shape_cast %get3A_1207 : vector<1x16xf32> to vector<16xf32>
        %swap3A_1209 = arith.constant 6 : i32
        %swap3A_1210 = arith.index_cast %swap3A_1209 : i32 to index
        %swap3A_1211 = arith.index_cast %add3A_1184 : i32 to index
        %swap3A_1212 = arith.constant 32 : index
        %swap3A_1213 = tpu.vector_load %arg7[%swap3A_1210, %swap3A_1211, %swap3A_1212] {strides = array<i32>} : memref<8x200x64xf32, #tpu.memory_space<vmem>>, vector<1x1x16xf32>,
        %swap3A_1214 = vector.shape_cast %swap3A_1213 : vector<1x1x16xf32> to vector<16xf32>
        %swap3A_1215 = vector.shape_cast %get3A_1208 : vector<16xf32> to vector<1x1x16xf32>
        tpu.vector_store %arg7[%swap3A_1210, %swap3A_1211, %swap3A_1212], %swap3A_1215 {add = true, strides = array<i32>} : memref<8x200x64xf32, #tpu.memory_space<vmem>>, vector<1x1x16xf32>,
        %get3A_1216 = arith.index_cast %add3A_1184 : i32 to index
        %get3A_1217 = arith.constant 48 : index
        %get3A_1218 = tpu.vector_load %arg8[%get3A_1216, %get3A_1217] {strides = array<i32>} : memref<200x64xf32, #tpu.memory_space<vmem>>, vector<1x16xf32>,
        %get3A_1219 = vector.shape_cast %get3A_1218 : vector<1x16xf32> to vector<16xf32>
        %swap3A_1220 = arith.constant 6 : i32
        %swap3A_1221 = arith.index_cast %swap3A_1220 : i32 to index
        %swap3A_1222 = arith.index_cast %add3A_1184 : i32 to index
        %swap3A_1223 = arith.constant 48 : index
        %swap3A_1224 = tpu.vector_load %arg7[%swap3A_1221, %swap3A_1222, %swap3A_1223] {strides = array<i32>} : memref<8x200x64xf32, #tpu.memory_space<vmem>>, vector<1x1x16xf32>,
        %swap3A_1225 = vector.shape_cast %swap3A_1224 : vector<1x1x16xf32> to vector<16xf32>
        %swap3A_1226 = vector.shape_cast %get3A_1219 : vector<16xf32> to vector<1x1x16xf32>
        tpu.vector_store %arg7[%swap3A_1221, %swap3A_1222, %swap3A_1223], %swap3A_1226 {add = true, strides = array<i32>} : memref<8x200x64xf32, #tpu.memory_space<vmem>>, vector<1x1x16xf32>,
        %mul3A_1227 = arith.constant 4 : i32
        %mul3A_1228 = arith.muli %scan3A_1180, %mul3A_1227 : i32
        %add3A_1229 = arith.constant 1 : i32
        %add3A_1230 = arith.addi %mul3A_1228, %add3A_1229 : i32
        %get3A_1231 = arith.index_cast %add3A_1230 : i32 to index
        %get3A_1232 = arith.constant 0 : index
        %get3A_1233 = tpu.vector_load %arg8[%get3A_1231, %get3A_1232] {strides = array<i32>} : memref<200x64xf32, #tpu.memory_space<vmem>>, vector<1x16xf32>,
        %get3A_1234 = vector.shape_cast %get3A_1233 : vector<1x16xf32> to vector<16xf32>
        %swap3A_1235 = arith.constant 6 : i32
        %swap3A_1236 = arith.index_cast %swap3A_1235 : i32 to index
        %swap3A_1237 = arith.index_cast %add3A_1230 : i32 to index
        %swap3A_1238 = arith.constant 0 : index
        %swap3A_1239 = tpu.vector_load %arg7[%swap3A_1236, %swap3A_1237, %swap3A_1238] {strides = array<i32>} : memref<8x200x64xf32, #tpu.memory_space<vmem>>, vector<1x1x16xf32>,
        %swap3A_1240 = vector.shape_cast %swap3A_1239 : vector<1x1x16xf32> to vector<16xf32>
        %swap3A_1241 = vector.shape_cast %get3A_1234 : vector<16xf32> to vector<1x1x16xf32>
        tpu.vector_store %arg7[%swap3A_1236, %swap3A_1237, %swap3A_1238], %swap3A_1241 {add = true, strides = array<i32>} : memref<8x200x64xf32, #tpu.memory_space<vmem>>, vector<1x1x16xf32>,
        %get3A_1242 = arith.index_cast %add3A_1230 : i32 to index
        %get3A_1243 = arith.constant 16 : index
        %get3A_1244 = tpu.vector_load %arg8[%get3A_1242, %get3A_1243] {strides = array<i32>} : memref<200x64xf32, #tpu.memory_space<vmem>>, vector<1x16xf32>,
        %get3A_1245 = vector.shape_cast %get3A_1244 : vector<1x16xf32> to vector<16xf32>
        %swap3A_1246 = arith.constant 6 : i32
        %swap3A_1247 = arith.index_cast %swap3A_1246 : i32 to index
        %swap3A_1248 = arith.index_cast %add3A_1230 : i32 to index
        %swap3A_1249 = arith.constant 16 : index
        %swap3A_1250 = tpu.vector_load %arg7[%swap3A_1247, %swap3A_1248, %swap3A_1249] {strides = array<i32>} : memref<8x200x64xf32, #tpu.memory_space<vmem>>, vector<1x1x16xf32>,
        %swap3A_1251 = vector.shape_cast %swap3A_1250 : vector<1x1x16xf32> to vector<16xf32>
        %swap3A_1252 = vector.shape_cast %get3A_1245 : vector<16xf32> to vector<1x1x16xf32>
        tpu.vector_store %arg7[%swap3A_1247, %swap3A_1248, %swap3A_1249], %swap3A_1252 {add = true, strides = array<i32>} : memref<8x200x64xf32, #tpu.memory_space<vmem>>, vector<1x1x16xf32>,
        %get3A_1253 = arith.index_cast %add3A_1230 : i32 to index
        %get3A_1254 = arith.constant 32 : index
        %get3A_1255 = tpu.vector_load %arg8[%get3A_1253, %get3A_1254] {strides = array<i32>} : memref<200x64xf32, #tpu.memory_space<vmem>>, vector<1x16xf32>,
        %get3A_1256 = vector.shape_cast %get3A_1255 : vector<1x16xf32> to vector<16xf32>
        %swap3A_1257 = arith.constant 6 : i32
        %swap3A_1258 = arith.index_cast %swap3A_1257 : i32 to index
        %swap3A_1259 = arith.index_cast %add3A_1230 : i32 to index
        %swap3A_1260 = arith.constant 32 : index
        %swap3A_1261 = tpu.vector_load %arg7[%swap3A_1258, %swap3A_1259, %swap3A_1260] {strides = array<i32>} : memref<8x200x64xf32, #tpu.memory_space<vmem>>, vector<1x1x16xf32>,
        %swap3A_1262 = vector.shape_cast %swap3A_1261 : vector<1x1x16xf32> to vector<16xf32>
        %swap3A_1263 = vector.shape_cast %get3A_1256 : vector<16xf32> to vector<1x1x16xf32>
        tpu.vector_store %arg7[%swap3A_1258, %swap3A_1259, %swap3A_1260], %swap3A_1263 {add = true, strides = array<i32>} : memref<8x200x64xf32, #tpu.memory_space<vmem>>, vector<1x1x16xf32>,
        %get3A_1264 = arith.index_cast %add3A_1230 : i32 to index
        %get3A_1265 = arith.constant 48 : index
        %get3A_1266 = tpu.vector_load %arg8[%get3A_1264, %get3A_1265] {strides = array<i32>} : memref<200x64xf32, #tpu.memory_space<vmem>>, vector<1x16xf32>,
        %get3A_1267 = vector.shape_cast %get3A_1266 : vector<1x16xf32> to vector<16xf32>
        %swap3A_1268 = arith.constant 6 : i32
        %swap3A_1269 = arith.index_cast %swap3A_1268 : i32 to index
        %swap3A_1270 = arith.index_cast %add3A_1230 : i32 to index
        %swap3A_1271 = arith.constant 48 : index
        %swap3A_1272 = tpu.vector_load %arg7[%swap3A_1269, %swap3A_1270, %swap3A_1271] {strides = array<i32>} : memref<8x200x64xf32, #tpu.memory_space<vmem>>, vector<1x1x16xf32>,
        %swap3A_1273 = vector.shape_cast %swap3A_1272 : vector<1x1x16xf32> to vector<16xf32>
        %swap3A_1274 = vector.shape_cast %get3A_1267 : vector<16xf32> to vector<1x1x16xf32>
        tpu.vector_store %arg7[%swap3A_1269, %swap3A_1270, %swap3A_1271], %swap3A_1274 {add = true, strides = array<i32>} : memref<8x200x64xf32, #tpu.memory_space<vmem>>, vector<1x1x16xf32>,
        %mul3A_1275 = arith.constant 4 : i32
        %mul3A_1276 = arith.muli %scan3A_1180, %mul3A_1275 : i32
        %add3A_1277 = arith.constant 2 : i32
        %add3A_1278 = arith.addi %mul3A_1276, %add3A_1277 : i32
        %get3A_1279 = arith.index_cast %add3A_1278 : i32 to index
        %get3A_1280 = arith.constant 0 : index
        %get3A_1281 = tpu.vector_load %arg8[%get3A_1279, %get3A_1280] {strides = array<i32>} : memref<200x64xf32, #tpu.memory_space<vmem>>, vector<1x16xf32>,
        %get3A_1282 = vector.shape_cast %get3A_1281 : vector<1x16xf32> to vector<16xf32>
        %swap3A_1283 = arith.constant 6 : i32
        %swap3A_1284 = arith.index_cast %swap3A_1283 : i32 to index
        %swap3A_1285 = arith.index_cast %add3A_1278 : i32 to index
        %swap3A_1286 = arith.constant 0 : index
        %swap3A_1287 = tpu.vector_load %arg7[%swap3A_1284, %swap3A_1285, %swap3A_1286] {strides = array<i32>} : memref<8x200x64xf32, #tpu.memory_space<vmem>>, vector<1x1x16xf32>,
        %swap3A_1288 = vector.shape_cast %swap3A_1287 : vector<1x1x16xf32> to vector<16xf32>
        %swap3A_1289 = vector.shape_cast %get3A_1282 : vector<16xf32> to vector<1x1x16xf32>
        tpu.vector_store %arg7[%swap3A_1284, %swap3A_1285, %swap3A_1286], %swap3A_1289 {add = true, strides = array<i32>} : memref<8x200x64xf32, #tpu.memory_space<vmem>>, vector<1x1x16xf32>,
        %get3A_1290 = arith.index_cast %add3A_1278 : i32 to index
        %get3A_1291 = arith.constant 16 : index
        %get3A_1292 = tpu.vector_load %arg8[%get3A_1290, %get3A_1291] {strides = array<i32>} : memref<200x64xf32, #tpu.memory_space<vmem>>, vector<1x16xf32>,
        %get3A_1293 = vector.shape_cast %get3A_1292 : vector<1x16xf32> to vector<16xf32>
        %swap3A_1294 = arith.constant 6 : i32
        %swap3A_1295 = arith.index_cast %swap3A_1294 : i32 to index
        %swap3A_1296 = arith.index_cast %add3A_1278 : i32 to index
        %swap3A_1297 = arith.constant 16 : index
        %swap3A_1298 = tpu.vector_load %arg7[%swap3A_1295, %swap3A_1296, %swap3A_1297] {strides = array<i32>} : memref<8x200x64xf32, #tpu.memory_space<vmem>>, vector<1x1x16xf32>,
        %swap3A_1299 = vector.shape_cast %swap3A_1298 : vector<1x1x16xf32> to vector<16xf32>
        %swap3A_1300 = vector.shape_cast %get3A_1293 : vector<16xf32> to vector<1x1x16xf32>
        tpu.vector_store %arg7[%swap3A_1295, %swap3A_1296, %swap3A_1297], %swap3A_1300 {add = true, strides = array<i32>} : memref<8x200x64xf32, #tpu.memory_space<vmem>>, vector<1x1x16xf32>,
        %get3A_1301 = arith.index_cast %add3A_1278 : i32 to index
        %get3A_1302 = arith.constant 32 : index
        %get3A_1303 = tpu.vector_load %arg8[%get3A_1301, %get3A_1302] {strides = array<i32>} : memref<200x64xf32, #tpu.memory_space<vmem>>, vector<1x16xf32>,
        %get3A_1304 = vector.shape_cast %get3A_1303 : vector<1x16xf32> to vector<16xf32>
        %swap3A_1305 = arith.constant 6 : i32
        %swap3A_1306 = arith.index_cast %swap3A_1305 : i32 to index
        %swap3A_1307 = arith.index_cast %add3A_1278 : i32 to index
        %swap3A_1308 = arith.constant 32 : index
        %swap3A_1309 = tpu.vector_load %arg7[%swap3A_1306, %swap3A_1307, %swap3A_1308] {strides = array<i32>} : memref<8x200x64xf32, #tpu.memory_space<vmem>>, vector<1x1x16xf32>,
        %swap3A_1310 = vector.shape_cast %swap3A_1309 : vector<1x1x16xf32> to vector<16xf32>
        %swap3A_1311 = vector.shape_cast %get3A_1304 : vector<16xf32> to vector<1x1x16xf32>
        tpu.vector_store %arg7[%swap3A_1306, %swap3A_1307, %swap3A_1308], %swap3A_1311 {add = true, strides = array<i32>} : memref<8x200x64xf32, #tpu.memory_space<vmem>>, vector<1x1x16xf32>,
        %get3A_1312 = arith.index_cast %add3A_1278 : i32 to index
        %get3A_1313 = arith.constant 48 : index
        %get3A_1314 = tpu.vector_load %arg8[%get3A_1312, %get3A_1313] {strides = array<i32>} : memref<200x64xf32, #tpu.memory_space<vmem>>, vector<1x16xf32>,
        %get3A_1315 = vector.shape_cast %get3A_1314 : vector<1x16xf32> to vector<16xf32>
        %swap3A_1316 = arith.constant 6 : i32
        %swap3A_1317 = arith.index_cast %swap3A_1316 : i32 to index
        %swap3A_1318 = arith.index_cast %add3A_1278 : i32 to index
        %swap3A_1319 = arith.constant 48 : index
        %swap3A_1320 = tpu.vector_load %arg7[%swap3A_1317, %swap3A_1318, %swap3A_1319] {strides = array<i32>} : memref<8x200x64xf32, #tpu.memory_space<vmem>>, vector<1x1x16xf32>,
        %swap3A_1321 = vector.shape_cast %swap3A_1320 : vector<1x1x16xf32> to vector<16xf32>
        %swap3A_1322 = vector.shape_cast %get3A_1315 : vector<16xf32> to vector<1x1x16xf32>
        tpu.vector_store %arg7[%swap3A_1317, %swap3A_1318, %swap3A_1319], %swap3A_1322 {add = true, strides = array<i32>} : memref<8x200x64xf32, #tpu.memory_space<vmem>>, vector<1x1x16xf32>,
        %mul3A_1323 = arith.constant 4 : i32
        %mul3A_1324 = arith.muli %scan3A_1180, %mul3A_1323 : i32
        %add3A_1325 = arith.constant 3 : i32
        %add3A_1326 = arith.addi %mul3A_1324, %add3A_1325 : i32
        %get3A_1327 = arith.index_cast %add3A_1326 : i32 to index
        %get3A_1328 = arith.constant 0 : index
        %get3A_1329 = tpu.vector_load %arg8[%get3A_1327, %get3A_1328] {strides = array<i32>} : memref<200x64xf32, #tpu.memory_space<vmem>>, vector<1x16xf32>,
        %get3A_1330 = vector.shape_cast %get3A_1329 : vector<1x16xf32> to vector<16xf32>
        %swap3A_1331 = arith.constant 6 : i32
        %swap3A_1332 = arith.index_cast %swap3A_1331 : i32 to index
        %swap3A_1333 = arith.index_cast %add3A_1326 : i32 to index
        %swap3A_1334 = arith.constant 0 : index
        %swap3A_1335 = tpu.vector_load %arg7[%swap3A_1332, %swap3A_1333, %swap3A_1334] {strides = array<i32>} : memref<8x200x64xf32, #tpu.memory_space<vmem>>, vector<1x1x16xf32>,
        %swap3A_1336 = vector.shape_cast %swap3A_1335 : vector<1x1x16xf32> to vector<16xf32>
        %swap3A_1337 = vector.shape_cast %get3A_1330 : vector<16xf32> to vector<1x1x16xf32>
        tpu.vector_store %arg7[%swap3A_1332, %swap3A_1333, %swap3A_1334], %swap3A_1337 {add = true, strides = array<i32>} : memref<8x200x64xf32, #tpu.memory_space<vmem>>, vector<1x1x16xf32>,
        %get3A_1338 = arith.index_cast %add3A_1326 : i32 to index
        %get3A_1339 = arith.constant 16 : index
        %get3A_1340 = tpu.vector_load %arg8[%get3A_1338, %get3A_1339] {strides = array<i32>} : memref<200x64xf32, #tpu.memory_space<vmem>>, vector<1x16xf32>,
        %get3A_1341 = vector.shape_cast %get3A_1340 : vector<1x16xf32> to vector<16xf32>
        %swap3A_1342 = arith.constant 6 : i32
        %swap3A_1343 = arith.index_cast %swap3A_1342 : i32 to index
        %swap3A_1344 = arith.index_cast %add3A_1326 : i32 to index
        %swap3A_1345 = arith.constant 16 : index
        %swap3A_1346 = tpu.vector_load %arg7[%swap3A_1343, %swap3A_1344, %swap3A_1345] {strides = array<i32>} : memref<8x200x64xf32, #tpu.memory_space<vmem>>, vector<1x1x16xf32>,
        %swap3A_1347 = vector.shape_cast %swap3A_1346 : vector<1x1x16xf32> to vector<16xf32>
        %swap3A_1348 = vector.shape_cast %get3A_1341 : vector<16xf32> to vector<1x1x16xf32>
        tpu.vector_store %arg7[%swap3A_1343, %swap3A_1344, %swap3A_1345], %swap3A_1348 {add = true, strides = array<i32>} : memref<8x200x64xf32, #tpu.memory_space<vmem>>, vector<1x1x16xf32>,
        %get3A_1349 = arith.index_cast %add3A_1326 : i32 to index
        %get3A_1350 = arith.constant 32 : index
        %get3A_1351 = tpu.vector_load %arg8[%get3A_1349, %get3A_1350] {strides = array<i32>} : memref<200x64xf32, #tpu.memory_space<vmem>>, vector<1x16xf32>,
        %get3A_1352 = vector.shape_cast %get3A_1351 : vector<1x16xf32> to vector<16xf32>
        %swap3A_1353 = arith.constant 6 : i32
        %swap3A_1354 = arith.index_cast %swap3A_1353 : i32 to index
        %swap3A_1355 = arith.index_cast %add3A_1326 : i32 to index
        %swap3A_1356 = arith.constant 32 : index
        %swap3A_1357 = tpu.vector_load %arg7[%swap3A_1354, %swap3A_1355, %swap3A_1356] {strides = array<i32>} : memref<8x200x64xf32, #tpu.memory_space<vmem>>, vector<1x1x16xf32>,
        %swap3A_1358 = vector.shape_cast %swap3A_1357 : vector<1x1x16xf32> to vector<16xf32>
        %swap3A_1359 = vector.shape_cast %get3A_1352 : vector<16xf32> to vector<1x1x16xf32>
        tpu.vector_store %arg7[%swap3A_1354, %swap3A_1355, %swap3A_1356], %swap3A_1359 {add = true, strides = array<i32>} : memref<8x200x64xf32, #tpu.memory_space<vmem>>, vector<1x1x16xf32>,
        %get3A_1360 = arith.index_cast %add3A_1326 : i32 to index
        %get3A_1361 = arith.constant 48 : index
        %get3A_1362 = tpu.vector_load %arg8[%get3A_1360, %get3A_1361] {strides = array<i32>} : memref<200x64xf32, #tpu.memory_space<vmem>>, vector<1x16xf32>,
        %get3A_1363 = vector.shape_cast %get3A_1362 : vector<1x16xf32> to vector<16xf32>
        %swap3A_1364 = arith.constant 6 : i32
        %swap3A_1365 = arith.index_cast %swap3A_1364 : i32 to index
        %swap3A_1366 = arith.index_cast %add3A_1326 : i32 to index
        %swap3A_1367 = arith.constant 48 : index
        %swap3A_1368 = tpu.vector_load %arg7[%swap3A_1365, %swap3A_1366, %swap3A_1367] {strides = array<i32>} : memref<8x200x64xf32, #tpu.memory_space<vmem>>, vector<1x1x16xf32>,
        %swap3A_1369 = vector.shape_cast %swap3A_1368 : vector<1x1x16xf32> to vector<16xf32>
        %swap3A_1370 = vector.shape_cast %get3A_1363 : vector<16xf32> to vector<1x1x16xf32>
        tpu.vector_store %arg7[%swap3A_1365, %swap3A_1366, %swap3A_1367], %swap3A_1370 {add = true, strides = array<i32>} : memref<8x200x64xf32, #tpu.memory_space<vmem>>, vector<1x1x16xf32>,
      }
      %scan3A_1081 = arith.constant 50 : i32
      %add3A_1082 = arith.addi %mul3A_2, %add3A_1029 : i32
      %dma_start3A_1083 = arith.constant 6 : i32
      %dma_start3A_1084 = arith.constant 6 : i32
      %dma_start3A_1085 = arith.constant 0 : i32
      %dma_start3A_1086 = arith.constant 0 : i32
      %dma_start3A_1087 = tpu.memref_slice %arg7[%dma_start3A_1083, %dma_start3A_1085, %dma_start3A_1086] : memref<8x200x64xf32, #tpu.memory_space<vmem>> -> memref<1x200x64xf32, #tpu.memory_space<vmem>>
      %dma_start3A_1088 = tpu.memref_squeeze %dma_start3A_1087 : memref<1x200x64xf32, #tpu.memory_space<vmem>> -> memref<200x64xf32, #tpu.memory_space<vmem>>
      %dma_start3A_1089 = arith.constant 0 : i32
      %dma_start3A_1090 = arith.constant 0 : i32
      %dma_start3A_1091 = tpu.memref_slice %arg5[%add3A_1082, %dma_start3A_1089, %dma_start3A_1090] : memref<4096x200x64xf32, #tpu.memory_space<hbm>> -> memref<1x200x64xf32, #tpu.memory_space<hbm>>
      %dma_start3A_1092 = tpu.memref_squeeze %dma_start3A_1091 : memref<1x200x64xf32, #tpu.memory_space<hbm>> -> memref<200x64xf32, #tpu.memory_space<hbm>>
      %dma_start3A_1093 = tpu.memref_slice %arg11[%dma_start3A_1084] : memref<8x!tpu.dma_semaphore, #tpu.memory_space<semaphore_mem>> -> memref<1x!tpu.dma_semaphore, #tpu.memory_space<semaphore_mem>>
      %dma_start3A_1094 = tpu.memref_squeeze %dma_start3A_1093 : memref<1x!tpu.dma_semaphore, #tpu.memory_space<semaphore_mem>> -> memref<!tpu.dma_semaphore, #tpu.memory_space<semaphore_mem>>
      %dma_start3A_1095 = arith.constant 0 : i32
      %dma_start3A_1096 = arith.constant 0 : i32
      %dma_start3A_1097 = tpu.memref_slice %arg5[%add3A_1082, %dma_start3A_1095, %dma_start3A_1096] : memref<4096x200x64xf32, #tpu.memory_space<hbm>> -> memref<1x200x64xf32, #tpu.memory_space<hbm>>
      %dma_start3A_1098 = tpu.memref_squeeze %dma_start3A_1097 : memref<1x200x64xf32, #tpu.memory_space<hbm>> -> memref<200x64xf32, #tpu.memory_space<hbm>>
      %dma_start3A_1099 = arith.constant 0 : i32
      %dma_start3A_1100 = arith.constant 0 : i32
      %dma_start3A_1101 = tpu.memref_slice %arg7[%dma_start3A_1083, %dma_start3A_1099, %dma_start3A_1100] : memref<8x200x64xf32, #tpu.memory_space<vmem>> -> memref<1x200x64xf32, #tpu.memory_space<vmem>>
      %dma_start3A_1102 = tpu.memref_squeeze %dma_start3A_1101 : memref<1x200x64xf32, #tpu.memory_space<vmem>> -> memref<200x64xf32, #tpu.memory_space<vmem>>
      tpu.enqueue_dma source(%dma_start3A_1102 : memref<200x64xf32, #tpu.memory_space<vmem>>) target(%dma_start3A_1098 : memref<200x64xf32, #tpu.memory_space<hbm>>) target_semaphore(%dma_start3A_1094 : memref<!tpu.dma_semaphore, #tpu.memory_space<semaphore_mem>>)
      %mul3A_1103 = arith.constant 8 : i32
      %mul3A_1104 = arith.muli %scan3A_566, %mul3A_1103 : i32
      %add3A_1105 = arith.constant 7 : i32
      %add3A_1106 = arith.addi %mul3A_1104, %add3A_1105 : i32
      %add3A_1107 = arith.constant 2 : i32
      %add3A_1108 = arith.addi %add3A_1106, %add3A_1107 : i32
      %lt3A_1109 = arith.constant 128 : i32
      %lt3A_1110 = arith.cmpi slt, %add3A_1108, %lt3A_1109 : i32
      %convert_element_type3A_1111 = arith.extui %lt3A_1110 : i1 to i32
      %cond3A_1112 = arith.constant 0 : i32
      %cond3A_1113 = arith.cmpi ne, %convert_element_type3A_1111, %cond3A_1112 : i32
      scf.if %cond3A_1113 {
        %add3A_1180 = arith.constant 2 : i32
        %add3A_1181 = arith.addi %add3A_1106, %add3A_1180 : i32
        %add3A_1182 = arith.addi %mul3A_2, %add3A_1181 : i32
        %mul3A_1183 = arith.constant 200 : i32
        %mul3A_1184 = arith.muli %add3A_1182, %mul3A_1183 : i32
        %add3A_1185 = arith.constant 128 : i32
        %add3A_1186 = arith.addi %mul3A_1184, %add3A_1185 : i32
        %dma_wait3A_1187 = arith.constant 1 : i32
        %dma_wait3A_1188 = arith.constant 0 : i32
        %dma_wait3A_1189 = arith.constant 1 : i32
        %dma_wait3A_1190 = arith.constant 0 : i32
        %dma_wait3A_1191 = tpu.memref_slice %arg6[%dma_wait3A_1187, %dma_wait3A_1188, %dma_wait3A_1190] : memref<8x2x128xi32, #tpu.memory_space<vmem>> -> memref<1x1x128xi32, #tpu.memory_space<vmem>>
        %dma_wait3A_1192 = tpu.memref_squeeze %dma_wait3A_1191 : memref<1x1x128xi32, #tpu.memory_space<vmem>> -> memref<128xi32, #tpu.memory_space<vmem>>
        %dma_wait3A_1193 = tpu.memref_slice %arg3[%mul3A_1184] : memref<819200xi32, #tpu.memory_space<hbm>> -> memref<128xi32, #tpu.memory_space<hbm>>
        %dma_wait3A_1194 = tpu.memref_slice %arg9[%dma_wait3A_1189] : memref<8x!tpu.dma_semaphore, #tpu.memory_space<semaphore_mem>> -> memref<1x!tpu.dma_semaphore, #tpu.memory_space<semaphore_mem>>
        %dma_wait3A_1195 = tpu.memref_squeeze %dma_wait3A_1194 : memref<1x!tpu.dma_semaphore, #tpu.memory_space<semaphore_mem>> -> memref<!tpu.dma_semaphore, #tpu.memory_space<semaphore_mem>>
        %dma_wait3A_1196 = arith.constant 0 : i32
        %dma_wait3A_1197 = tpu.memref_slice %arg6[%dma_wait3A_1187, %dma_wait3A_1188, %dma_wait3A_1196] : memref<8x2x128xi32, #tpu.memory_space<vmem>> -> memref<1x1x128xi32, #tpu.memory_space<vmem>>
        %dma_wait3A_1198 = tpu.memref_squeeze %dma_wait3A_1197 : memref<1x1x128xi32, #tpu.memory_space<vmem>> -> memref<128xi32, #tpu.memory_space<vmem>>
        %dma_wait3A_1199 = tpu.memref_slice %arg3[%mul3A_1184] : memref<819200xi32, #tpu.memory_space<hbm>> -> memref<128xi32, #tpu.memory_space<hbm>>
        tpu.wait_dma2 semaphore(%dma_wait3A_1195 : memref<!tpu.dma_semaphore, #tpu.memory_space<semaphore_mem>>) src(%dma_wait3A_1199 : memref<128xi32, #tpu.memory_space<hbm>>) dst(%dma_wait3A_1198 : memref<128xi32, #tpu.memory_space<vmem>>)
        %dma_wait3A_1200 = arith.constant 1 : i32
        %dma_wait3A_1201 = arith.constant 1 : i32
        %dma_wait3A_1202 = arith.constant 1 : i32
        %dma_wait3A_1203 = arith.constant 0 : i32
        %dma_wait3A_1204 = tpu.memref_slice %arg6[%dma_wait3A_1200, %dma_wait3A_1201, %dma_wait3A_1203] : memref<8x2x128xi32, #tpu.memory_space<vmem>> -> memref<1x1x72xi32, #tpu.memory_space<vmem>>
        %dma_wait3A_1205 = tpu.memref_squeeze %dma_wait3A_1204 : memref<1x1x72xi32, #tpu.memory_space<vmem>> -> memref<72xi32, #tpu.memory_space<vmem>>
        %dma_wait3A_1206 = tpu.memref_slice %arg3[%add3A_1186] : memref<819200xi32, #tpu.memory_space<hbm>> -> memref<72xi32, #tpu.memory_space<hbm>>
        %dma_wait3A_1207 = tpu.memref_slice %arg9[%dma_wait3A_1202] : memref<8x!tpu.dma_semaphore, #tpu.memory_space<semaphore_mem>> -> memref<1x!tpu.dma_semaphore, #tpu.memory_space<semaphore_mem>>
        %dma_wait3A_1208 = tpu.memref_squeeze %dma_wait3A_1207 : memref<1x!tpu.dma_semaphore, #tpu.memory_space<semaphore_mem>> -> memref<!tpu.dma_semaphore, #tpu.memory_space<semaphore_mem>>
        %dma_wait3A_1209 = arith.constant 0 : i32
        %dma_wait3A_1210 = tpu.memref_slice %arg6[%dma_wait3A_1200, %dma_wait3A_1201, %dma_wait3A_1209] : memref<8x2x128xi32, #tpu.memory_space<vmem>> -> memref<1x1x72xi32, #tpu.memory_space<vmem>>
        %dma_wait3A_1211 = tpu.memref_squeeze %dma_wait3A_1210 : memref<1x1x72xi32, #tpu.memory_space<vmem>> -> memref<72xi32, #tpu.memory_space<vmem>>
        %dma_wait3A_1212 = tpu.memref_slice %arg3[%add3A_1186] : memref<819200xi32, #tpu.memory_space<hbm>> -> memref<72xi32, #tpu.memory_space<hbm>>
        tpu.wait_dma2 semaphore(%dma_wait3A_1208 : memref<!tpu.dma_semaphore, #tpu.memory_space<semaphore_mem>>) src(%dma_wait3A_1212 : memref<72xi32, #tpu.memory_space<hbm>>) dst(%dma_wait3A_1211 : memref<72xi32, #tpu.memory_space<vmem>>)
        %add3A_1213 = arith.constant 2 : i32
        %add3A_1214 = arith.addi %add3A_1106, %add3A_1213 : i32
        %ge3A = arith.constant 8 : i32
        %ge3A_1215 = arith.cmpi sge, %add3A_1214, %ge3A : i32
        %convert_element_type3A_1216 = arith.extui %ge3A_1215 : i1 to i32
        %cond3A_1217 = arith.constant 0 : i32
        %cond3A_1218 = arith.cmpi ne, %convert_element_type3A_1216, %cond3A_1217 : i32
        scf.if %cond3A_1218 {
          %add3A_1251 = arith.constant 0 : i32
          %add3A_1252 = arith.addi %mul3A_2, %add3A_1251 : i32
          %dma_wait3A_1253 = arith.constant 1 : i32
          %dma_wait3A_1254 = arith.constant 1 : i32
          %dma_wait3A_1255 = arith.constant 0 : i32
          %dma_wait3A_1256 = arith.constant 0 : i32
          %dma_wait3A_1257 = tpu.memref_slice %arg7[%dma_wait3A_1253, %dma_wait3A_1255, %dma_wait3A_1256] : memref<8x200x64xf32, #tpu.memory_space<vmem>> -> memref<1x200x64xf32, #tpu.memory_space<vmem>>
          %dma_wait3A_1258 = tpu.memref_squeeze %dma_wait3A_1257 : memref<1x200x64xf32, #tpu.memory_space<vmem>> -> memref<200x64xf32, #tpu.memory_space<vmem>>
          %dma_wait3A_1259 = arith.constant 0 : i32
          %dma_wait3A_1260 = arith.constant 0 : i32
          %dma_wait3A_1261 = tpu.memref_slice %arg5[%add3A_1252, %dma_wait3A_1259, %dma_wait3A_1260] : memref<4096x200x64xf32, #tpu.memory_space<hbm>> -> memref<1x200x64xf32, #tpu.memory_space<hbm>>
          %dma_wait3A_1262 = tpu.memref_squeeze %dma_wait3A_1261 : memref<1x200x64xf32, #tpu.memory_space<hbm>> -> memref<200x64xf32, #tpu.memory_space<hbm>>
          %dma_wait3A_1263 = tpu.memref_slice %arg11[%dma_wait3A_1254] : memref<8x!tpu.dma_semaphore, #tpu.memory_space<semaphore_mem>> -> memref<1x!tpu.dma_semaphore, #tpu.memory_space<semaphore_mem>>
          %dma_wait3A_1264 = tpu.memref_squeeze %dma_wait3A_1263 : memref<1x!tpu.dma_semaphore, #tpu.memory_space<semaphore_mem>> -> memref<!tpu.dma_semaphore, #tpu.memory_space<semaphore_mem>>
          %dma_wait3A_1265 = arith.constant 0 : i32
          %dma_wait3A_1266 = arith.constant 0 : i32
          %dma_wait3A_1267 = tpu.memref_slice %arg5[%add3A_1252, %dma_wait3A_1265, %dma_wait3A_1266] : memref<4096x200x64xf32, #tpu.memory_space<hbm>> -> memref<1x200x64xf32, #tpu.memory_space<hbm>>
          %dma_wait3A_1268 = tpu.memref_squeeze %dma_wait3A_1267 : memref<1x200x64xf32, #tpu.memory_space<hbm>> -> memref<200x64xf32, #tpu.memory_space<hbm>>
          %dma_wait3A_1269 = arith.constant 0 : i32
          %dma_wait3A_1270 = arith.constant 0 : i32
          %dma_wait3A_1271 = tpu.memref_slice %arg7[%dma_wait3A_1253, %dma_wait3A_1269, %dma_wait3A_1270] : memref<8x200x64xf32, #tpu.memory_space<vmem>> -> memref<1x200x64xf32, #tpu.memory_space<vmem>>
          %dma_wait3A_1272 = tpu.memref_squeeze %dma_wait3A_1271 : memref<1x200x64xf32, #tpu.memory_space<vmem>> -> memref<200x64xf32, #tpu.memory_space<vmem>>
          tpu.wait_dma2 semaphore(%dma_wait3A_1264 : memref<!tpu.dma_semaphore, #tpu.memory_space<semaphore_mem>>) src(%dma_wait3A_1272 : memref<200x64xf32, #tpu.memory_space<vmem>>) dst(%dma_wait3A_1268 : memref<200x64xf32, #tpu.memory_space<hbm>>)
        } else {
        }
        %dma_start3A_1219 = arith.constant 1 : i32
        %dma_start3A_1220 = arith.constant 0 : i32
        %dma_start3A_1221 = arith.constant 1 : i32
        %dma_start3A_1222 = arith.constant 1 : i32
        %dma_start3A_1223 = arith.constant 0 : i32
        %dma_start3A_1224 = arith.constant 0 : i32
        %dma_start3A_1225 = tpu.memref_slice %arg7[%dma_start3A_1221, %dma_start3A_1223, %dma_start3A_1224] : memref<8x200x64xf32, #tpu.memory_space<vmem>> -> memref<1x128x64xf32, #tpu.memory_space<vmem>>
        %dma_start3A_1226 = tpu.memref_squeeze %dma_start3A_1225 : memref<1x128x64xf32, #tpu.memory_space<vmem>> -> memref<128x64xf32, #tpu.memory_space<vmem>>
        %dma_start3A_1227 = arith.constant 0 : i32
        %dma_start3A_1228 = tpu.memref_slice %arg6[%dma_start3A_1219, %dma_start3A_1220, %dma_start3A_1227] : memref<8x2x128xi32, #tpu.memory_space<vmem>> -> memref<1x1x128xi32, #tpu.memory_space<vmem>>
        %dma_start3A_1229 = tpu.memref_squeeze %dma_start3A_1228 : memref<1x1x128xi32, #tpu.memory_space<vmem>> -> memref<128xi32, #tpu.memory_space<vmem>>
        %dma_start3A_1230 = arith.constant 0 : i32
        %dma_start3A_1231 = arith.constant 0 : i32
        %dma_start3A_1232 = tpu.memref_slice %arg2[%dma_start3A_1230, %dma_start3A_1231] : memref<1000000x64xf32, #tpu.memory_space<hbm>> -> memref<1000000x64xf32, #tpu.memory_space<hbm>>
        %dma_start3A_1233 = tpu.memref_slice %arg10[%dma_start3A_1222] : memref<8x!tpu.dma_semaphore, #tpu.memory_space<semaphore_mem>> -> memref<1x!tpu.dma_semaphore, #tpu.memory_space<semaphore_mem>>
        %dma_start3A_1234 = tpu.memref_squeeze %dma_start3A_1233 : memref<1x!tpu.dma_semaphore, #tpu.memory_space<semaphore_mem>> -> memref<!tpu.dma_semaphore, #tpu.memory_space<semaphore_mem>>
        tpu.enqueue_indirect_dma source(%dma_start3A_1232 : memref<1000000x64xf32, #tpu.memory_space<hbm>>) target(%dma_start3A_1226 : memref<128x64xf32, #tpu.memory_space<vmem>>) offsets(%dma_start3A_1229 : memref<128xi32, #tpu.memory_space<vmem>>) semaphore(%dma_start3A_1234 : memref<!tpu.dma_semaphore, #tpu.memory_space<semaphore_mem>>)
        %dma_start3A_1235 = arith.constant 1 : i32
        %dma_start3A_1236 = arith.constant 1 : i32
        %dma_start3A_1237 = arith.constant 1 : i32
        %dma_start3A_1238 = arith.constant 1 : i32
        %dma_start3A_1239 = arith.constant 128 : i32
        %dma_start3A_1240 = arith.constant 0 : i32
        %dma_start3A_1241 = tpu.memref_slice %arg7[%dma_start3A_1237, %dma_start3A_1239, %dma_start3A_1240] : memref<8x200x64xf32, #tpu.memory_space<vmem>> -> memref<1x72x64xf32, #tpu.memory_space<vmem>>
        %dma_start3A_1242 = tpu.memref_squeeze %dma_start3A_1241 : memref<1x72x64xf32, #tpu.memory_space<vmem>> -> memref<72x64xf32, #tpu.memory_space<vmem>>
        %dma_start3A_1243 = arith.constant 0 : i32
        %dma_start3A_1244 = tpu.memref_slice %arg6[%dma_start3A_1235, %dma_start3A_1236, %dma_start3A_1243] : memref<8x2x128xi32, #tpu.memory_space<vmem>> -> memref<1x1x72xi32, #tpu.memory_space<vmem>>
        %dma_start3A_1245 = tpu.memref_squeeze %dma_start3A_1244 : memref<1x1x72xi32, #tpu.memory_space<vmem>> -> memref<72xi32, #tpu.memory_space<vmem>>
        %dma_start3A_1246 = arith.constant 0 : i32
        %dma_start3A_1247 = arith.constant 0 : i32
        %dma_start3A_1248 = tpu.memref_slice %arg2[%dma_start3A_1246, %dma_start3A_1247] : memref<1000000x64xf32, #tpu.memory_space<hbm>> -> memref<1000000x64xf32, #tpu.memory_space<hbm>>
        %dma_start3A_1249 = tpu.memref_slice %arg10[%dma_start3A_1238] : memref<8x!tpu.dma_semaphore, #tpu.memory_space<semaphore_mem>> -> memref<1x!tpu.dma_semaphore, #tpu.memory_space<semaphore_mem>>
        %dma_start3A_1250 = tpu.memref_squeeze %dma_start3A_1249 : memref<1x!tpu.dma_semaphore, #tpu.memory_space<semaphore_mem>> -> memref<!tpu.dma_semaphore, #tpu.memory_space<semaphore_mem>>
        tpu.enqueue_indirect_dma source(%dma_start3A_1248 : memref<1000000x64xf32, #tpu.memory_space<hbm>>) target(%dma_start3A_1242 : memref<72x64xf32, #tpu.memory_space<vmem>>) offsets(%dma_start3A_1245 : memref<72xi32, #tpu.memory_space<vmem>>) semaphore(%dma_start3A_1250 : memref<!tpu.dma_semaphore, #tpu.memory_space<semaphore_mem>>)
      } else {
      }
      %dma_wait3A_1114 = arith.constant 7 : i32
      %dma_wait3A_1115 = arith.constant 0 : i32
      %dma_wait3A_1116 = arith.constant 7 : i32
      %dma_wait3A_1117 = arith.constant 7 : i32
      %dma_wait3A_1118 = arith.constant 0 : i32
      %dma_wait3A_1119 = arith.constant 0 : i32
      %dma_wait3A_1120 = tpu.memref_slice %arg7[%dma_wait3A_1116, %dma_wait3A_1118, %dma_wait3A_1119] : memref<8x200x64xf32, #tpu.memory_space<vmem>> -> memref<1x128x64xf32, #tpu.memory_space<vmem>>
      %dma_wait3A_1121 = tpu.memref_squeeze %dma_wait3A_1120 : memref<1x128x64xf32, #tpu.memory_space<vmem>> -> memref<128x64xf32, #tpu.memory_space<vmem>>
      %dma_wait3A_1122 = arith.constant 0 : i32
      %dma_wait3A_1123 = tpu.memref_slice %arg6[%dma_wait3A_1114, %dma_wait3A_1115, %dma_wait3A_1122] : memref<8x2x128xi32, #tpu.memory_space<vmem>> -> memref<1x1x128xi32, #tpu.memory_space<vmem>>
      %dma_wait3A_1124 = tpu.memref_squeeze %dma_wait3A_1123 : memref<1x1x128xi32, #tpu.memory_space<vmem>> -> memref<128xi32, #tpu.memory_space<vmem>>
      %dma_wait3A_1125 = arith.constant 0 : i32
      %dma_wait3A_1126 = arith.constant 0 : i32
      %dma_wait3A_1127 = tpu.memref_slice %arg2[%dma_wait3A_1125, %dma_wait3A_1126] : memref<1000000x64xf32, #tpu.memory_space<hbm>> -> memref<1000000x64xf32, #tpu.memory_space<hbm>>
      %dma_wait3A_1128 = tpu.memref_slice %arg10[%dma_wait3A_1117] : memref<8x!tpu.dma_semaphore, #tpu.memory_space<semaphore_mem>> -> memref<1x!tpu.dma_semaphore, #tpu.memory_space<semaphore_mem>>
      %dma_wait3A_1129 = tpu.memref_squeeze %dma_wait3A_1128 : memref<1x!tpu.dma_semaphore, #tpu.memory_space<semaphore_mem>> -> memref<!tpu.dma_semaphore, #tpu.memory_space<semaphore_mem>>
      tpu.wait_indirect_dma semaphore(%dma_wait3A_1129 : memref<!tpu.dma_semaphore, #tpu.memory_space<semaphore_mem>>) src(%dma_wait3A_1127 : memref<1000000x64xf32, #tpu.memory_space<hbm>>) dst(%dma_wait3A_1121 : memref<128x64xf32, #tpu.memory_space<vmem>>)
      %dma_wait3A_1130 = arith.constant 7 : i32
      %dma_wait3A_1131 = arith.constant 1 : i32
      %dma_wait3A_1132 = arith.constant 7 : i32
      %dma_wait3A_1133 = arith.constant 7 : i32
      %dma_wait3A_1134 = arith.constant 128 : i32
      %dma_wait3A_1135 = arith.constant 0 : i32
      %dma_wait3A_1136 = tpu.memref_slice %arg7[%dma_wait3A_1132, %dma_wait3A_1134, %dma_wait3A_1135] : memref<8x200x64xf32, #tpu.memory_space<vmem>> -> memref<1x72x64xf32, #tpu.memory_space<vmem>>
      %dma_wait3A_1137 = tpu.memref_squeeze %dma_wait3A_1136 : memref<1x72x64xf32, #tpu.memory_space<vmem>> -> memref<72x64xf32, #tpu.memory_space<vmem>>
      %dma_wait3A_1138 = arith.constant 0 : i32
      %dma_wait3A_1139 = tpu.memref_slice %arg6[%dma_wait3A_1130, %dma_wait3A_1131, %dma_wait3A_1138] : memref<8x2x128xi32, #tpu.memory_space<vmem>> -> memref<1x1x72xi32, #tpu.memory_space<vmem>>
      %dma_wait3A_1140 = tpu.memref_squeeze %dma_wait3A_1139 : memref<1x1x72xi32, #tpu.memory_space<vmem>> -> memref<72xi32, #tpu.memory_space<vmem>>
      %dma_wait3A_1141 = arith.constant 0 : i32
      %dma_wait3A_1142 = arith.constant 0 : i32
      %dma_wait3A_1143 = tpu.memref_slice %arg2[%dma_wait3A_1141, %dma_wait3A_1142] : memref<1000000x64xf32, #tpu.memory_space<hbm>> -> memref<1000000x64xf32, #tpu.memory_space<hbm>>
      %dma_wait3A_1144 = tpu.memref_slice %arg10[%dma_wait3A_1133] : memref<8x!tpu.dma_semaphore, #tpu.memory_space<semaphore_mem>> -> memref<1x!tpu.dma_semaphore, #tpu.memory_space<semaphore_mem>>
      %dma_wait3A_1145 = tpu.memref_squeeze %dma_wait3A_1144 : memref<1x!tpu.dma_semaphore, #tpu.memory_space<semaphore_mem>> -> memref<!tpu.dma_semaphore, #tpu.memory_space<semaphore_mem>>
      tpu.wait_indirect_dma semaphore(%dma_wait3A_1145 : memref<!tpu.dma_semaphore, #tpu.memory_space<semaphore_mem>>) src(%dma_wait3A_1143 : memref<1000000x64xf32, #tpu.memory_space<hbm>>) dst(%dma_wait3A_1137 : memref<72x64xf32, #tpu.memory_space<vmem>>)
      %add3A_1146 = arith.constant 8 : i32
      %add3A_1147 = arith.addi %add3A_1106, %add3A_1146 : i32
      %lt3A_1148 = arith.constant 128 : i32
      %lt3A_1149 = arith.cmpi slt, %add3A_1147, %lt3A_1148 : i32
      %convert_element_type3A_1150 = arith.extui %lt3A_1149 : i1 to i32
      %cond3A_1151 = arith.constant 0 : i32
      %cond3A_1152 = arith.cmpi ne, %convert_element_type3A_1150, %cond3A_1151 : i32
      scf.if %cond3A_1152 {
        %add3A_1180 = arith.constant 8 : i32
        %add3A_1181 = arith.addi %add3A_1106, %add3A_1180 : i32
        %add3A_1182 = arith.addi %mul3A_2, %add3A_1181 : i32
        %mul3A_1183 = arith.constant 200 : i32
        %mul3A_1184 = arith.muli %add3A_1182, %mul3A_1183 : i32
        %add3A_1185 = arith.constant 128 : i32
        %add3A_1186 = arith.addi %mul3A_1184, %add3A_1185 : i32
        %dma_start3A_1187 = arith.constant 7 : i32
        %dma_start3A_1188 = arith.constant 0 : i32
        %dma_start3A_1189 = arith.constant 7 : i32
        %dma_start3A_1190 = arith.constant 0 : i32
        %dma_start3A_1191 = tpu.memref_slice %arg6[%dma_start3A_1187, %dma_start3A_1188, %dma_start3A_1190] : memref<8x2x128xi32, #tpu.memory_space<vmem>> -> memref<1x1x128xi32, #tpu.memory_space<vmem>>
        %dma_start3A_1192 = tpu.memref_squeeze %dma_start3A_1191 : memref<1x1x128xi32, #tpu.memory_space<vmem>> -> memref<128xi32, #tpu.memory_space<vmem>>
        %dma_start3A_1193 = tpu.memref_slice %arg3[%mul3A_1184] : memref<819200xi32, #tpu.memory_space<hbm>> -> memref<128xi32, #tpu.memory_space<hbm>>
        %dma_start3A_1194 = tpu.memref_slice %arg9[%dma_start3A_1189] : memref<8x!tpu.dma_semaphore, #tpu.memory_space<semaphore_mem>> -> memref<1x!tpu.dma_semaphore, #tpu.memory_space<semaphore_mem>>
        %dma_start3A_1195 = tpu.memref_squeeze %dma_start3A_1194 : memref<1x!tpu.dma_semaphore, #tpu.memory_space<semaphore_mem>> -> memref<!tpu.dma_semaphore, #tpu.memory_space<semaphore_mem>>
        %dma_start3A_1196 = arith.constant 0 : i32
        %dma_start3A_1197 = tpu.memref_slice %arg6[%dma_start3A_1187, %dma_start3A_1188, %dma_start3A_1196] : memref<8x2x128xi32, #tpu.memory_space<vmem>> -> memref<1x1x128xi32, #tpu.memory_space<vmem>>
        %dma_start3A_1198 = tpu.memref_squeeze %dma_start3A_1197 : memref<1x1x128xi32, #tpu.memory_space<vmem>> -> memref<128xi32, #tpu.memory_space<vmem>>
        %dma_start3A_1199 = tpu.memref_slice %arg3[%mul3A_1184] : memref<819200xi32, #tpu.memory_space<hbm>> -> memref<128xi32, #tpu.memory_space<hbm>>
        tpu.enqueue_dma source(%dma_start3A_1199 : memref<128xi32, #tpu.memory_space<hbm>>) target(%dma_start3A_1198 : memref<128xi32, #tpu.memory_space<vmem>>) target_semaphore(%dma_start3A_1195 : memref<!tpu.dma_semaphore, #tpu.memory_space<semaphore_mem>>)
        %dma_start3A_1200 = arith.constant 7 : i32
        %dma_start3A_1201 = arith.constant 1 : i32
        %dma_start3A_1202 = arith.constant 7 : i32
        %dma_start3A_1203 = arith.constant 0 : i32
        %dma_start3A_1204 = tpu.memref_slice %arg6[%dma_start3A_1200, %dma_start3A_1201, %dma_start3A_1203] : memref<8x2x128xi32, #tpu.memory_space<vmem>> -> memref<1x1x72xi32, #tpu.memory_space<vmem>>
        %dma_start3A_1205 = tpu.memref_squeeze %dma_start3A_1204 : memref<1x1x72xi32, #tpu.memory_space<vmem>> -> memref<72xi32, #tpu.memory_space<vmem>>
        %dma_start3A_1206 = tpu.memref_slice %arg3[%add3A_1186] : memref<819200xi32, #tpu.memory_space<hbm>> -> memref<72xi32, #tpu.memory_space<hbm>>
        %dma_start3A_1207 = tpu.memref_slice %arg9[%dma_start3A_1202] : memref<8x!tpu.dma_semaphore, #tpu.memory_space<semaphore_mem>> -> memref<1x!tpu.dma_semaphore, #tpu.memory_space<semaphore_mem>>
        %dma_start3A_1208 = tpu.memref_squeeze %dma_start3A_1207 : memref<1x!tpu.dma_semaphore, #tpu.memory_space<semaphore_mem>> -> memref<!tpu.dma_semaphore, #tpu.memory_space<semaphore_mem>>
        %dma_start3A_1209 = arith.constant 0 : i32
        %dma_start3A_1210 = tpu.memref_slice %arg6[%dma_start3A_1200, %dma_start3A_1201, %dma_start3A_1209] : memref<8x2x128xi32, #tpu.memory_space<vmem>> -> memref<1x1x72xi32, #tpu.memory_space<vmem>>
        %dma_start3A_1211 = tpu.memref_squeeze %dma_start3A_1210 : memref<1x1x72xi32, #tpu.memory_space<vmem>> -> memref<72xi32, #tpu.memory_space<vmem>>
        %dma_start3A_1212 = tpu.memref_slice %arg3[%add3A_1186] : memref<819200xi32, #tpu.memory_space<hbm>> -> memref<72xi32, #tpu.memory_space<hbm>>
        tpu.enqueue_dma source(%dma_start3A_1212 : memref<72xi32, #tpu.memory_space<hbm>>) target(%dma_start3A_1211 : memref<72xi32, #tpu.memory_space<vmem>>) target_semaphore(%dma_start3A_1208 : memref<!tpu.dma_semaphore, #tpu.memory_space<semaphore_mem>>)
      } else {
      }
      %scan3A_1153 = arith.constant 0 : i32
      %scan3A_1154 = arith.constant 0 : i32
      %scan3A_1155 = arith.constant 50 : i32
      %scan3A_1156 = arith.addi %scan3A_1154, %scan3A_1155 : i32
      %scan3A_1157 = arith.constant 1 : i32
      scf.for %scan3A_1180 = %scan3A_1154 to %scan3A_1156 step %scan3A_1157  : i32 {
        %mul3A_1181 = arith.constant 4 : i32
        %mul3A_1182 = arith.muli %scan3A_1180, %mul3A_1181 : i32
        %add3A_1183 = arith.constant 0 : i32
        %add3A_1184 = arith.addi %mul3A_1182, %add3A_1183 : i32
        %get3A = arith.index_cast %add3A_1184 : i32 to index
        %get3A_1185 = arith.constant 0 : index
        %get3A_1186 = tpu.vector_load %arg8[%get3A, %get3A_1185] {strides = array<i32>} : memref<200x64xf32, #tpu.memory_space<vmem>>, vector<1x16xf32>,
        %get3A_1187 = vector.shape_cast %get3A_1186 : vector<1x16xf32> to vector<16xf32>
        %swap3A = arith.constant 7 : i32
        %swap3A_1188 = arith.index_cast %swap3A : i32 to index
        %swap3A_1189 = arith.index_cast %add3A_1184 : i32 to index
        %swap3A_1190 = arith.constant 0 : index
        %swap3A_1191 = tpu.vector_load %arg7[%swap3A_1188, %swap3A_1189, %swap3A_1190] {strides = array<i32>} : memref<8x200x64xf32, #tpu.memory_space<vmem>>, vector<1x1x16xf32>,
        %swap3A_1192 = vector.shape_cast %swap3A_1191 : vector<1x1x16xf32> to vector<16xf32>
        %swap3A_1193 = vector.shape_cast %get3A_1187 : vector<16xf32> to vector<1x1x16xf32>
        tpu.vector_store %arg7[%swap3A_1188, %swap3A_1189, %swap3A_1190], %swap3A_1193 {add = true, strides = array<i32>} : memref<8x200x64xf32, #tpu.memory_space<vmem>>, vector<1x1x16xf32>,
        %get3A_1194 = arith.index_cast %add3A_1184 : i32 to index
        %get3A_1195 = arith.constant 16 : index
        %get3A_1196 = tpu.vector_load %arg8[%get3A_1194, %get3A_1195] {strides = array<i32>} : memref<200x64xf32, #tpu.memory_space<vmem>>, vector<1x16xf32>,
        %get3A_1197 = vector.shape_cast %get3A_1196 : vector<1x16xf32> to vector<16xf32>
        %swap3A_1198 = arith.constant 7 : i32
        %swap3A_1199 = arith.index_cast %swap3A_1198 : i32 to index
        %swap3A_1200 = arith.index_cast %add3A_1184 : i32 to index
        %swap3A_1201 = arith.constant 16 : index
        %swap3A_1202 = tpu.vector_load %arg7[%swap3A_1199, %swap3A_1200, %swap3A_1201] {strides = array<i32>} : memref<8x200x64xf32, #tpu.memory_space<vmem>>, vector<1x1x16xf32>,
        %swap3A_1203 = vector.shape_cast %swap3A_1202 : vector<1x1x16xf32> to vector<16xf32>
        %swap3A_1204 = vector.shape_cast %get3A_1197 : vector<16xf32> to vector<1x1x16xf32>
        tpu.vector_store %arg7[%swap3A_1199, %swap3A_1200, %swap3A_1201], %swap3A_1204 {add = true, strides = array<i32>} : memref<8x200x64xf32, #tpu.memory_space<vmem>>, vector<1x1x16xf32>,
        %get3A_1205 = arith.index_cast %add3A_1184 : i32 to index
        %get3A_1206 = arith.constant 32 : index
        %get3A_1207 = tpu.vector_load %arg8[%get3A_1205, %get3A_1206] {strides = array<i32>} : memref<200x64xf32, #tpu.memory_space<vmem>>, vector<1x16xf32>,
        %get3A_1208 = vector.shape_cast %get3A_1207 : vector<1x16xf32> to vector<16xf32>
        %swap3A_1209 = arith.constant 7 : i32
        %swap3A_1210 = arith.index_cast %swap3A_1209 : i32 to index
        %swap3A_1211 = arith.index_cast %add3A_1184 : i32 to index
        %swap3A_1212 = arith.constant 32 : index
        %swap3A_1213 = tpu.vector_load %arg7[%swap3A_1210, %swap3A_1211, %swap3A_1212] {strides = array<i32>} : memref<8x200x64xf32, #tpu.memory_space<vmem>>, vector<1x1x16xf32>,
        %swap3A_1214 = vector.shape_cast %swap3A_1213 : vector<1x1x16xf32> to vector<16xf32>
        %swap3A_1215 = vector.shape_cast %get3A_1208 : vector<16xf32> to vector<1x1x16xf32>
        tpu.vector_store %arg7[%swap3A_1210, %swap3A_1211, %swap3A_1212], %swap3A_1215 {add = true, strides = array<i32>} : memref<8x200x64xf32, #tpu.memory_space<vmem>>, vector<1x1x16xf32>,
        %get3A_1216 = arith.index_cast %add3A_1184 : i32 to index
        %get3A_1217 = arith.constant 48 : index
        %get3A_1218 = tpu.vector_load %arg8[%get3A_1216, %get3A_1217] {strides = array<i32>} : memref<200x64xf32, #tpu.memory_space<vmem>>, vector<1x16xf32>,
        %get3A_1219 = vector.shape_cast %get3A_1218 : vector<1x16xf32> to vector<16xf32>
        %swap3A_1220 = arith.constant 7 : i32
        %swap3A_1221 = arith.index_cast %swap3A_1220 : i32 to index
        %swap3A_1222 = arith.index_cast %add3A_1184 : i32 to index
        %swap3A_1223 = arith.constant 48 : index
        %swap3A_1224 = tpu.vector_load %arg7[%swap3A_1221, %swap3A_1222, %swap3A_1223] {strides = array<i32>} : memref<8x200x64xf32, #tpu.memory_space<vmem>>, vector<1x1x16xf32>,
        %swap3A_1225 = vector.shape_cast %swap3A_1224 : vector<1x1x16xf32> to vector<16xf32>
        %swap3A_1226 = vector.shape_cast %get3A_1219 : vector<16xf32> to vector<1x1x16xf32>
        tpu.vector_store %arg7[%swap3A_1221, %swap3A_1222, %swap3A_1223], %swap3A_1226 {add = true, strides = array<i32>} : memref<8x200x64xf32, #tpu.memory_space<vmem>>, vector<1x1x16xf32>,
        %mul3A_1227 = arith.constant 4 : i32
        %mul3A_1228 = arith.muli %scan3A_1180, %mul3A_1227 : i32
        %add3A_1229 = arith.constant 1 : i32
        %add3A_1230 = arith.addi %mul3A_1228, %add3A_1229 : i32
        %get3A_1231 = arith.index_cast %add3A_1230 : i32 to index
        %get3A_1232 = arith.constant 0 : index
        %get3A_1233 = tpu.vector_load %arg8[%get3A_1231, %get3A_1232] {strides = array<i32>} : memref<200x64xf32, #tpu.memory_space<vmem>>, vector<1x16xf32>,
        %get3A_1234 = vector.shape_cast %get3A_1233 : vector<1x16xf32> to vector<16xf32>
        %swap3A_1235 = arith.constant 7 : i32
        %swap3A_1236 = arith.index_cast %swap3A_1235 : i32 to index
        %swap3A_1237 = arith.index_cast %add3A_1230 : i32 to index
        %swap3A_1238 = arith.constant 0 : index
        %swap3A_1239 = tpu.vector_load %arg7[%swap3A_1236, %swap3A_1237, %swap3A_1238] {strides = array<i32>} : memref<8x200x64xf32, #tpu.memory_space<vmem>>, vector<1x1x16xf32>,
        %swap3A_1240 = vector.shape_cast %swap3A_1239 : vector<1x1x16xf32> to vector<16xf32>
        %swap3A_1241 = vector.shape_cast %get3A_1234 : vector<16xf32> to vector<1x1x16xf32>
        tpu.vector_store %arg7[%swap3A_1236, %swap3A_1237, %swap3A_1238], %swap3A_1241 {add = true, strides = array<i32>} : memref<8x200x64xf32, #tpu.memory_space<vmem>>, vector<1x1x16xf32>,
        %get3A_1242 = arith.index_cast %add3A_1230 : i32 to index
        %get3A_1243 = arith.constant 16 : index
        %get3A_1244 = tpu.vector_load %arg8[%get3A_1242, %get3A_1243] {strides = array<i32>} : memref<200x64xf32, #tpu.memory_space<vmem>>, vector<1x16xf32>,
        %get3A_1245 = vector.shape_cast %get3A_1244 : vector<1x16xf32> to vector<16xf32>
        %swap3A_1246 = arith.constant 7 : i32
        %swap3A_1247 = arith.index_cast %swap3A_1246 : i32 to index
        %swap3A_1248 = arith.index_cast %add3A_1230 : i32 to index
        %swap3A_1249 = arith.constant 16 : index
        %swap3A_1250 = tpu.vector_load %arg7[%swap3A_1247, %swap3A_1248, %swap3A_1249] {strides = array<i32>} : memref<8x200x64xf32, #tpu.memory_space<vmem>>, vector<1x1x16xf32>,
        %swap3A_1251 = vector.shape_cast %swap3A_1250 : vector<1x1x16xf32> to vector<16xf32>
        %swap3A_1252 = vector.shape_cast %get3A_1245 : vector<16xf32> to vector<1x1x16xf32>
        tpu.vector_store %arg7[%swap3A_1247, %swap3A_1248, %swap3A_1249], %swap3A_1252 {add = true, strides = array<i32>} : memref<8x200x64xf32, #tpu.memory_space<vmem>>, vector<1x1x16xf32>,
        %get3A_1253 = arith.index_cast %add3A_1230 : i32 to index
        %get3A_1254 = arith.constant 32 : index
        %get3A_1255 = tpu.vector_load %arg8[%get3A_1253, %get3A_1254] {strides = array<i32>} : memref<200x64xf32, #tpu.memory_space<vmem>>, vector<1x16xf32>,
        %get3A_1256 = vector.shape_cast %get3A_1255 : vector<1x16xf32> to vector<16xf32>
        %swap3A_1257 = arith.constant 7 : i32
        %swap3A_1258 = arith.index_cast %swap3A_1257 : i32 to index
        %swap3A_1259 = arith.index_cast %add3A_1230 : i32 to index
        %swap3A_1260 = arith.constant 32 : index
        %swap3A_1261 = tpu.vector_load %arg7[%swap3A_1258, %swap3A_1259, %swap3A_1260] {strides = array<i32>} : memref<8x200x64xf32, #tpu.memory_space<vmem>>, vector<1x1x16xf32>,
        %swap3A_1262 = vector.shape_cast %swap3A_1261 : vector<1x1x16xf32> to vector<16xf32>
        %swap3A_1263 = vector.shape_cast %get3A_1256 : vector<16xf32> to vector<1x1x16xf32>
        tpu.vector_store %arg7[%swap3A_1258, %swap3A_1259, %swap3A_1260], %swap3A_1263 {add = true, strides = array<i32>} : memref<8x200x64xf32, #tpu.memory_space<vmem>>, vector<1x1x16xf32>,
        %get3A_1264 = arith.index_cast %add3A_1230 : i32 to index
        %get3A_1265 = arith.constant 48 : index
        %get3A_1266 = tpu.vector_load %arg8[%get3A_1264, %get3A_1265] {strides = array<i32>} : memref<200x64xf32, #tpu.memory_space<vmem>>, vector<1x16xf32>,
        %get3A_1267 = vector.shape_cast %get3A_1266 : vector<1x16xf32> to vector<16xf32>
        %swap3A_1268 = arith.constant 7 : i32
        %swap3A_1269 = arith.index_cast %swap3A_1268 : i32 to index
        %swap3A_1270 = arith.index_cast %add3A_1230 : i32 to index
        %swap3A_1271 = arith.constant 48 : index
        %swap3A_1272 = tpu.vector_load %arg7[%swap3A_1269, %swap3A_1270, %swap3A_1271] {strides = array<i32>} : memref<8x200x64xf32, #tpu.memory_space<vmem>>, vector<1x1x16xf32>,
        %swap3A_1273 = vector.shape_cast %swap3A_1272 : vector<1x1x16xf32> to vector<16xf32>
        %swap3A_1274 = vector.shape_cast %get3A_1267 : vector<16xf32> to vector<1x1x16xf32>
        tpu.vector_store %arg7[%swap3A_1269, %swap3A_1270, %swap3A_1271], %swap3A_1274 {add = true, strides = array<i32>} : memref<8x200x64xf32, #tpu.memory_space<vmem>>, vector<1x1x16xf32>,
        %mul3A_1275 = arith.constant 4 : i32
        %mul3A_1276 = arith.muli %scan3A_1180, %mul3A_1275 : i32
        %add3A_1277 = arith.constant 2 : i32
        %add3A_1278 = arith.addi %mul3A_1276, %add3A_1277 : i32
        %get3A_1279 = arith.index_cast %add3A_1278 : i32 to index
        %get3A_1280 = arith.constant 0 : index
        %get3A_1281 = tpu.vector_load %arg8[%get3A_1279, %get3A_1280] {strides = array<i32>} : memref<200x64xf32, #tpu.memory_space<vmem>>, vector<1x16xf32>,
        %get3A_1282 = vector.shape_cast %get3A_1281 : vector<1x16xf32> to vector<16xf32>
        %swap3A_1283 = arith.constant 7 : i32
        %swap3A_1284 = arith.index_cast %swap3A_1283 : i32 to index
        %swap3A_1285 = arith.index_cast %add3A_1278 : i32 to index
        %swap3A_1286 = arith.constant 0 : index
        %swap3A_1287 = tpu.vector_load %arg7[%swap3A_1284, %swap3A_1285, %swap3A_1286] {strides = array<i32>} : memref<8x200x64xf32, #tpu.memory_space<vmem>>, vector<1x1x16xf32>,
        %swap3A_1288 = vector.shape_cast %swap3A_1287 : vector<1x1x16xf32> to vector<16xf32>
        %swap3A_1289 = vector.shape_cast %get3A_1282 : vector<16xf32> to vector<1x1x16xf32>
        tpu.vector_store %arg7[%swap3A_1284, %swap3A_1285, %swap3A_1286], %swap3A_1289 {add = true, strides = array<i32>} : memref<8x200x64xf32, #tpu.memory_space<vmem>>, vector<1x1x16xf32>,
        %get3A_1290 = arith.index_cast %add3A_1278 : i32 to index
        %get3A_1291 = arith.constant 16 : index
        %get3A_1292 = tpu.vector_load %arg8[%get3A_1290, %get3A_1291] {strides = array<i32>} : memref<200x64xf32, #tpu.memory_space<vmem>>, vector<1x16xf32>,
        %get3A_1293 = vector.shape_cast %get3A_1292 : vector<1x16xf32> to vector<16xf32>
        %swap3A_1294 = arith.constant 7 : i32
        %swap3A_1295 = arith.index_cast %swap3A_1294 : i32 to index
        %swap3A_1296 = arith.index_cast %add3A_1278 : i32 to index
        %swap3A_1297 = arith.constant 16 : index
        %swap3A_1298 = tpu.vector_load %arg7[%swap3A_1295, %swap3A_1296, %swap3A_1297] {strides = array<i32>} : memref<8x200x64xf32, #tpu.memory_space<vmem>>, vector<1x1x16xf32>,
        %swap3A_1299 = vector.shape_cast %swap3A_1298 : vector<1x1x16xf32> to vector<16xf32>
        %swap3A_1300 = vector.shape_cast %get3A_1293 : vector<16xf32> to vector<1x1x16xf32>
        tpu.vector_store %arg7[%swap3A_1295, %swap3A_1296, %swap3A_1297], %swap3A_1300 {add = true, strides = array<i32>} : memref<8x200x64xf32, #tpu.memory_space<vmem>>, vector<1x1x16xf32>,
        %get3A_1301 = arith.index_cast %add3A_1278 : i32 to index
        %get3A_1302 = arith.constant 32 : index
        %get3A_1303 = tpu.vector_load %arg8[%get3A_1301, %get3A_1302] {strides = array<i32>} : memref<200x64xf32, #tpu.memory_space<vmem>>, vector<1x16xf32>,
        %get3A_1304 = vector.shape_cast %get3A_1303 : vector<1x16xf32> to vector<16xf32>
        %swap3A_1305 = arith.constant 7 : i32
        %swap3A_1306 = arith.index_cast %swap3A_1305 : i32 to index
        %swap3A_1307 = arith.index_cast %add3A_1278 : i32 to index
        %swap3A_1308 = arith.constant 32 : index
        %swap3A_1309 = tpu.vector_load %arg7[%swap3A_1306, %swap3A_1307, %swap3A_1308] {strides = array<i32>} : memref<8x200x64xf32, #tpu.memory_space<vmem>>, vector<1x1x16xf32>,
        %swap3A_1310 = vector.shape_cast %swap3A_1309 : vector<1x1x16xf32> to vector<16xf32>
        %swap3A_1311 = vector.shape_cast %get3A_1304 : vector<16xf32> to vector<1x1x16xf32>
        tpu.vector_store %arg7[%swap3A_1306, %swap3A_1307, %swap3A_1308], %swap3A_1311 {add = true, strides = array<i32>} : memref<8x200x64xf32, #tpu.memory_space<vmem>>, vector<1x1x16xf32>,
        %get3A_1312 = arith.index_cast %add3A_1278 : i32 to index
        %get3A_1313 = arith.constant 48 : index
        %get3A_1314 = tpu.vector_load %arg8[%get3A_1312, %get3A_1313] {strides = array<i32>} : memref<200x64xf32, #tpu.memory_space<vmem>>, vector<1x16xf32>,
        %get3A_1315 = vector.shape_cast %get3A_1314 : vector<1x16xf32> to vector<16xf32>
        %swap3A_1316 = arith.constant 7 : i32
        %swap3A_1317 = arith.index_cast %swap3A_1316 : i32 to index
        %swap3A_1318 = arith.index_cast %add3A_1278 : i32 to index
        %swap3A_1319 = arith.constant 48 : index
        %swap3A_1320 = tpu.vector_load %arg7[%swap3A_1317, %swap3A_1318, %swap3A_1319] {strides = array<i32>} : memref<8x200x64xf32, #tpu.memory_space<vmem>>, vector<1x1x16xf32>,
        %swap3A_1321 = vector.shape_cast %swap3A_1320 : vector<1x1x16xf32> to vector<16xf32>
        %swap3A_1322 = vector.shape_cast %get3A_1315 : vector<16xf32> to vector<1x1x16xf32>
        tpu.vector_store %arg7[%swap3A_1317, %swap3A_1318, %swap3A_1319], %swap3A_1322 {add = true, strides = array<i32>} : memref<8x200x64xf32, #tpu.memory_space<vmem>>, vector<1x1x16xf32>,
        %mul3A_1323 = arith.constant 4 : i32
        %mul3A_1324 = arith.muli %scan3A_1180, %mul3A_1323 : i32
        %add3A_1325 = arith.constant 3 : i32
        %add3A_1326 = arith.addi %mul3A_1324, %add3A_1325 : i32
        %get3A_1327 = arith.index_cast %add3A_1326 : i32 to index
        %get3A_1328 = arith.constant 0 : index
        %get3A_1329 = tpu.vector_load %arg8[%get3A_1327, %get3A_1328] {strides = array<i32>} : memref<200x64xf32, #tpu.memory_space<vmem>>, vector<1x16xf32>,
        %get3A_1330 = vector.shape_cast %get3A_1329 : vector<1x16xf32> to vector<16xf32>
        %swap3A_1331 = arith.constant 7 : i32
        %swap3A_1332 = arith.index_cast %swap3A_1331 : i32 to index
        %swap3A_1333 = arith.index_cast %add3A_1326 : i32 to index
        %swap3A_1334 = arith.constant 0 : index
        %swap3A_1335 = tpu.vector_load %arg7[%swap3A_1332, %swap3A_1333, %swap3A_1334] {strides = array<i32>} : memref<8x200x64xf32, #tpu.memory_space<vmem>>, vector<1x1x16xf32>,
        %swap3A_1336 = vector.shape_cast %swap3A_1335 : vector<1x1x16xf32> to vector<16xf32>
        %swap3A_1337 = vector.shape_cast %get3A_1330 : vector<16xf32> to vector<1x1x16xf32>
        tpu.vector_store %arg7[%swap3A_1332, %swap3A_1333, %swap3A_1334], %swap3A_1337 {add = true, strides = array<i32>} : memref<8x200x64xf32, #tpu.memory_space<vmem>>, vector<1x1x16xf32>,
        %get3A_1338 = arith.index_cast %add3A_1326 : i32 to index
        %get3A_1339 = arith.constant 16 : index
        %get3A_1340 = tpu.vector_load %arg8[%get3A_1338, %get3A_1339] {strides = array<i32>} : memref<200x64xf32, #tpu.memory_space<vmem>>, vector<1x16xf32>,
        %get3A_1341 = vector.shape_cast %get3A_1340 : vector<1x16xf32> to vector<16xf32>
        %swap3A_1342 = arith.constant 7 : i32
        %swap3A_1343 = arith.index_cast %swap3A_1342 : i32 to index
        %swap3A_1344 = arith.index_cast %add3A_1326 : i32 to index
        %swap3A_1345 = arith.constant 16 : index
        %swap3A_1346 = tpu.vector_load %arg7[%swap3A_1343, %swap3A_1344, %swap3A_1345] {strides = array<i32>} : memref<8x200x64xf32, #tpu.memory_space<vmem>>, vector<1x1x16xf32>,
        %swap3A_1347 = vector.shape_cast %swap3A_1346 : vector<1x1x16xf32> to vector<16xf32>
        %swap3A_1348 = vector.shape_cast %get3A_1341 : vector<16xf32> to vector<1x1x16xf32>
        tpu.vector_store %arg7[%swap3A_1343, %swap3A_1344, %swap3A_1345], %swap3A_1348 {add = true, strides = array<i32>} : memref<8x200x64xf32, #tpu.memory_space<vmem>>, vector<1x1x16xf32>,
        %get3A_1349 = arith.index_cast %add3A_1326 : i32 to index
        %get3A_1350 = arith.constant 32 : index
        %get3A_1351 = tpu.vector_load %arg8[%get3A_1349, %get3A_1350] {strides = array<i32>} : memref<200x64xf32, #tpu.memory_space<vmem>>, vector<1x16xf32>,
        %get3A_1352 = vector.shape_cast %get3A_1351 : vector<1x16xf32> to vector<16xf32>
        %swap3A_1353 = arith.constant 7 : i32
        %swap3A_1354 = arith.index_cast %swap3A_1353 : i32 to index
        %swap3A_1355 = arith.index_cast %add3A_1326 : i32 to index
        %swap3A_1356 = arith.constant 32 : index
        %swap3A_1357 = tpu.vector_load %arg7[%swap3A_1354, %swap3A_1355, %swap3A_1356] {strides = array<i32>} : memref<8x200x64xf32, #tpu.memory_space<vmem>>, vector<1x1x16xf32>,
        %swap3A_1358 = vector.shape_cast %swap3A_1357 : vector<1x1x16xf32> to vector<16xf32>
        %swap3A_1359 = vector.shape_cast %get3A_1352 : vector<16xf32> to vector<1x1x16xf32>
        tpu.vector_store %arg7[%swap3A_1354, %swap3A_1355, %swap3A_1356], %swap3A_1359 {add = true, strides = array<i32>} : memref<8x200x64xf32, #tpu.memory_space<vmem>>, vector<1x1x16xf32>,
        %get3A_1360 = arith.index_cast %add3A_1326 : i32 to index
        %get3A_1361 = arith.constant 48 : index
        %get3A_1362 = tpu.vector_load %arg8[%get3A_1360, %get3A_1361] {strides = array<i32>} : memref<200x64xf32, #tpu.memory_space<vmem>>, vector<1x16xf32>,
        %get3A_1363 = vector.shape_cast %get3A_1362 : vector<1x16xf32> to vector<16xf32>
        %swap3A_1364 = arith.constant 7 : i32
        %swap3A_1365 = arith.index_cast %swap3A_1364 : i32 to index
        %swap3A_1366 = arith.index_cast %add3A_1326 : i32 to index
        %swap3A_1367 = arith.constant 48 : index
        %swap3A_1368 = tpu.vector_load %arg7[%swap3A_1365, %swap3A_1366, %swap3A_1367] {strides = array<i32>} : memref<8x200x64xf32, #tpu.memory_space<vmem>>, vector<1x1x16xf32>,
        %swap3A_1369 = vector.shape_cast %swap3A_1368 : vector<1x1x16xf32> to vector<16xf32>
        %swap3A_1370 = vector.shape_cast %get3A_1363 : vector<16xf32> to vector<1x1x16xf32>
        tpu.vector_store %arg7[%swap3A_1365, %swap3A_1366, %swap3A_1367], %swap3A_1370 {add = true, strides = array<i32>} : memref<8x200x64xf32, #tpu.memory_space<vmem>>, vector<1x1x16xf32>,
      }
      %scan3A_1158 = arith.constant 50 : i32
      %add3A_1159 = arith.addi %mul3A_2, %add3A_1106 : i32
      %dma_start3A_1160 = arith.constant 7 : i32
      %dma_start3A_1161 = arith.constant 7 : i32
      %dma_start3A_1162 = arith.constant 0 : i32
      %dma_start3A_1163 = arith.constant 0 : i32
      %dma_start3A_1164 = tpu.memref_slice %arg7[%dma_start3A_1160, %dma_start3A_1162, %dma_start3A_1163] : memref<8x200x64xf32, #tpu.memory_space<vmem>> -> memref<1x200x64xf32, #tpu.memory_space<vmem>>
      %dma_start3A_1165 = tpu.memref_squeeze %dma_start3A_1164 : memref<1x200x64xf32, #tpu.memory_space<vmem>> -> memref<200x64xf32, #tpu.memory_space<vmem>>
      %dma_start3A_1166 = arith.constant 0 : i32
      %dma_start3A_1167 = arith.constant 0 : i32
      %dma_start3A_1168 = tpu.memref_slice %arg5[%add3A_1159, %dma_start3A_1166, %dma_start3A_1167] : memref<4096x200x64xf32, #tpu.memory_space<hbm>> -> memref<1x200x64xf32, #tpu.memory_space<hbm>>
      %dma_start3A_1169 = tpu.memref_squeeze %dma_start3A_1168 : memref<1x200x64xf32, #tpu.memory_space<hbm>> -> memref<200x64xf32, #tpu.memory_space<hbm>>
      %dma_start3A_1170 = tpu.memref_slice %arg11[%dma_start3A_1161] : memref<8x!tpu.dma_semaphore, #tpu.memory_space<semaphore_mem>> -> memref<1x!tpu.dma_semaphore, #tpu.memory_space<semaphore_mem>>
      %dma_start3A_1171 = tpu.memref_squeeze %dma_start3A_1170 : memref<1x!tpu.dma_semaphore, #tpu.memory_space<semaphore_mem>> -> memref<!tpu.dma_semaphore, #tpu.memory_space<semaphore_mem>>
      %dma_start3A_1172 = arith.constant 0 : i32
      %dma_start3A_1173 = arith.constant 0 : i32
      %dma_start3A_1174 = tpu.memref_slice %arg5[%add3A_1159, %dma_start3A_1172, %dma_start3A_1173] : memref<4096x200x64xf32, #tpu.memory_space<hbm>> -> memref<1x200x64xf32, #tpu.memory_space<hbm>>
      %dma_start3A_1175 = tpu.memref_squeeze %dma_start3A_1174 : memref<1x200x64xf32, #tpu.memory_space<hbm>> -> memref<200x64xf32, #tpu.memory_space<hbm>>
      %dma_start3A_1176 = arith.constant 0 : i32
      %dma_start3A_1177 = arith.constant 0 : i32
      %dma_start3A_1178 = tpu.memref_slice %arg7[%dma_start3A_1160, %dma_start3A_1176, %dma_start3A_1177] : memref<8x200x64xf32, #tpu.memory_space<vmem>> -> memref<1x200x64xf32, #tpu.memory_space<vmem>>
      %dma_start3A_1179 = tpu.memref_squeeze %dma_start3A_1178 : memref<1x200x64xf32, #tpu.memory_space<vmem>> -> memref<200x64xf32, #tpu.memory_space<vmem>>
      tpu.enqueue_dma source(%dma_start3A_1179 : memref<200x64xf32, #tpu.memory_space<vmem>>) target(%dma_start3A_1175 : memref<200x64xf32, #tpu.memory_space<hbm>>) target_semaphore(%dma_start3A_1171 : memref<!tpu.dma_semaphore, #tpu.memory_space<semaphore_mem>>)
    }
    %scan3A_389 = arith.constant 16 : i32
    %add3A_390 = arith.constant 0 : i32
    %add3A_391 = arith.addi %mul3A_2, %add3A_390 : i32
    %dma_wait3A_392 = arith.constant 0 : i32
    %dma_wait3A_393 = arith.constant 0 : i32
    %dma_wait3A_394 = arith.constant 0 : i32
    %dma_wait3A_395 = arith.constant 0 : i32
    %dma_wait3A_396 = tpu.memref_slice %arg7[%dma_wait3A_392, %dma_wait3A_394, %dma_wait3A_395] : memref<8x200x64xf32, #tpu.memory_space<vmem>> -> memref<1x200x64xf32, #tpu.memory_space<vmem>>
    %dma_wait3A_397 = tpu.memref_squeeze %dma_wait3A_396 : memref<1x200x64xf32, #tpu.memory_space<vmem>> -> memref<200x64xf32, #tpu.memory_space<vmem>>
    %dma_wait3A_398 = arith.constant 0 : i32
    %dma_wait3A_399 = arith.constant 0 : i32
    %dma_wait3A_400 = tpu.memref_slice %arg5[%add3A_391, %dma_wait3A_398, %dma_wait3A_399] : memref<4096x200x64xf32, #tpu.memory_space<hbm>> -> memref<1x200x64xf32, #tpu.memory_space<hbm>>
    %dma_wait3A_401 = tpu.memref_squeeze %dma_wait3A_400 : memref<1x200x64xf32, #tpu.memory_space<hbm>> -> memref<200x64xf32, #tpu.memory_space<hbm>>
    %dma_wait3A_402 = tpu.memref_slice %arg11[%dma_wait3A_393] : memref<8x!tpu.dma_semaphore, #tpu.memory_space<semaphore_mem>> -> memref<1x!tpu.dma_semaphore, #tpu.memory_space<semaphore_mem>>
    %dma_wait3A_403 = tpu.memref_squeeze %dma_wait3A_402 : memref<1x!tpu.dma_semaphore, #tpu.memory_space<semaphore_mem>> -> memref<!tpu.dma_semaphore, #tpu.memory_space<semaphore_mem>>
    %dma_wait3A_404 = arith.constant 0 : i32
    %dma_wait3A_405 = arith.constant 0 : i32
    %dma_wait3A_406 = tpu.memref_slice %arg5[%add3A_391, %dma_wait3A_404, %dma_wait3A_405] : memref<4096x200x64xf32, #tpu.memory_space<hbm>> -> memref<1x200x64xf32, #tpu.memory_space<hbm>>
    %dma_wait3A_407 = tpu.memref_squeeze %dma_wait3A_406 : memref<1x200x64xf32, #tpu.memory_space<hbm>> -> memref<200x64xf32, #tpu.memory_space<hbm>>
    %dma_wait3A_408 = arith.constant 0 : i32
    %dma_wait3A_409 = arith.constant 0 : i32
    %dma_wait3A_410 = tpu.memref_slice %arg7[%dma_wait3A_392, %dma_wait3A_408, %dma_wait3A_409] : memref<8x200x64xf32, #tpu.memory_space<vmem>> -> memref<1x200x64xf32, #tpu.memory_space<vmem>>
    %dma_wait3A_411 = tpu.memref_squeeze %dma_wait3A_410 : memref<1x200x64xf32, #tpu.memory_space<vmem>> -> memref<200x64xf32, #tpu.memory_space<vmem>>
    tpu.wait_dma2 semaphore(%dma_wait3A_403 : memref<!tpu.dma_semaphore, #tpu.memory_space<semaphore_mem>>) src(%dma_wait3A_411 : memref<200x64xf32, #tpu.memory_space<vmem>>) dst(%dma_wait3A_407 : memref<200x64xf32, #tpu.memory_space<hbm>>)
    %add3A_412 = arith.constant 0 : i32
    %add3A_413 = arith.addi %mul3A_2, %add3A_412 : i32
    %dma_wait3A_414 = arith.constant 1 : i32
    %dma_wait3A_415 = arith.constant 1 : i32
    %dma_wait3A_416 = arith.constant 0 : i32
    %dma_wait3A_417 = arith.constant 0 : i32
    %dma_wait3A_418 = tpu.memref_slice %arg7[%dma_wait3A_414, %dma_wait3A_416, %dma_wait3A_417] : memref<8x200x64xf32, #tpu.memory_space<vmem>> -> memref<1x200x64xf32, #tpu.memory_space<vmem>>
    %dma_wait3A_419 = tpu.memref_squeeze %dma_wait3A_418 : memref<1x200x64xf32, #tpu.memory_space<vmem>> -> memref<200x64xf32, #tpu.memory_space<vmem>>
    %dma_wait3A_420 = arith.constant 0 : i32
    %dma_wait3A_421 = arith.constant 0 : i32
    %dma_wait3A_422 = tpu.memref_slice %arg5[%add3A_413, %dma_wait3A_420, %dma_wait3A_421] : memref<4096x200x64xf32, #tpu.memory_space<hbm>> -> memref<1x200x64xf32, #tpu.memory_space<hbm>>
    %dma_wait3A_423 = tpu.memref_squeeze %dma_wait3A_422 : memref<1x200x64xf32, #tpu.memory_space<hbm>> -> memref<200x64xf32, #tpu.memory_space<hbm>>
    %dma_wait3A_424 = tpu.memref_slice %arg11[%dma_wait3A_415] : memref<8x!tpu.dma_semaphore, #tpu.memory_space<semaphore_mem>> -> memref<1x!tpu.dma_semaphore, #tpu.memory_space<semaphore_mem>>
    %dma_wait3A_425 = tpu.memref_squeeze %dma_wait3A_424 : memref<1x!tpu.dma_semaphore, #tpu.memory_space<semaphore_mem>> -> memref<!tpu.dma_semaphore, #tpu.memory_space<semaphore_mem>>
    %dma_wait3A_426 = arith.constant 0 : i32
    %dma_wait3A_427 = arith.constant 0 : i32
    %dma_wait3A_428 = tpu.memref_slice %arg5[%add3A_413, %dma_wait3A_426, %dma_wait3A_427] : memref<4096x200x64xf32, #tpu.memory_space<hbm>> -> memref<1x200x64xf32, #tpu.memory_space<hbm>>
    %dma_wait3A_429 = tpu.memref_squeeze %dma_wait3A_428 : memref<1x200x64xf32, #tpu.memory_space<hbm>> -> memref<200x64xf32, #tpu.memory_space<hbm>>
    %dma_wait3A_430 = arith.constant 0 : i32
    %dma_wait3A_431 = arith.constant 0 : i32
    %dma_wait3A_432 = tpu.memref_slice %arg7[%dma_wait3A_414, %dma_wait3A_430, %dma_wait3A_431] : memref<8x200x64xf32, #tpu.memory_space<vmem>> -> memref<1x200x64xf32, #tpu.memory_space<vmem>>
    %dma_wait3A_433 = tpu.memref_squeeze %dma_wait3A_432 : memref<1x200x64xf32, #tpu.memory_space<vmem>> -> memref<200x64xf32, #tpu.memory_space<vmem>>
    tpu.wait_dma2 semaphore(%dma_wait3A_425 : memref<!tpu.dma_semaphore, #tpu.memory_space<semaphore_mem>>) src(%dma_wait3A_433 : memref<200x64xf32, #tpu.memory_space<vmem>>) dst(%dma_wait3A_429 : memref<200x64xf32, #tpu.memory_space<hbm>>)
    %add3A_434 = arith.constant 0 : i32
    %add3A_435 = arith.addi %mul3A_2, %add3A_434 : i32
    %dma_wait3A_436 = arith.constant 2 : i32
    %dma_wait3A_437 = arith.constant 2 : i32
    %dma_wait3A_438 = arith.constant 0 : i32
    %dma_wait3A_439 = arith.constant 0 : i32
    %dma_wait3A_440 = tpu.memref_slice %arg7[%dma_wait3A_436, %dma_wait3A_438, %dma_wait3A_439] : memref<8x200x64xf32, #tpu.memory_space<vmem>> -> memref<1x200x64xf32, #tpu.memory_space<vmem>>
    %dma_wait3A_441 = tpu.memref_squeeze %dma_wait3A_440 : memref<1x200x64xf32, #tpu.memory_space<vmem>> -> memref<200x64xf32, #tpu.memory_space<vmem>>
    %dma_wait3A_442 = arith.constant 0 : i32
    %dma_wait3A_443 = arith.constant 0 : i32
    %dma_wait3A_444 = tpu.memref_slice %arg5[%add3A_435, %dma_wait3A_442, %dma_wait3A_443] : memref<4096x200x64xf32, #tpu.memory_space<hbm>> -> memref<1x200x64xf32, #tpu.memory_space<hbm>>
    %dma_wait3A_445 = tpu.memref_squeeze %dma_wait3A_444 : memref<1x200x64xf32, #tpu.memory_space<hbm>> -> memref<200x64xf32, #tpu.memory_space<hbm>>
    %dma_wait3A_446 = tpu.memref_slice %arg11[%dma_wait3A_437] : memref<8x!tpu.dma_semaphore, #tpu.memory_space<semaphore_mem>> -> memref<1x!tpu.dma_semaphore, #tpu.memory_space<semaphore_mem>>
    %dma_wait3A_447 = tpu.memref_squeeze %dma_wait3A_446 : memref<1x!tpu.dma_semaphore, #tpu.memory_space<semaphore_mem>> -> memref<!tpu.dma_semaphore, #tpu.memory_space<semaphore_mem>>
    %dma_wait3A_448 = arith.constant 0 : i32
    %dma_wait3A_449 = arith.constant 0 : i32
    %dma_wait3A_450 = tpu.memref_slice %arg5[%add3A_435, %dma_wait3A_448, %dma_wait3A_449] : memref<4096x200x64xf32, #tpu.memory_space<hbm>> -> memref<1x200x64xf32, #tpu.memory_space<hbm>>
    %dma_wait3A_451 = tpu.memref_squeeze %dma_wait3A_450 : memref<1x200x64xf32, #tpu.memory_space<hbm>> -> memref<200x64xf32, #tpu.memory_space<hbm>>
    %dma_wait3A_452 = arith.constant 0 : i32
    %dma_wait3A_453 = arith.constant 0 : i32
    %dma_wait3A_454 = tpu.memref_slice %arg7[%dma_wait3A_436, %dma_wait3A_452, %dma_wait3A_453] : memref<8x200x64xf32, #tpu.memory_space<vmem>> -> memref<1x200x64xf32, #tpu.memory_space<vmem>>
    %dma_wait3A_455 = tpu.memref_squeeze %dma_wait3A_454 : memref<1x200x64xf32, #tpu.memory_space<vmem>> -> memref<200x64xf32, #tpu.memory_space<vmem>>
    tpu.wait_dma2 semaphore(%dma_wait3A_447 : memref<!tpu.dma_semaphore, #tpu.memory_space<semaphore_mem>>) src(%dma_wait3A_455 : memref<200x64xf32, #tpu.memory_space<vmem>>) dst(%dma_wait3A_451 : memref<200x64xf32, #tpu.memory_space<hbm>>)
    %add3A_456 = arith.constant 0 : i32
    %add3A_457 = arith.addi %mul3A_2, %add3A_456 : i32
    %dma_wait3A_458 = arith.constant 3 : i32
    %dma_wait3A_459 = arith.constant 3 : i32
    %dma_wait3A_460 = arith.constant 0 : i32
    %dma_wait3A_461 = arith.constant 0 : i32
    %dma_wait3A_462 = tpu.memref_slice %arg7[%dma_wait3A_458, %dma_wait3A_460, %dma_wait3A_461] : memref<8x200x64xf32, #tpu.memory_space<vmem>> -> memref<1x200x64xf32, #tpu.memory_space<vmem>>
    %dma_wait3A_463 = tpu.memref_squeeze %dma_wait3A_462 : memref<1x200x64xf32, #tpu.memory_space<vmem>> -> memref<200x64xf32, #tpu.memory_space<vmem>>
    %dma_wait3A_464 = arith.constant 0 : i32
    %dma_wait3A_465 = arith.constant 0 : i32
    %dma_wait3A_466 = tpu.memref_slice %arg5[%add3A_457, %dma_wait3A_464, %dma_wait3A_465] : memref<4096x200x64xf32, #tpu.memory_space<hbm>> -> memref<1x200x64xf32, #tpu.memory_space<hbm>>
    %dma_wait3A_467 = tpu.memref_squeeze %dma_wait3A_466 : memref<1x200x64xf32, #tpu.memory_space<hbm>> -> memref<200x64xf32, #tpu.memory_space<hbm>>
    %dma_wait3A_468 = tpu.memref_slice %arg11[%dma_wait3A_459] : memref<8x!tpu.dma_semaphore, #tpu.memory_space<semaphore_mem>> -> memref<1x!tpu.dma_semaphore, #tpu.memory_space<semaphore_mem>>
    %dma_wait3A_469 = tpu.memref_squeeze %dma_wait3A_468 : memref<1x!tpu.dma_semaphore, #tpu.memory_space<semaphore_mem>> -> memref<!tpu.dma_semaphore, #tpu.memory_space<semaphore_mem>>
    %dma_wait3A_470 = arith.constant 0 : i32
    %dma_wait3A_471 = arith.constant 0 : i32
    %dma_wait3A_472 = tpu.memref_slice %arg5[%add3A_457, %dma_wait3A_470, %dma_wait3A_471] : memref<4096x200x64xf32, #tpu.memory_space<hbm>> -> memref<1x200x64xf32, #tpu.memory_space<hbm>>
    %dma_wait3A_473 = tpu.memref_squeeze %dma_wait3A_472 : memref<1x200x64xf32, #tpu.memory_space<hbm>> -> memref<200x64xf32, #tpu.memory_space<hbm>>
    %dma_wait3A_474 = arith.constant 0 : i32
    %dma_wait3A_475 = arith.constant 0 : i32
    %dma_wait3A_476 = tpu.memref_slice %arg7[%dma_wait3A_458, %dma_wait3A_474, %dma_wait3A_475] : memref<8x200x64xf32, #tpu.memory_space<vmem>> -> memref<1x200x64xf32, #tpu.memory_space<vmem>>
    %dma_wait3A_477 = tpu.memref_squeeze %dma_wait3A_476 : memref<1x200x64xf32, #tpu.memory_space<vmem>> -> memref<200x64xf32, #tpu.memory_space<vmem>>
    tpu.wait_dma2 semaphore(%dma_wait3A_469 : memref<!tpu.dma_semaphore, #tpu.memory_space<semaphore_mem>>) src(%dma_wait3A_477 : memref<200x64xf32, #tpu.memory_space<vmem>>) dst(%dma_wait3A_473 : memref<200x64xf32, #tpu.memory_space<hbm>>)
    %add3A_478 = arith.constant 0 : i32
    %add3A_479 = arith.addi %mul3A_2, %add3A_478 : i32
    %dma_wait3A_480 = arith.constant 4 : i32
    %dma_wait3A_481 = arith.constant 4 : i32
    %dma_wait3A_482 = arith.constant 0 : i32
    %dma_wait3A_483 = arith.constant 0 : i32
    %dma_wait3A_484 = tpu.memref_slice %arg7[%dma_wait3A_480, %dma_wait3A_482, %dma_wait3A_483] : memref<8x200x64xf32, #tpu.memory_space<vmem>> -> memref<1x200x64xf32, #tpu.memory_space<vmem>>
    %dma_wait3A_485 = tpu.memref_squeeze %dma_wait3A_484 : memref<1x200x64xf32, #tpu.memory_space<vmem>> -> memref<200x64xf32, #tpu.memory_space<vmem>>
    %dma_wait3A_486 = arith.constant 0 : i32
    %dma_wait3A_487 = arith.constant 0 : i32
    %dma_wait3A_488 = tpu.memref_slice %arg5[%add3A_479, %dma_wait3A_486, %dma_wait3A_487] : memref<4096x200x64xf32, #tpu.memory_space<hbm>> -> memref<1x200x64xf32, #tpu.memory_space<hbm>>
    %dma_wait3A_489 = tpu.memref_squeeze %dma_wait3A_488 : memref<1x200x64xf32, #tpu.memory_space<hbm>> -> memref<200x64xf32, #tpu.memory_space<hbm>>
    %dma_wait3A_490 = tpu.memref_slice %arg11[%dma_wait3A_481] : memref<8x!tpu.dma_semaphore, #tpu.memory_space<semaphore_mem>> -> memref<1x!tpu.dma_semaphore, #tpu.memory_space<semaphore_mem>>
    %dma_wait3A_491 = tpu.memref_squeeze %dma_wait3A_490 : memref<1x!tpu.dma_semaphore, #tpu.memory_space<semaphore_mem>> -> memref<!tpu.dma_semaphore, #tpu.memory_space<semaphore_mem>>
    %dma_wait3A_492 = arith.constant 0 : i32
    %dma_wait3A_493 = arith.constant 0 : i32
    %dma_wait3A_494 = tpu.memref_slice %arg5[%add3A_479, %dma_wait3A_492, %dma_wait3A_493] : memref<4096x200x64xf32, #tpu.memory_space<hbm>> -> memref<1x200x64xf32, #tpu.memory_space<hbm>>
    %dma_wait3A_495 = tpu.memref_squeeze %dma_wait3A_494 : memref<1x200x64xf32, #tpu.memory_space<hbm>> -> memref<200x64xf32, #tpu.memory_space<hbm>>
    %dma_wait3A_496 = arith.constant 0 : i32
    %dma_wait3A_497 = arith.constant 0 : i32
    %dma_wait3A_498 = tpu.memref_slice %arg7[%dma_wait3A_480, %dma_wait3A_496, %dma_wait3A_497] : memref<8x200x64xf32, #tpu.memory_space<vmem>> -> memref<1x200x64xf32, #tpu.memory_space<vmem>>
    %dma_wait3A_499 = tpu.memref_squeeze %dma_wait3A_498 : memref<1x200x64xf32, #tpu.memory_space<vmem>> -> memref<200x64xf32, #tpu.memory_space<vmem>>
    tpu.wait_dma2 semaphore(%dma_wait3A_491 : memref<!tpu.dma_semaphore, #tpu.memory_space<semaphore_mem>>) src(%dma_wait3A_499 : memref<200x64xf32, #tpu.memory_space<vmem>>) dst(%dma_wait3A_495 : memref<200x64xf32, #tpu.memory_space<hbm>>)
    %add3A_500 = arith.constant 0 : i32
    %add3A_501 = arith.addi %mul3A_2, %add3A_500 : i32
    %dma_wait3A_502 = arith.constant 5 : i32
    %dma_wait3A_503 = arith.constant 5 : i32
    %dma_wait3A_504 = arith.constant 0 : i32
    %dma_wait3A_505 = arith.constant 0 : i32
    %dma_wait3A_506 = tpu.memref_slice %arg7[%dma_wait3A_502, %dma_wait3A_504, %dma_wait3A_505] : memref<8x200x64xf32, #tpu.memory_space<vmem>> -> memref<1x200x64xf32, #tpu.memory_space<vmem>>
    %dma_wait3A_507 = tpu.memref_squeeze %dma_wait3A_506 : memref<1x200x64xf32, #tpu.memory_space<vmem>> -> memref<200x64xf32, #tpu.memory_space<vmem>>
    %dma_wait3A_508 = arith.constant 0 : i32
    %dma_wait3A_509 = arith.constant 0 : i32
    %dma_wait3A_510 = tpu.memref_slice %arg5[%add3A_501, %dma_wait3A_508, %dma_wait3A_509] : memref<4096x200x64xf32, #tpu.memory_space<hbm>> -> memref<1x200x64xf32, #tpu.memory_space<hbm>>
    %dma_wait3A_511 = tpu.memref_squeeze %dma_wait3A_510 : memref<1x200x64xf32, #tpu.memory_space<hbm>> -> memref<200x64xf32, #tpu.memory_space<hbm>>
    %dma_wait3A_512 = tpu.memref_slice %arg11[%dma_wait3A_503] : memref<8x!tpu.dma_semaphore, #tpu.memory_space<semaphore_mem>> -> memref<1x!tpu.dma_semaphore, #tpu.memory_space<semaphore_mem>>
    %dma_wait3A_513 = tpu.memref_squeeze %dma_wait3A_512 : memref<1x!tpu.dma_semaphore, #tpu.memory_space<semaphore_mem>> -> memref<!tpu.dma_semaphore, #tpu.memory_space<semaphore_mem>>
    %dma_wait3A_514 = arith.constant 0 : i32
    %dma_wait3A_515 = arith.constant 0 : i32
    %dma_wait3A_516 = tpu.memref_slice %arg5[%add3A_501, %dma_wait3A_514, %dma_wait3A_515] : memref<4096x200x64xf32, #tpu.memory_space<hbm>> -> memref<1x200x64xf32, #tpu.memory_space<hbm>>
    %dma_wait3A_517 = tpu.memref_squeeze %dma_wait3A_516 : memref<1x200x64xf32, #tpu.memory_space<hbm>> -> memref<200x64xf32, #tpu.memory_space<hbm>>
    %dma_wait3A_518 = arith.constant 0 : i32
    %dma_wait3A_519 = arith.constant 0 : i32
    %dma_wait3A_520 = tpu.memref_slice %arg7[%dma_wait3A_502, %dma_wait3A_518, %dma_wait3A_519] : memref<8x200x64xf32, #tpu.memory_space<vmem>> -> memref<1x200x64xf32, #tpu.memory_space<vmem>>
    %dma_wait3A_521 = tpu.memref_squeeze %dma_wait3A_520 : memref<1x200x64xf32, #tpu.memory_space<vmem>> -> memref<200x64xf32, #tpu.memory_space<vmem>>
    tpu.wait_dma2 semaphore(%dma_wait3A_513 : memref<!tpu.dma_semaphore, #tpu.memory_space<semaphore_mem>>) src(%dma_wait3A_521 : memref<200x64xf32, #tpu.memory_space<vmem>>) dst(%dma_wait3A_517 : memref<200x64xf32, #tpu.memory_space<hbm>>)
    %add3A_522 = arith.constant 0 : i32
    %add3A_523 = arith.addi %mul3A_2, %add3A_522 : i32
    %dma_wait3A_524 = arith.constant 6 : i32
    %dma_wait3A_525 = arith.constant 6 : i32
    %dma_wait3A_526 = arith.constant 0 : i32
    %dma_wait3A_527 = arith.constant 0 : i32
    %dma_wait3A_528 = tpu.memref_slice %arg7[%dma_wait3A_524, %dma_wait3A_526, %dma_wait3A_527] : memref<8x200x64xf32, #tpu.memory_space<vmem>> -> memref<1x200x64xf32, #tpu.memory_space<vmem>>
    %dma_wait3A_529 = tpu.memref_squeeze %dma_wait3A_528 : memref<1x200x64xf32, #tpu.memory_space<vmem>> -> memref<200x64xf32, #tpu.memory_space<vmem>>
    %dma_wait3A_530 = arith.constant 0 : i32
    %dma_wait3A_531 = arith.constant 0 : i32
    %dma_wait3A_532 = tpu.memref_slice %arg5[%add3A_523, %dma_wait3A_530, %dma_wait3A_531] : memref<4096x200x64xf32, #tpu.memory_space<hbm>> -> memref<1x200x64xf32, #tpu.memory_space<hbm>>
    %dma_wait3A_533 = tpu.memref_squeeze %dma_wait3A_532 : memref<1x200x64xf32, #tpu.memory_space<hbm>> -> memref<200x64xf32, #tpu.memory_space<hbm>>
    %dma_wait3A_534 = tpu.memref_slice %arg11[%dma_wait3A_525] : memref<8x!tpu.dma_semaphore, #tpu.memory_space<semaphore_mem>> -> memref<1x!tpu.dma_semaphore, #tpu.memory_space<semaphore_mem>>
    %dma_wait3A_535 = tpu.memref_squeeze %dma_wait3A_534 : memref<1x!tpu.dma_semaphore, #tpu.memory_space<semaphore_mem>> -> memref<!tpu.dma_semaphore, #tpu.memory_space<semaphore_mem>>
    %dma_wait3A_536 = arith.constant 0 : i32
    %dma_wait3A_537 = arith.constant 0 : i32
    %dma_wait3A_538 = tpu.memref_slice %arg5[%add3A_523, %dma_wait3A_536, %dma_wait3A_537] : memref<4096x200x64xf32, #tpu.memory_space<hbm>> -> memref<1x200x64xf32, #tpu.memory_space<hbm>>
    %dma_wait3A_539 = tpu.memref_squeeze %dma_wait3A_538 : memref<1x200x64xf32, #tpu.memory_space<hbm>> -> memref<200x64xf32, #tpu.memory_space<hbm>>
    %dma_wait3A_540 = arith.constant 0 : i32
    %dma_wait3A_541 = arith.constant 0 : i32
    %dma_wait3A_542 = tpu.memref_slice %arg7[%dma_wait3A_524, %dma_wait3A_540, %dma_wait3A_541] : memref<8x200x64xf32, #tpu.memory_space<vmem>> -> memref<1x200x64xf32, #tpu.memory_space<vmem>>
    %dma_wait3A_543 = tpu.memref_squeeze %dma_wait3A_542 : memref<1x200x64xf32, #tpu.memory_space<vmem>> -> memref<200x64xf32, #tpu.memory_space<vmem>>
    tpu.wait_dma2 semaphore(%dma_wait3A_535 : memref<!tpu.dma_semaphore, #tpu.memory_space<semaphore_mem>>) src(%dma_wait3A_543 : memref<200x64xf32, #tpu.memory_space<vmem>>) dst(%dma_wait3A_539 : memref<200x64xf32, #tpu.memory_space<hbm>>)
    %add3A_544 = arith.constant 0 : i32
    %add3A_545 = arith.addi %mul3A_2, %add3A_544 : i32
    %dma_wait3A_546 = arith.constant 7 : i32
    %dma_wait3A_547 = arith.constant 7 : i32
    %dma_wait3A_548 = arith.constant 0 : i32
    %dma_wait3A_549 = arith.constant 0 : i32
    %dma_wait3A_550 = tpu.memref_slice %arg7[%dma_wait3A_546, %dma_wait3A_548, %dma_wait3A_549] : memref<8x200x64xf32, #tpu.memory_space<vmem>> -> memref<1x200x64xf32, #tpu.memory_space<vmem>>
    %dma_wait3A_551 = tpu.memref_squeeze %dma_wait3A_550 : memref<1x200x64xf32, #tpu.memory_space<vmem>> -> memref<200x64xf32, #tpu.memory_space<vmem>>
    %dma_wait3A_552 = arith.constant 0 : i32
    %dma_wait3A_553 = arith.constant 0 : i32
    %dma_wait3A_554 = tpu.memref_slice %arg5[%add3A_545, %dma_wait3A_552, %dma_wait3A_553] : memref<4096x200x64xf32, #tpu.memory_space<hbm>> -> memref<1x200x64xf32, #tpu.memory_space<hbm>>
    %dma_wait3A_555 = tpu.memref_squeeze %dma_wait3A_554 : memref<1x200x64xf32, #tpu.memory_space<hbm>> -> memref<200x64xf32, #tpu.memory_space<hbm>>
    %dma_wait3A_556 = tpu.memref_slice %arg11[%dma_wait3A_547] : memref<8x!tpu.dma_semaphore, #tpu.memory_space<semaphore_mem>> -> memref<1x!tpu.dma_semaphore, #tpu.memory_space<semaphore_mem>>
    %dma_wait3A_557 = tpu.memref_squeeze %dma_wait3A_556 : memref<1x!tpu.dma_semaphore, #tpu.memory_space<semaphore_mem>> -> memref<!tpu.dma_semaphore, #tpu.memory_space<semaphore_mem>>
    %dma_wait3A_558 = arith.constant 0 : i32
    %dma_wait3A_559 = arith.constant 0 : i32
    %dma_wait3A_560 = tpu.memref_slice %arg5[%add3A_545, %dma_wait3A_558, %dma_wait3A_559] : memref<4096x200x64xf32, #tpu.memory_space<hbm>> -> memref<1x200x64xf32, #tpu.memory_space<hbm>>
    %dma_wait3A_561 = tpu.memref_squeeze %dma_wait3A_560 : memref<1x200x64xf32, #tpu.memory_space<hbm>> -> memref<200x64xf32, #tpu.memory_space<hbm>>
    %dma_wait3A_562 = arith.constant 0 : i32
    %dma_wait3A_563 = arith.constant 0 : i32
    %dma_wait3A_564 = tpu.memref_slice %arg7[%dma_wait3A_546, %dma_wait3A_562, %dma_wait3A_563] : memref<8x200x64xf32, #tpu.memory_space<vmem>> -> memref<1x200x64xf32, #tpu.memory_space<vmem>>
    %dma_wait3A_565 = tpu.memref_squeeze %dma_wait3A_564 : memref<1x200x64xf32, #tpu.memory_space<vmem>> -> memref<200x64xf32, #tpu.memory_space<vmem>>
    tpu.wait_dma2 semaphore(%dma_wait3A_557 : memref<!tpu.dma_semaphore, #tpu.memory_space<semaphore_mem>>) src(%dma_wait3A_565 : memref<200x64xf32, #tpu.memory_space<vmem>>) dst(%dma_wait3A_561 : memref<200x64xf32, #tpu.memory_space<hbm>>)
    return
  }
}

</mosaic_0001>

<sc_bundles>
// kernel: kernel.3.cloned.1.call-start
scs
__scs_entry_jumppad:
0x0: {  	(pc) =	sbr.rel $0x88, $3  }
0x1: {  	(tag) =	ssettag $0x0;
	lr =	simm.s32 $0x1  }
0x2: {  	[smem:$0x3F9E] =	sst lr;
	_ =	strace $0xD0000000  }
0x3: {  	_ = 	snop  }
0x4: {  	_ = 	snop  }
0x5: {  	_ = 	snop  }
0x6: {  	_ = 	snop  }
0x7: {  	_ = 	snop  }
__scs_overlays_trampoline_lowered:
0x8: {  	[smem:$0x3FAD] =	sst s0  }
0x9: {  	[smem:$0x3FAE] =	sst s1  }
0xa: {  	[smem:$0x3FAF] =	sst s2  }
0xb: {  	[smem:$0x3FB0] =	sst s3  }
0xc: {  	[smem:$0x3FB1] =	sst s4  }
0xd: {  	[smem:$0x3FB2] =	sst s5  }
0xe: {  	[smem:$0x3FB3] =	sst s6  }
0xf: {  	[smem:$0x3FB4] =	sst s7  }
0x10: {  	[smem:$0x3FB5] =	sst s8  }
0x11: {  	[smem:$0x3FB6] =	sst s9;
	s0 =	simm.s32 @!p0 $0x0  }
0x12: {  	s1 =	sld [smem:$0x3F9C];
	s0 =	simm.s32 @p0 $0x1  }
0x13: {  	[smem:$0x3FB7] =	sst s0;
	s0 =	simm.s32 @!p1 $0x0  }
0x14: {  	s2 =	sld [smem:$0x3F9B];
	s0 =	simm.s32 @p1 $0x1  }
0x15: {  	[smem:$0x3FB8] =	sst s0;
	s0 =	simm.s32 @!p2 $0x0  }
0x16: {  	s3 =	sld [smem:$0x3FDB];
	s0 =	simm.s32 @p2 $0x1  }
0x17: {  	s4 =	simm.s32 $0x1BF5;
	[smem:$0x3FBA] =	sst s0  }
0x18: {  	s0 =	sld [smem:$0x3F9D];
	_ =	swait.ge [sflag:s4], $0x0  }
0x19: {  	s7 =	sld [smem:$0x3F9E]  }
0x1a: {  	s8 =	sadd.s32 $0xFFFFE003, lr  }
0x1b: {  	s9 =	sadd.s32 $0xFFFFFEF7, lr;
	s5 =	simm.s32 $0xFFFFFFFF;
	p2 =	slt.u32 s8, $0xFFFFF086  }
0x1c: {  	p1 =	slt.u32 s9, $0xF7A;
	s5 =	simm.s32 @!p2 $0x0  }
0x1d: {  	s5 =	simm.s32 @p1 $0x1;
	p0 =	seq.s32 s7, s2  }
0x1e: {  	s7 =	smul.u32 @!p0 $0xF7A, s2;
	p2 =	seq.s32 @!p0 s5, $0x0  }
0x1f: {  	s9 =	smul.u32 $0xF7A, s1;
	s8 =	simm.s32 @!p0 $0x1BF5;
	p2 =	por !p2, p0  }
0x20: {  	[sflag:s8] =	ssyncset.s32 @!p0 $0xFFFFF086;
	s6 =	sadd.s32 @!p0 s3, s7;
	s7 =	simm.s32 @!p0 $0x108  }
0x21: {  	s3 =	sadd.s32 s3, s9;
	s6 =	sadd.s32 @!p0 $0x88, s6;
	s7 =	simm.s32 @p2 $0x1082  }
0x22: {  	[simem:s7], [sflag:s8] =	dma.local @!p0 [hbm:s6], $0xF7A  }
0x23: {  	s9 =	sor.u32 $0xD0000000, s2;
	s6 =	simm.s32 $0x108;
	_ =	swait.ge @!p0 [sflag:s8], $0x0  }
0x24: {  	s3 =	sadd.s32 $0x88, s3;
	s6 =	simm.s32 @!p1 $0x1082;
	[sflag:s4] =	ssyncset.s32 $0xFFFFF086  }
0x25: {  	[simem:s6], [sflag:s4] =	dma.local [hbm:s3], $0xF7A  }
0x26: {  	[smem:$0x3F9E] =	sst s1;
	(tag) =	ssettag s2;
	_ =	strace s9  }
0x27: {  	s1 =	sld [smem:$0x3FAE]  }
0x28: {  	s2 =	sld [smem:$0x3FAF]  }
0x29: {  	s4 =	sld [smem:$0x3FB1]  }
0x2a: {  	p0 =	seq.s32 s5, $0x0;
	s5 =	sld [smem:$0x3FB2]  }
0x2b: {  	s6 =	sld [smem:$0x3FB3]  }
0x2c: {  	s7 =	sld [smem:$0x3FB4]  }
0x2d: {  	s3 =	simm.s32 $0x108;
	s8 =	sld [smem:$0x3FB5]  }
0x2e: {  	s3 =	simm.s32 @!p0 $0x1082;
	s9 =	sld [smem:$0x3FB6]  }
0x2f: {  	lr =	sadd.s32 s0, s3;
	s0 =	sld [smem:$0x3FAD]  }
0x30: {  	s3 =	sld [smem:$0x3FB0]  }
0x31: {  	[smem:$0x3FB9] =	sst s10  }
0x32: {  	s10 =	sld [smem:$0x3FB7];
	_ =	sdelay $0x3  }
0x33: {  	p0 =	seq.s32 s10, $0x1;
	s10 =	sld [smem:$0x3FB9];
	_ =	sdelay $0x3  }
0x34: {  	[smem:$0x3FB9] =	sst s10  }
0x35: {  	s10 =	sld [smem:$0x3FB8];
	_ =	sdelay $0x3  }
0x36: {  	p1 =	seq.s32 s10, $0x1;
	s10 =	sld [smem:$0x3FB9];
	_ =	sdelay $0x3  }
0x37: {  	[smem:$0x3FB9] =	sst s10  }
0x38: {  	s10 =	sld [smem:$0x3FBA]  }
0x39: {  	_ = 	snop;
	(pc) =	sbr.ind lr, $3  }
0x3a: {  	_ = 	snop  }
0x3b: {  	_ = 	snop  }
0x3c: {  	p2 =	seq.s32 s10, $0x1;
	s10 =	sld [smem:$0x3FB9]  }
0x3d: {  	_ =	shalt  }
0x3e: {  	_ =	shalt  }
0x3f: {  	_ =	shalt  }
0x40: {  	_ =	shalt  }
0x41: {  	_ =	shalt  }
0x42: {  	_ =	shalt  }
0x43: {  	_ =	shalt  }
0x44: {  	_ =	shalt  }
0x45: {  	_ =	shalt  }
0x46: {  	_ =	shalt  }
0x47: {  	_ =	shalt  }
0x48: {  	_ =	shalt  }
0x49: {  	_ =	shalt  }
0x4a: {  	_ =	shalt  }
0x4b: {  	_ =	shalt  }
0x4c: {  	_ =	shalt  }
0x4d: {  	_ =	shalt  }
0x4e: {  	_ =	shalt  }
0x4f: {  	_ =	shalt  }
0x50: {  	_ =	shalt  }
0x51: {  	_ =	shalt  }
0x52: {  	_ =	shalt  }
0x53: {  	_ =	shalt  }
0x54: {  	_ =	shalt  }
0x55: {  	_ =	shalt  }
0x56: {  	_ =	shalt  }
0x57: {  	_ =	shalt  }
0x58: {  	_ =	shalt  }
0x59: {  	_ =	shalt  }
0x5a: {  	_ =	shalt  }
0x5b: {  	_ =	shalt  }
0x5c: {  	_ =	shalt  }
0x5d: {  	_ =	shalt  }
0x5e: {  	_ =	shalt  }
0x5f: {  	_ =	shalt  }
0x60: {  	_ =	shalt  }
0x61: {  	_ =	shalt  }
0x62: {  	_ =	shalt  }
0x63: {  	_ =	shalt  }
0x64: {  	_ =	shalt  }
0x65: {  	_ =	shalt  }
0x66: {  	_ =	shalt  }
0x67: {  	_ =	shalt  }
0x68: {  	_ =	shalt  }
0x69: {  	_ =	shalt  }
0x6a: {  	_ =	shalt  }
0x6b: {  	_ =	shalt  }
0x6c: {  	_ =	shalt  }
0x6d: {  	_ =	shalt  }
0x6e: {  	_ =	shalt  }
0x6f: {  	_ =	shalt  }
0x70: {  	_ =	shalt  }
0x71: {  	_ =	shalt  }
0x72: {  	_ =	shalt  }
0x73: {  	_ =	shalt  }
0x74: {  	_ =	shalt  }
0x75: {  	_ =	shalt  }
0x76: {  	_ =	shalt  }
0x77: {  	_ =	shalt  }
0x78: {  	_ =	shalt  }
0x79: {  	_ =	shalt  }
0x7a: {  	_ =	shalt  }
0x7b: {  	_ =	shalt  }
0x7c: {  	_ =	shalt  }
0x7d: {  	_ =	shalt  }
0x7e: {  	_ =	shalt  }
0x7f: {  	_ =	shalt  }
0x80: {  	_ =	shalt  }
0x81: {  	_ =	shalt  }
0x82: {  	_ =	shalt  }
0x83: {  	_ =	shalt  }
0x84: {  	_ =	shalt  }
0x85: {  	_ =	shalt  }
0x86: {  	_ =	shalt  }
0x87: {  	_ =	shalt  }
.Lfunc_end0:
.L_simem_size_0:
called_computation.1_lowered:
.L_overlay_start_0:
0x88: {  	s2 =	sld [smem:$0x3FD9]  }
0x89: {  	s3 =	sld [smem:$0x3FFE];
	_ =	sdelay $0x1  }
0x8a: {  	s1 =	srdreg.scid  }
0x8b: {  	s0 =	sand.u32 $0x1, s1  }
0x8c: {  	s17 =	sshll.u32 s0, $0xA;
	s2 =	sadd.s32 s3, s2  }
0x8d: {  	s2 =	sadd.s32 s2, s17  }
0x8e: {  	[smem:$0x3FC5] =	sst s2  }
0x8f: {  	_ = 	snop  }
0x90: {  	s2 =	sld [smem:$0x3FD0];
	(tm) =	ssettm $0x1  }
0x91: {  	s18 =	sld [smem:$0x3FFB];
	_ =	sdelay $0x3  }
0x92: {  	_ =	strace s18  }
0x93: {  	s3 =	sld [smem:$0x3FFC];
	_ =	sdelay $0x3  }
0x94: {  	_ =	strace s3  }
0x95: {  	s3 =	sld [smem:$0x3FFD];
	_ =	sdelay $0x3  }
0x96: {  	_ =	strace s3  }
0x97: {  	_ =	strace $0x8FFFFFFF  }
0x98: {  	s19 =	sld [smem:$0x3FDB];
	_ =	sdelay $0x1  }
0x99: {  	s4 =	simm.s32 $_scs_section_size  }
0x9a: {  	s5 =	simm.s32 $_size__tile_overlayer_lowered;
	s6 =	simm.s32 $_tile_overlayer_lowered  }
0x9b: {  	s22 =	simm.s32 $0x1BFF;
	s21 =	sshll.u32 s6, $0x1;
	s3 =	sadd.s32 s4, s19  }
0x9c: {  	s7 =	simm.s32 $0x0;
	s20 =	sshll.u32 s5, $0x1;
	s5 =	sadd.s32 s21, s3  }
0x9d: {  	[timem:s7], [sflag:s22] =	dma.local [hbm:s5], s20  }
0x9e: {  	_ =	swait.ge [sflag:s22], s20  }
0x9f: {  	s4 =	ssub.s32 $0x0, s20;
	[sflag:s22] =	ssyncset.done $0x0  }
0xa0: {  	[sflag:s22] =	ssyncadd.s32 s4;
	_ =	sdelay $0x1  }
0xa1: {  	s23 =	simm.s32 $0x1B8B  }
0xa2: {  	_ =	swait.ge [sflag:s23], $0x1  }
0xa3: {  	[sflag:s23] =	ssyncset.done $0x0  }
0xa4: {  	s25 =	simm.s32 $0x1B8E;
	s24 =	sld [smem:$0x3FFE];
	[sflag:s23] =	ssyncadd.s32 $0xFFFFFFFF  }
0xa5: {  	s26 =	simm.s32 $execute0_lowered;
	[smem:$0x3FD2] =	sst s25  }
0xa6: {  	s5 =	sshll.u32 s26, $0x1;
	_ =	strace $0x80000046;
	[dreg:$0x1] =	wrdreg $0xFFFFFFFF  }
0xa7: {  	s28 =	simm.s32 $_size_execute0_lowered;
	s3 =	sadd.s32 s3, s5;
	[dreg:$0x0] =	wrdreg $0x0  }
0xa8: {  	s5 =	sshll.u32 s28, $0x1;
	[dreg:$0x2] =	wrdreg s3  }
0xa9: {  	[dreg:$0x3] =	wrdreg s5  }
0xaa: {  	[dreg:$0x4] =	wrdreg $0xC0  }
0xab: {  	_ =	task [dreg:s7], $0x5FFFF  }
0xac: {  	[dreg:$0x1] =	wrdreg $0xFFFFFFFF  }
0xad: {  	[dreg:$0x0] =	wrdreg $0x60  }
0xae: {  	[dreg:$0x2] =	wrdreg s24  }
0xaf: {  	[dreg:$0x3] =	wrdreg s2  }
0xb0: {  	[dreg:$0x4] =	wrdreg $0x9  }
0xb1: {  	_ =	task.clear_ibuf [dreg:s7], $0x5FFFF;
	_ =	strace $0x90000046  }
0xb2: {  	s29 =	simm.s32 $0x9;
	_ =	strace $0x80000048  }
0xb3: {  	_ =	swait.ge [sflag:s29], $0x1  }
0xb4: {  	[sflag:s29] =	ssyncadd.s32 $0xFFFFFFFF  }
0xb5: {  	_ =	strace $0x90000048  }
0xb6: {  	_ =	sfence  }
0xb7: {  	s30 =	sld [smem:$0x0];
	_ =	sdelay $0x2  }
0xb8: {  	s31 =	sshll.u32 s1, $0xD;
	s1 =	sshrl.u32 s1, $0x2  }
0xb9: {  	s3 =	sand.u32 $0x4000, s31;
	s1 =	sadd.s32 s1, s30  }
0xba: {  	s0 =	sor.u32 s3, s0;
	s1 =	sshll.u32 s1, $0x11  }
0xbb: {  	s0 =	sor.u32 s1, s0  }
0xbc: {  	s0 =	sadd.s32 $0x8F2B, s0  }
0xbd: {  	[sflag:s0] =	ssyncadd.remote.s32 $0x1  }
0xbe: {  	_ =	sfence.sel $0xFFFF  }
0xbf: {  	[dreg:$0x0] =	wrdreg $0xFFFFFFFF;
	(pc) =	sbr.abs _section_cstart, $3  }
0xc0: {  	[dreg:$0x1] =	wrdreg $0xFFFFFFFF  }
0xc1: {  	_ =	task.clear_ibuf [dreg:s7], $0x2FFFF;
	_ =	strace $0x9FFFFFFF  }
0xc2: {  	(tm) =	ssettm $0x7FFFFFFF  }
0xc3: {  	_ =	shalt  }
tec
execute0_lowered:
.L_overlay_start_1:
0x0: {  	(tag) =	ssettag $0x1  }
0x1: {  	s0 =	rddreg [dreg:$0x0]  }
0x2: {  	s2 =	rddreg [dreg:$0x1]  }
0x3: {  	s1 =	srdreg.scid;
	s4 =	stileid.u32  }
0x4: {  	s3 =	simm.s32 $0x0;
	s1 =	sand.u32 $0x1, s1;
	s4 =	sshll.u32 s4, $0x1  }
0x5: {  	[smem:$0x7FF] =	sst s3;
	s5 =	sadd.s32 $0xE00, s0;
	s6 =	sor.u32 s1, s4  }
0x6: {  	s4 =	sadd.s32 $0xF43200, s0;
	s0 =	sadd.s32 $0x19E00, s0;
	s7 =	sshll.u32 s6, $0x7  }
0x7: {  	_ =	strace $0x80000047;
	[dreg:$0x3] =	wrdreg s0;
	s23 =	sor.u32 $0x8, s7  }
0x8: {  	s24 =	sor.u32 $0x9, s7;
	[dreg:$0x14] =	wrdreg s23  }
0x9: {  	s25 =	sor.u32 $0xA, s7;
	[dreg:$0x16] =	wrdreg s24  }
0xa: {  	s1 =	ssub.s32 $0x2, s1;
	s26 =	sor.u32 $0xB, s7;
	[dreg:$0x17] =	wrdreg s25  }
0xb: {  	s8 =	smul.u32 $0x6400, s6;
	s28 =	sor.u32 $0xC, s7;
	[dreg:$0x18] =	wrdreg s26  }
0xc: {  	s30 =	sshrl.u32 s1, $0x1;
	s29 =	sor.u32 $0xD, s7;
	[dreg:$0x19] =	wrdreg s28  }
0xd: {  	s0 =	ssub.s32 s1, s30;
	s30 =	sor.u32 $0xE, s7;
	[dreg:$0x1a] =	wrdreg s29  }
0xe: {  	s9 =	sshrl.u32 s8, $0x3;
	s0 =	smax.u32 s0, $0x1;
	[dreg:$0x1b] =	wrdreg s30  }
0xf: {  	s9 =	sadd.s32 s5, s9;
	[dreg:$0x15] =	wrdreg s0  }
0x10: {  	s31 =	sadd.s32 $0x10, s9;
	[dreg:$0x4] =	wrdreg s9  }
0x11: {  	s6 =	sadd.s32 $0x19, s9;
	[dreg:$0x5] =	wrdreg s31  }
0x12: {  	s16 =	sadd.s32 $0x468, s8;
	s10 =	sadd.s32 $0x29, s9;
	[dreg:$0x6] =	wrdreg s6  }
0x13: {  	s19 =	sadd.s32 $0x5F8, s8;
	s11 =	sadd.s32 $0x32, s9;
	[dreg:$0x7] =	wrdreg s10  }
0x14: {  	s20 =	sadd.s32 $0x578, s8;
	s12 =	sadd.s32 $0x42, s9;
	[dreg:$0x8] =	wrdreg s11  }
0x15: {  	s25 =	simm.s32 $0x48;
	s13 =	sadd.s32 $0x4B, s9;
	[dreg:$0x9] =	wrdreg s12  }
0x16: {  	s23 =	simm.s32 $0xD;
	s14 =	sadd.s32 $0x5B, s9;
	[dreg:$0xa] =	wrdreg s13  }
0x17: {  	s24 =	simm.s32 $0x16600;
	s15 =	sadd.s32 $0x64, s9;
	[dreg:$0xb] =	wrdreg s14  }
0x18: {  	s26 =	simm.s32 $0xE;
	s17 =	sadd.s32 $0x74, s9;
	[dreg:$0xc] =	wrdreg s15  }
0x19: {  	s1 =	sshrl.u32 s16, $0x3;
	s18 =	sadd.s32 $0x7D, s9;
	[dreg:$0xd] =	wrdreg s17  }
0x1a: {  	s8 =	simm.s32 $0x0;
	s1 =	sadd.s32 s5, s1;
	[dreg:$0xe] =	wrdreg s18  }
0x1b: {  	s16 =	simm.s32 $0x5;
	s21 =	sadd.s32 $0x96, s9;
	[dreg:$0xf] =	wrdreg s1  }
0x1c: {  	s22 =	sadd.s32 $0xA6, s9;
	s9 =	simm.s32 $0x80;
	[dreg:$0x10] =	wrdreg s21  }
0x1d: {  	s6 =	sshrl.u32 s20, $0x3;
	s1 =	sshrl.u32 s19, $0x3;
	[dreg:$0x11] =	wrdreg s22  }
0x1e: {  	s31 =	sor.u32 $0xF, s7;
	s22 =	simm.s32 $0x3;
	s12 =	simm.s32 $0x9  }
0x1f: {  	s13 =	simm.s32 $0x4;
	s15 =	simm.s32 $0xA;
	s17 =	simm.s32 $0xD000  }
0x20: {  	s18 =	simm.s32 $0xB;
	s19 =	simm.s32 $0x6;
	s10 =	simm.s32 $0x10200  }
0x21: {  	s11 =	simm.s32 $0xC;
	s6 =	sadd.s32 s5, s6;
	[dreg:$0x1c] =	wrdreg s31  }
0x22: {  	s20 =	simm.s32 $0x7;
	s1 =	sadd.s32 s5, s1;
	[dreg:$0x12] =	wrdreg s6  }
0x23: {  	s21 =	simm.s32 $0x13400;
	[dreg:$0x13] =	wrdreg s1;
	s6 =	simm.s32 $0x8  }
.LBB2_1:
0x24: {  	s0 =	rddreg [dreg:$0x3];
	s1 =	simm.s32 $0x19800  }
0x25: {  	[tilespmem:s1], [sflag:$0x19] =	stream.linear.gather [hbm4b:s0+s3], $0x3200, $0x38;
	[tilespmem:$0x1CA00] =	vst v63  }
0x26: {  	[dreg:$0x1d] =	wrdreg s8;
	s1 =	simm.s32 $0x19  }
0x27: {  	_ =	swait.ge [sflag:s1], $0x3200  }
0x28: {  	[sflag:s1] =	ssyncset.done $0x0  }
0x29: {  	s8 =	rddreg [dreg:$0x4];
	[sflag:s1] =	ssyncadd.s32 $0xFFFFCE00  }
0x2a: {  	[tilespmem:s3], [sflag:$0x1] =	stream.linear.gather [hbm4b:s8+s3], $0x80, $0x38;
	[tilespmem:$0x1CA00] =	vst v63  }
0x2b: {  	s14 =	rddreg [dreg:$0x5]  }
0x2c: {  	[tilespmem:s9], [sflag:$0x1] =	stream.linear.gather [hbm4b:s14+s3], $0x48, $0x38;
	[tilespmem:$0x1CA00] =	vst v63  }
0x2d: {  	s29 =	rddreg [dreg:$0x6];
	s1 =	simm.s32 $0x100  }
0x2e: {  	[tilespmem:s1], [sflag:$0x2] =	stream.linear.gather [hbm4b:s29+s3], $0x80, $0x38;
	[tilespmem:$0x1CA00] =	vst v63  }
0x2f: {  	s30 =	rddreg [dreg:$0x7];
	s8 =	simm.s32 $0x180  }
0x30: {  	[tilespmem:s8], [sflag:$0x2] =	stream.linear.gather [hbm4b:s30+s3], $0x48, $0x38;
	[tilespmem:$0x1CA00] =	vst v63  }
0x31: {  	s31 =	rddreg [dreg:$0x8];
	s14 =	simm.s32 $0x200  }
0x32: {  	[tilespmem:s14], [sflag:$0x3] =	stream.linear.gather [hbm4b:s31+s3], $0x80, $0x38;
	[tilespmem:$0x1CA00] =	vst v63  }
0x33: {  	s29 =	simm.s32 $0x280;
	s14 =	rddreg [dreg:$0x9]  }
0x34: {  	[tilespmem:s29], [sflag:$0x3] =	stream.linear.gather [hbm4b:s14+s3], $0x48, $0x38;
	[tilespmem:$0x1CA00] =	vst v63  }
0x35: {  	s30 =	rddreg [dreg:$0xa];
	s31 =	simm.s32 $0x300  }
0x36: {  	[tilespmem:s31], [sflag:$0x4] =	stream.linear.gather [hbm4b:s30+s3], $0x80, $0x38;
	[tilespmem:$0x1CA00] =	vst v63  }
0x37: {  	s14 =	rddreg [dreg:$0xb];
	s29 =	simm.s32 $0x380  }
0x38: {  	[tilespmem:s29], [sflag:$0x4] =	stream.linear.gather [hbm4b:s14+s3], $0x48, $0x38;
	[tilespmem:$0x1CA00] =	vst v63  }
0x39: {  	s30 =	rddreg [dreg:$0xc];
	s31 =	simm.s32 $0x400  }
0x3a: {  	[tilespmem:s31], [sflag:$0x5] =	stream.linear.gather [hbm4b:s30+s3], $0x80, $0x38;
	[tilespmem:$0x1CA00] =	vst v63  }
0x3b: {  	s14 =	rddreg [dreg:$0xd];
	s29 =	simm.s32 $0x480  }
0x3c: {  	[tilespmem:s29], [sflag:$0x5] =	stream.linear.gather [hbm4b:s14+s3], $0x48, $0x38;
	[tilespmem:$0x1CA00] =	vst v63  }
0x3d: {  	s30 =	rddreg [dreg:$0xe];
	s31 =	simm.s32 $0x500  }
0x3e: {  	[tilespmem:s31], [sflag:$0x6] =	stream.linear.gather [hbm4b:s30+s3], $0x80, $0x38;
	[tilespmem:$0x1CA00] =	vst v63  }
0x3f: {  	s14 =	rddreg [dreg:$0xf];
	s29 =	simm.s32 $0x580  }
0x40: {  	[tilespmem:s29], [sflag:$0x6] =	stream.linear.gather [hbm4b:s14+s3], $0x48, $0x38;
	[tilespmem:$0x1CA00] =	vst v63  }
0x41: {  	s30 =	rddreg [dreg:$0x10];
	s31 =	simm.s32 $0x600  }
0x42: {  	[tilespmem:s31], [sflag:$0x7] =	stream.linear.gather [hbm4b:s30+s3], $0x80, $0x38;
	[tilespmem:$0x1CA00] =	vst v63  }
0x43: {  	s14 =	rddreg [dreg:$0x11];
	s29 =	simm.s32 $0x680  }
0x44: {  	[tilespmem:s29], [sflag:$0x7] =	stream.linear.gather [hbm4b:s14+s3], $0x48, $0x38;
	[tilespmem:$0x1CA00] =	vst v63  }
0x45: {  	s30 =	rddreg [dreg:$0x12];
	s31 =	simm.s32 $0x700  }
0x46: {  	[tilespmem:s31], [sflag:$0x8] =	stream.linear.gather [hbm4b:s30+s3], $0x80, $0x38;
	[tilespmem:$0x1CA00] =	vst v63  }
0x47: {  	s14 =	rddreg [dreg:$0x13];
	s29 =	simm.s32 $0x780;
	s30 =	simm.s32 $0x1  }
0x48: {  	[tilespmem:s29], [sflag:$0x8] =	stream.linear.gather [hbm4b:s14+s3], $0x48, $0x38;
	[tilespmem:$0x1CA00] =	vst v63  }
0x49: {  	_ =	swait.ge [sflag:s30], $0x80  }
0x4a: {  	[sflag:s30] =	ssyncset.done $0x0  }
0x4b: {  	[sflag:s30] =	ssyncadd.s32 $0xFFFFFF80  }
0x4c: {  	_ =	swait.ge [sflag:s30], $0x48  }
0x4d: {  	[sflag:s30] =	ssyncset.done $0x0  }
0x4e: {  	s31 =	simm.s32 $0x800;
	[sflag:s30] =	ssyncadd.s32 $0xFFFFFFB8  }
0x4f: {  	[tilespmem:s31], [sflag:$0x9] =	stream.indirect.gather [hbm4b:s4+s9], $0x40, s3, s9, $0xb8;
	[tilespmem:$0x1CA00] =	vst v63  }
0x50: {  	s14 =	simm.s32 $0x2800;
	s29 =	simm.s32 $0x2  }
0x51: {  	[tilespmem:s14], [sflag:$0x9] =	stream.indirect.gather [hbm4b:s4+s25], $0x40, s9, s25, $0xb8;
	[tilespmem:$0x1CA00] =	vst v63  }
0x52: {  	_ =	swait.ge [sflag:s29], $0x80  }
0x53: {  	[sflag:s29] =	ssyncset.done $0x0  }
0x54: {  	[sflag:s29] =	ssyncadd.s32 $0xFFFFFF80  }
0x55: {  	_ =	swait.ge [sflag:s29], $0x48  }
0x56: {  	[sflag:s29] =	ssyncset.done $0x0  }
0x57: {  	s30 =	simm.s32 $0x3A00;
	[sflag:s29] =	ssyncadd.s32 $0xFFFFFFB8  }
0x58: {  	[tilespmem:s30], [sflag:$0xA] =	stream.indirect.gather [hbm4b:s4+s9], $0x40, s1, s9, $0xb8;
	[tilespmem:$0x1CA00] =	vst v63  }
0x59: {  	s28 =	simm.s32 $0x0;
	s31 =	simm.s32 $0x5A00  }
0x5a: {  	[tilespmem:s31], [sflag:$0xA] =	stream.indirect.gather [hbm4b:s4+s25], $0x40, s8, s25, $0xb8;
	[tilespmem:$0x1CA00] =	vst v63  }
.LBB2_2:
0x5b: {  	_ =	swait.ge [sflag:s22], $0x80  }
0x5c: {  	[sflag:s22] =	ssyncset.done $0x0  }
0x5d: {  	[sflag:s22] =	ssyncadd.s32 $0xFFFFFF80  }
0x5e: {  	_ =	swait.ge [sflag:s22], $0x48  }
0x5f: {  	p1 =	seq.s32 s28, $0x0;
	[sflag:s22] =	ssyncset.done $0x0  }
0x60: {  	s0 =	simm.s32 @!p1 $0x13;
	[sflag:s22] =	ssyncadd.s32 $0xFFFFFFB8  }
0x61: {  	_ =	swait.ge @!p1 [sflag:s0], $0x3200  }
0x62: {  	[sflag:s0] =	ssyncset.done @!p1 $0x0  }
0x63: {  	s8 =	simm.s32 $0x200;
	s1 =	simm.s32 $0x6C00;
	[sflag:s0] =	ssyncadd.s32 @!p1 $0xFFFFCE00  }
0x64: {  	[tilespmem:s1], [sflag:$0xB] =	stream.indirect.gather [hbm4b:s4+s9], $0x40, s8, s9, $0xb8;
	[tilespmem:$0x1CA00] =	vst v63  }
0x65: {  	s14 =	simm.s32 $0x280;
	s31 =	simm.s32 $0x8C00  }
0x66: {  	[tilespmem:s31], [sflag:$0xB] =	stream.indirect.gather [hbm4b:s4+s25], $0x40, s14, s25, $0xb8;
	[tilespmem:$0x1CA00] =	vst v63  }
0x67: {  	_ =	swait.ge [sflag:s12], $0x2000  }
0x68: {  	s29 =	sshll.u32 s28, $0x3;
	p0 =	seq.s32 s28, $0xF;
	s0 =	rddreg [dreg:$0x14]  }
0x69: {  	[sflag:s12] =	ssyncset.done $0x0;
	s0 =	sadd.s32 @!p0 s29, s0  }
0x6a: {  	[sflag:s12] =	ssyncadd.s32 $0xFFFFE000;
	s0 =	smul.u32 @!p0 $0xC8, s0  }
0x6b: {  	_ =	swait.ge [sflag:s12], $0x1200  }
0x6c: {  	[sflag:s12] =	ssyncset.done $0x0;
	s0 =	sshrl.u32 @!p0 s0, $0x3  }
0x6d: {  	s1 =	simm.s32 @!p0 $0x0;
	[sflag:s12] =	ssyncadd.s32 $0xFFFFEE00;
	s0 =	sadd.s32 @!p0 s5, s0  }
0x6e: {  	[tilespmem:s1], [sflag:$0x1] =	stream.linear.gather @!p0 [hbm4b:s0+s1], $0x80, $0x38;
	[tilespmem:$0x1CA00] =	vst v63  }
0x6f: {  	s8 =	simm.s32 @!p0 $0x80;
	s0 =	sadd.s32 @!p0 $0x10, s0  }
0x70: {  	[tilespmem:s8], [sflag:$0x1] =	stream.linear.gather @!p0 [hbm4b:s0+s1], $0x48, $0x38;
	[tilespmem:$0x1CA00] =	vst v63  }
0x71: {  	s30 =	sor.u32 $0x2, s29;
	s0 =	simm.s32 $0x0;
	s1 =	simm.s32 $0x400  }
.LBB2_3:
0x72: {  	p2 =	sne.s32 s1, $0xC400;
	v0 =	vld [tilespmem:s0+$0x198F0]  }
0x73: {  	v1 =	vld [tilespmem:s0+$0x19800]  }
0x74: {  	v2 =	vld [tilespmem:s0+$0x19810]  }
0x75: {  	v3 =	vld [tilespmem:s0+$0x19820]  }
0x76: {  	v4 =	vld [tilespmem:s0+$0x19830]  }
0x77: {  	[tilespmem:s0+$0x8F0] =	vst.add.f32.msk $0xffff, v0  }
0x78: {  	v0 =	vld [tilespmem:s0+$0x19840]  }
0x79: {  	v5 =	vld [tilespmem:s0+$0x19850]  }
0x7a: {  	v6 =	vld [tilespmem:s0+$0x19860]  }
0x7b: {  	v7 =	vld [tilespmem:s0+$0x19870]  }
0x7c: {  	v8 =	vld [tilespmem:s0+$0x19880]  }
0x7d: {  	v9 =	vld [tilespmem:s0+$0x19890]  }
0x7e: {  	v10 =	vld [tilespmem:s0+$0x198A0]  }
0x7f: {  	v11 =	vld [tilespmem:s0+$0x198B0]  }
0x80: {  	v12 =	vld [tilespmem:s0+$0x198C0]  }
0x81: {  	v13 =	vld [tilespmem:s0+$0x198D0]  }
0x82: {  	v14 =	vld [tilespmem:s0+$0x198E0]  }
0x83: {  	[tilespmem:s0+$0x800] =	vst.add.f32.msk $0xffff, v1  }
0x84: {  	[tilespmem:s0+$0x810] =	vst.add.f32.msk $0xffff, v2  }
0x85: {  	[tilespmem:s0+$0x820] =	vst.add.f32.msk $0xffff, v3  }
0x86: {  	[tilespmem:s0+$0x830] =	vst.add.f32.msk $0xffff, v4  }
0x87: {  	[tilespmem:s0+$0x840] =	vst.add.f32.msk $0xffff, v0  }
0x88: {  	[tilespmem:s0+$0x850] =	vst.add.f32.msk $0xffff, v5  }
0x89: {  	[tilespmem:s0+$0x860] =	vst.add.f32.msk $0xffff, v6  }
0x8a: {  	[tilespmem:s0+$0x870] =	vst.add.f32.msk $0xffff, v7  }
0x8b: {  	[tilespmem:s0+$0x880] =	vst.add.f32.msk $0xffff, v8  }
0x8c: {  	[tilespmem:s0+$0x890] =	vst.add.f32.msk $0xffff, v9  }
.Ltmp0:
0x8d: {  	[tilespmem:s0+$0x8A0] =	vst.add.f32.msk $0xffff, v10;
	(pc) =	sbr.rel @p2 .LBB2_3-.Ltmp0, $4  }
0x8e: {  	[tilespmem:s0+$0x8B0] =	vst.add.f32.msk $0xffff, v11  }
0x8f: {  	[tilespmem:s0+$0x8C0] =	vst.add.f32.msk $0xffff, v12  }
0x90: {  	[tilespmem:s0+$0x8D0] =	vst.add.f32.msk $0xffff, v13  }
0x91: {  	[tilespmem:s0+$0x8E0] =	vst.add.f32.msk $0xffff, v14;
	s0 =	sshra.s32 s1, $0x2;
	s1 =	sadd.s32 $0x400, s1  }
0x92: {  	v0 =	vld [tilespmem:s0+$0x198F0]  }
0x93: {  	v1 =	vld [tilespmem:s0+$0x19800]  }
0x94: {  	v2 =	vld [tilespmem:s0+$0x19810]  }
0x95: {  	v3 =	vld [tilespmem:s0+$0x19820]  }
0x96: {  	v4 =	vld [tilespmem:s0+$0x19830]  }
0x97: {  	v63 =	vld [tilespmem:s0+$0x19840]  }
0x98: {  	v5 =	vld [tilespmem:s0+$0x19850]  }
0x99: {  	v6 =	vld [tilespmem:s0+$0x19860]  }
0x9a: {  	v7 =	vld [tilespmem:s0+$0x19870]  }
0x9b: {  	v8 =	vld [tilespmem:s0+$0x19880]  }
0x9c: {  	v9 =	vld [tilespmem:s0+$0x19890]  }
0x9d: {  	v10 =	vld [tilespmem:s0+$0x198A0]  }
0x9e: {  	v11 =	vld [tilespmem:s0+$0x198B0]  }
0x9f: {  	v12 =	vld [tilespmem:s0+$0x198C0]  }
0xa0: {  	v13 =	vld [tilespmem:s0+$0x198D0]  }
0xa1: {  	v14 =	vld [tilespmem:s0+$0x198E0]  }
0xa2: {  	[tilespmem:s0+$0x8F0] =	vst.add.f32.msk $0xffff, v0  }
0xa3: {  	[tilespmem:s0+$0x800] =	vst.add.f32.msk $0xffff, v1  }
0xa4: {  	[tilespmem:s0+$0x810] =	vst.add.f32.msk $0xffff, v2  }
0xa5: {  	[tilespmem:s0+$0x820] =	vst.add.f32.msk $0xffff, v3  }
0xa6: {  	[tilespmem:s0+$0x830] =	vst.add.f32.msk $0xffff, v4  }
0xa7: {  	[tilespmem:s0+$0x840] =	vst.add.f32.msk $0xffff, v63  }
0xa8: {  	[tilespmem:s0+$0x850] =	vst.add.f32.msk $0xffff, v5  }
0xa9: {  	[tilespmem:s0+$0x860] =	vst.add.f32.msk $0xffff, v6  }
0xaa: {  	[tilespmem:s0+$0x870] =	vst.add.f32.msk $0xffff, v7  }
0xab: {  	[tilespmem:s0+$0x880] =	vst.add.f32.msk $0xffff, v8  }
0xac: {  	[tilespmem:s0+$0x890] =	vst.add.f32.msk $0xffff, v9  }
0xad: {  	[tilespmem:s0+$0x8A0] =	vst.add.f32.msk $0xffff, v10  }
0xae: {  	s1 =	sadd.s32 s7, s29;
	[tilespmem:s0+$0x8B0] =	vst.add.f32.msk $0xffff, v11  }
0xaf: {  	s1 =	smul.u32 $0x640, s1;
	[tilespmem:s0+$0x8C0] =	vst.add.f32.msk $0xffff, v12  }
0xb0: {  	[tilespmem:s0+$0x8D0] =	vst.add.f32.msk $0xffff, v13  }
0xb1: {  	s14 =	simm.s32 $0x800;
	s8 =	sadd.s32 s2, s1;
	[tilespmem:s0+$0x8E0] =	vst.add.f32.msk $0xffff, v14  }
0xb2: {  	[hbm4b:s8+s3] =	stream.linear.scatter [tilespmem:s14], [sflag:$0x11], $0x3200, $0x38;
	[tilespmem:$0x1CA00] =	vst v63  }
0xb3: {  	_ =	swait.ge [sflag:s13], $0x80  }
0xb4: {  	[sflag:s13] =	ssyncset.done $0x0  }
0xb5: {  	[sflag:s13] =	ssyncadd.s32 $0xFFFFFF80  }
0xb6: {  	_ =	swait.ge [sflag:s13], $0x48  }
0xb7: {  	[sflag:s13] =	ssyncset.done $0x0  }
0xb8: {  	s0 =	simm.s32 @!p1 $0x14;
	[sflag:s13] =	ssyncadd.s32 $0xFFFFFFB8  }
0xb9: {  	_ =	swait.ge @!p1 [sflag:s0], $0x3200  }
0xba: {  	[sflag:s0] =	ssyncset.done @!p1 $0x0  }
0xbb: {  	s8 =	simm.s32 $0x300;
	s14 =	simm.s32 $0x9E00;
	[sflag:s0] =	ssyncadd.s32 @!p1 $0xFFFFCE00  }
0xbc: {  	[tilespmem:s14], [sflag:$0xC] =	stream.indirect.gather [hbm4b:s4+s9], $0x40, s8, s9, $0xb8;
	[tilespmem:$0x1CA00] =	vst v63  }
0xbd: {  	s8 =	simm.s32 $0x380;
	s14 =	simm.s32 $0xBE00  }
0xbe: {  	[tilespmem:s14], [sflag:$0xC] =	stream.indirect.gather [hbm4b:s4+s25], $0x40, s8, s25, $0xb8;
	[tilespmem:$0x1CA00] =	vst v63  }
0xbf: {  	_ =	swait.ge [sflag:s15], $0x2000  }
0xc0: {  	s0 =	rddreg [dreg:$0x16]  }
0xc1: {  	[sflag:s15] =	ssyncset.done $0x0;
	s0 =	sadd.s32 @!p0 s29, s0  }
0xc2: {  	[sflag:s15] =	ssyncadd.s32 $0xFFFFE000;
	s0 =	smul.u32 @!p0 $0xC8, s0  }
0xc3: {  	_ =	swait.ge [sflag:s15], $0x1200  }
0xc4: {  	s1 =	simm.s32 @!p0 $0x0;
	[sflag:s15] =	ssyncset.done $0x0;
	s0 =	sshrl.u32 @!p0 s0, $0x3  }
0xc5: {  	s8 =	simm.s32 @!p0 $0x100;
	[sflag:s15] =	ssyncadd.s32 $0xFFFFEE00;
	s0 =	sadd.s32 @!p0 s5, s0  }
0xc6: {  	[tilespmem:s8], [sflag:$0x2] =	stream.linear.gather @!p0 [hbm4b:s0+s1], $0x80, $0x38;
	[tilespmem:$0x1CA00] =	vst v63  }
0xc7: {  	s31 =	sor.u32 $0x3, s29;
	s0 =	sadd.s32 @!p0 $0x10, s0;
	s8 =	simm.s32 @!p0 $0x180  }
0xc8: {  	[tilespmem:s8], [sflag:$0x2] =	stream.linear.gather @!p0 [hbm4b:s0+s1], $0x48, $0x38;
	[tilespmem:$0x1CA00] =	vst v63  }
0xc9: {  	s1 =	sor.u32 $0x1, s29;
	s0 =	simm.s32 $0x0;
	s8 =	simm.s32 $0x400  }
.LBB2_5:
0xca: {  	p2 =	sne.s32 s8, $0xC400;
	v0 =	vld [tilespmem:s0+$0x198F0]  }
0xcb: {  	v1 =	vld [tilespmem:s0+$0x19800]  }
0xcc: {  	v2 =	vld [tilespmem:s0+$0x19810]  }
0xcd: {  	v3 =	vld [tilespmem:s0+$0x19820]  }
0xce: {  	v4 =	vld [tilespmem:s0+$0x19830]  }
0xcf: {  	[tilespmem:s0+$0x3AF0] =	vst.add.f32.msk $0xffff, v0  }
0xd0: {  	v0 =	vld [tilespmem:s0+$0x19840]  }
0xd1: {  	v5 =	vld [tilespmem:s0+$0x19850]  }
0xd2: {  	v6 =	vld [tilespmem:s0+$0x19860]  }
0xd3: {  	v7 =	vld [tilespmem:s0+$0x19870]  }
0xd4: {  	v8 =	vld [tilespmem:s0+$0x19880]  }
0xd5: {  	v9 =	vld [tilespmem:s0+$0x19890]  }
0xd6: {  	v10 =	vld [tilespmem:s0+$0x198A0]  }
0xd7: {  	v11 =	vld [tilespmem:s0+$0x198B0]  }
0xd8: {  	v12 =	vld [tilespmem:s0+$0x198C0]  }
0xd9: {  	v13 =	vld [tilespmem:s0+$0x198D0]  }
0xda: {  	v14 =	vld [tilespmem:s0+$0x198E0]  }
0xdb: {  	[tilespmem:s0+$0x3A00] =	vst.add.f32.msk $0xffff, v1  }
0xdc: {  	[tilespmem:s0+$0x3A10] =	vst.add.f32.msk $0xffff, v2  }
0xdd: {  	[tilespmem:s0+$0x3A20] =	vst.add.f32.msk $0xffff, v3  }
0xde: {  	[tilespmem:s0+$0x3A30] =	vst.add.f32.msk $0xffff, v4  }
0xdf: {  	[tilespmem:s0+$0x3A40] =	vst.add.f32.msk $0xffff, v0  }
0xe0: {  	[tilespmem:s0+$0x3A50] =	vst.add.f32.msk $0xffff, v5  }
0xe1: {  	[tilespmem:s0+$0x3A60] =	vst.add.f32.msk $0xffff, v6  }
0xe2: {  	[tilespmem:s0+$0x3A70] =	vst.add.f32.msk $0xffff, v7  }
0xe3: {  	[tilespmem:s0+$0x3A80] =	vst.add.f32.msk $0xffff, v8  }
0xe4: {  	[tilespmem:s0+$0x3A90] =	vst.add.f32.msk $0xffff, v9  }
.Ltmp1:
0xe5: {  	[tilespmem:s0+$0x3AA0] =	vst.add.f32.msk $0xffff, v10;
	(pc) =	sbr.rel @p2 .LBB2_5-.Ltmp1, $4  }
0xe6: {  	[tilespmem:s0+$0x3AB0] =	vst.add.f32.msk $0xffff, v11  }
0xe7: {  	[tilespmem:s0+$0x3AC0] =	vst.add.f32.msk $0xffff, v12  }
0xe8: {  	[tilespmem:s0+$0x3AD0] =	vst.add.f32.msk $0xffff, v13  }
0xe9: {  	[tilespmem:s0+$0x3AE0] =	vst.add.f32.msk $0xffff, v14;
	s0 =	sshra.s32 s8, $0x2;
	s8 =	sadd.s32 $0x400, s8  }
0xea: {  	v0 =	vld [tilespmem:s0+$0x198F0]  }
0xeb: {  	v1 =	vld [tilespmem:s0+$0x19800]  }
0xec: {  	v2 =	vld [tilespmem:s0+$0x19810]  }
0xed: {  	v3 =	vld [tilespmem:s0+$0x19820]  }
0xee: {  	v4 =	vld [tilespmem:s0+$0x19830]  }
0xef: {  	v63 =	vld [tilespmem:s0+$0x19840]  }
0xf0: {  	v5 =	vld [tilespmem:s0+$0x19850]  }
0xf1: {  	v6 =	vld [tilespmem:s0+$0x19860]  }
0xf2: {  	v7 =	vld [tilespmem:s0+$0x19870]  }
0xf3: {  	v8 =	vld [tilespmem:s0+$0x19880]  }
0xf4: {  	v9 =	vld [tilespmem:s0+$0x19890]  }
0xf5: {  	v10 =	vld [tilespmem:s0+$0x198A0]  }
0xf6: {  	v11 =	vld [tilespmem:s0+$0x198B0]  }
0xf7: {  	v12 =	vld [tilespmem:s0+$0x198C0]  }
0xf8: {  	v13 =	vld [tilespmem:s0+$0x198D0]  }
0xf9: {  	v14 =	vld [tilespmem:s0+$0x198E0]  }
0xfa: {  	[tilespmem:s0+$0x3AF0] =	vst.add.f32.msk $0xffff, v0  }
0xfb: {  	[tilespmem:s0+$0x3A00] =	vst.add.f32.msk $0xffff, v1  }
0xfc: {  	[tilespmem:s0+$0x3A10] =	vst.add.f32.msk $0xffff, v2  }
0xfd: {  	[tilespmem:s0+$0x3A20] =	vst.add.f32.msk $0xffff, v3  }
0xfe: {  	[tilespmem:s0+$0x3A30] =	vst.add.f32.msk $0xffff, v4  }
0xff: {  	[tilespmem:s0+$0x3A40] =	vst.add.f32.msk $0xffff, v63  }
0x100: {  	[tilespmem:s0+$0x3A50] =	vst.add.f32.msk $0xffff, v5  }
0x101: {  	[tilespmem:s0+$0x3A60] =	vst.add.f32.msk $0xffff, v6  }
0x102: {  	[tilespmem:s0+$0x3A70] =	vst.add.f32.msk $0xffff, v7  }
0x103: {  	[tilespmem:s0+$0x3A80] =	vst.add.f32.msk $0xffff, v8  }
0x104: {  	[tilespmem:s0+$0x3A90] =	vst.add.f32.msk $0xffff, v9  }
0x105: {  	[tilespmem:s0+$0x3AA0] =	vst.add.f32.msk $0xffff, v10  }
0x106: {  	s1 =	sadd.s32 s7, s1;
	[tilespmem:s0+$0x3AB0] =	vst.add.f32.msk $0xffff, v11  }
0x107: {  	s1 =	smul.u32 $0x640, s1;
	[tilespmem:s0+$0x3AC0] =	vst.add.f32.msk $0xffff, v12  }
0x108: {  	[tilespmem:s0+$0x3AD0] =	vst.add.f32.msk $0xffff, v13  }
0x109: {  	s14 =	simm.s32 $0x3A00;
	s8 =	sadd.s32 s2, s1;
	[tilespmem:s0+$0x3AE0] =	vst.add.f32.msk $0xffff, v14  }
0x10a: {  	[hbm4b:s8+s3] =	stream.linear.scatter [tilespmem:s14], [sflag:$0x12], $0x3200, $0x38;
	[tilespmem:$0x1CA00] =	vst v63  }
0x10b: {  	_ =	swait.ge [sflag:s16], $0x80  }
0x10c: {  	[sflag:s16] =	ssyncset.done $0x0  }
0x10d: {  	[sflag:s16] =	ssyncadd.s32 $0xFFFFFF80  }
0x10e: {  	_ =	swait.ge [sflag:s16], $0x48  }
0x10f: {  	[sflag:s16] =	ssyncset.done $0x0  }
0x110: {  	s0 =	simm.s32 @!p1 $0x15;
	[sflag:s16] =	ssyncadd.s32 $0xFFFFFFB8  }
0x111: {  	_ =	swait.ge @!p1 [sflag:s0], $0x3200  }
0x112: {  	[sflag:s0] =	ssyncset.done @!p1 $0x0  }
0x113: {  	s1 =	simm.s32 $0x400;
	[sflag:s0] =	ssyncadd.s32 @!p1 $0xFFFFCE00  }
0x114: {  	[tilespmem:s17], [sflag:$0xD] =	stream.indirect.gather [hbm4b:s4+s9], $0x40, s1, s9, $0xb8;
	[tilespmem:$0x1CA00] =	vst v63  }
0x115: {  	s8 =	simm.s32 $0x480;
	s14 =	simm.s32 $0xF000  }
0x116: {  	[tilespmem:s14], [sflag:$0xD] =	stream.indirect.gather [hbm4b:s4+s25], $0x40, s8, s25, $0xb8;
	[tilespmem:$0x1CA00] =	vst v63  }
0x117: {  	_ =	swait.ge [sflag:s18], $0x2000  }
0x118: {  	s0 =	rddreg [dreg:$0x17]  }
0x119: {  	[sflag:s18] =	ssyncset.done $0x0;
	s0 =	sadd.s32 @!p0 s29, s0  }
0x11a: {  	[sflag:s18] =	ssyncadd.s32 $0xFFFFE000;
	s0 =	smul.u32 @!p0 $0xC8, s0  }
0x11b: {  	_ =	swait.ge [sflag:s18], $0x1200  }
0x11c: {  	s1 =	simm.s32 @!p0 $0x0;
	[sflag:s18] =	ssyncset.done $0x0;
	s0 =	sshrl.u32 @!p0 s0, $0x3  }
0x11d: {  	s8 =	simm.s32 @!p0 $0x200;
	[sflag:s18] =	ssyncadd.s32 $0xFFFFEE00;
	s0 =	sadd.s32 @!p0 s5, s0  }
0x11e: {  	[tilespmem:s8], [sflag:$0x3] =	stream.linear.gather @!p0 [hbm4b:s0+s1], $0x80, $0x38;
	[tilespmem:$0x1CA00] =	vst v63  }
0x11f: {  	s0 =	sadd.s32 @!p0 $0x10, s0;
	s8 =	simm.s32 @!p0 $0x280  }
0x120: {  	[tilespmem:s8], [sflag:$0x3] =	stream.linear.gather @!p0 [hbm4b:s0+s1], $0x48, $0x38;
	[tilespmem:$0x1CA00] =	vst v63  }
0x121: {  	s0 =	sor.u32 $0x4, s29;
	s1 =	simm.s32 $0x0;
	s8 =	simm.s32 $0x400  }
.LBB2_7:
0x122: {  	p2 =	sne.s32 s8, $0xC400;
	v0 =	vld [tilespmem:s1+$0x198F0]  }
0x123: {  	v1 =	vld [tilespmem:s1+$0x19800]  }
0x124: {  	v2 =	vld [tilespmem:s1+$0x19810]  }
0x125: {  	v3 =	vld [tilespmem:s1+$0x19820]  }
0x126: {  	v4 =	vld [tilespmem:s1+$0x19830]  }
0x127: {  	[tilespmem:s1+$0x6CF0] =	vst.add.f32.msk $0xffff, v0  }
0x128: {  	v0 =	vld [tilespmem:s1+$0x19840]  }
0x129: {  	v5 =	vld [tilespmem:s1+$0x19850]  }
0x12a: {  	v6 =	vld [tilespmem:s1+$0x19860]  }
0x12b: {  	v7 =	vld [tilespmem:s1+$0x19870]  }
0x12c: {  	v8 =	vld [tilespmem:s1+$0x19880]  }
0x12d: {  	v9 =	vld [tilespmem:s1+$0x19890]  }
0x12e: {  	v10 =	vld [tilespmem:s1+$0x198A0]  }
0x12f: {  	v11 =	vld [tilespmem:s1+$0x198B0]  }
0x130: {  	v12 =	vld [tilespmem:s1+$0x198C0]  }
0x131: {  	v13 =	vld [tilespmem:s1+$0x198D0]  }
0x132: {  	v14 =	vld [tilespmem:s1+$0x198E0]  }
0x133: {  	[tilespmem:s1+$0x6C00] =	vst.add.f32.msk $0xffff, v1  }
0x134: {  	[tilespmem:s1+$0x6C10] =	vst.add.f32.msk $0xffff, v2  }
0x135: {  	[tilespmem:s1+$0x6C20] =	vst.add.f32.msk $0xffff, v3  }
0x136: {  	[tilespmem:s1+$0x6C30] =	vst.add.f32.msk $0xffff, v4  }
0x137: {  	[tilespmem:s1+$0x6C40] =	vst.add.f32.msk $0xffff, v0  }
0x138: {  	[tilespmem:s1+$0x6C50] =	vst.add.f32.msk $0xffff, v5  }
0x139: {  	[tilespmem:s1+$0x6C60] =	vst.add.f32.msk $0xffff, v6  }
0x13a: {  	[tilespmem:s1+$0x6C70] =	vst.add.f32.msk $0xffff, v7  }
0x13b: {  	[tilespmem:s1+$0x6C80] =	vst.add.f32.msk $0xffff, v8  }
0x13c: {  	[tilespmem:s1+$0x6C90] =	vst.add.f32.msk $0xffff, v9  }
.Ltmp2:
0x13d: {  	[tilespmem:s1+$0x6CA0] =	vst.add.f32.msk $0xffff, v10;
	(pc) =	sbr.rel @p2 .LBB2_7-.Ltmp2, $4  }
0x13e: {  	[tilespmem:s1+$0x6CB0] =	vst.add.f32.msk $0xffff, v11  }
0x13f: {  	[tilespmem:s1+$0x6CC0] =	vst.add.f32.msk $0xffff, v12  }
0x140: {  	[tilespmem:s1+$0x6CD0] =	vst.add.f32.msk $0xffff, v13  }
0x141: {  	[tilespmem:s1+$0x6CE0] =	vst.add.f32.msk $0xffff, v14;
	s1 =	sshra.s32 s8, $0x2;
	s8 =	sadd.s32 $0x400, s8  }
0x142: {  	v0 =	vld [tilespmem:s1+$0x198F0]  }
0x143: {  	v1 =	vld [tilespmem:s1+$0x19800]  }
0x144: {  	v2 =	vld [tilespmem:s1+$0x19810]  }
0x145: {  	v3 =	vld [tilespmem:s1+$0x19820]  }
0x146: {  	v4 =	vld [tilespmem:s1+$0x19830]  }
0x147: {  	v63 =	vld [tilespmem:s1+$0x19840]  }
0x148: {  	v5 =	vld [tilespmem:s1+$0x19850]  }
0x149: {  	v6 =	vld [tilespmem:s1+$0x19860]  }
0x14a: {  	v7 =	vld [tilespmem:s1+$0x19870]  }
0x14b: {  	v8 =	vld [tilespmem:s1+$0x19880]  }
0x14c: {  	v9 =	vld [tilespmem:s1+$0x19890]  }
0x14d: {  	v10 =	vld [tilespmem:s1+$0x198A0]  }
0x14e: {  	v11 =	vld [tilespmem:s1+$0x198B0]  }
0x14f: {  	v12 =	vld [tilespmem:s1+$0x198C0]  }
0x150: {  	v13 =	vld [tilespmem:s1+$0x198D0]  }
0x151: {  	v14 =	vld [tilespmem:s1+$0x198E0]  }
0x152: {  	[tilespmem:s1+$0x6CF0] =	vst.add.f32.msk $0xffff, v0  }
0x153: {  	[tilespmem:s1+$0x6C00] =	vst.add.f32.msk $0xffff, v1  }
0x154: {  	[tilespmem:s1+$0x6C10] =	vst.add.f32.msk $0xffff, v2  }
0x155: {  	[tilespmem:s1+$0x6C20] =	vst.add.f32.msk $0xffff, v3  }
0x156: {  	[tilespmem:s1+$0x6C30] =	vst.add.f32.msk $0xffff, v4  }
0x157: {  	[tilespmem:s1+$0x6C40] =	vst.add.f32.msk $0xffff, v63  }
0x158: {  	[tilespmem:s1+$0x6C50] =	vst.add.f32.msk $0xffff, v5  }
0x159: {  	[tilespmem:s1+$0x6C60] =	vst.add.f32.msk $0xffff, v6  }
0x15a: {  	[tilespmem:s1+$0x6C70] =	vst.add.f32.msk $0xffff, v7  }
0x15b: {  	[tilespmem:s1+$0x6C80] =	vst.add.f32.msk $0xffff, v8  }
0x15c: {  	[tilespmem:s1+$0x6C90] =	vst.add.f32.msk $0xffff, v9  }
0x15d: {  	[tilespmem:s1+$0x6CA0] =	vst.add.f32.msk $0xffff, v10  }
0x15e: {  	s8 =	sadd.s32 s7, s30;
	[tilespmem:s1+$0x6CB0] =	vst.add.f32.msk $0xffff, v11  }
0x15f: {  	s8 =	smul.u32 $0x640, s8;
	[tilespmem:s1+$0x6CC0] =	vst.add.f32.msk $0xffff, v12  }
0x160: {  	[tilespmem:s1+$0x6CD0] =	vst.add.f32.msk $0xffff, v13  }
0x161: {  	s14 =	simm.s32 $0x6C00;
	s8 =	sadd.s32 s2, s8;
	[tilespmem:s1+$0x6CE0] =	vst.add.f32.msk $0xffff, v14  }
0x162: {  	[hbm4b:s8+s3] =	stream.linear.scatter [tilespmem:s14], [sflag:$0x13], $0x3200, $0x38;
	[tilespmem:$0x1CA00] =	vst v63  }
0x163: {  	_ =	swait.ge [sflag:s19], $0x80  }
0x164: {  	[sflag:s19] =	ssyncset.done $0x0  }
0x165: {  	[sflag:s19] =	ssyncadd.s32 $0xFFFFFF80  }
0x166: {  	_ =	swait.ge [sflag:s19], $0x48  }
0x167: {  	[sflag:s19] =	ssyncset.done $0x0  }
0x168: {  	s1 =	simm.s32 @!p1 $0x16;
	[sflag:s19] =	ssyncadd.s32 $0xFFFFFFB8  }
0x169: {  	_ =	swait.ge @!p1 [sflag:s1], $0x3200  }
0x16a: {  	[sflag:s1] =	ssyncset.done @!p1 $0x0  }
0x16b: {  	s14 =	simm.s32 $0x500;
	[sflag:s1] =	ssyncadd.s32 @!p1 $0xFFFFCE00  }
0x16c: {  	[tilespmem:s10], [sflag:$0xE] =	stream.indirect.gather [hbm4b:s4+s9], $0x40, s14, s9, $0xb8;
	[tilespmem:$0x1CA00] =	vst v63  }
0x16d: {  	s8 =	simm.s32 $0x580;
	s14 =	simm.s32 $0x12200  }
0x16e: {  	[tilespmem:s14], [sflag:$0xE] =	stream.indirect.gather [hbm4b:s4+s25], $0x40, s8, s25, $0xb8;
	[tilespmem:$0x1CA00] =	vst v63  }
0x16f: {  	_ =	swait.ge [sflag:s11], $0x2000  }
0x170: {  	s1 =	rddreg [dreg:$0x18]  }
0x171: {  	[sflag:s11] =	ssyncset.done $0x0;
	s1 =	sadd.s32 @!p0 s29, s1  }
0x172: {  	[sflag:s11] =	ssyncadd.s32 $0xFFFFE000;
	s1 =	smul.u32 @!p0 $0xC8, s1  }
0x173: {  	_ =	swait.ge [sflag:s11], $0x1200  }
0x174: {  	s30 =	simm.s32 @!p0 $0x300;
	[sflag:s11] =	ssyncset.done $0x0;
	s1 =	sshrl.u32 @!p0 s1, $0x3  }
0x175: {  	s8 =	simm.s32 @!p0 $0x0;
	[sflag:s11] =	ssyncadd.s32 $0xFFFFEE00;
	s1 =	sadd.s32 @!p0 s5, s1  }
0x176: {  	[tilespmem:s30], [sflag:$0x4] =	stream.linear.gather @!p0 [hbm4b:s1+s8], $0x80, $0x38;
	[tilespmem:$0x1CA00] =	vst v63  }
0x177: {  	s1 =	sadd.s32 @!p0 $0x10, s1;
	s30 =	simm.s32 @!p0 $0x380  }
0x178: {  	[tilespmem:s30], [sflag:$0x4] =	stream.linear.gather @!p0 [hbm4b:s1+s8], $0x48, $0x38;
	[tilespmem:$0x1CA00] =	vst v63  }
0x179: {  	s1 =	sor.u32 $0x5, s29;
	s30 =	simm.s32 $0x0;
	s8 =	simm.s32 $0x400  }
.LBB2_9:
0x17a: {  	p2 =	sne.s32 s8, $0xC400;
	v0 =	vld [tilespmem:s30+$0x198F0]  }
0x17b: {  	v1 =	vld [tilespmem:s30+$0x19800]  }
0x17c: {  	v2 =	vld [tilespmem:s30+$0x19810]  }
0x17d: {  	v3 =	vld [tilespmem:s30+$0x19820]  }
0x17e: {  	v4 =	vld [tilespmem:s30+$0x19830]  }
0x17f: {  	[tilespmem:s30+$0x9EF0] =	vst.add.f32.msk $0xffff, v0  }
0x180: {  	v0 =	vld [tilespmem:s30+$0x19840]  }
0x181: {  	v5 =	vld [tilespmem:s30+$0x19850]  }
0x182: {  	v6 =	vld [tilespmem:s30+$0x19860]  }
0x183: {  	v7 =	vld [tilespmem:s30+$0x19870]  }
0x184: {  	v8 =	vld [tilespmem:s30+$0x19880]  }
0x185: {  	v9 =	vld [tilespmem:s30+$0x19890]  }
0x186: {  	v10 =	vld [tilespmem:s30+$0x198A0]  }
0x187: {  	v11 =	vld [tilespmem:s30+$0x198B0]  }
0x188: {  	v12 =	vld [tilespmem:s30+$0x198C0]  }
0x189: {  	v13 =	vld [tilespmem:s30+$0x198D0]  }
0x18a: {  	v14 =	vld [tilespmem:s30+$0x198E0]  }
0x18b: {  	[tilespmem:s30+$0x9E00] =	vst.add.f32.msk $0xffff, v1  }
0x18c: {  	[tilespmem:s30+$0x9E10] =	vst.add.f32.msk $0xffff, v2  }
0x18d: {  	[tilespmem:s30+$0x9E20] =	vst.add.f32.msk $0xffff, v3  }
0x18e: {  	[tilespmem:s30+$0x9E30] =	vst.add.f32.msk $0xffff, v4  }
0x18f: {  	[tilespmem:s30+$0x9E40] =	vst.add.f32.msk $0xffff, v0  }
0x190: {  	[tilespmem:s30+$0x9E50] =	vst.add.f32.msk $0xffff, v5  }
0x191: {  	[tilespmem:s30+$0x9E60] =	vst.add.f32.msk $0xffff, v6  }
0x192: {  	[tilespmem:s30+$0x9E70] =	vst.add.f32.msk $0xffff, v7  }
0x193: {  	[tilespmem:s30+$0x9E80] =	vst.add.f32.msk $0xffff, v8  }
0x194: {  	[tilespmem:s30+$0x9E90] =	vst.add.f32.msk $0xffff, v9  }
.Ltmp3:
0x195: {  	[tilespmem:s30+$0x9EA0] =	vst.add.f32.msk $0xffff, v10;
	(pc) =	sbr.rel @p2 .LBB2_9-.Ltmp3, $4  }
0x196: {  	[tilespmem:s30+$0x9EB0] =	vst.add.f32.msk $0xffff, v11  }
0x197: {  	[tilespmem:s30+$0x9EC0] =	vst.add.f32.msk $0xffff, v12  }
0x198: {  	[tilespmem:s30+$0x9ED0] =	vst.add.f32.msk $0xffff, v13  }
0x199: {  	[tilespmem:s30+$0x9EE0] =	vst.add.f32.msk $0xffff, v14;
	s30 =	sshra.s32 s8, $0x2;
	s8 =	sadd.s32 $0x400, s8  }
0x19a: {  	v0 =	vld [tilespmem:s30+$0x198F0]  }
0x19b: {  	v1 =	vld [tilespmem:s30+$0x19800]  }
0x19c: {  	v2 =	vld [tilespmem:s30+$0x19810]  }
0x19d: {  	v3 =	vld [tilespmem:s30+$0x19820]  }
0x19e: {  	v4 =	vld [tilespmem:s30+$0x19830]  }
0x19f: {  	v63 =	vld [tilespmem:s30+$0x19840]  }
0x1a0: {  	v5 =	vld [tilespmem:s30+$0x19850]  }
0x1a1: {  	v6 =	vld [tilespmem:s30+$0x19860]  }
0x1a2: {  	v7 =	vld [tilespmem:s30+$0x19870]  }
0x1a3: {  	v8 =	vld [tilespmem:s30+$0x19880]  }
0x1a4: {  	v9 =	vld [tilespmem:s30+$0x19890]  }
0x1a5: {  	v10 =	vld [tilespmem:s30+$0x198A0]  }
0x1a6: {  	v11 =	vld [tilespmem:s30+$0x198B0]  }
0x1a7: {  	v12 =	vld [tilespmem:s30+$0x198C0]  }
0x1a8: {  	v13 =	vld [tilespmem:s30+$0x198D0]  }
0x1a9: {  	v14 =	vld [tilespmem:s30+$0x198E0]  }
0x1aa: {  	[tilespmem:s30+$0x9EF0] =	vst.add.f32.msk $0xffff, v0  }
0x1ab: {  	[tilespmem:s30+$0x9E00] =	vst.add.f32.msk $0xffff, v1  }
0x1ac: {  	[tilespmem:s30+$0x9E10] =	vst.add.f32.msk $0xffff, v2  }
0x1ad: {  	[tilespmem:s30+$0x9E20] =	vst.add.f32.msk $0xffff, v3  }
0x1ae: {  	[tilespmem:s30+$0x9E30] =	vst.add.f32.msk $0xffff, v4  }
0x1af: {  	[tilespmem:s30+$0x9E40] =	vst.add.f32.msk $0xffff, v63  }
0x1b0: {  	[tilespmem:s30+$0x9E50] =	vst.add.f32.msk $0xffff, v5  }
0x1b1: {  	[tilespmem:s30+$0x9E60] =	vst.add.f32.msk $0xffff, v6  }
0x1b2: {  	[tilespmem:s30+$0x9E70] =	vst.add.f32.msk $0xffff, v7  }
0x1b3: {  	[tilespmem:s30+$0x9E80] =	vst.add.f32.msk $0xffff, v8  }
0x1b4: {  	[tilespmem:s30+$0x9E90] =	vst.add.f32.msk $0xffff, v9  }
0x1b5: {  	[tilespmem:s30+$0x9EA0] =	vst.add.f32.msk $0xffff, v10  }
0x1b6: {  	s8 =	sadd.s32 s7, s31;
	[tilespmem:s30+$0x9EB0] =	vst.add.f32.msk $0xffff, v11  }
0x1b7: {  	s8 =	smul.u32 $0x640, s8;
	[tilespmem:s30+$0x9EC0] =	vst.add.f32.msk $0xffff, v12  }
0x1b8: {  	[tilespmem:s30+$0x9ED0] =	vst.add.f32.msk $0xffff, v13  }
0x1b9: {  	s14 =	simm.s32 $0x9E00;
	s8 =	sadd.s32 s2, s8;
	[tilespmem:s30+$0x9EE0] =	vst.add.f32.msk $0xffff, v14  }
0x1ba: {  	[hbm4b:s8+s3] =	stream.linear.scatter [tilespmem:s14], [sflag:$0x14], $0x3200, $0x38;
	[tilespmem:$0x1CA00] =	vst v63  }
0x1bb: {  	_ =	swait.ge [sflag:s20], $0x80  }
0x1bc: {  	[sflag:s20] =	ssyncset.done $0x0  }
0x1bd: {  	[sflag:s20] =	ssyncadd.s32 $0xFFFFFF80  }
0x1be: {  	_ =	swait.ge [sflag:s20], $0x48  }
0x1bf: {  	[sflag:s20] =	ssyncset.done $0x0  }
0x1c0: {  	s8 =	simm.s32 @!p1 $0x17;
	[sflag:s20] =	ssyncadd.s32 $0xFFFFFFB8  }
0x1c1: {  	_ =	swait.ge @!p1 [sflag:s8], $0x3200  }
0x1c2: {  	[sflag:s8] =	ssyncset.done @!p1 $0x0  }
0x1c3: {  	s14 =	simm.s32 $0x600;
	[sflag:s8] =	ssyncadd.s32 @!p1 $0xFFFFCE00  }
0x1c4: {  	[tilespmem:s21], [sflag:$0xF] =	stream.indirect.gather [hbm4b:s4+s9], $0x40, s14, s9, $0xb8;
	[tilespmem:$0x1CA00] =	vst v63  }
0x1c5: {  	s8 =	simm.s32 $0x680;
	s14 =	simm.s32 $0x15400  }
0x1c6: {  	[tilespmem:s14], [sflag:$0xF] =	stream.indirect.gather [hbm4b:s4+s25], $0x40, s8, s25, $0xb8;
	[tilespmem:$0x1CA00] =	vst v63  }
0x1c7: {  	_ =	swait.ge [sflag:s23], $0x2000  }
0x1c8: {  	s8 =	rddreg [dreg:$0x19]  }
0x1c9: {  	[sflag:s23] =	ssyncset.done $0x0;
	s8 =	sadd.s32 @!p0 s29, s8  }
0x1ca: {  	[sflag:s23] =	ssyncadd.s32 $0xFFFFE000;
	s8 =	smul.u32 @!p0 $0xC8, s8  }
0x1cb: {  	_ =	swait.ge [sflag:s23], $0x1200  }
0x1cc: {  	s31 =	simm.s32 @!p0 $0x400;
	[sflag:s23] =	ssyncset.done $0x0;
	s8 =	sshrl.u32 @!p0 s8, $0x3  }
0x1cd: {  	s30 =	simm.s32 @!p0 $0x0;
	[sflag:s23] =	ssyncadd.s32 $0xFFFFEE00;
	s8 =	sadd.s32 @!p0 s5, s8  }
0x1ce: {  	[tilespmem:s31], [sflag:$0x5] =	stream.linear.gather @!p0 [hbm4b:s8+s30], $0x80, $0x38;
	[tilespmem:$0x1CA00] =	vst v63  }
0x1cf: {  	s8 =	sadd.s32 @!p0 $0x10, s8;
	s31 =	simm.s32 @!p0 $0x480  }
0x1d0: {  	[tilespmem:s31], [sflag:$0x5] =	stream.linear.gather @!p0 [hbm4b:s8+s30], $0x48, $0x38;
	[tilespmem:$0x1CA00] =	vst v63  }
0x1d1: {  	s31 =	sor.u32 $0x6, s29;
	s30 =	simm.s32 $0x0;
	s8 =	simm.s32 $0x400  }
.LBB2_11:
0x1d2: {  	p2 =	sne.s32 s8, $0xC400;
	v0 =	vld [tilespmem:s30+$0x198F0]  }
0x1d3: {  	v1 =	vld [tilespmem:s30+$0x19800]  }
0x1d4: {  	v2 =	vld [tilespmem:s30+$0x19810]  }
0x1d5: {  	v3 =	vld [tilespmem:s30+$0x19820]  }
0x1d6: {  	v4 =	vld [tilespmem:s30+$0x19830]  }
0x1d7: {  	[tilespmem:s30+$0xD0F0] =	vst.add.f32.msk $0xffff, v0  }
0x1d8: {  	v0 =	vld [tilespmem:s30+$0x19840]  }
0x1d9: {  	v5 =	vld [tilespmem:s30+$0x19850]  }
0x1da: {  	v6 =	vld [tilespmem:s30+$0x19860]  }
0x1db: {  	v7 =	vld [tilespmem:s30+$0x19870]  }
0x1dc: {  	v8 =	vld [tilespmem:s30+$0x19880]  }
0x1dd: {  	v9 =	vld [tilespmem:s30+$0x19890]  }
0x1de: {  	v10 =	vld [tilespmem:s30+$0x198A0]  }
0x1df: {  	v11 =	vld [tilespmem:s30+$0x198B0]  }
0x1e0: {  	v12 =	vld [tilespmem:s30+$0x198C0]  }
0x1e1: {  	v13 =	vld [tilespmem:s30+$0x198D0]  }
0x1e2: {  	v14 =	vld [tilespmem:s30+$0x198E0]  }
0x1e3: {  	[tilespmem:s30+$0xD000] =	vst.add.f32.msk $0xffff, v1  }
0x1e4: {  	[tilespmem:s30+$0xD010] =	vst.add.f32.msk $0xffff, v2  }
0x1e5: {  	[tilespmem:s30+$0xD020] =	vst.add.f32.msk $0xffff, v3  }
0x1e6: {  	[tilespmem:s30+$0xD030] =	vst.add.f32.msk $0xffff, v4  }
0x1e7: {  	[tilespmem:s30+$0xD040] =	vst.add.f32.msk $0xffff, v0  }
0x1e8: {  	[tilespmem:s30+$0xD050] =	vst.add.f32.msk $0xffff, v5  }
0x1e9: {  	[tilespmem:s30+$0xD060] =	vst.add.f32.msk $0xffff, v6  }
0x1ea: {  	[tilespmem:s30+$0xD070] =	vst.add.f32.msk $0xffff, v7  }
0x1eb: {  	[tilespmem:s30+$0xD080] =	vst.add.f32.msk $0xffff, v8  }
0x1ec: {  	[tilespmem:s30+$0xD090] =	vst.add.f32.msk $0xffff, v9  }
.Ltmp4:
0x1ed: {  	[tilespmem:s30+$0xD0A0] =	vst.add.f32.msk $0xffff, v10;
	(pc) =	sbr.rel @p2 .LBB2_11-.Ltmp4, $4  }
0x1ee: {  	[tilespmem:s30+$0xD0B0] =	vst.add.f32.msk $0xffff, v11  }
0x1ef: {  	[tilespmem:s30+$0xD0C0] =	vst.add.f32.msk $0xffff, v12  }
0x1f0: {  	[tilespmem:s30+$0xD0D0] =	vst.add.f32.msk $0xffff, v13  }
0x1f1: {  	[tilespmem:s30+$0xD0E0] =	vst.add.f32.msk $0xffff, v14;
	s30 =	sshra.s32 s8, $0x2;
	s8 =	sadd.s32 $0x400, s8  }
0x1f2: {  	v0 =	vld [tilespmem:s30+$0x198F0]  }
0x1f3: {  	v1 =	vld [tilespmem:s30+$0x19800]  }
0x1f4: {  	v2 =	vld [tilespmem:s30+$0x19810]  }
0x1f5: {  	v3 =	vld [tilespmem:s30+$0x19820]  }
0x1f6: {  	v4 =	vld [tilespmem:s30+$0x19830]  }
0x1f7: {  	v63 =	vld [tilespmem:s30+$0x19840]  }
0x1f8: {  	v5 =	vld [tilespmem:s30+$0x19850]  }
0x1f9: {  	v6 =	vld [tilespmem:s30+$0x19860]  }
0x1fa: {  	v7 =	vld [tilespmem:s30+$0x19870]  }
0x1fb: {  	v8 =	vld [tilespmem:s30+$0x19880]  }
0x1fc: {  	v9 =	vld [tilespmem:s30+$0x19890]  }
0x1fd: {  	v10 =	vld [tilespmem:s30+$0x198A0]  }
0x1fe: {  	v11 =	vld [tilespmem:s30+$0x198B0]  }
0x1ff: {  	v12 =	vld [tilespmem:s30+$0x198C0]  }
0x200: {  	v13 =	vld [tilespmem:s30+$0x198D0]  }
0x201: {  	v14 =	vld [tilespmem:s30+$0x198E0]  }
0x202: {  	[tilespmem:s30+$0xD0F0] =	vst.add.f32.msk $0xffff, v0  }
0x203: {  	[tilespmem:s30+$0xD000] =	vst.add.f32.msk $0xffff, v1  }
0x204: {  	[tilespmem:s30+$0xD010] =	vst.add.f32.msk $0xffff, v2  }
0x205: {  	[tilespmem:s30+$0xD020] =	vst.add.f32.msk $0xffff, v3  }
0x206: {  	[tilespmem:s30+$0xD030] =	vst.add.f32.msk $0xffff, v4  }
0x207: {  	[tilespmem:s30+$0xD040] =	vst.add.f32.msk $0xffff, v63  }
0x208: {  	[tilespmem:s30+$0xD050] =	vst.add.f32.msk $0xffff, v5  }
0x209: {  	[tilespmem:s30+$0xD060] =	vst.add.f32.msk $0xffff, v6  }
0x20a: {  	[tilespmem:s30+$0xD070] =	vst.add.f32.msk $0xffff, v7  }
0x20b: {  	[tilespmem:s30+$0xD080] =	vst.add.f32.msk $0xffff, v8  }
0x20c: {  	[tilespmem:s30+$0xD090] =	vst.add.f32.msk $0xffff, v9  }
0x20d: {  	[tilespmem:s30+$0xD0A0] =	vst.add.f32.msk $0xffff, v10  }
0x20e: {  	s0 =	sadd.s32 s7, s0;
	[tilespmem:s30+$0xD0B0] =	vst.add.f32.msk $0xffff, v11  }
0x20f: {  	s0 =	smul.u32 $0x640, s0;
	[tilespmem:s30+$0xD0C0] =	vst.add.f32.msk $0xffff, v12  }
0x210: {  	[tilespmem:s30+$0xD0D0] =	vst.add.f32.msk $0xffff, v13  }
0x211: {  	s0 =	sadd.s32 s2, s0;
	[tilespmem:s30+$0xD0E0] =	vst.add.f32.msk $0xffff, v14  }
0x212: {  	[hbm4b:s0+s3] =	stream.linear.scatter [tilespmem:s17], [sflag:$0x15], $0x3200, $0x38;
	[tilespmem:$0x1CA00] =	vst v63  }
0x213: {  	_ =	swait.ge [sflag:s6], $0x80  }
0x214: {  	[sflag:s6] =	ssyncset.done $0x0  }
0x215: {  	[sflag:s6] =	ssyncadd.s32 $0xFFFFFF80  }
0x216: {  	_ =	swait.ge [sflag:s6], $0x48  }
0x217: {  	[sflag:s6] =	ssyncset.done $0x0  }
0x218: {  	s0 =	simm.s32 @!p1 $0x18;
	[sflag:s6] =	ssyncadd.s32 $0xFFFFFFB8  }
0x219: {  	_ =	swait.ge @!p1 [sflag:s0], $0x3200  }
0x21a: {  	[sflag:s0] =	ssyncset.done @!p1 $0x0  }
0x21b: {  	s8 =	simm.s32 $0x700;
	[sflag:s0] =	ssyncadd.s32 @!p1 $0xFFFFCE00  }
0x21c: {  	[tilespmem:s24], [sflag:$0x10] =	stream.indirect.gather [hbm4b:s4+s9], $0x40, s8, s9, $0xb8;
	[tilespmem:$0x1CA00] =	vst v63  }
0x21d: {  	s14 =	simm.s32 $0x780;
	s8 =	simm.s32 $0x18600  }
0x21e: {  	[tilespmem:s8], [sflag:$0x10] =	stream.indirect.gather [hbm4b:s4+s25], $0x40, s14, s25, $0xb8;
	[tilespmem:$0x1CA00] =	vst v63  }
0x21f: {  	_ =	swait.ge [sflag:s26], $0x2000  }
0x220: {  	s0 =	rddreg [dreg:$0x1a]  }
0x221: {  	[sflag:s26] =	ssyncset.done $0x0;
	s0 =	sadd.s32 @!p0 s29, s0  }
0x222: {  	[sflag:s26] =	ssyncadd.s32 $0xFFFFE000;
	s0 =	smul.u32 @!p0 $0xC8, s0  }
0x223: {  	_ =	swait.ge [sflag:s26], $0x1200  }
0x224: {  	s30 =	simm.s32 @!p0 $0x500;
	[sflag:s26] =	ssyncset.done $0x0;
	s0 =	sshrl.u32 @!p0 s0, $0x3  }
0x225: {  	s8 =	simm.s32 @!p0 $0x0;
	[sflag:s26] =	ssyncadd.s32 $0xFFFFEE00;
	s0 =	sadd.s32 @!p0 s5, s0  }
0x226: {  	[tilespmem:s30], [sflag:$0x6] =	stream.linear.gather @!p0 [hbm4b:s0+s8], $0x80, $0x38;
	[tilespmem:$0x1CA00] =	vst v63  }
0x227: {  	s0 =	sadd.s32 @!p0 $0x10, s0;
	s30 =	simm.s32 @!p0 $0x580  }
0x228: {  	[tilespmem:s30], [sflag:$0x6] =	stream.linear.gather @!p0 [hbm4b:s0+s8], $0x48, $0x38;
	[tilespmem:$0x1CA00] =	vst v63  }
0x229: {  	s30 =	sor.u32 $0x7, s29;
	s0 =	simm.s32 $0x0;
	s8 =	simm.s32 $0x400  }
.LBB2_13:
0x22a: {  	p1 =	sne.s32 s8, $0xC400;
	v0 =	vld [tilespmem:s0+$0x198F0]  }
0x22b: {  	v1 =	vld [tilespmem:s0+$0x19800]  }
0x22c: {  	v2 =	vld [tilespmem:s0+$0x19810]  }
0x22d: {  	v3 =	vld [tilespmem:s0+$0x19820]  }
0x22e: {  	v4 =	vld [tilespmem:s0+$0x19830]  }
0x22f: {  	[tilespmem:s0+$0x102F0] =	vst.add.f32.msk $0xffff, v0  }
0x230: {  	v0 =	vld [tilespmem:s0+$0x19840]  }
0x231: {  	v5 =	vld [tilespmem:s0+$0x19850]  }
0x232: {  	v6 =	vld [tilespmem:s0+$0x19860]  }
0x233: {  	v7 =	vld [tilespmem:s0+$0x19870]  }
0x234: {  	v8 =	vld [tilespmem:s0+$0x19880]  }
0x235: {  	v9 =	vld [tilespmem:s0+$0x19890]  }
0x236: {  	v10 =	vld [tilespmem:s0+$0x198A0]  }
0x237: {  	v11 =	vld [tilespmem:s0+$0x198B0]  }
0x238: {  	v12 =	vld [tilespmem:s0+$0x198C0]  }
0x239: {  	v13 =	vld [tilespmem:s0+$0x198D0]  }
0x23a: {  	v14 =	vld [tilespmem:s0+$0x198E0]  }
0x23b: {  	[tilespmem:s0+$0x10200] =	vst.add.f32.msk $0xffff, v1  }
0x23c: {  	[tilespmem:s0+$0x10210] =	vst.add.f32.msk $0xffff, v2  }
0x23d: {  	[tilespmem:s0+$0x10220] =	vst.add.f32.msk $0xffff, v3  }
0x23e: {  	[tilespmem:s0+$0x10230] =	vst.add.f32.msk $0xffff, v4  }
0x23f: {  	[tilespmem:s0+$0x10240] =	vst.add.f32.msk $0xffff, v0  }
0x240: {  	[tilespmem:s0+$0x10250] =	vst.add.f32.msk $0xffff, v5  }
0x241: {  	[tilespmem:s0+$0x10260] =	vst.add.f32.msk $0xffff, v6  }
0x242: {  	[tilespmem:s0+$0x10270] =	vst.add.f32.msk $0xffff, v7  }
0x243: {  	[tilespmem:s0+$0x10280] =	vst.add.f32.msk $0xffff, v8  }
0x244: {  	[tilespmem:s0+$0x10290] =	vst.add.f32.msk $0xffff, v9  }
.Ltmp5:
0x245: {  	[tilespmem:s0+$0x102A0] =	vst.add.f32.msk $0xffff, v10;
	(pc) =	sbr.rel @p1 .LBB2_13-.Ltmp5, $4  }
0x246: {  	[tilespmem:s0+$0x102B0] =	vst.add.f32.msk $0xffff, v11  }
0x247: {  	[tilespmem:s0+$0x102C0] =	vst.add.f32.msk $0xffff, v12  }
0x248: {  	[tilespmem:s0+$0x102D0] =	vst.add.f32.msk $0xffff, v13  }
0x249: {  	[tilespmem:s0+$0x102E0] =	vst.add.f32.msk $0xffff, v14;
	s0 =	sshra.s32 s8, $0x2;
	s8 =	sadd.s32 $0x400, s8  }
0x24a: {  	v0 =	vld [tilespmem:s0+$0x198F0]  }
0x24b: {  	v1 =	vld [tilespmem:s0+$0x19800]  }
0x24c: {  	v2 =	vld [tilespmem:s0+$0x19810]  }
0x24d: {  	v3 =	vld [tilespmem:s0+$0x19820]  }
0x24e: {  	v4 =	vld [tilespmem:s0+$0x19830]  }
0x24f: {  	v63 =	vld [tilespmem:s0+$0x19840]  }
0x250: {  	v5 =	vld [tilespmem:s0+$0x19850]  }
0x251: {  	v6 =	vld [tilespmem:s0+$0x19860]  }
0x252: {  	v7 =	vld [tilespmem:s0+$0x19870]  }
0x253: {  	v8 =	vld [tilespmem:s0+$0x19880]  }
0x254: {  	v9 =	vld [tilespmem:s0+$0x19890]  }
0x255: {  	v10 =	vld [tilespmem:s0+$0x198A0]  }
0x256: {  	v11 =	vld [tilespmem:s0+$0x198B0]  }
0x257: {  	v12 =	vld [tilespmem:s0+$0x198C0]  }
0x258: {  	v13 =	vld [tilespmem:s0+$0x198D0]  }
0x259: {  	v14 =	vld [tilespmem:s0+$0x198E0]  }
0x25a: {  	[tilespmem:s0+$0x102F0] =	vst.add.f32.msk $0xffff, v0  }
0x25b: {  	[tilespmem:s0+$0x10200] =	vst.add.f32.msk $0xffff, v1  }
0x25c: {  	[tilespmem:s0+$0x10210] =	vst.add.f32.msk $0xffff, v2  }
0x25d: {  	[tilespmem:s0+$0x10220] =	vst.add.f32.msk $0xffff, v3  }
0x25e: {  	[tilespmem:s0+$0x10230] =	vst.add.f32.msk $0xffff, v4  }
0x25f: {  	[tilespmem:s0+$0x10240] =	vst.add.f32.msk $0xffff, v63  }
0x260: {  	[tilespmem:s0+$0x10250] =	vst.add.f32.msk $0xffff, v5  }
0x261: {  	[tilespmem:s0+$0x10260] =	vst.add.f32.msk $0xffff, v6  }
0x262: {  	[tilespmem:s0+$0x10270] =	vst.add.f32.msk $0xffff, v7  }
0x263: {  	[tilespmem:s0+$0x10280] =	vst.add.f32.msk $0xffff, v8  }
0x264: {  	[tilespmem:s0+$0x10290] =	vst.add.f32.msk $0xffff, v9  }
0x265: {  	[tilespmem:s0+$0x102A0] =	vst.add.f32.msk $0xffff, v10  }
0x266: {  	s1 =	sadd.s32 s7, s1;
	[tilespmem:s0+$0x102B0] =	vst.add.f32.msk $0xffff, v11  }
0x267: {  	s1 =	smul.u32 $0x640, s1;
	[tilespmem:s0+$0x102C0] =	vst.add.f32.msk $0xffff, v12  }
0x268: {  	[tilespmem:s0+$0x102D0] =	vst.add.f32.msk $0xffff, v13  }
0x269: {  	s14 =	sadd.s32 s2, s1;
	[tilespmem:s0+$0x102E0] =	vst.add.f32.msk $0xffff, v14;
	s0 =	simm.s32 @p0 $0xF  }
0x26a: {  	[hbm4b:s14+s3] =	stream.linear.scatter [tilespmem:s10], [sflag:$0x16], $0x3200, $0x38;
	[tilespmem:$0x1CA00] =	vst v63  }
0x26b: {  	_ =	swait.ge @p0 [sflag:s0], $0x2000  }
0x26c: {  	[sflag:s0] =	ssyncset.done @p0 $0x0  }
0x26d: {  	[sflag:s0] =	ssyncadd.s32 @p0 $0xFFFFE000  }
0x26e: {  	_ =	swait.ge @p0 [sflag:s0], $0x1200  }
0x26f: {  	[sflag:s0] =	ssyncset.done @p0 $0x0  }
0x270: {  	[sflag:s0] =	ssyncadd.s32 @p0 $0xFFFFEE00;
	s0 =	simm.s32 @!p0 $0x1  }
0x271: {  	_ =	swait.ge @!p0 [sflag:s0], $0x80  }
0x272: {  	[sflag:s0] =	ssyncset.done @!p0 $0x0  }
0x273: {  	[sflag:s0] =	ssyncadd.s32 @!p0 $0xFFFFFF80  }
0x274: {  	_ =	swait.ge @!p0 [sflag:s0], $0x48  }
0x275: {  	[sflag:s0] =	ssyncset.done @!p0 $0x0  }
0x276: {  	[sflag:s0] =	ssyncadd.s32 @!p0 $0xFFFFFFB8;
	s0 =	simm.s32 @!p0 $0x11  }
0x277: {  	_ =	swait.ge @!p0 [sflag:s0], $0x3200  }
0x278: {  	s8 =	simm.s32 @!p0 $0x800;
	[sflag:s0] =	ssyncset.done @!p0 $0x0  }
0x279: {  	s1 =	simm.s32 @!p0 $0x0;
	[sflag:s0] =	ssyncadd.s32 @!p0 $0xFFFFCE00;
	s0 =	simm.s32 @!p0 $0x80  }
0x27a: {  	[tilespmem:s8], [sflag:$0x9] =	stream.indirect.gather @!p0 [hbm4b:s4+s0], $0x40, s1, s0, $0xb8;
	[tilespmem:$0x1CA00] =	vst v63  }
0x27b: {  	s14 =	simm.s32 @!p0 $0x2800;
	s8 =	simm.s32 @!p0 $0x48  }
0x27c: {  	[tilespmem:s14], [sflag:$0x9] =	stream.indirect.gather @!p0 [hbm4b:s4+s8], $0x40, s0, s8, $0xb8;
	[tilespmem:$0x1CA00] =	vst v63  }
0x27d: {  	s0 =	simm.s32 @!p0 $0xF  }
0x27e: {  	_ =	swait.ge @!p0 [sflag:s0], $0x2000  }
0x27f: {  	s8 =	rddreg [dreg:$0x1b]  }
0x280: {  	[sflag:s0] =	ssyncset.done @!p0 $0x0;
	s8 =	sadd.s32 @!p0 s29, s8  }
0x281: {  	[sflag:s0] =	ssyncadd.s32 @!p0 $0xFFFFE000;
	s8 =	smul.u32 @!p0 $0xC8, s8  }
0x282: {  	_ =	swait.ge @!p0 [sflag:s0], $0x1200  }
0x283: {  	[sflag:s0] =	ssyncset.done @!p0 $0x0;
	s8 =	sshrl.u32 @!p0 s8, $0x3  }
0x284: {  	[sflag:s0] =	ssyncadd.s32 @!p0 $0xFFFFEE00;
	s0 =	sadd.s32 @!p0 s5, s8;
	s8 =	simm.s32 @!p0 $0x600  }
0x285: {  	[tilespmem:s8], [sflag:$0x7] =	stream.linear.gather @!p0 [hbm4b:s0+s1], $0x80, $0x38;
	[tilespmem:$0x1CA00] =	vst v63  }
0x286: {  	s0 =	sadd.s32 @!p0 $0x10, s0;
	s8 =	simm.s32 @!p0 $0x680  }
0x287: {  	[tilespmem:s8], [sflag:$0x7] =	stream.linear.gather @!p0 [hbm4b:s0+s1], $0x48, $0x38;
	[tilespmem:$0x1CA00] =	vst v63  }
0x288: {  	s0 =	simm.s32 $0x0;
	s1 =	simm.s32 $0x400  }
.LBB2_15:
0x289: {  	p1 =	sne.s32 s1, $0xC400;
	v0 =	vld [tilespmem:s0+$0x198F0]  }
0x28a: {  	v1 =	vld [tilespmem:s0+$0x19800]  }
0x28b: {  	v2 =	vld [tilespmem:s0+$0x19810]  }
0x28c: {  	v3 =	vld [tilespmem:s0+$0x19820]  }
0x28d: {  	v4 =	vld [tilespmem:s0+$0x19830]  }
0x28e: {  	[tilespmem:s0+$0x134F0] =	vst.add.f32.msk $0xffff, v0  }
0x28f: {  	v0 =	vld [tilespmem:s0+$0x19840]  }
0x290: {  	v5 =	vld [tilespmem:s0+$0x19850]  }
0x291: {  	v6 =	vld [tilespmem:s0+$0x19860]  }
0x292: {  	v7 =	vld [tilespmem:s0+$0x19870]  }
0x293: {  	v8 =	vld [tilespmem:s0+$0x19880]  }
0x294: {  	v9 =	vld [tilespmem:s0+$0x19890]  }
0x295: {  	v10 =	vld [tilespmem:s0+$0x198A0]  }
0x296: {  	v11 =	vld [tilespmem:s0+$0x198B0]  }
0x297: {  	v12 =	vld [tilespmem:s0+$0x198C0]  }
0x298: {  	v13 =	vld [tilespmem:s0+$0x198D0]  }
0x299: {  	v14 =	vld [tilespmem:s0+$0x198E0]  }
0x29a: {  	[tilespmem:s0+$0x13400] =	vst.add.f32.msk $0xffff, v1  }
0x29b: {  	[tilespmem:s0+$0x13410] =	vst.add.f32.msk $0xffff, v2  }
0x29c: {  	[tilespmem:s0+$0x13420] =	vst.add.f32.msk $0xffff, v3  }
0x29d: {  	[tilespmem:s0+$0x13430] =	vst.add.f32.msk $0xffff, v4  }
0x29e: {  	[tilespmem:s0+$0x13440] =	vst.add.f32.msk $0xffff, v0  }
0x29f: {  	[tilespmem:s0+$0x13450] =	vst.add.f32.msk $0xffff, v5  }
0x2a0: {  	[tilespmem:s0+$0x13460] =	vst.add.f32.msk $0xffff, v6  }
0x2a1: {  	[tilespmem:s0+$0x13470] =	vst.add.f32.msk $0xffff, v7  }
0x2a2: {  	[tilespmem:s0+$0x13480] =	vst.add.f32.msk $0xffff, v8  }
0x2a3: {  	[tilespmem:s0+$0x13490] =	vst.add.f32.msk $0xffff, v9  }
.Ltmp6:
0x2a4: {  	[tilespmem:s0+$0x134A0] =	vst.add.f32.msk $0xffff, v10;
	(pc) =	sbr.rel @p1 .LBB2_15-.Ltmp6, $4  }
0x2a5: {  	[tilespmem:s0+$0x134B0] =	vst.add.f32.msk $0xffff, v11  }
0x2a6: {  	[tilespmem:s0+$0x134C0] =	vst.add.f32.msk $0xffff, v12  }
0x2a7: {  	[tilespmem:s0+$0x134D0] =	vst.add.f32.msk $0xffff, v13  }
0x2a8: {  	[tilespmem:s0+$0x134E0] =	vst.add.f32.msk $0xffff, v14;
	s0 =	sshra.s32 s1, $0x2;
	s1 =	sadd.s32 $0x400, s1  }
0x2a9: {  	v0 =	vld [tilespmem:s0+$0x198F0]  }
0x2aa: {  	v1 =	vld [tilespmem:s0+$0x19800]  }
0x2ab: {  	v2 =	vld [tilespmem:s0+$0x19810]  }
0x2ac: {  	v3 =	vld [tilespmem:s0+$0x19820]  }
0x2ad: {  	v4 =	vld [tilespmem:s0+$0x19830]  }
0x2ae: {  	v63 =	vld [tilespmem:s0+$0x19840]  }
0x2af: {  	v5 =	vld [tilespmem:s0+$0x19850]  }
0x2b0: {  	v6 =	vld [tilespmem:s0+$0x19860]  }
0x2b1: {  	v7 =	vld [tilespmem:s0+$0x19870]  }
0x2b2: {  	v8 =	vld [tilespmem:s0+$0x19880]  }
0x2b3: {  	v9 =	vld [tilespmem:s0+$0x19890]  }
0x2b4: {  	v10 =	vld [tilespmem:s0+$0x198A0]  }
0x2b5: {  	v11 =	vld [tilespmem:s0+$0x198B0]  }
0x2b6: {  	v12 =	vld [tilespmem:s0+$0x198C0]  }
0x2b7: {  	v13 =	vld [tilespmem:s0+$0x198D0]  }
0x2b8: {  	v14 =	vld [tilespmem:s0+$0x198E0]  }
0x2b9: {  	[tilespmem:s0+$0x134F0] =	vst.add.f32.msk $0xffff, v0  }
0x2ba: {  	[tilespmem:s0+$0x13400] =	vst.add.f32.msk $0xffff, v1  }
0x2bb: {  	[tilespmem:s0+$0x13410] =	vst.add.f32.msk $0xffff, v2  }
0x2bc: {  	[tilespmem:s0+$0x13420] =	vst.add.f32.msk $0xffff, v3  }
0x2bd: {  	[tilespmem:s0+$0x13430] =	vst.add.f32.msk $0xffff, v4  }
0x2be: {  	[tilespmem:s0+$0x13440] =	vst.add.f32.msk $0xffff, v63  }
0x2bf: {  	[tilespmem:s0+$0x13450] =	vst.add.f32.msk $0xffff, v5  }
0x2c0: {  	[tilespmem:s0+$0x13460] =	vst.add.f32.msk $0xffff, v6  }
0x2c1: {  	[tilespmem:s0+$0x13470] =	vst.add.f32.msk $0xffff, v7  }
0x2c2: {  	[tilespmem:s0+$0x13480] =	vst.add.f32.msk $0xffff, v8  }
0x2c3: {  	[tilespmem:s0+$0x13490] =	vst.add.f32.msk $0xffff, v9  }
0x2c4: {  	[tilespmem:s0+$0x134A0] =	vst.add.f32.msk $0xffff, v10  }
0x2c5: {  	s1 =	sadd.s32 s7, s31;
	[tilespmem:s0+$0x134B0] =	vst.add.f32.msk $0xffff, v11  }
0x2c6: {  	s1 =	smul.u32 $0x640, s1;
	[tilespmem:s0+$0x134C0] =	vst.add.f32.msk $0xffff, v12  }
0x2c7: {  	[tilespmem:s0+$0x134D0] =	vst.add.f32.msk $0xffff, v13  }
0x2c8: {  	s31 =	sadd.s32 s2, s1;
	[tilespmem:s0+$0x134E0] =	vst.add.f32.msk $0xffff, v14;
	s0 =	simm.s32 @p0 $0x10  }
0x2c9: {  	[hbm4b:s31+s3] =	stream.linear.scatter [tilespmem:s21], [sflag:$0x17], $0x3200, $0x38;
	[tilespmem:$0x1CA00] =	vst v63  }
0x2ca: {  	_ =	swait.ge @p0 [sflag:s0], $0x2000  }
0x2cb: {  	[sflag:s0] =	ssyncset.done @p0 $0x0  }
0x2cc: {  	[sflag:s0] =	ssyncadd.s32 @p0 $0xFFFFE000  }
0x2cd: {  	_ =	swait.ge @p0 [sflag:s0], $0x1200  }
0x2ce: {  	[sflag:s0] =	ssyncset.done @p0 $0x0  }
0x2cf: {  	[sflag:s0] =	ssyncadd.s32 @p0 $0xFFFFEE00;
	s0 =	simm.s32 @!p0 $0x2  }
0x2d0: {  	_ =	swait.ge @!p0 [sflag:s0], $0x80  }
0x2d1: {  	[sflag:s0] =	ssyncset.done @!p0 $0x0  }
0x2d2: {  	[sflag:s0] =	ssyncadd.s32 @!p0 $0xFFFFFF80  }
0x2d3: {  	_ =	swait.ge @!p0 [sflag:s0], $0x48  }
0x2d4: {  	[sflag:s0] =	ssyncset.done @!p0 $0x0  }
0x2d5: {  	[sflag:s0] =	ssyncadd.s32 @!p0 $0xFFFFFFB8;
	s0 =	simm.s32 @!p0 $0x12  }
0x2d6: {  	_ =	swait.ge @!p0 [sflag:s0], $0x3200  }
0x2d7: {  	s8 =	simm.s32 @!p0 $0x3A00;
	[sflag:s0] =	ssyncset.done @!p0 $0x0  }
0x2d8: {  	s1 =	simm.s32 @!p0 $0x100;
	[sflag:s0] =	ssyncadd.s32 @!p0 $0xFFFFCE00;
	s0 =	simm.s32 @!p0 $0x80  }
0x2d9: {  	[tilespmem:s8], [sflag:$0xA] =	stream.indirect.gather @!p0 [hbm4b:s4+s0], $0x40, s1, s0, $0xb8;
	[tilespmem:$0x1CA00] =	vst v63  }
0x2da: {  	s0 =	simm.s32 @!p0 $0x48;
	s1 =	simm.s32 @!p0 $0x180;
	s8 =	simm.s32 @!p0 $0x5A00  }
0x2db: {  	[tilespmem:s8], [sflag:$0xA] =	stream.indirect.gather @!p0 [hbm4b:s4+s0], $0x40, s1, s0, $0xb8;
	[tilespmem:$0x1CA00] =	vst v63  }
0x2dc: {  	s0 =	simm.s32 @!p0 $0x10  }
0x2dd: {  	_ =	swait.ge @!p0 [sflag:s0], $0x2000  }
0x2de: {  	[sflag:s0] =	ssyncset.done @!p0 $0x0;
	s1 =	rddreg [dreg:$0x1c]  }
0x2df: {  	[sflag:s0] =	ssyncadd.s32 @!p0 $0xFFFFE000;
	s1 =	sadd.s32 @!p0 s29, s1  }
0x2e0: {  	_ =	swait.ge @!p0 [sflag:s0], $0x1200;
	s1 =	smul.u32 @!p0 $0xC8, s1  }
0x2e1: {  	[sflag:s0] =	ssyncset.done @!p0 $0x0  }
0x2e2: {  	[sflag:s0] =	ssyncadd.s32 @!p0 $0xFFFFEE00;
	s0 =	sshrl.u32 @!p0 s1, $0x3  }
0x2e3: {  	s8 =	simm.s32 @!p0 $0x700;
	s1 =	simm.s32 @!p0 $0x0;
	s0 =	sadd.s32 @!p0 s5, s0  }
0x2e4: {  	[tilespmem:s8], [sflag:$0x8] =	stream.linear.gather @!p0 [hbm4b:s0+s1], $0x80, $0x38;
	[tilespmem:$0x1CA00] =	vst v63  }
0x2e5: {  	s0 =	sadd.s32 @!p0 $0x10, s0;
	s8 =	simm.s32 @!p0 $0x780  }
0x2e6: {  	[tilespmem:s8], [sflag:$0x8] =	stream.linear.gather @!p0 [hbm4b:s0+s1], $0x48, $0x38;
	[tilespmem:$0x1CA00] =	vst v63  }
0x2e7: {  	s0 =	simm.s32 $0x0;
	s1 =	simm.s32 $0x400  }
.LBB2_17:
0x2e8: {  	p0 =	sne.s32 s1, $0xC400;
	v0 =	vld [tilespmem:s0+$0x198F0]  }
0x2e9: {  	v1 =	vld [tilespmem:s0+$0x19800]  }
0x2ea: {  	v2 =	vld [tilespmem:s0+$0x19810]  }
0x2eb: {  	v3 =	vld [tilespmem:s0+$0x19820]  }
0x2ec: {  	v4 =	vld [tilespmem:s0+$0x19830]  }
0x2ed: {  	[tilespmem:s0+$0x166F0] =	vst.add.f32.msk $0xffff, v0  }
0x2ee: {  	v0 =	vld [tilespmem:s0+$0x19840]  }
0x2ef: {  	v5 =	vld [tilespmem:s0+$0x19850]  }
0x2f0: {  	v6 =	vld [tilespmem:s0+$0x19860]  }
0x2f1: {  	v7 =	vld [tilespmem:s0+$0x19870]  }
0x2f2: {  	v8 =	vld [tilespmem:s0+$0x19880]  }
0x2f3: {  	v9 =	vld [tilespmem:s0+$0x19890]  }
0x2f4: {  	v10 =	vld [tilespmem:s0+$0x198A0]  }
0x2f5: {  	v11 =	vld [tilespmem:s0+$0x198B0]  }
0x2f6: {  	v12 =	vld [tilespmem:s0+$0x198C0]  }
0x2f7: {  	v13 =	vld [tilespmem:s0+$0x198D0]  }
0x2f8: {  	v14 =	vld [tilespmem:s0+$0x198E0]  }
0x2f9: {  	[tilespmem:s0+$0x16600] =	vst.add.f32.msk $0xffff, v1  }
0x2fa: {  	[tilespmem:s0+$0x16610] =	vst.add.f32.msk $0xffff, v2  }
0x2fb: {  	[tilespmem:s0+$0x16620] =	vst.add.f32.msk $0xffff, v3  }
0x2fc: {  	[tilespmem:s0+$0x16630] =	vst.add.f32.msk $0xffff, v4  }
0x2fd: {  	[tilespmem:s0+$0x16640] =	vst.add.f32.msk $0xffff, v0  }
0x2fe: {  	[tilespmem:s0+$0x16650] =	vst.add.f32.msk $0xffff, v5  }
0x2ff: {  	[tilespmem:s0+$0x16660] =	vst.add.f32.msk $0xffff, v6  }
0x300: {  	[tilespmem:s0+$0x16670] =	vst.add.f32.msk $0xffff, v7  }
0x301: {  	[tilespmem:s0+$0x16680] =	vst.add.f32.msk $0xffff, v8  }
0x302: {  	[tilespmem:s0+$0x16690] =	vst.add.f32.msk $0xffff, v9  }
.Ltmp7:
0x303: {  	[tilespmem:s0+$0x166A0] =	vst.add.f32.msk $0xffff, v10;
	(pc) =	sbr.rel @p0 .LBB2_17-.Ltmp7, $4  }
0x304: {  	[tilespmem:s0+$0x166B0] =	vst.add.f32.msk $0xffff, v11  }
0x305: {  	[tilespmem:s0+$0x166C0] =	vst.add.f32.msk $0xffff, v12  }
0x306: {  	[tilespmem:s0+$0x166D0] =	vst.add.f32.msk $0xffff, v13  }
0x307: {  	[tilespmem:s0+$0x166E0] =	vst.add.f32.msk $0xffff, v14;
	s0 =	sshra.s32 s1, $0x2;
	s1 =	sadd.s32 $0x400, s1  }
0x308: {  	v0 =	vld [tilespmem:s0+$0x198F0]  }
0x309: {  	v1 =	vld [tilespmem:s0+$0x19800]  }
0x30a: {  	v2 =	vld [tilespmem:s0+$0x19810]  }
0x30b: {  	v3 =	vld [tilespmem:s0+$0x19820]  }
0x30c: {  	v4 =	vld [tilespmem:s0+$0x19830]  }
0x30d: {  	v63 =	vld [tilespmem:s0+$0x19840]  }
0x30e: {  	v5 =	vld [tilespmem:s0+$0x19850]  }
0x30f: {  	v6 =	vld [tilespmem:s0+$0x19860]  }
0x310: {  	v7 =	vld [tilespmem:s0+$0x19870]  }
0x311: {  	v8 =	vld [tilespmem:s0+$0x19880]  }
0x312: {  	v9 =	vld [tilespmem:s0+$0x19890]  }
0x313: {  	v10 =	vld [tilespmem:s0+$0x198A0]  }
0x314: {  	v11 =	vld [tilespmem:s0+$0x198B0]  }
0x315: {  	v12 =	vld [tilespmem:s0+$0x198C0]  }
0x316: {  	v13 =	vld [tilespmem:s0+$0x198D0]  }
0x317: {  	v14 =	vld [tilespmem:s0+$0x198E0]  }
0x318: {  	[tilespmem:s0+$0x166F0] =	vst.add.f32.msk $0xffff, v0  }
0x319: {  	[tilespmem:s0+$0x16600] =	vst.add.f32.msk $0xffff, v1  }
0x31a: {  	[tilespmem:s0+$0x16610] =	vst.add.f32.msk $0xffff, v2  }
0x31b: {  	[tilespmem:s0+$0x16620] =	vst.add.f32.msk $0xffff, v3  }
0x31c: {  	[tilespmem:s0+$0x16630] =	vst.add.f32.msk $0xffff, v4  }
0x31d: {  	[tilespmem:s0+$0x16640] =	vst.add.f32.msk $0xffff, v63  }
0x31e: {  	[tilespmem:s0+$0x16650] =	vst.add.f32.msk $0xffff, v5  }
0x31f: {  	[tilespmem:s0+$0x16660] =	vst.add.f32.msk $0xffff, v6  }
0x320: {  	[tilespmem:s0+$0x16670] =	vst.add.f32.msk $0xffff, v7  }
0x321: {  	[tilespmem:s0+$0x16680] =	vst.add.f32.msk $0xffff, v8  }
0x322: {  	s28 =	sadd.s32 $0x1, s28;
	[tilespmem:s0+$0x16690] =	vst.add.f32.msk $0xffff, v9  }
0x323: {  	p0 =	sne.s32 s28, $0x10;
	[tilespmem:s0+$0x166A0] =	vst.add.f32.msk $0xffff, v10  }
.Ltmp8:
0x324: {  	s1 =	sadd.s32 s7, s30;
	[tilespmem:s0+$0x166B0] =	vst.add.f32.msk $0xffff, v11;
	(pc) =	sbr.rel @p0 .LBB2_2-.Ltmp8, $4  }
0x325: {  	s1 =	smul.u32 $0x640, s1;
	[tilespmem:s0+$0x166C0] =	vst.add.f32.msk $0xffff, v12  }
0x326: {  	[tilespmem:s0+$0x166D0] =	vst.add.f32.msk $0xffff, v13  }
0x327: {  	s31 =	sadd.s32 s2, s1;
	[tilespmem:s0+$0x166E0] =	vst.add.f32.msk $0xffff, v14  }
0x328: {  	[hbm4b:s31+s3] =	stream.linear.scatter [tilespmem:s24], [sflag:$0x18], $0x3200, $0x38;
	[tilespmem:$0x1CA00] =	vst v63  }
0x329: {  	s0 =	simm.s32 $0x11  }
0x32a: {  	_ =	swait.ge [sflag:s0], $0x3200  }
0x32b: {  	[sflag:s0] =	ssyncset.done $0x0  }
0x32c: {  	s1 =	simm.s32 $0x12;
	[sflag:s0] =	ssyncadd.s32 $0xFFFFCE00  }
0x32d: {  	_ =	swait.ge [sflag:s1], $0x3200  }
0x32e: {  	[sflag:s1] =	ssyncset.done $0x0  }
0x32f: {  	s8 =	simm.s32 $0x13;
	[sflag:s1] =	ssyncadd.s32 $0xFFFFCE00  }
0x330: {  	_ =	swait.ge [sflag:s8], $0x3200  }
0x331: {  	[sflag:s8] =	ssyncset.done $0x0  }
0x332: {  	s14 =	simm.s32 $0x14;
	[sflag:s8] =	ssyncadd.s32 $0xFFFFCE00  }
0x333: {  	_ =	swait.ge [sflag:s14], $0x3200  }
0x334: {  	[sflag:s14] =	ssyncset.done $0x0  }
0x335: {  	s28 =	simm.s32 $0x15;
	[sflag:s14] =	ssyncadd.s32 $0xFFFFCE00  }
0x336: {  	_ =	swait.ge [sflag:s28], $0x3200  }
0x337: {  	[sflag:s28] =	ssyncset.done $0x0  }
0x338: {  	s29 =	simm.s32 $0x16;
	[sflag:s28] =	ssyncadd.s32 $0xFFFFCE00  }
0x339: {  	_ =	swait.ge [sflag:s29], $0x3200  }
0x33a: {  	[sflag:s29] =	ssyncset.done $0x0  }
0x33b: {  	s30 =	simm.s32 $0x17;
	[sflag:s29] =	ssyncadd.s32 $0xFFFFCE00  }
0x33c: {  	_ =	swait.ge [sflag:s30], $0x3200  }
0x33d: {  	[sflag:s30] =	ssyncset.done $0x0  }
0x33e: {  	s1 =	simm.s32 $0x18;
	[sflag:s30] =	ssyncadd.s32 $0xFFFFCE00  }
0x33f: {  	_ =	swait.ge [sflag:s1], $0x3200  }
0x340: {  	s8 =	rddreg [dreg:$0x1d]  }
0x341: {  	s31 =	rddreg [dreg:$0x15];
	s8 =	sadd.s32 $0x1, s8  }
0x342: {  	p0 =	sne.s32 s8, s31  }
.Ltmp9:
0x343: {  	_ = 	snop;
	(pc) =	sbr.rel @p0 .LBB2_1-.Ltmp9, $3  }
0x344: {  	_ =	sdelay $0x1  }
0x345: {  	[sflag:s1] =	ssyncset.done $0x0  }
0x346: {  	[sflag:s1] =	ssyncadd.s32 $0xFFFFCE00  }
0x347: {  	_ =	sfence.sel $0x180000  }
0x348: {  	[bflag:$0x0] =	sbarrier.arrive $0xFFFF  }
0x349: {  	_ =	strace $0x90000047  }
0x34a: {  	s0 =	stileid.u32;
	[bflag:$0x2] =	sbarrier.arrive $0xFFFF  }
0x34b: {  	p0 =	sne.s32 s0, $0x0;
	s0 =	rddreg [dreg:$0x2]  }
0x34c: {  	s0 =	sadd.s32 @!p0 $0x100000, s0  }
0x34d: {  	[sflag:s0] =	ssyncadd.tile.s32 @!p0 $0x1;
	_ =	shalt  }
.Lfunc_end2:
_tile_overlayer_lowered:
.L_overlay_start_2:
0x34e: {  	(tag) =	ssettag $0x2  }
0x34f: {  	s0 =	rddreg [dreg:$0x0];
	s2 =	stileid.u32  }
0x350: {  	s1 =	rddreg [dreg:$0x1];
	p0 =	sne.s32 s2, $0x0  }
0x351: {  	s3 =	rddreg [dreg:$0x2];
	[bflag:$0x3] =	sbarrier.arrive $0xFFFF;
	s2 =	simm.s32 @!p0 $0x1C19  }
0x352: {  	[timem:s3], [sflag:s2] =	dma.local @!p0 [hbm:s0], s1  }
0x353: {  	s0 =	simm.s32 @!p0 $0x19  }
0x354: {  	_ =	swait.ge @!p0 [sflag:s0], s1  }
0x355: {  	s1 =	ssub.s32 @!p0 $0x0, s1;
	[sflag:s0] =	ssyncset.done @!p0 $0x0  }
0x356: {  	[sflag:s0] =	ssyncadd.s32 @!p0 s1  }
0x357: {  	[bflag:$0x3] =	sbarrier.arrive $0xFFFF  }
0x358: {  	_ =	shalt  }

// kernel: sparse-core-data-format-call.cloned.1.call-start
scs
called_computation_lowered:
.L_overlay_start_0:
0x0: {  	s2 =	sld [smem:$0x3FD9]  }
0x1: {  	s3 =	sld [smem:$0x3FFE];
	_ =	sdelay $0x1  }
0x2: {  	s1 =	srdreg.scid  }
0x3: {  	s0 =	sand.u32 $0x1, s1  }
0x4: {  	s18 =	sshll.u32 s0, $0xA;
	s2 =	sadd.s32 s3, s2  }
0x5: {  	s2 =	sadd.s32 s2, s18  }
0x6: {  	[smem:$0x3FC5] =	sst s2  }
0x7: {  	_ = 	snop  }
0x8: {  	s2 =	sld [smem:$0x3FD0];
	(tm) =	ssettm $0x1  }
0x9: {  	s19 =	sld [smem:$0x3FFB];
	_ =	sdelay $0x3  }
0xa: {  	_ =	strace s19  }
0xb: {  	s3 =	sld [smem:$0x3FFC];
	_ =	sdelay $0x3  }
0xc: {  	_ =	strace s3  }
0xd: {  	s3 =	sld [smem:$0x3FFD];
	_ =	sdelay $0x3  }
0xe: {  	_ =	strace s3  }
0xf: {  	_ =	strace $0x8FFFFFFF  }
0x10: {  	s20 =	sld [smem:$0x3FDB];
	_ =	sdelay $0x1  }
0x11: {  	s4 =	simm.s32 $_scs_section_size  }
0x12: {  	s5 =	simm.s32 $_size__tile_overlayer_lowered;
	s6 =	simm.s32 $_tile_overlayer_lowered  }
0x13: {  	s23 =	simm.s32 $0x1BFF;
	s22 =	sshll.u32 s6, $0x1;
	s3 =	sadd.s32 s4, s20  }
0x14: {  	s7 =	simm.s32 $0x0;
	s21 =	sshll.u32 s5, $0x1;
	s5 =	sadd.s32 s22, s3  }
0x15: {  	[timem:s7], [sflag:s23] =	dma.local [hbm:s5], s21  }
0x16: {  	_ =	swait.ge [sflag:s23], s21  }
0x17: {  	s4 =	ssub.s32 $0x0, s21;
	[sflag:s23] =	ssyncset.done $0x0  }
0x18: {  	[sflag:s23] =	ssyncadd.s32 s4;
	_ =	sdelay $0x1  }
0x19: {  	s24 =	simm.s32 $0x1B8B  }
0x1a: {  	_ =	swait.ge [sflag:s24], $0x1  }
0x1b: {  	[sflag:s24] =	ssyncset.done $0x0  }
0x1c: {  	s26 =	simm.s32 $0x1B8E;
	s25 =	sld [smem:$0x3FFE];
	[sflag:s24] =	ssyncadd.s32 $0xFFFFFFFF  }
0x1d: {  	s27 =	simm.s32 $execute0_lowered;
	[smem:$0x3FD2] =	sst s26  }
0x1e: {  	s5 =	sshll.u32 s27, $0x1;
	_ =	strace $0x80000049;
	[dreg:$0x1] =	wrdreg $0xFFFFFFFF  }
0x1f: {  	s28 =	simm.s32 $_size_execute0_lowered;
	s3 =	sadd.s32 s3, s5;
	[dreg:$0x0] =	wrdreg $0x0  }
0x20: {  	s5 =	sshll.u32 s28, $0x1;
	[dreg:$0x2] =	wrdreg s3  }
0x21: {  	[dreg:$0x3] =	wrdreg s5  }
0x22: {  	[dreg:$0x4] =	wrdreg $0xC0  }
0x23: {  	_ =	task [dreg:s7], $0x5FFFF  }
0x24: {  	[dreg:$0x1] =	wrdreg $0xFFFFFFFF  }
0x25: {  	[dreg:$0x0] =	wrdreg $0x60  }
0x26: {  	[dreg:$0x2] =	wrdreg s25  }
0x27: {  	[dreg:$0x3] =	wrdreg s2  }
0x28: {  	[dreg:$0x4] =	wrdreg $0x9  }
0x29: {  	_ =	task.clear_ibuf [dreg:s7], $0x5FFFF;
	_ =	strace $0x90000049  }
0x2a: {  	s29 =	simm.s32 $0x9;
	_ =	strace $0x8000004B  }
0x2b: {  	_ =	swait.ge [sflag:s29], $0x1  }
0x2c: {  	[sflag:s29] =	ssyncadd.s32 $0xFFFFFFFF  }
0x2d: {  	_ =	strace $0x9000004B  }
0x2e: {  	_ =	sfence  }
0x2f: {  	s30 =	sld [smem:$0x0];
	_ =	sdelay $0x2  }
0x30: {  	s31 =	sshll.u32 s1, $0xD;
	s1 =	sshrl.u32 s1, $0x2  }
0x31: {  	s3 =	sand.u32 $0x4000, s31;
	s1 =	sadd.s32 s1, s30  }
0x32: {  	s0 =	sor.u32 s3, s0;
	s1 =	sshll.u32 s1, $0x11  }
0x33: {  	s0 =	sor.u32 s1, s0  }
0x34: {  	s0 =	sadd.s32 $0x8F2B, s0  }
0x35: {  	[sflag:s0] =	ssyncadd.remote.s32 $0x1  }
0x36: {  	_ =	sfence.sel $0xFFFF  }
0x37: {  	[dreg:$0x0] =	wrdreg $0xFFFFFFFF;
	(pc) =	sbr.abs _section_cstart, $3  }
0x38: {  	[dreg:$0x1] =	wrdreg $0xFFFFFFFF  }
0x39: {  	_ =	task.clear_ibuf [dreg:s7], $0x2FFFF;
	_ =	strace $0x9FFFFFFF  }
0x3a: {  	(tm) =	ssettm $0x7FFFFFFF  }
0x3b: {  	_ =	shalt  }
tec
execute0_lowered:
.L_overlay_start_1:
0x0: {  	(tag) =	ssettag $0x1  }
0x1: {  	s0 =	srdreg.scid  }
0x2: {  	s1 =	sshll.u32 s0, $0x4  }
0x3: {  	s0 =	stileid.u32;
	s1 =	sand.u32 $0x10, s1  }
0x4: {  	s1 =	sor.u32 s0, s1  }
0x5: {  	s6 =	rddreg [dreg:$0x0];
	s4 =	simm.s32 $0x1;
	s2 =	sshll.u32 s1, $0x7  }
0x6: {  	s7 =	simm.s32 $0x2;
	s12 =	simm.s32 $0x0;
	s1 =	ssub.s32 $0x1000, s2  }
0x7: {  	s8 =	simm.s32 $0x8000;
	s13 =	simm.s32 $0x0;
	s3 =	sand.u32 $0xF80, s1  }
0x8: {  	s9 =	simm.s32 $0x0;
	s5 =	sshrl.u32 s1, $0xC;
	p0 =	sne.s32 s3, $0x0  }
.Ltmp0:
0x9: {  	s1 =	rddreg [dreg:$0x2];
	s4 =	simm.s32 @!p0 $0x0;
	(pc) =	sbr.rel .LBB1_1-.Ltmp0, $4  }
0xa: {  	s11 =	simm.s32 $0x0;
	s3 =	rddreg [dreg:$0x1];
	s5 =	sadd.s32 s4, s5  }
0xb: {  	_ =	strace $0x8000004A;
	s4 =	simm.s32 $0x1;
	s5 =	smul.u32 $0xC8, s5  }
0xc: {  	s6 =	sadd.s32 $0xE00, s6;
	s10 =	smov.u32 s2;
	[sflag:s4] =	ssyncpa.u1 $0x0  }
0xd: {  	p0 =	por $0x0, $0x0;
	[sflag:s7] =	ssyncpa.u1 $0x0;
	s7 =	sor.u32 $0x1, s5  }
.LBB1_4:
0xe: {  	s16 =	sshll.u32 s13, $0x3;
	s17 =	sand.u32 $0x78, s13  }
0xf: {  	s30 =	sand.u32 $0x7E00, s13;
	s12 =	sshll.u32 s12, $0xF;
	s16 =	sand.u32 $0xC00, s16  }
0x10: {  	[tilespmem:s15+$0x810 ss:$0x81] =	vst.msk $0xffff, v2;
	s31 =	sand.u32 $0x7, s13;
	s16 =	sor.u32 s17, s16;
	s17 =	sadd.s32 s3, s30  }
0x11: {  	[tilespmem:s15+$0x1020 ss:$0x81] =	vst.msk $0xffff, v0;
	s13 =	sshll.u32 s31, $0x12;
	s12 =	sadd.s32 s12, s17;
	s16 =	sshrl.u32 s16, $0x3  }
0x12: {  	[tilespmem:s15+$0x0 ss:$0x81] =	vst.msk $0xffff, v1;
	s13 =	sor.u32 $0x400, s13;
	s12 =	sadd.s32 s16, s12  }
0x13: {  	[hbm4b:s12+s13] =	stream.strided.scatter [tilespmem:s14], [sflag:$0x2], $0x2000, s8, s13, $0x20;
	[tilespmem:$0x8080] =	vst v63  }
.LBB1_5:
0x14: {  	s14 =	sadd.s32 $0x1, s9  }
0x15: {  	s12 =	sadd.s32 $0x1000, s10;
	s16 =	smov.u32 s10;
	p2 =	sgt.s32 s14, $0xC7  }
0x16: {  	s16 =	smov.u32 @p2 s12  }
0x17: {  	s14 =	simm.s32 @p2 $0x0;
	p2 =	sgt.s32 s16, $0xFFF  }
0x18: {  	s16 =	smov.u32 @p2 s2;
	p2 =	sne.s32 s11, s7  }
.Ltmp1:
0x19: {  	p1 =	slt.u32 s11, $0x2;
	(pc) =	sbr.rel @!p2 .LBB1_6-.Ltmp1, $4  }
0x1a: {  	s15 =	simm.s32 @!p1 $0x2  }
0x1b: {  	s13 =	smov.u32 s10;
	p0 =	por !p0, !p0;
	_ =	swait.ge @!p1 [sflag:s15], $0x2000  }
0x1c: {  	s12 =	smov.u32 s9;
	[sflag:s15] =	ssyncset.done @!p1 $0x0;
	s9 =	smov.u32 s14  }
0x1d: {  	s11 =	sadd.s32 $0x1, s11;
	[sflag:s15] =	ssyncadd.s32 @!p1 $0xFFFFE000;
	s10 =	smov.u32 s16  }
.LBB1_1:
0x1e: {  	p1 =	sge.u32 s11, s5  }
0x1f: {  	s14 =	sand.u32 @!p1 $0x1FFFFFF, s9  }
0x20: {  	s15 =	smulhi.u32 @!p1 $0x147AE15, s14;
	_ =	sdelay $0x1  }
0x21: {  	s15 =	smul.u32 @!p1 $0xC8, s15  }
0x22: {  	s16 =	sxor.u32 @!p1 $0xFFFFFFFF, s11;
	s17 =	smul.u32 @!p1 $0xC80, s10  }
0x23: {  	s31 =	sadd.s32 $0xFFFFFFFF, s11;
	s16 =	sshll.u32 @!p1 s16, $0xD;
	s14 =	ssub.s32 @!p1 s14, s15  }
0x24: {  	s15 =	sand.u32 @!p1 $0x2000, s16;
	s16 =	sadd.s32 @!p1 s6, s17;
	s14 =	sshll.u32 @!p1 s14, $0x4  }
0x25: {  	s17 =	simm.s32 @!p1 $0x6400;
	s14 =	sadd.s32 @!p1 s14, s16;
	s16 =	simm.s32 @!p1 $0x40  }
0x26: {  	[tilespmem:s15], [sflag:$0x1] =	stream.strided.gather @!p1 [hbm4b:s14+s16], $0x2000, s17, s16, $0x38;
	[tilespmem:$0x8080] =	vst v63  }
0x27: {  	p1 =	sge.u32 s31, s5  }
.Ltmp2:
0x28: {  	_ = 	snop;
	(pc) =	sbr.rel @p1 .LBB1_5-.Ltmp2, $1  }
0x29: {  	_ =	sdelay $0x3  }
0x2a: {  	s14 =	simm.s32 $0x1  }
0x2b: {  	_ =	swait.ge [sflag:s4], $0x2000;
	s14 =	simm.s32 @!p0 $0x0  }
0x2c: {  	[sflag:s4] =	ssyncset.done $0x0;
	s15 =	sshll.u32 s14, $0xD  }
0x2d: {  	[sflag:s4] =	ssyncadd.s32 $0xFFFFE000;
	s18 =	sor.u32 $0x20, s15  }
0x2e: {  	s14 =	smul.u32 $0x8100, s14;
	v3 =	vld [tilespmem:s18+$0x10]  }
0x2f: {  	s30 =	sand.u32 $0x1, s11;
	v2 =	vld [tilespmem:s18+$0xFFFFFFF0]  }
0x30: {  	s15 =	smul.u32 $0x8100, s30;
	s14 =	sshrl.u32 s14, $0x2;
	v0 =	vld [tilespmem:s18+$0x0]  }
0x31: {  	v1 =	vld [tilespmem:s18+$0xFFFFFFE0];
	s16 =	sor.u32 $0x4000, s14  }
0x32: {  	s31 =	sshrl.u32 s15, $0x2;
	s15 =	sadd.s32 $0x0, s16  }
0x33: {  	s17 =	simm.s32 $0x4;
	s18 =	sadd.s32 $0x40, s18;
	s14 =	sor.u32 $0x4000, s31;
	[tilespmem:s15+$0x1830 ss:$0x81] =	vst.msk $0xffff, v3  }
.LBB1_3:
0x34: {  	v3 =	vld [tilespmem:s18+$0x10];
	p1 =	sne.s32 s17, $0x1FC;
	[tilespmem:s15+$0x810 ss:$0x81] =	vst.msk $0xffff, v2;
	s19 =	smov.u32 s17;
	s17 =	sadd.s32 $0x4, s17  }
.Ltmp3:
0x35: {  	v2 =	vld [tilespmem:s18+$0xFFFFFFF0];
	[tilespmem:s15+$0x1020 ss:$0x81] =	vst.msk $0xffff, v0;
	(pc) =	sbr.rel @p1 .LBB1_3-.Ltmp3, $4  }
0x36: {  	v0 =	vld [tilespmem:s18+$0x0];
	[tilespmem:s15+$0x0 ss:$0x81] =	vst.msk $0xffff, v1  }
0x37: {  	s15 =	sshra.s32 s19, $0x2;
	v1 =	vld [tilespmem:s18+$0xFFFFFFE0]  }
0x38: {  	s15 =	sadd.s32 s15, s16  }
0x39: {  	s18 =	sadd.s32 $0x40, s18;
	[tilespmem:s15+$0x1830 ss:$0x81] =	vst.msk $0xffff, v3  }
.Ltmp4:
0x3a: {  	_ = 	snop;
	(pc) =	sbr.rel .LBB1_4-.Ltmp4, $1  }
0x3b: {  	_ =	sdelay $0x3  }
.LBB1_6:
0x3c: {  	_ =	sfence.sel $0x180000  }
0x3d: {  	s2 =	simm.s32 $0x1;
	[bflag:$0x0] =	sbarrier.arrive $0xFFFF  }
0x3e: {  	s31 =	simm.s32 $0x2;
	[sflag:s2] =	ssyncpa.u1 $0x1  }
0x3f: {  	[sflag:s31] =	ssyncpa.u1 $0x1  }
0x40: {  	p0 =	sne.s32 s0, $0x0;
	_ =	strace $0x9000004A  }
0x41: {  	s0 =	sadd.s32 @!p0 $0x100000, s1;
	[bflag:$0x2] =	sbarrier.arrive $0xFFFF  }
0x42: {  	[sflag:s0] =	ssyncadd.tile.s32 @!p0 $0x1;
	_ =	shalt  }
.Lfunc_end1:
_tile_overlayer_lowered:
.L_overlay_start_2:
0x43: {  	(tag) =	ssettag $0x2  }
0x44: {  	s0 =	rddreg [dreg:$0x0];
	s2 =	stileid.u32  }
0x45: {  	s1 =	rddreg [dreg:$0x1];
	p0 =	sne.s32 s2, $0x0  }
0x46: {  	s3 =	rddreg [dreg:$0x2];
	[bflag:$0x3] =	sbarrier.arrive $0xFFFF;
	s2 =	simm.s32 @!p0 $0x1C01  }
0x47: {  	[timem:s3], [sflag:s2] =	dma.local @!p0 [hbm:s0], s1  }
0x48: {  	s0 =	simm.s32 @!p0 $0x1  }
0x49: {  	_ =	swait.ge @!p0 [sflag:s0], s1  }
0x4a: {  	s1 =	ssub.s32 @!p0 $0x0, s1;
	[sflag:s0] =	ssyncset.done @!p0 $0x0  }
0x4b: {  	[sflag:s0] =	ssyncadd.s32 @!p0 s1  }
0x4c: {  	[bflag:$0x3] =	sbarrier.arrive $0xFFFF  }
0x4d: {  	_ =	shalt  }

</sc_bundles>
